<compile_context>
chip_gen: v7x
topology: tpu7x:2x2x1
jax: 0.10.2.dev20260603
libtpu: 0.0.44.dev20260713+nightly
codegen_flags: <defaults>
</compile_context>

<pallas_src>
import functools

import jax
import jax.numpy as jnp
from jax import lax
from jax.experimental import pallas as pl
from jax.experimental.pallas import tpu as pltpu
from jax.experimental.pallas import tpu_sc as plsc

N = 10000
E = 640000
IN_DIM = 128
MD = 32
MD4 = 8

NC = 2
NS = 16
NW = NC * NS
EPW = E // NW
CE1 = 40
CE2 = 80
RPT = 640
RPT_LAST = N - 15 * RPT

ROW1 = 144
ROW2 = 48

_F32 = jnp.float32
_BLK = 2000
_GRID = N // _BLK



def _mm(x, w, b):
    return jnp.dot(x, w, preferred_element_type=_F32) + b


def _row_spec(cols):
    return pl.BlockSpec((_BLK, cols), lambda i: (i, 0))


def _full_spec(shape):
    return pl.BlockSpec(shape, lambda i: tuple(0 for _ in shape))


def _tca_body(nf, ed, wn, bn, wq, bq, wk, bk, wv, bv, wsk, bsk,
              q1, kv1, skip1, edi):
    ne = _mm(nf[...], wn[...], bn[...])
    q1[...] = _mm(ne, wq[...], bq[...])
    k1 = _mm(ne, wk[...], bk[...])
    v1 = _mm(ne, wv[...], bv[...])
    kv1[...] = jnp.concatenate([k1, v1], axis=1)
    skip1[...] = _mm(ne, wsk[...], bsk[...])
    edi[...] = jnp.clip(ed[...].astype(jnp.int32), 0, N - 1)


def _tcb_body(pa, pb, skip1, wq, bq, wk, bk, wv, bv, wsk, bsk,
              q2, kv2, skip2):
    num = pa[...][:, :128] + pb[...][:, :128]
    den = pa[...][:, 128:132] + pb[...][:, 128:132]
    acc = jnp.zeros((_BLK, MD), _F32)
    for h in range(4):
        nh = num[:, 32 * h:32 * h + 32]
        dh = jnp.broadcast_to(den[:, h:h + 1], (_BLK, MD))
        acc = acc + nh / (dh + 1e-16)
    x1 = jnp.maximum(0.25 * acc + skip1[...], 0.0)
    q2[...] = _mm(x1, wq[...], bq[...])
    k2 = _mm(x1, wk[...], bk[...])
    v2 = _mm(x1, wv[...], bv[...])
    kv2[...] = jnp.concatenate([k2, v2], axis=1)
    skip2[...] = _mm(x1, wsk[...], bsk[...])


def _tcc_body(pa, pb, skip2, wo, bo, out):
    num = pa[...][:, :32] + pb[...][:, :32]
    den = jnp.broadcast_to(pa[...][:, 32:33] + pb[...][:, 32:33], (_BLK, MD))
    x2 = jnp.maximum(num / (den + 1e-16) + skip2[...], 0.0)
    out[...] = _mm(x2, wo[...], bo[...])



_MESH = plsc.VectorSubcoreMesh(core_axis_name="c", subcore_axis_name="s")
_SC_PARAMS = pltpu.CompilerParams(use_tc_tiling_on_sc=False,
                                  needs_layout_passes=False)


def _sc_edge_pass(nheads, qdim, row_words, ce,
                  ed_h, q_h, kv_h, out_h,
                  ed_c0, ed_c1, src_c0, src_c1, dst_c0, dst_c1,
                  qv0, qv1, kv0, kv1, con_v, acc_sh,
                  si0, si1, sq0, sq1, skv0, skv1, ss):
    cid = lax.axis_index("c")
    sid = lax.axis_index("s")
    wid = cid * NS + sid
    nchunk = EPW // ce

    ed_c = (ed_c0, ed_c1)
    src_c = (src_c0, src_c1)
    dst_c = (dst_c0, dst_c1)
    qv = (qv0, qv1)
    kv = (kv0, kv1)
    si = (si0, si1)
    sq = (sq0, sq1)
    skv = (skv0, skv1)

    iota16 = lax.iota(jnp.int32, 16)
    z16 = jnp.zeros((16,), _F32)
    nb = row_words // 16

    def zrow(r, c):
        for i in range(nb):
            con_v[r, pl.ds(16 * i, 16)] = z16
        return c
    lax.fori_loop(0, ce, zrow, 0)

    row0 = sid * RPT
    ncopy = jnp.where(sid < 15, RPT // ce, RPT_LAST // ce)

    def init(i, c):
        pltpu.sync_copy(con_v, acc_sh.at[pl.ds(row0 + i * ce, ce)])
        return c
    lax.fori_loop(0, ncopy, init, 0)
    plsc.subcore_barrier()

    ebase = wid * EPW

    def fetch_idx(chunk_id, p):
        b = pl.multiple_of(2 * (ebase + chunk_id * ce), 8)
        pltpu.async_copy(ed_h.at[pl.ds(b, 2 * ce)], ed_c[p], si[p])

    def wait_idx(p):
        b0 = pl.multiple_of(2 * ebase, 8)
        pltpu.make_async_copy(ed_h.at[pl.ds(b0, 2 * ce)], ed_c[p], si[p]).wait()

    def deinterleave(p):
        off = 0
        while off < ce:
            o = min(off, ce - 16)
            lanes = 2 * (o + iota16)
            src_c[p][pl.ds(o, 16)] = plsc.load_gather(ed_c[p], [lanes])
            dst_c[p][pl.ds(o, 16)] = plsc.load_gather(ed_c[p], [lanes + 1])
            off += 16

    def issue_gathers(p):
        pltpu.async_copy(q_h.at[dst_c[p]], qv[p], sq[p])
        pltpu.async_copy(kv_h.at[src_c[p]], kv[p], skv[p])

    def wait_gathers(p):
        pltpu.make_async_copy(q_h.at[dst_c[p]], qv[p], sq[p]).wait()
        pltpu.make_async_copy(kv_h.at[src_c[p]], kv[p], skv[p]).wait()

    def wait_scatter(p):
        pltpu.make_async_copy(con_v, acc_sh.at[dst_c[p]], ss).wait()

    def compute_chunk(p):
        qr, kr = qv[p], kv[p]

        @plsc.parallel_loop(0, ce, 1, unroll=4)
        def edge(e):
            dv = jnp.zeros((16,), _F32)
            for h in range(nheads):
                qa = qr[e, pl.ds(32 * h, 16)]
                qb = qr[e, pl.ds(32 * h + 16, 16)]
                ka = kr[e, pl.ds(32 * h, 16)]
                kb = kr[e, pl.ds(32 * h + 16, 16)]
                alpha = jnp.sum(qa * ka + qb * kb)
                ex = jnp.exp(jnp.full((16,), alpha, _F32))
                va = kr[e, pl.ds(qdim + 32 * h, 16)]
                vb = kr[e, pl.ds(qdim + 32 * h + 16, 16)]
                con_v[e, pl.ds(32 * h, 16)] = ex * va
                con_v[e, pl.ds(32 * h + 16, 16)] = ex * vb
                dv = jnp.where(iota16 == h, ex, dv)
            con_v[e, pl.ds(qdim, 16)] = dv

    fetch_idx(0, 0)
    wait_idx(0)
    deinterleave(0)
    issue_gathers(0)
    fetch_idx(1, 1)

    def pair(t, c):
        for p in (0, 1):
            jj = 2 * t + p
            q = 1 - p
            wait_gathers(p)
            if p == 0:
                @pl.when(t > 0)
                def _():
                    wait_scatter(p)
            else:
                wait_scatter(p)
            wait_idx(q)
            deinterleave(q)
            issue_gathers(q)
            nxt = jnp.minimum(jj + 2, nchunk - 1)
            fetch_idx(nxt, p)
            compute_chunk(p)
            pltpu.async_copy(con_v, acc_sh.at[dst_c[p]], ss, add=True)
        return c

    lax.fori_loop(0, nchunk // 2, pair, 0)

    wait_scatter(0)
    wait_gathers(0)
    wait_idx(1)
    plsc.subcore_barrier()

    @pl.when(sid < 15)
    def _():
        pltpu.sync_copy(acc_sh.at[pl.ds(row0, RPT)],
                        out_h.at[cid, pl.ds(row0, RPT)])

    @pl.when(sid == 15)
    def _():
        pltpu.sync_copy(acc_sh.at[pl.ds(15 * RPT, RPT_LAST)],
                        out_h.at[cid, pl.ds(15 * RPT, RPT_LAST)])


@functools.partial(
    pl.kernel,
    out_type=jax.ShapeDtypeStruct((NC, N, ROW1), _F32),
    mesh=_MESH,
    scratch_types=[
        pltpu.VMEM((2 * CE1,), jnp.int32), pltpu.VMEM((2 * CE1,), jnp.int32),
        pltpu.VMEM((CE1,), jnp.int32), pltpu.VMEM((CE1,), jnp.int32),
        pltpu.VMEM((CE1,), jnp.int32), pltpu.VMEM((CE1,), jnp.int32),
        pltpu.VMEM((CE1, 4 * MD), _F32), pltpu.VMEM((CE1, 4 * MD), _F32),
        pltpu.VMEM((CE1, 8 * MD), _F32), pltpu.VMEM((CE1, 8 * MD), _F32),
        pltpu.VMEM((CE1, ROW1), _F32),
        pltpu.VMEM_SHARED((N, ROW1), _F32),
        pltpu.SemaphoreType.DMA, pltpu.SemaphoreType.DMA,
        pltpu.SemaphoreType.DMA, pltpu.SemaphoreType.DMA,
        pltpu.SemaphoreType.DMA, pltpu.SemaphoreType.DMA,
        pltpu.SemaphoreType.DMA,
    ],
    compiler_params=_SC_PARAMS,
)
def _sc_layer1(*refs):
    _sc_edge_pass(4, 4 * MD, ROW1, CE1, *refs)


@functools.partial(
    pl.kernel,
    out_type=jax.ShapeDtypeStruct((NC, N, ROW2), _F32),
    mesh=_MESH,
    scratch_types=[
        pltpu.VMEM((2 * CE2,), jnp.int32), pltpu.VMEM((2 * CE2,), jnp.int32),
        pltpu.VMEM((CE2,), jnp.int32), pltpu.VMEM((CE2,), jnp.int32),
        pltpu.VMEM((CE2,), jnp.int32), pltpu.VMEM((CE2,), jnp.int32),
        pltpu.VMEM((CE2, MD), _F32), pltpu.VMEM((CE2, MD), _F32),
        pltpu.VMEM((CE2, 2 * MD), _F32), pltpu.VMEM((CE2, 2 * MD), _F32),
        pltpu.VMEM((CE2, ROW2), _F32),
        pltpu.VMEM_SHARED((N, ROW2), _F32),
        pltpu.SemaphoreType.DMA, pltpu.SemaphoreType.DMA,
        pltpu.SemaphoreType.DMA, pltpu.SemaphoreType.DMA,
        pltpu.SemaphoreType.DMA, pltpu.SemaphoreType.DMA,
        pltpu.SemaphoreType.DMA,
    ],
    compiler_params=_SC_PARAMS,
)
def _sc_layer2(*refs):
    _sc_edge_pass(1, MD, ROW2, CE2, *refs)



def kernel(edge_df, node_features, edge_mask, node_mask, Wt, bt, Wn, bn,
           Wq1, bq1, Wk1, bk1, Wv1, bv1, Wsk1, bsk1,
           Wq2, bq2, Wk2, bk2, Wv2, bv2, Wsk2, bsk2,
           Wih, bih, Whh, bhh, Wout, bout, node_memory):
    inv = 1.0 / jnp.sqrt(jnp.asarray(MD, _F32))
    te = Wt[:, 0] + bt

    def fold(W, b, scale=None):
        wa = W[:, :MD].T
        be = b + W[:, MD:] @ te
        if scale is not None:
            wa = wa * scale
            be = be * scale
        return wa, be.reshape(1, -1)

    wq1, bq1e = fold(Wq1, bq1, inv)
    wk1, bk1e = fold(Wk1, bk1)
    wv1, bv1e = fold(Wv1, bv1)
    wsk1, bsk1e = fold(Wsk1, bsk1)

    ed_view = edge_df.reshape(N, IN_DIM)

    q1, kv1, skip1, edi = pl.pallas_call(
        _tca_body,
        grid=(_GRID,),
        in_specs=[
            _row_spec(IN_DIM), _row_spec(IN_DIM),
            _full_spec((IN_DIM, MD)), _full_spec((1, MD)),
            _full_spec((MD, 4 * MD)), _full_spec((1, 4 * MD)),
            _full_spec((MD, 4 * MD)), _full_spec((1, 4 * MD)),
            _full_spec((MD, 4 * MD)), _full_spec((1, 4 * MD)),
            _full_spec((MD, MD)), _full_spec((1, MD)),
        ],
        out_specs=(
            _row_spec(4 * MD), _row_spec(8 * MD), _row_spec(MD),
            _row_spec(IN_DIM),
        ),
        out_shape=(
            jax.ShapeDtypeStruct((N, 4 * MD), _F32),
            jax.ShapeDtypeStruct((N, 8 * MD), _F32),
            jax.ShapeDtypeStruct((N, MD), _F32),
            jax.ShapeDtypeStruct((N, IN_DIM), jnp.int32),
        ),
    )(node_features, ed_view, Wn.T, bn.reshape(1, -1),
      wq1, bq1e, wk1, bk1e, wv1, bv1e, wsk1, bsk1e)

    ed_flat = edi.reshape(2 * E)

    part1 = _sc_layer1(ed_flat, q1, kv1)

    q2, kv2, skip2 = pl.pallas_call(
        _tcb_body,
        grid=(_GRID,),
        in_specs=[
            _row_spec(ROW1), _row_spec(ROW1), _row_spec(MD),
            _full_spec((MD, MD)), _full_spec((1, MD)),
            _full_spec((MD, MD)), _full_spec((1, MD)),
            _full_spec((MD, MD)), _full_spec((1, MD)),
            _full_spec((MD, MD)), _full_spec((1, MD)),
        ],
        out_specs=(_row_spec(MD), _row_spec(2 * MD), _row_spec(MD)),
        out_shape=(
            jax.ShapeDtypeStruct((N, MD), _F32),
            jax.ShapeDtypeStruct((N, 2 * MD), _F32),
            jax.ShapeDtypeStruct((N, MD), _F32),
        ),
    )(part1[0], part1[1], skip1,
      Wq2.T * inv, (bq2 * inv).reshape(1, -1),
      Wk2.T, bk2.reshape(1, -1), Wv2.T, bv2.reshape(1, -1),
      Wsk2.T, bsk2.reshape(1, -1))

    part2 = _sc_layer2(ed_flat, q2, kv2)

    output = pl.pallas_call(
        _tcc_body,
        grid=(_GRID,),
        in_specs=[
            _row_spec(ROW2), _row_spec(ROW2), _row_spec(MD),
            _full_spec((MD, MD)), _full_spec((1, MD)),
        ],
        out_specs=_row_spec(MD),
        out_shape=jax.ShapeDtypeStruct((N, MD), _F32),
    )(part2[0], part2[1], skip2, Wout.T, bout.reshape(1, -1))

    return output

# --- scband reference (transcript-rebuilt; emitter-appended) ---
"""Pipeline reference for scband-simple-tgnencoder-56427280335128 (READ-ONLY COPY).

The authoritative reference and input builder live on the scoring server;
editing this copy changes nothing except your own understanding.
"""

import jax, jax.numpy as jnp
import numpy as np

N = 10000
E = 640000
IN_DIM = 128
MD = 32
MD4 = 8
IN1 = MD + MD4


def _lin(key, out_d, in_d):
    k1, k2 = jax.random.split(key)
    bd = 1.0 / np.sqrt(in_d)
    W = jax.random.uniform(k1, (out_d, in_d), minval=-bd, maxval=bd, dtype=jnp.float32)
    b = jax.random.uniform(k2, (out_d,), minval=-bd, maxval=bd, dtype=jnp.float32)
    return W, b


def setup_inputs(seed: int = 0):
    key = jax.random.key(seed)
    ks = jax.random.split(key, 16)
    edge_df = jax.random.randint(ks[0], (E, 2), 0, N).astype(jnp.float32)
    node_features = jax.random.normal(ks[1], (N, IN_DIM), dtype=jnp.float32)
    edge_mask = jnp.ones((E,), dtype=jnp.float32)
    node_mask = jnp.ones((N,), dtype=jnp.float32)
    Wt, bt = _lin(ks[2], MD4, 1)
    Wn, bn = _lin(ks[3], MD, IN_DIM)
    Wq1, bq1 = _lin(ks[4], 4 * MD, IN1)
    Wk1, bk1 = _lin(ks[5], 4 * MD, IN1)
    Wv1, bv1 = _lin(ks[6], 4 * MD, IN1)
    Wsk1, bsk1 = _lin(ks[7], MD, IN1)
    Wq2, bq2 = _lin(ks[8], MD, MD)
    Wk2, bk2 = _lin(ks[9], MD, MD)
    Wv2, bv2 = _lin(ks[10], MD, MD)
    Wsk2, bsk2 = _lin(ks[11], MD, MD)
    Wih, bih = _lin(ks[12], 3 * MD, MD)
    Whh, bhh = _lin(ks[13], 3 * MD, MD)
    Wout, bout = _lin(ks[14], MD, MD)
    node_memory = jnp.zeros((N, MD), dtype=jnp.float32)
    return {"edge_df": edge_df, "node_features": node_features, "edge_mask": edge_mask, "node_mask": node_mask,
            "Wt": Wt, "bt": bt, "Wn": Wn, "bn": bn,
            "Wq1": Wq1, "bq1": bq1, "Wk1": Wk1, "bk1": bk1, "Wv1": Wv1, "bv1": bv1, "Wsk1": Wsk1, "bsk1": bsk1,
            "Wq2": Wq2, "bq2": bq2, "Wk2": Wk2, "bk2": bk2, "Wv2": Wv2, "bv2": bv2, "Wsk2": Wsk2, "bsk2": bsk2,
            "Wih": Wih, "bih": bih, "Whh": Whh, "bhh": bhh, "Wout": Wout, "bout": bout,
            "node_memory": node_memory}


def _tconv(x, src, dst, Wq, bq, Wk, bk, Wv, bv, Wsk, bsk, H, C):
    # PyG TransformerConv with concat=False, root_weight=True, beta=False
    q = (x @ Wq.T + bq).reshape(-1, H, C)
    k = (x @ Wk.T + bk).reshape(-1, H, C)
    v = (x @ Wv.T + bv).reshape(-1, H, C)
    qi = q[dst]
    kj = k[src]
    vj = v[src]
    alpha = (qi * kj).sum(axis=-1) / jnp.sqrt(jnp.float32(C))  # [E, H]
    amax = jax.ops.segment_max(alpha, dst, num_segments=N)
    amax = jnp.where(jnp.isfinite(amax), amax, 0.0)
    ex = jnp.exp(alpha - amax[dst])
    den = jax.ops.segment_sum(ex, dst, num_segments=N)
    a = ex / (den[dst] + 1e-16)
    out = jax.ops.segment_sum(vj * a[:, :, None], dst, num_segments=N)  # [N, H, C]
    out = out.mean(axis=1)  # concat=False -> mean over heads
    return out + x @ Wsk.T + bsk


def reference(edge_df, node_features, edge_mask, node_mask, Wt, bt, Wn, bn,
              Wq1, bq1, Wk1, bk1, Wv1, bv1, Wsk1, bsk1,
              Wq2, bq2, Wk2, bk2, Wv2, bv2, Wsk2, bsk2,
              Wih, bih, Whh, bhh, Wout, bout, node_memory):
    # edge_mask is all ones -> all edges valid (static shape specialization)
    src = jnp.clip(edge_df[:, 0].astype(jnp.int32), 0, N - 1)
    dst = jnp.clip(edge_df[:, 1].astype(jnp.int32), 0, N - 1)
    # timestep increments from 0 to 1 on this forward call
    time_emb = jnp.array([[1.0]], dtype=jnp.float32) @ Wt.T + bt  # [1, MD4]
    time_emb = jnp.broadcast_to(time_emb, (N, MD4))
    node_emb = node_features @ Wn.T + bn
    combined = jnp.concatenate([node_emb, time_emb], axis=1)  # [N, IN1]
    x = jax.nn.relu(_tconv(combined, src, dst, Wq1, bq1, Wk1, bk1, Wv1, bv1, Wsk1, bsk1, 4, MD))
    x = jax.nn.relu(_tconv(x, src, dst, Wq2, bq2, Wk2, bk2, Wv2, bv2, Wsk2, bsk2, 1, MD))
    # GRUCell memory update (side effect; node_mask all True)
    gi = x @ Wih.T + bih
    gh = node_memory @ Whh.T + bhh
    ir, iz, inn = jnp.split(gi, 3, axis=1)
    hr, hz, hn = jnp.split(gh, 3, axis=1)
    r = jax.nn.sigmoid(ir + hr)
    z = jax.nn.sigmoid(iz + hz)
    nn_ = jnp.tanh(inn + r * hn)
    new_memory = (1.0 - z) * nn_ + z * node_memory  # buffer update, not returned
    del new_memory
    output = x @ Wout.T + bout
    return output

if __name__ == "__main__":
    import jax
    _d = setup_inputs()
    print(jax.jit(kernel)(*tuple(_d.values())))

</pallas_src>

<mosaic_0001>
#map = affine_map<(d0, d1) -> (0)>
#map1 = affine_map<(d0, d1) -> (0, 0)>
#map2 = affine_map<(d0, d1) -> (0, 0, 0)>
module attributes {stable_mosaic.version = 14 : i64} {
  func.func @_sc_layer1(%arg0: i32, %arg1: i32, %arg2: memref<1280000xi32, #tpu.memory_space<hbm>>, %arg3: memref<10000x128xf32, #tpu.memory_space<hbm>>, %arg4: memref<10000x256xf32, #tpu.memory_space<hbm>>, %arg5: memref<2x10000x144xf32, #tpu.memory_space<hbm>>, %arg6: memref<80xi32, #tpu.memory_space<vmem>>, %arg7: memref<80xi32, #tpu.memory_space<vmem>>, %arg8: memref<40xi32, #tpu.memory_space<vmem>>, %arg9: memref<40xi32, #tpu.memory_space<vmem>>, %arg10: memref<40xi32, #tpu.memory_space<vmem>>, %arg11: memref<40xi32, #tpu.memory_space<vmem>>, %arg12: memref<40x128xf32, #tpu.memory_space<vmem>>, %arg13: memref<40x128xf32, #tpu.memory_space<vmem>>, %arg14: memref<40x256xf32, #tpu.memory_space<vmem>>, %arg15: memref<40x256xf32, #tpu.memory_space<vmem>>, %arg16: memref<40x144xf32, #tpu.memory_space<vmem>>, %arg17: memref<10000x144xf32, #tpu.memory_space<vmem_shared>>, %arg18: memref<!tpu.dma_semaphore, #tpu.memory_space<semaphore_mem>>, %arg19: memref<!tpu.dma_semaphore, #tpu.memory_space<semaphore_mem>>, %arg20: memref<!tpu.dma_semaphore, #tpu.memory_space<semaphore_mem>>, %arg21: memref<!tpu.dma_semaphore, #tpu.memory_space<semaphore_mem>>, %arg22: memref<!tpu.dma_semaphore, #tpu.memory_space<semaphore_mem>>, %arg23: memref<!tpu.dma_semaphore, #tpu.memory_space<semaphore_mem>>, %arg24: memref<!tpu.dma_semaphore, #tpu.memory_space<semaphore_mem>>) attributes {dimension_semantics = [#tpu.dimension_semantics<core_parallel>, #tpu.dimension_semantics<subcore_parallel>], iteration_bounds = array<i64: 2, 16>, scalar_prefetch = 0 : i64, scratch_operands = 19 : i64, tpu.core_type = #tpu.core_type<sc_vector_subcore>, window_params = [{transform_indices = #map}, {transform_indices = #map1}, {transform_indices = #map1}, {transform_indices = #map2}]} {
    %mul3A = arith.constant 16 : i32
    %mul3A_0 = arith.muli %arg0, %mul3A : i32
    %add3A = arith.addi %mul3A_0, %arg1 : i32
    %iota3A = tpu.iota {dimensions = array<i32: 0>} : vector<16xi32>
    %broadcast_in_dim3A = arith.constant 0.000000e+00 : f32
    %broadcast_in_dim3A_1 = vector.broadcast %broadcast_in_dim3A : f32 to vector<16xf32>
    %scan3A = arith.constant 0 : i32
    %scan3A_2 = arith.constant 0 : i32
    %scan3A_3 = arith.constant 40 : i32
    %scan3A_4 = arith.addi %scan3A_2, %scan3A_3 : i32
    %scan3A_5 = arith.constant 1 : i32
    scf.for %scan3A_115 = %scan3A_2 to %scan3A_4 step %scan3A_5  : i32 {
      %swap3A_116 = arith.index_cast %scan3A_115 : i32 to index
      %swap3A_117 = arith.constant 0 : index
      %swap3A_118 = tpu.vector_load %arg16[%swap3A_116, %swap3A_117] {strides = array<i32>} : memref<40x144xf32, #tpu.memory_space<vmem>>, vector<16xf32>,
      tpu.vector_store %arg16[%swap3A_116, %swap3A_117], %broadcast_in_dim3A_1 {strides = array<i32>} : memref<40x144xf32, #tpu.memory_space<vmem>>, vector<16xf32>,
      %swap3A_119 = arith.index_cast %scan3A_115 : i32 to index
      %swap3A_120 = arith.constant 16 : index
      %swap3A_121 = tpu.vector_load %arg16[%swap3A_119, %swap3A_120] {strides = array<i32>} : memref<40x144xf32, #tpu.memory_space<vmem>>, vector<16xf32>,
      tpu.vector_store %arg16[%swap3A_119, %swap3A_120], %broadcast_in_dim3A_1 {strides = array<i32>} : memref<40x144xf32, #tpu.memory_space<vmem>>, vector<16xf32>,
      %swap3A_122 = arith.index_cast %scan3A_115 : i32 to index
      %swap3A_123 = arith.constant 32 : index
      %swap3A_124 = tpu.vector_load %arg16[%swap3A_122, %swap3A_123] {strides = array<i32>} : memref<40x144xf32, #tpu.memory_space<vmem>>, vector<16xf32>,
      tpu.vector_store %arg16[%swap3A_122, %swap3A_123], %broadcast_in_dim3A_1 {strides = array<i32>} : memref<40x144xf32, #tpu.memory_space<vmem>>, vector<16xf32>,
      %swap3A_125 = arith.index_cast %scan3A_115 : i32 to index
      %swap3A_126 = arith.constant 48 : index
      %swap3A_127 = tpu.vector_load %arg16[%swap3A_125, %swap3A_126] {strides = array<i32>} : memref<40x144xf32, #tpu.memory_space<vmem>>, vector<16xf32>,
      tpu.vector_store %arg16[%swap3A_125, %swap3A_126], %broadcast_in_dim3A_1 {strides = array<i32>} : memref<40x144xf32, #tpu.memory_space<vmem>>, vector<16xf32>,
      %swap3A_128 = arith.index_cast %scan3A_115 : i32 to index
      %swap3A_129 = arith.constant 64 : index
      %swap3A_130 = tpu.vector_load %arg16[%swap3A_128, %swap3A_129] {strides = array<i32>} : memref<40x144xf32, #tpu.memory_space<vmem>>, vector<16xf32>,
      tpu.vector_store %arg16[%swap3A_128, %swap3A_129], %broadcast_in_dim3A_1 {strides = array<i32>} : memref<40x144xf32, #tpu.memory_space<vmem>>, vector<16xf32>,
      %swap3A_131 = arith.index_cast %scan3A_115 : i32 to index
      %swap3A_132 = arith.constant 80 : index
      %swap3A_133 = tpu.vector_load %arg16[%swap3A_131, %swap3A_132] {strides = array<i32>} : memref<40x144xf32, #tpu.memory_space<vmem>>, vector<16xf32>,
      tpu.vector_store %arg16[%swap3A_131, %swap3A_132], %broadcast_in_dim3A_1 {strides = array<i32>} : memref<40x144xf32, #tpu.memory_space<vmem>>, vector<16xf32>,
      %swap3A_134 = arith.index_cast %scan3A_115 : i32 to index
      %swap3A_135 = arith.constant 96 : index
      %swap3A_136 = tpu.vector_load %arg16[%swap3A_134, %swap3A_135] {strides = array<i32>} : memref<40x144xf32, #tpu.memory_space<vmem>>, vector<16xf32>,
      tpu.vector_store %arg16[%swap3A_134, %swap3A_135], %broadcast_in_dim3A_1 {strides = array<i32>} : memref<40x144xf32, #tpu.memory_space<vmem>>, vector<16xf32>,
      %swap3A_137 = arith.index_cast %scan3A_115 : i32 to index
      %swap3A_138 = arith.constant 112 : index
      %swap3A_139 = tpu.vector_load %arg16[%swap3A_137, %swap3A_138] {strides = array<i32>} : memref<40x144xf32, #tpu.memory_space<vmem>>, vector<16xf32>,
      tpu.vector_store %arg16[%swap3A_137, %swap3A_138], %broadcast_in_dim3A_1 {strides = array<i32>} : memref<40x144xf32, #tpu.memory_space<vmem>>, vector<16xf32>,
      %swap3A_140 = arith.index_cast %scan3A_115 : i32 to index
      %swap3A_141 = arith.constant 128 : index
      %swap3A_142 = tpu.vector_load %arg16[%swap3A_140, %swap3A_141] {strides = array<i32>} : memref<40x144xf32, #tpu.memory_space<vmem>>, vector<16xf32>,
      tpu.vector_store %arg16[%swap3A_140, %swap3A_141], %broadcast_in_dim3A_1 {strides = array<i32>} : memref<40x144xf32, #tpu.memory_space<vmem>>, vector<16xf32>,
    }
    %scan3A_6 = arith.constant 40 : i32
    %mul3A_7 = arith.constant 640 : i32
    %mul3A_8 = arith.muli %arg1, %mul3A_7 : i32
    %lt3A = arith.constant 15 : i32
    %lt3A_9 = arith.cmpi slt, %arg1, %lt3A : i32
    %jit3A = arith.constant 16 : i32
    %jit3A_10 = arith.constant 10 : i32
    %select_n3A = arith.select %lt3A_9, %jit3A, %jit3A_10 : i32
    %while3A = arith.constant 0 : i32
    %while3A_11 = arith.constant 0 : i32
    %while3A_12 = arith.subi %select_n3A, %while3A_11 : i32
    %while3A_13 = arith.addi %while3A_11, %while3A_12 : i32
    %while3A_14 = arith.constant 1 : i32
    %while3A_15 = arith.divsi %while3A_12, %while3A_14 : i32
    %while3A_16 = arith.muli %while3A_15, %while3A_14 : i32
    %while3A_17 = arith.addi %while3A_11, %while3A_16 : i32
    %while3A_18 = arith.constant 1 : i32
    scf.for %while3A_115 = %while3A_11 to %while3A_17 step %while3A_18  : i32 {
      %mul3A_116 = arith.constant 40 : i32
      %mul3A_117 = arith.muli %while3A_115, %mul3A_116 : i32
      %add3A_118 = arith.addi %mul3A_8, %mul3A_117 : i32
      "tpu.region"() ({
        %run_scoped3A = tpu.sem_alloc : memref<!tpu.dma_semaphore, #tpu.memory_space<semaphore_mem>>
        %dma_start3A_119 = arith.constant 0 : i32
        %dma_start3A_120 = tpu.memref_slice %arg17[%add3A_118, %dma_start3A_119] : memref<10000x144xf32, #tpu.memory_space<vmem_shared>> -> memref<40x144xf32, #tpu.memory_space<vmem_shared>>
        %dma_start3A_121 = arith.constant 0 : i32
        %dma_start3A_122 = tpu.memref_slice %arg17[%add3A_118, %dma_start3A_121] : memref<10000x144xf32, #tpu.memory_space<vmem_shared>> -> memref<40x144xf32, #tpu.memory_space<vmem_shared>>
        tpu.enqueue_dma source(%arg16 : memref<40x144xf32, #tpu.memory_space<vmem>>) target(%dma_start3A_122 : memref<40x144xf32, #tpu.memory_space<vmem_shared>>) target_semaphore(%run_scoped3A : memref<!tpu.dma_semaphore, #tpu.memory_space<semaphore_mem>>)
        %dma_wait3A_123 = arith.constant 0 : i32
        %dma_wait3A_124 = tpu.memref_slice %arg17[%add3A_118, %dma_wait3A_123] : memref<10000x144xf32, #tpu.memory_space<vmem_shared>> -> memref<40x144xf32, #tpu.memory_space<vmem_shared>>
        %dma_wait3A_125 = arith.constant 0 : i32
        %dma_wait3A_126 = tpu.memref_slice %arg17[%add3A_118, %dma_wait3A_125] : memref<10000x144xf32, #tpu.memory_space<vmem_shared>> -> memref<40x144xf32, #tpu.memory_space<vmem_shared>>
        tpu.wait_dma2 semaphore(%run_scoped3A : memref<!tpu.dma_semaphore, #tpu.memory_space<semaphore_mem>>) src(%arg16 : memref<40x144xf32, #tpu.memory_space<vmem>>) dst(%dma_wait3A_126 : memref<40x144xf32, #tpu.memory_space<vmem_shared>>)
        tpu.yield
      }) : () -> ()
    }
    %while3A_19 = arith.constant 1 : i32
    scf.for %while3A_115 = %while3A_17 to %while3A_13 step %while3A_19  : i32 {
      %mul3A_116 = arith.constant 40 : i32
      %mul3A_117 = arith.muli %while3A_115, %mul3A_116 : i32
      %add3A_118 = arith.addi %mul3A_8, %mul3A_117 : i32
      "tpu.region"() ({
        %run_scoped3A = tpu.sem_alloc : memref<!tpu.dma_semaphore, #tpu.memory_space<semaphore_mem>>
        %dma_start3A_119 = arith.constant 0 : i32
        %dma_start3A_120 = tpu.memref_slice %arg17[%add3A_118, %dma_start3A_119] : memref<10000x144xf32, #tpu.memory_space<vmem_shared>> -> memref<40x144xf32, #tpu.memory_space<vmem_shared>>
        %dma_start3A_121 = arith.constant 0 : i32
        %dma_start3A_122 = tpu.memref_slice %arg17[%add3A_118, %dma_start3A_121] : memref<10000x144xf32, #tpu.memory_space<vmem_shared>> -> memref<40x144xf32, #tpu.memory_space<vmem_shared>>
        tpu.enqueue_dma source(%arg16 : memref<40x144xf32, #tpu.memory_space<vmem>>) target(%dma_start3A_122 : memref<40x144xf32, #tpu.memory_space<vmem_shared>>) target_semaphore(%run_scoped3A : memref<!tpu.dma_semaphore, #tpu.memory_space<semaphore_mem>>)
        %dma_wait3A_123 = arith.constant 0 : i32
        %dma_wait3A_124 = tpu.memref_slice %arg17[%add3A_118, %dma_wait3A_123] : memref<10000x144xf32, #tpu.memory_space<vmem_shared>> -> memref<40x144xf32, #tpu.memory_space<vmem_shared>>
        %dma_wait3A_125 = arith.constant 0 : i32
        %dma_wait3A_126 = tpu.memref_slice %arg17[%add3A_118, %dma_wait3A_125] : memref<10000x144xf32, #tpu.memory_space<vmem_shared>> -> memref<40x144xf32, #tpu.memory_space<vmem_shared>>
        tpu.wait_dma2 semaphore(%run_scoped3A : memref<!tpu.dma_semaphore, #tpu.memory_space<semaphore_mem>>) src(%arg16 : memref<40x144xf32, #tpu.memory_space<vmem>>) dst(%dma_wait3A_126 : memref<40x144xf32, #tpu.memory_space<vmem_shared>>)
        tpu.yield
      }) : () -> ()
    }
    %barrier3A = arith.constant 0 : index
    tpu.barrier barrier_id(%barrier3A)
    %mul3A_20 = arith.constant 20000 : i32
    %mul3A_21 = arith.muli %add3A, %mul3A_20 : i32
    %add3A_22 = arith.constant 0 : i32
    %add3A_23 = arith.addi %mul3A_21, %add3A_22 : i32
    %mul3A_24 = arith.constant 2 : i32
    %mul3A_25 = arith.muli %mul3A_24, %add3A_23 : i32
    %multiple_of3A = tpu.assume_multiple %mul3A_25, 8 : i32
    %dma_start3A = tpu.memref_slice %arg2[%multiple_of3A] : memref<1280000xi32, #tpu.memory_space<hbm>> -> memref<80xi32, #tpu.memory_space<hbm>>
    %dma_start3A_26 = tpu.memref_slice %arg2[%multiple_of3A] : memref<1280000xi32, #tpu.memory_space<hbm>> -> memref<80xi32, #tpu.memory_space<hbm>>
    tpu.enqueue_dma source(%dma_start3A_26 : memref<80xi32, #tpu.memory_space<hbm>>) target(%arg6 : memref<80xi32, #tpu.memory_space<vmem>>) target_semaphore(%arg18 : memref<!tpu.dma_semaphore, #tpu.memory_space<semaphore_mem>>)
    %mul3A_27 = arith.constant 2 : i32
    %mul3A_28 = arith.muli %mul3A_27, %mul3A_21 : i32
    %multiple_of3A_29 = tpu.assume_multiple %mul3A_28, 8 : i32
    %dma_wait3A = tpu.memref_slice %arg2[%multiple_of3A_29] : memref<1280000xi32, #tpu.memory_space<hbm>> -> memref<80xi32, #tpu.memory_space<hbm>>
    %dma_wait3A_30 = tpu.memref_slice %arg2[%multiple_of3A_29] : memref<1280000xi32, #tpu.memory_space<hbm>> -> memref<80xi32, #tpu.memory_space<hbm>>
    tpu.wait_dma2 semaphore(%arg18 : memref<!tpu.dma_semaphore, #tpu.memory_space<semaphore_mem>>) src(%dma_wait3A_30 : memref<80xi32, #tpu.memory_space<hbm>>) dst(%arg6 : memref<80xi32, #tpu.memory_space<vmem>>)
    %add3A_31 = arith.constant 0 : i32
    %add3A_32 = vector.broadcast %add3A_31 : i32 to vector<16xi32>
    %add3A_33 = arith.addi %add3A_32, %iota3A : vector<16xi32>
    %mul3A_34 = arith.constant 2 : i32
    %mul3A_35 = vector.broadcast %mul3A_34 : i32 to vector<16xi32>
    %mul3A_36 = arith.muli %mul3A_35, %add3A_33 : vector<16xi32>
    %gather3A = tpu.vector_load_idx %arg6[%mul3A_36] : memref<80xi32, #tpu.memory_space<vmem>>[vector<16xi32>], vector<16xi32>,
    %swap3A = arith.constant 0 : index
    %swap3A_37 = tpu.vector_load %arg8[%swap3A] {strides = array<i32>} : memref<40xi32, #tpu.memory_space<vmem>>, vector<16xi32>,
    tpu.vector_store %arg8[%swap3A], %gather3A {strides = array<i32>} : memref<40xi32, #tpu.memory_space<vmem>>, vector<16xi32>,
    %add3A_38 = arith.constant 1 : i32
    %add3A_39 = vector.broadcast %add3A_38 : i32 to vector<16xi32>
    %add3A_40 = arith.addi %mul3A_36, %add3A_39 : vector<16xi32>
    %gather3A_41 = tpu.vector_load_idx %arg6[%add3A_40] : memref<80xi32, #tpu.memory_space<vmem>>[vector<16xi32>], vector<16xi32>,
    %swap3A_42 = arith.constant 0 : index
    %swap3A_43 = tpu.vector_load %arg10[%swap3A_42] {strides = array<i32>} : memref<40xi32, #tpu.memory_space<vmem>>, vector<16xi32>,
    tpu.vector_store %arg10[%swap3A_42], %gather3A_41 {strides = array<i32>} : memref<40xi32, #tpu.memory_space<vmem>>, vector<16xi32>,
    %add3A_44 = arith.constant 16 : i32
    %add3A_45 = vector.broadcast %add3A_44 : i32 to vector<16xi32>
    %add3A_46 = arith.addi %add3A_45, %iota3A : vector<16xi32>
    %mul3A_47 = arith.constant 2 : i32
    %mul3A_48 = vector.broadcast %mul3A_47 : i32 to vector<16xi32>
    %mul3A_49 = arith.muli %mul3A_48, %add3A_46 : vector<16xi32>
    %gather3A_50 = tpu.vector_load_idx %arg6[%mul3A_49] : memref<80xi32, #tpu.memory_space<vmem>>[vector<16xi32>], vector<16xi32>,
    %swap3A_51 = arith.constant 16 : index
    %swap3A_52 = tpu.vector_load %arg8[%swap3A_51] {strides = array<i32>} : memref<40xi32, #tpu.memory_space<vmem>>, vector<16xi32>,
    tpu.vector_store %arg8[%swap3A_51], %gather3A_50 {strides = array<i32>} : memref<40xi32, #tpu.memory_space<vmem>>, vector<16xi32>,
    %add3A_53 = arith.constant 1 : i32
    %add3A_54 = vector.broadcast %add3A_53 : i32 to vector<16xi32>
    %add3A_55 = arith.addi %mul3A_49, %add3A_54 : vector<16xi32>
    %gather3A_56 = tpu.vector_load_idx %arg6[%add3A_55] : memref<80xi32, #tpu.memory_space<vmem>>[vector<16xi32>], vector<16xi32>,
    %swap3A_57 = arith.constant 16 : index
    %swap3A_58 = tpu.vector_load %arg10[%swap3A_57] {strides = array<i32>} : memref<40xi32, #tpu.memory_space<vmem>>, vector<16xi32>,
    tpu.vector_store %arg10[%swap3A_57], %gather3A_56 {strides = array<i32>} : memref<40xi32, #tpu.memory_space<vmem>>, vector<16xi32>,
    %add3A_59 = arith.constant 24 : i32
    %add3A_60 = vector.broadcast %add3A_59 : i32 to vector<16xi32>
    %add3A_61 = arith.addi %add3A_60, %iota3A : vector<16xi32>
    %mul3A_62 = arith.constant 2 : i32
    %mul3A_63 = vector.broadcast %mul3A_62 : i32 to vector<16xi32>
    %mul3A_64 = arith.muli %mul3A_63, %add3A_61 : vector<16xi32>
    %gather3A_65 = tpu.vector_load_idx %arg6[%mul3A_64] : memref<80xi32, #tpu.memory_space<vmem>>[vector<16xi32>], vector<16xi32>,
    %swap3A_66 = arith.constant 24 : index
    %swap3A_67 = tpu.vector_load %arg8[%swap3A_66] {strides = array<i32>} : memref<40xi32, #tpu.memory_space<vmem>>, vector<16xi32>,
    tpu.vector_store %arg8[%swap3A_66], %gather3A_65 {strides = array<i32>} : memref<40xi32, #tpu.memory_space<vmem>>, vector<16xi32>,
    %add3A_68 = arith.constant 1 : i32
    %add3A_69 = vector.broadcast %add3A_68 : i32 to vector<16xi32>
    %add3A_70 = arith.addi %mul3A_64, %add3A_69 : vector<16xi32>
    %gather3A_71 = tpu.vector_load_idx %arg6[%add3A_70] : memref<80xi32, #tpu.memory_space<vmem>>[vector<16xi32>], vector<16xi32>,
    %swap3A_72 = arith.constant 24 : index
    %swap3A_73 = tpu.vector_load %arg10[%swap3A_72] {strides = array<i32>} : memref<40xi32, #tpu.memory_space<vmem>>, vector<16xi32>,
    tpu.vector_store %arg10[%swap3A_72], %gather3A_71 {strides = array<i32>} : memref<40xi32, #tpu.memory_space<vmem>>, vector<16xi32>,
    %dma_start3A_74 = arith.constant 0 : i32
    %dma_start3A_75 = arith.constant 0 : i32
    %dma_start3A_76 = tpu.memref_slice %arg3[%dma_start3A_74, %dma_start3A_75] : memref<10000x128xf32, #tpu.memory_space<hbm>> -> memref<10000x128xf32, #tpu.memory_space<hbm>>
    tpu.enqueue_indirect_dma source(%dma_start3A_76 : memref<10000x128xf32, #tpu.memory_space<hbm>>) target(%arg12 : memref<40x128xf32, #tpu.memory_space<vmem>>) offsets(%arg10 : memref<40xi32, #tpu.memory_space<vmem>>) semaphore(%arg20 : memref<!tpu.dma_semaphore, #tpu.memory_space<semaphore_mem>>)
    %dma_start3A_77 = arith.constant 0 : i32
    %dma_start3A_78 = arith.constant 0 : i32
    %dma_start3A_79 = tpu.memref_slice %arg4[%dma_start3A_77, %dma_start3A_78] : memref<10000x256xf32, #tpu.memory_space<hbm>> -> memref<10000x256xf32, #tpu.memory_space<hbm>>
    tpu.enqueue_indirect_dma source(%dma_start3A_79 : memref<10000x256xf32, #tpu.memory_space<hbm>>) target(%arg14 : memref<40x256xf32, #tpu.memory_space<vmem>>) offsets(%arg8 : memref<40xi32, #tpu.memory_space<vmem>>) semaphore(%arg22 : memref<!tpu.dma_semaphore, #tpu.memory_space<semaphore_mem>>)
    %add3A_80 = arith.constant 40 : i32
    %add3A_81 = arith.addi %mul3A_21, %add3A_80 : i32
    %mul3A_82 = arith.constant 2 : i32
    %mul3A_83 = arith.muli %mul3A_82, %add3A_81 : i32
    %multiple_of3A_84 = tpu.assume_multiple %mul3A_83, 8 : i32
    %dma_start3A_85 = tpu.memref_slice %arg2[%multiple_of3A_84] : memref<1280000xi32, #tpu.memory_space<hbm>> -> memref<80xi32, #tpu.memory_space<hbm>>
    %dma_start3A_86 = tpu.memref_slice %arg2[%multiple_of3A_84] : memref<1280000xi32, #tpu.memory_space<hbm>> -> memref<80xi32, #tpu.memory_space<hbm>>
    tpu.enqueue_dma source(%dma_start3A_86 : memref<80xi32, #tpu.memory_space<hbm>>) target(%arg7 : memref<80xi32, #tpu.memory_space<vmem>>) target_semaphore(%arg19 : memref<!tpu.dma_semaphore, #tpu.memory_space<semaphore_mem>>)
    %scan3A_87 = arith.constant 0 : i32
    %scan3A_88 = arith.constant 0 : i32
    %scan3A_89 = arith.constant 250 : i32
    %scan3A_90 = arith.addi %scan3A_88, %scan3A_89 : i32
    %scan3A_91 = arith.constant 1 : i32
    scf.for %scan3A_115 = %scan3A_88 to %scan3A_90 step %scan3A_91  : i32 {
      %mul3A_116 = arith.constant 2 : i32
      %mul3A_117 = arith.muli %mul3A_116, %scan3A_115 : i32
      %add3A_118 = arith.constant 0 : i32
      %add3A_119 = arith.addi %mul3A_117, %add3A_118 : i32
      %dma_wait3A_120 = arith.constant 0 : i32
      %dma_wait3A_121 = arith.constant 0 : i32
      %dma_wait3A_122 = tpu.memref_slice %arg3[%dma_wait3A_120, %dma_wait3A_121] : memref<10000x128xf32, #tpu.memory_space<hbm>> -> memref<10000x128xf32, #tpu.memory_space<hbm>>
      tpu.wait_indirect_dma semaphore(%arg20 : memref<!tpu.dma_semaphore, #tpu.memory_space<semaphore_mem>>) src(%dma_wait3A_122 : memref<10000x128xf32, #tpu.memory_space<hbm>>) dst(%arg12 : memref<40x128xf32, #tpu.memory_space<vmem>>)
      %dma_wait3A_123 = arith.constant 0 : i32
      %dma_wait3A_124 = arith.constant 0 : i32
      %dma_wait3A_125 = tpu.memref_slice %arg4[%dma_wait3A_123, %dma_wait3A_124] : memref<10000x256xf32, #tpu.memory_space<hbm>> -> memref<10000x256xf32, #tpu.memory_space<hbm>>
      tpu.wait_indirect_dma semaphore(%arg22 : memref<!tpu.dma_semaphore, #tpu.memory_space<semaphore_mem>>) src(%dma_wait3A_125 : memref<10000x256xf32, #tpu.memory_space<hbm>>) dst(%arg14 : memref<40x256xf32, #tpu.memory_space<vmem>>)
      %gt3A = arith.constant 0 : i32
      %gt3A_126 = arith.cmpi sgt, %scan3A_115, %gt3A : i32
      %convert_element_type3A_127 = arith.extui %gt3A_126 : i1 to i32
      %cond3A_128 = arith.constant 0 : i32
      %cond3A_129 = arith.cmpi ne, %convert_element_type3A_127, %cond3A_128 : i32
      scf.if %cond3A_129 {
        %dma_wait3A_289 = arith.constant 0 : i32
        %dma_wait3A_290 = arith.constant 0 : i32
        %dma_wait3A_291 = tpu.memref_slice %arg17[%dma_wait3A_289, %dma_wait3A_290] : memref<10000x144xf32, #tpu.memory_space<vmem_shared>> -> memref<10000x144xf32, #tpu.memory_space<vmem_shared>>
        tpu.wait_indirect_dma semaphore(%arg24 : memref<!tpu.dma_semaphore, #tpu.memory_space<semaphore_mem>>) src(%arg16 : memref<40x144xf32, #tpu.memory_space<vmem>>) dst(%dma_wait3A_291 : memref<10000x144xf32, #tpu.memory_space<vmem_shared>>)
      } else {
      }
      %mul3A_130 = arith.constant 2 : i32
      %mul3A_131 = arith.muli %mul3A_130, %mul3A_21 : i32
      %multiple_of3A_132 = tpu.assume_multiple %mul3A_131, 8 : i32
      %dma_wait3A_133 = tpu.memref_slice %arg2[%multiple_of3A_132] : memref<1280000xi32, #tpu.memory_space<hbm>> -> memref<80xi32, #tpu.memory_space<hbm>>
      %dma_wait3A_134 = tpu.memref_slice %arg2[%multiple_of3A_132] : memref<1280000xi32, #tpu.memory_space<hbm>> -> memref<80xi32, #tpu.memory_space<hbm>>
      tpu.wait_dma2 semaphore(%arg19 : memref<!tpu.dma_semaphore, #tpu.memory_space<semaphore_mem>>) src(%dma_wait3A_134 : memref<80xi32, #tpu.memory_space<hbm>>) dst(%arg7 : memref<80xi32, #tpu.memory_space<vmem>>)
      %add3A_135 = arith.constant 0 : i32
      %add3A_136 = vector.broadcast %add3A_135 : i32 to vector<16xi32>
      %add3A_137 = arith.addi %add3A_136, %iota3A : vector<16xi32>
      %mul3A_138 = arith.constant 2 : i32
      %mul3A_139 = vector.broadcast %mul3A_138 : i32 to vector<16xi32>
      %mul3A_140 = arith.muli %mul3A_139, %add3A_137 : vector<16xi32>
      %gather3A_141 = tpu.vector_load_idx %arg7[%mul3A_140] : memref<80xi32, #tpu.memory_space<vmem>>[vector<16xi32>], vector<16xi32>,
      %swap3A_142 = arith.constant 0 : index
      %swap3A_143 = tpu.vector_load %arg9[%swap3A_142] {strides = array<i32>} : memref<40xi32, #tpu.memory_space<vmem>>, vector<16xi32>,
      tpu.vector_store %arg9[%swap3A_142], %gather3A_141 {strides = array<i32>} : memref<40xi32, #tpu.memory_space<vmem>>, vector<16xi32>,
      %add3A_144 = arith.constant 1 : i32
      %add3A_145 = vector.broadcast %add3A_144 : i32 to vector<16xi32>
      %add3A_146 = arith.addi %mul3A_140, %add3A_145 : vector<16xi32>
      %gather3A_147 = tpu.vector_load_idx %arg7[%add3A_146] : memref<80xi32, #tpu.memory_space<vmem>>[vector<16xi32>], vector<16xi32>,
      %swap3A_148 = arith.constant 0 : index
      %swap3A_149 = tpu.vector_load %arg11[%swap3A_148] {strides = array<i32>} : memref<40xi32, #tpu.memory_space<vmem>>, vector<16xi32>,
      tpu.vector_store %arg11[%swap3A_148], %gather3A_147 {strides = array<i32>} : memref<40xi32, #tpu.memory_space<vmem>>, vector<16xi32>,
      %add3A_150 = arith.constant 16 : i32
      %add3A_151 = vector.broadcast %add3A_150 : i32 to vector<16xi32>
      %add3A_152 = arith.addi %add3A_151, %iota3A : vector<16xi32>
      %mul3A_153 = arith.constant 2 : i32
      %mul3A_154 = vector.broadcast %mul3A_153 : i32 to vector<16xi32>
      %mul3A_155 = arith.muli %mul3A_154, %add3A_152 : vector<16xi32>
      %gather3A_156 = tpu.vector_load_idx %arg7[%mul3A_155] : memref<80xi32, #tpu.memory_space<vmem>>[vector<16xi32>], vector<16xi32>,
      %swap3A_157 = arith.constant 16 : index
      %swap3A_158 = tpu.vector_load %arg9[%swap3A_157] {strides = array<i32>} : memref<40xi32, #tpu.memory_space<vmem>>, vector<16xi32>,
      tpu.vector_store %arg9[%swap3A_157], %gather3A_156 {strides = array<i32>} : memref<40xi32, #tpu.memory_space<vmem>>, vector<16xi32>,
      %add3A_159 = arith.constant 1 : i32
      %add3A_160 = vector.broadcast %add3A_159 : i32 to vector<16xi32>
      %add3A_161 = arith.addi %mul3A_155, %add3A_160 : vector<16xi32>
      %gather3A_162 = tpu.vector_load_idx %arg7[%add3A_161] : memref<80xi32, #tpu.memory_space<vmem>>[vector<16xi32>], vector<16xi32>,
      %swap3A_163 = arith.constant 16 : index
      %swap3A_164 = tpu.vector_load %arg11[%swap3A_163] {strides = array<i32>} : memref<40xi32, #tpu.memory_space<vmem>>, vector<16xi32>,
      tpu.vector_store %arg11[%swap3A_163], %gather3A_162 {strides = array<i32>} : memref<40xi32, #tpu.memory_space<vmem>>, vector<16xi32>,
      %add3A_165 = arith.constant 24 : i32
      %add3A_166 = vector.broadcast %add3A_165 : i32 to vector<16xi32>
      %add3A_167 = arith.addi %add3A_166, %iota3A : vector<16xi32>
      %mul3A_168 = arith.constant 2 : i32
      %mul3A_169 = vector.broadcast %mul3A_168 : i32 to vector<16xi32>
      %mul3A_170 = arith.muli %mul3A_169, %add3A_167 : vector<16xi32>
      %gather3A_171 = tpu.vector_load_idx %arg7[%mul3A_170] : memref<80xi32, #tpu.memory_space<vmem>>[vector<16xi32>], vector<16xi32>,
      %swap3A_172 = arith.constant 24 : index
      %swap3A_173 = tpu.vector_load %arg9[%swap3A_172] {strides = array<i32>} : memref<40xi32, #tpu.memory_space<vmem>>, vector<16xi32>,
      tpu.vector_store %arg9[%swap3A_172], %gather3A_171 {strides = array<i32>} : memref<40xi32, #tpu.memory_space<vmem>>, vector<16xi32>,
      %add3A_174 = arith.constant 1 : i32
      %add3A_175 = vector.broadcast %add3A_174 : i32 to vector<16xi32>
      %add3A_176 = arith.addi %mul3A_170, %add3A_175 : vector<16xi32>
      %gather3A_177 = tpu.vector_load_idx %arg7[%add3A_176] : memref<80xi32, #tpu.memory_space<vmem>>[vector<16xi32>], vector<16xi32>,
      %swap3A_178 = arith.constant 24 : index
      %swap3A_179 = tpu.vector_load %arg11[%swap3A_178] {strides = array<i32>} : memref<40xi32, #tpu.memory_space<vmem>>, vector<16xi32>,
      tpu.vector_store %arg11[%swap3A_178], %gather3A_177 {strides = array<i32>} : memref<40xi32, #tpu.memory_space<vmem>>, vector<16xi32>,
      %dma_start3A_180 = arith.constant 0 : i32
      %dma_start3A_181 = arith.constant 0 : i32
      %dma_start3A_182 = tpu.memref_slice %arg3[%dma_start3A_180, %dma_start3A_181] : memref<10000x128xf32, #tpu.memory_space<hbm>> -> memref<10000x128xf32, #tpu.memory_space<hbm>>
      tpu.enqueue_indirect_dma source(%dma_start3A_182 : memref<10000x128xf32, #tpu.memory_space<hbm>>) target(%arg13 : memref<40x128xf32, #tpu.memory_space<vmem>>) offsets(%arg11 : memref<40xi32, #tpu.memory_space<vmem>>) semaphore(%arg21 : memref<!tpu.dma_semaphore, #tpu.memory_space<semaphore_mem>>)
      %dma_start3A_183 = arith.constant 0 : i32
      %dma_start3A_184 = arith.constant 0 : i32
      %dma_start3A_185 = tpu.memref_slice %arg4[%dma_start3A_183, %dma_start3A_184] : memref<10000x256xf32, #tpu.memory_space<hbm>> -> memref<10000x256xf32, #tpu.memory_space<hbm>>
      tpu.enqueue_indirect_dma source(%dma_start3A_185 : memref<10000x256xf32, #tpu.memory_space<hbm>>) target(%arg15 : memref<40x256xf32, #tpu.memory_space<vmem>>) offsets(%arg9 : memref<40xi32, #tpu.memory_space<vmem>>) semaphore(%arg23 : memref<!tpu.dma_semaphore, #tpu.memory_space<semaphore_mem>>)
      %add3A_186 = arith.constant 2 : i32
      %add3A_187 = arith.addi %add3A_119, %add3A_186 : i32
      %min3A = arith.constant 499 : i32
      %min3A_188 = arith.minsi %add3A_187, %min3A : i32
      %mul3A_189 = arith.constant 40 : i32
      %mul3A_190 = arith.muli %min3A_188, %mul3A_189 : i32
      %add3A_191 = arith.addi %mul3A_21, %mul3A_190 : i32
      %mul3A_192 = arith.constant 2 : i32
      %mul3A_193 = arith.muli %mul3A_192, %add3A_191 : i32
      %multiple_of3A_194 = tpu.assume_multiple %mul3A_193, 8 : i32
      %dma_start3A_195 = tpu.memref_slice %arg2[%multiple_of3A_194] : memref<1280000xi32, #tpu.memory_space<hbm>> -> memref<80xi32, #tpu.memory_space<hbm>>
      %dma_start3A_196 = tpu.memref_slice %arg2[%multiple_of3A_194] : memref<1280000xi32, #tpu.memory_space<hbm>> -> memref<80xi32, #tpu.memory_space<hbm>>
      tpu.enqueue_dma source(%dma_start3A_196 : memref<80xi32, #tpu.memory_space<hbm>>) target(%arg6 : memref<80xi32, #tpu.memory_space<vmem>>) target_semaphore(%arg18 : memref<!tpu.dma_semaphore, #tpu.memory_space<semaphore_mem>>)
      %parallel_loop3A = arith.constant 0 : i32
      %parallel_loop3A_197 = arith.constant 40 : i32
      %parallel_loop3A_198 = arith.constant 1 : i32
      scf.for %parallel_loop3A_289 = %parallel_loop3A to %parallel_loop3A_197 step %parallel_loop3A_198  : i32 {
        %parallel_loop3A_290 = arith.constant 0.000000e+00 : f32
        %parallel_loop3A_291 = vector.broadcast %parallel_loop3A_290 : f32 to vector<16xf32>
        %parallel_loop3A_292 = arith.index_cast %parallel_loop3A_289 : i32 to index
        %parallel_loop3A_293 = arith.constant 0 : index
        %parallel_loop3A_294 = tpu.vector_load %arg12[%parallel_loop3A_292, %parallel_loop3A_293] {strides = array<i32>} : memref<40x128xf32, #tpu.memory_space<vmem>>, vector<16xf32>,
        %parallel_loop3A_295 = arith.index_cast %parallel_loop3A_289 : i32 to index
        %parallel_loop3A_296 = arith.constant 16 : index
        %parallel_loop3A_297 = tpu.vector_load %arg12[%parallel_loop3A_295, %parallel_loop3A_296] {strides = array<i32>} : memref<40x128xf32, #tpu.memory_space<vmem>>, vector<16xf32>,
        %parallel_loop3A_298 = arith.index_cast %parallel_loop3A_289 : i32 to index
        %parallel_loop3A_299 = arith.constant 0 : index
        %parallel_loop3A_300 = tpu.vector_load %arg14[%parallel_loop3A_298, %parallel_loop3A_299] {strides = array<i32>} : memref<40x256xf32, #tpu.memory_space<vmem>>, vector<16xf32>,
        %parallel_loop3A_301 = arith.index_cast %parallel_loop3A_289 : i32 to index
        %parallel_loop3A_302 = arith.constant 16 : index
        %parallel_loop3A_303 = tpu.vector_load %arg14[%parallel_loop3A_301, %parallel_loop3A_302] {strides = array<i32>} : memref<40x256xf32, #tpu.memory_space<vmem>>, vector<16xf32>,
        %parallel_loop3A_304 = arith.mulf %parallel_loop3A_294, %parallel_loop3A_300 : vector<16xf32>
        %parallel_loop3A_305 = arith.mulf %parallel_loop3A_297, %parallel_loop3A_303 : vector<16xf32>
        %parallel_loop3A_306 = arith.addf %parallel_loop3A_304, %parallel_loop3A_305 : vector<16xf32>
        %parallel_loop3A_307 = arith.constant true
        %parallel_loop3A_308 = vector.broadcast %parallel_loop3A_307 : i1 to vector<16xi1>
        %parallel_loop3A_309 = tpu.scan <sum>, %parallel_loop3A_306 masked %parallel_loop3A_308 : vector<16xf32>, vector<16xi1> -> vector<16xf32>
        %parallel_loop3A_310 = vector.extract %parallel_loop3A_309[15] : f32 from vector<16xf32>
        %parallel_loop3A_311 = vector.broadcast %parallel_loop3A_310 : f32 to vector<16xf32>
        %parallel_loop3A_312 = math.exp %parallel_loop3A_311 : vector<16xf32>
        %parallel_loop3A_313 = arith.index_cast %parallel_loop3A_289 : i32 to index
        %parallel_loop3A_314 = arith.constant 128 : index
        %parallel_loop3A_315 = tpu.vector_load %arg14[%parallel_loop3A_313, %parallel_loop3A_314] {strides = array<i32>} : memref<40x256xf32, #tpu.memory_space<vmem>>, vector<16xf32>,
        %parallel_loop3A_316 = arith.index_cast %parallel_loop3A_289 : i32 to index
        %parallel_loop3A_317 = arith.constant 144 : index
        %parallel_loop3A_318 = tpu.vector_load %arg14[%parallel_loop3A_316, %parallel_loop3A_317] {strides = array<i32>} : memref<40x256xf32, #tpu.memory_space<vmem>>, vector<16xf32>,
        %parallel_loop3A_319 = arith.mulf %parallel_loop3A_312, %parallel_loop3A_315 : vector<16xf32>
        %parallel_loop3A_320 = arith.index_cast %parallel_loop3A_289 : i32 to index
        %parallel_loop3A_321 = arith.constant 0 : index
        %parallel_loop3A_322 = tpu.vector_load %arg16[%parallel_loop3A_320, %parallel_loop3A_321] {strides = array<i32>} : memref<40x144xf32, #tpu.memory_space<vmem>>, vector<16xf32>,
        tpu.vector_store %arg16[%parallel_loop3A_320, %parallel_loop3A_321], %parallel_loop3A_319 {strides = array<i32>} : memref<40x144xf32, #tpu.memory_space<vmem>>, vector<16xf32>,
        %parallel_loop3A_323 = arith.mulf %parallel_loop3A_312, %parallel_loop3A_318 : vector<16xf32>
        %parallel_loop3A_324 = arith.index_cast %parallel_loop3A_289 : i32 to index
        %parallel_loop3A_325 = arith.constant 16 : index
        %parallel_loop3A_326 = tpu.vector_load %arg16[%parallel_loop3A_324, %parallel_loop3A_325] {strides = array<i32>} : memref<40x144xf32, #tpu.memory_space<vmem>>, vector<16xf32>,
        tpu.vector_store %arg16[%parallel_loop3A_324, %parallel_loop3A_325], %parallel_loop3A_323 {strides = array<i32>} : memref<40x144xf32, #tpu.memory_space<vmem>>, vector<16xf32>,
        %parallel_loop3A_327 = arith.constant 0 : i32
        %parallel_loop3A_328 = vector.broadcast %parallel_loop3A_327 : i32 to vector<16xi32>
        %parallel_loop3A_329 = arith.cmpi eq, %iota3A, %parallel_loop3A_328 : vector<16xi32>
        %parallel_loop3A_330 = arith.select %parallel_loop3A_329, %parallel_loop3A_312, %parallel_loop3A_291 : vector<16xi1>, vector<16xf32>
        %parallel_loop3A_331 = arith.index_cast %parallel_loop3A_289 : i32 to index
        %parallel_loop3A_332 = arith.constant 32 : index
        %parallel_loop3A_333 = tpu.vector_load %arg12[%parallel_loop3A_331, %parallel_loop3A_332] {strides = array<i32>} : memref<40x128xf32, #tpu.memory_space<vmem>>, vector<16xf32>,
        %parallel_loop3A_334 = arith.index_cast %parallel_loop3A_289 : i32 to index
        %parallel_loop3A_335 = arith.constant 48 : index
        %parallel_loop3A_336 = tpu.vector_load %arg12[%parallel_loop3A_334, %parallel_loop3A_335] {strides = array<i32>} : memref<40x128xf32, #tpu.memory_space<vmem>>, vector<16xf32>,
        %parallel_loop3A_337 = arith.index_cast %parallel_loop3A_289 : i32 to index
        %parallel_loop3A_338 = arith.constant 32 : index
        %parallel_loop3A_339 = tpu.vector_load %arg14[%parallel_loop3A_337, %parallel_loop3A_338] {strides = array<i32>} : memref<40x256xf32, #tpu.memory_space<vmem>>, vector<16xf32>,
        %parallel_loop3A_340 = arith.index_cast %parallel_loop3A_289 : i32 to index
        %parallel_loop3A_341 = arith.constant 48 : index
        %parallel_loop3A_342 = tpu.vector_load %arg14[%parallel_loop3A_340, %parallel_loop3A_341] {strides = array<i32>} : memref<40x256xf32, #tpu.memory_space<vmem>>, vector<16xf32>,
        %parallel_loop3A_343 = arith.mulf %parallel_loop3A_333, %parallel_loop3A_339 : vector<16xf32>
        %parallel_loop3A_344 = arith.mulf %parallel_loop3A_336, %parallel_loop3A_342 : vector<16xf32>
        %parallel_loop3A_345 = arith.addf %parallel_loop3A_343, %parallel_loop3A_344 : vector<16xf32>
        %parallel_loop3A_346 = arith.constant true
        %parallel_loop3A_347 = vector.broadcast %parallel_loop3A_346 : i1 to vector<16xi1>
        %parallel_loop3A_348 = tpu.scan <sum>, %parallel_loop3A_345 masked %parallel_loop3A_347 : vector<16xf32>, vector<16xi1> -> vector<16xf32>
        %parallel_loop3A_349 = vector.extract %parallel_loop3A_348[15] : f32 from vector<16xf32>
        %parallel_loop3A_350 = vector.broadcast %parallel_loop3A_349 : f32 to vector<16xf32>
        %parallel_loop3A_351 = math.exp %parallel_loop3A_350 : vector<16xf32>
        %parallel_loop3A_352 = arith.index_cast %parallel_loop3A_289 : i32 to index
        %parallel_loop3A_353 = arith.constant 160 : index
        %parallel_loop3A_354 = tpu.vector_load %arg14[%parallel_loop3A_352, %parallel_loop3A_353] {strides = array<i32>} : memref<40x256xf32, #tpu.memory_space<vmem>>, vector<16xf32>,
        %parallel_loop3A_355 = arith.index_cast %parallel_loop3A_289 : i32 to index
        %parallel_loop3A_356 = arith.constant 176 : index
        %parallel_loop3A_357 = tpu.vector_load %arg14[%parallel_loop3A_355, %parallel_loop3A_356] {strides = array<i32>} : memref<40x256xf32, #tpu.memory_space<vmem>>, vector<16xf32>,
        %parallel_loop3A_358 = arith.mulf %parallel_loop3A_351, %parallel_loop3A_354 : vector<16xf32>
        %parallel_loop3A_359 = arith.index_cast %parallel_loop3A_289 : i32 to index
        %parallel_loop3A_360 = arith.constant 32 : index
        %parallel_loop3A_361 = tpu.vector_load %arg16[%parallel_loop3A_359, %parallel_loop3A_360] {strides = array<i32>} : memref<40x144xf32, #tpu.memory_space<vmem>>, vector<16xf32>,
        tpu.vector_store %arg16[%parallel_loop3A_359, %parallel_loop3A_360], %parallel_loop3A_358 {strides = array<i32>} : memref<40x144xf32, #tpu.memory_space<vmem>>, vector<16xf32>,
        %parallel_loop3A_362 = arith.mulf %parallel_loop3A_351, %parallel_loop3A_357 : vector<16xf32>
        %parallel_loop3A_363 = arith.index_cast %parallel_loop3A_289 : i32 to index
        %parallel_loop3A_364 = arith.constant 48 : index
        %parallel_loop3A_365 = tpu.vector_load %arg16[%parallel_loop3A_363, %parallel_loop3A_364] {strides = array<i32>} : memref<40x144xf32, #tpu.memory_space<vmem>>, vector<16xf32>,
        tpu.vector_store %arg16[%parallel_loop3A_363, %parallel_loop3A_364], %parallel_loop3A_362 {strides = array<i32>} : memref<40x144xf32, #tpu.memory_space<vmem>>, vector<16xf32>,
        %parallel_loop3A_366 = arith.constant 1 : i32
        %parallel_loop3A_367 = vector.broadcast %parallel_loop3A_366 : i32 to vector<16xi32>
        %parallel_loop3A_368 = arith.cmpi eq, %iota3A, %parallel_loop3A_367 : vector<16xi32>
        %parallel_loop3A_369 = arith.select %parallel_loop3A_368, %parallel_loop3A_351, %parallel_loop3A_330 : vector<16xi1>, vector<16xf32>
        %parallel_loop3A_370 = arith.index_cast %parallel_loop3A_289 : i32 to index
        %parallel_loop3A_371 = arith.constant 64 : index
        %parallel_loop3A_372 = tpu.vector_load %arg12[%parallel_loop3A_370, %parallel_loop3A_371] {strides = array<i32>} : memref<40x128xf32, #tpu.memory_space<vmem>>, vector<16xf32>,
        %parallel_loop3A_373 = arith.index_cast %parallel_loop3A_289 : i32 to index
        %parallel_loop3A_374 = arith.constant 80 : index
        %parallel_loop3A_375 = tpu.vector_load %arg12[%parallel_loop3A_373, %parallel_loop3A_374] {strides = array<i32>} : memref<40x128xf32, #tpu.memory_space<vmem>>, vector<16xf32>,
        %parallel_loop3A_376 = arith.index_cast %parallel_loop3A_289 : i32 to index
        %parallel_loop3A_377 = arith.constant 64 : index
        %parallel_loop3A_378 = tpu.vector_load %arg14[%parallel_loop3A_376, %parallel_loop3A_377] {strides = array<i32>} : memref<40x256xf32, #tpu.memory_space<vmem>>, vector<16xf32>,
        %parallel_loop3A_379 = arith.index_cast %parallel_loop3A_289 : i32 to index
        %parallel_loop3A_380 = arith.constant 80 : index
        %parallel_loop3A_381 = tpu.vector_load %arg14[%parallel_loop3A_379, %parallel_loop3A_380] {strides = array<i32>} : memref<40x256xf32, #tpu.memory_space<vmem>>, vector<16xf32>,
        %parallel_loop3A_382 = arith.mulf %parallel_loop3A_372, %parallel_loop3A_378 : vector<16xf32>
        %parallel_loop3A_383 = arith.mulf %parallel_loop3A_375, %parallel_loop3A_381 : vector<16xf32>
        %parallel_loop3A_384 = arith.addf %parallel_loop3A_382, %parallel_loop3A_383 : vector<16xf32>
        %parallel_loop3A_385 = arith.constant true
        %parallel_loop3A_386 = vector.broadcast %parallel_loop3A_385 : i1 to vector<16xi1>
        %parallel_loop3A_387 = tpu.scan <sum>, %parallel_loop3A_384 masked %parallel_loop3A_386 : vector<16xf32>, vector<16xi1> -> vector<16xf32>
        %parallel_loop3A_388 = vector.extract %parallel_loop3A_387[15] : f32 from vector<16xf32>
        %parallel_loop3A_389 = vector.broadcast %parallel_loop3A_388 : f32 to vector<16xf32>
        %parallel_loop3A_390 = math.exp %parallel_loop3A_389 : vector<16xf32>
        %parallel_loop3A_391 = arith.index_cast %parallel_loop3A_289 : i32 to index
        %parallel_loop3A_392 = arith.constant 192 : index
        %parallel_loop3A_393 = tpu.vector_load %arg14[%parallel_loop3A_391, %parallel_loop3A_392] {strides = array<i32>} : memref<40x256xf32, #tpu.memory_space<vmem>>, vector<16xf32>,
        %parallel_loop3A_394 = arith.index_cast %parallel_loop3A_289 : i32 to index
        %parallel_loop3A_395 = arith.constant 208 : index
        %parallel_loop3A_396 = tpu.vector_load %arg14[%parallel_loop3A_394, %parallel_loop3A_395] {strides = array<i32>} : memref<40x256xf32, #tpu.memory_space<vmem>>, vector<16xf32>,
        %parallel_loop3A_397 = arith.mulf %parallel_loop3A_390, %parallel_loop3A_393 : vector<16xf32>
        %parallel_loop3A_398 = arith.index_cast %parallel_loop3A_289 : i32 to index
        %parallel_loop3A_399 = arith.constant 64 : index
        %parallel_loop3A_400 = tpu.vector_load %arg16[%parallel_loop3A_398, %parallel_loop3A_399] {strides = array<i32>} : memref<40x144xf32, #tpu.memory_space<vmem>>, vector<16xf32>,
        tpu.vector_store %arg16[%parallel_loop3A_398, %parallel_loop3A_399], %parallel_loop3A_397 {strides = array<i32>} : memref<40x144xf32, #tpu.memory_space<vmem>>, vector<16xf32>,
        %parallel_loop3A_401 = arith.mulf %parallel_loop3A_390, %parallel_loop3A_396 : vector<16xf32>
        %parallel_loop3A_402 = arith.index_cast %parallel_loop3A_289 : i32 to index
        %parallel_loop3A_403 = arith.constant 80 : index
        %parallel_loop3A_404 = tpu.vector_load %arg16[%parallel_loop3A_402, %parallel_loop3A_403] {strides = array<i32>} : memref<40x144xf32, #tpu.memory_space<vmem>>, vector<16xf32>,
        tpu.vector_store %arg16[%parallel_loop3A_402, %parallel_loop3A_403], %parallel_loop3A_401 {strides = array<i32>} : memref<40x144xf32, #tpu.memory_space<vmem>>, vector<16xf32>,
        %parallel_loop3A_405 = arith.constant 2 : i32
        %parallel_loop3A_406 = vector.broadcast %parallel_loop3A_405 : i32 to vector<16xi32>
        %parallel_loop3A_407 = arith.cmpi eq, %iota3A, %parallel_loop3A_406 : vector<16xi32>
        %parallel_loop3A_408 = arith.select %parallel_loop3A_407, %parallel_loop3A_390, %parallel_loop3A_369 : vector<16xi1>, vector<16xf32>
        %parallel_loop3A_409 = arith.index_cast %parallel_loop3A_289 : i32 to index
        %parallel_loop3A_410 = arith.constant 96 : index
        %parallel_loop3A_411 = tpu.vector_load %arg12[%parallel_loop3A_409, %parallel_loop3A_410] {strides = array<i32>} : memref<40x128xf32, #tpu.memory_space<vmem>>, vector<16xf32>,
        %parallel_loop3A_412 = arith.index_cast %parallel_loop3A_289 : i32 to index
        %parallel_loop3A_413 = arith.constant 112 : index
        %parallel_loop3A_414 = tpu.vector_load %arg12[%parallel_loop3A_412, %parallel_loop3A_413] {strides = array<i32>} : memref<40x128xf32, #tpu.memory_space<vmem>>, vector<16xf32>,
        %parallel_loop3A_415 = arith.index_cast %parallel_loop3A_289 : i32 to index
        %parallel_loop3A_416 = arith.constant 96 : index
        %parallel_loop3A_417 = tpu.vector_load %arg14[%parallel_loop3A_415, %parallel_loop3A_416] {strides = array<i32>} : memref<40x256xf32, #tpu.memory_space<vmem>>, vector<16xf32>,
        %parallel_loop3A_418 = arith.index_cast %parallel_loop3A_289 : i32 to index
        %parallel_loop3A_419 = arith.constant 112 : index
        %parallel_loop3A_420 = tpu.vector_load %arg14[%parallel_loop3A_418, %parallel_loop3A_419] {strides = array<i32>} : memref<40x256xf32, #tpu.memory_space<vmem>>, vector<16xf32>,
        %parallel_loop3A_421 = arith.mulf %parallel_loop3A_411, %parallel_loop3A_417 : vector<16xf32>
        %parallel_loop3A_422 = arith.mulf %parallel_loop3A_414, %parallel_loop3A_420 : vector<16xf32>
        %parallel_loop3A_423 = arith.addf %parallel_loop3A_421, %parallel_loop3A_422 : vector<16xf32>
        %parallel_loop3A_424 = arith.constant true
        %parallel_loop3A_425 = vector.broadcast %parallel_loop3A_424 : i1 to vector<16xi1>
        %parallel_loop3A_426 = tpu.scan <sum>, %parallel_loop3A_423 masked %parallel_loop3A_425 : vector<16xf32>, vector<16xi1> -> vector<16xf32>
        %parallel_loop3A_427 = vector.extract %parallel_loop3A_426[15] : f32 from vector<16xf32>
        %parallel_loop3A_428 = vector.broadcast %parallel_loop3A_427 : f32 to vector<16xf32>
        %parallel_loop3A_429 = math.exp %parallel_loop3A_428 : vector<16xf32>
        %parallel_loop3A_430 = arith.index_cast %parallel_loop3A_289 : i32 to index
        %parallel_loop3A_431 = arith.constant 224 : index
        %parallel_loop3A_432 = tpu.vector_load %arg14[%parallel_loop3A_430, %parallel_loop3A_431] {strides = array<i32>} : memref<40x256xf32, #tpu.memory_space<vmem>>, vector<16xf32>,
        %parallel_loop3A_433 = arith.index_cast %parallel_loop3A_289 : i32 to index
        %parallel_loop3A_434 = arith.constant 240 : index
        %parallel_loop3A_435 = tpu.vector_load %arg14[%parallel_loop3A_433, %parallel_loop3A_434] {strides = array<i32>} : memref<40x256xf32, #tpu.memory_space<vmem>>, vector<16xf32>,
        %parallel_loop3A_436 = arith.mulf %parallel_loop3A_429, %parallel_loop3A_432 : vector<16xf32>
        %parallel_loop3A_437 = arith.index_cast %parallel_loop3A_289 : i32 to index
        %parallel_loop3A_438 = arith.constant 96 : index
        %parallel_loop3A_439 = tpu.vector_load %arg16[%parallel_loop3A_437, %parallel_loop3A_438] {strides = array<i32>} : memref<40x144xf32, #tpu.memory_space<vmem>>, vector<16xf32>,
        tpu.vector_store %arg16[%parallel_loop3A_437, %parallel_loop3A_438], %parallel_loop3A_436 {strides = array<i32>} : memref<40x144xf32, #tpu.memory_space<vmem>>, vector<16xf32>,
        %parallel_loop3A_440 = arith.mulf %parallel_loop3A_429, %parallel_loop3A_435 : vector<16xf32>
        %parallel_loop3A_441 = arith.index_cast %parallel_loop3A_289 : i32 to index
        %parallel_loop3A_442 = arith.constant 112 : index
        %parallel_loop3A_443 = tpu.vector_load %arg16[%parallel_loop3A_441, %parallel_loop3A_442] {strides = array<i32>} : memref<40x144xf32, #tpu.memory_space<vmem>>, vector<16xf32>,
        tpu.vector_store %arg16[%parallel_loop3A_441, %parallel_loop3A_442], %parallel_loop3A_440 {strides = array<i32>} : memref<40x144xf32, #tpu.memory_space<vmem>>, vector<16xf32>,
        %parallel_loop3A_444 = arith.constant 3 : i32
        %parallel_loop3A_445 = vector.broadcast %parallel_loop3A_444 : i32 to vector<16xi32>
        %parallel_loop3A_446 = arith.cmpi eq, %iota3A, %parallel_loop3A_445 : vector<16xi32>
        %parallel_loop3A_447 = arith.select %parallel_loop3A_446, %parallel_loop3A_429, %parallel_loop3A_408 : vector<16xi1>, vector<16xf32>
        %parallel_loop3A_448 = arith.index_cast %parallel_loop3A_289 : i32 to index
        %parallel_loop3A_449 = arith.constant 128 : index
        %parallel_loop3A_450 = tpu.vector_load %arg16[%parallel_loop3A_448, %parallel_loop3A_449] {strides = array<i32>} : memref<40x144xf32, #tpu.memory_space<vmem>>, vector<16xf32>,
        tpu.vector_store %arg16[%parallel_loop3A_448, %parallel_loop3A_449], %parallel_loop3A_447 {strides = array<i32>} : memref<40x144xf32, #tpu.memory_space<vmem>>, vector<16xf32>,
      } {sc.loop_unroll_factor = 4 : i64, sc.parallel_access}
      %dma_start3A_199 = arith.constant 0 : i32
      %dma_start3A_200 = arith.constant 0 : i32
      %dma_start3A_201 = tpu.memref_slice %arg17[%dma_start3A_199, %dma_start3A_200] : memref<10000x144xf32, #tpu.memory_space<vmem_shared>> -> memref<10000x144xf32, #tpu.memory_space<vmem_shared>>
      tpu.enqueue_indirect_dma source(%arg16 : memref<40x144xf32, #tpu.memory_space<vmem>>) target(%dma_start3A_201 : memref<10000x144xf32, #tpu.memory_space<vmem_shared>>) offsets(%arg10 : memref<40xi32, #tpu.memory_space<vmem>>) semaphore(%arg24 : memref<!tpu.dma_semaphore, #tpu.memory_space<semaphore_mem>>) {add = true}
      %mul3A_202 = arith.constant 2 : i32
      %mul3A_203 = arith.muli %mul3A_202, %scan3A_115 : i32
      %add3A_204 = arith.constant 1 : i32
      %add3A_205 = arith.addi %mul3A_203, %add3A_204 : i32
      %dma_wait3A_206 = arith.constant 0 : i32
      %dma_wait3A_207 = arith.constant 0 : i32
      %dma_wait3A_208 = tpu.memref_slice %arg3[%dma_wait3A_206, %dma_wait3A_207] : memref<10000x128xf32, #tpu.memory_space<hbm>> -> memref<10000x128xf32, #tpu.memory_space<hbm>>
      tpu.wait_indirect_dma semaphore(%arg21 : memref<!tpu.dma_semaphore, #tpu.memory_space<semaphore_mem>>) src(%dma_wait3A_208 : memref<10000x128xf32, #tpu.memory_space<hbm>>) dst(%arg13 : memref<40x128xf32, #tpu.memory_space<vmem>>)
      %dma_wait3A_209 = arith.constant 0 : i32
      %dma_wait3A_210 = arith.constant 0 : i32
      %dma_wait3A_211 = tpu.memref_slice %arg4[%dma_wait3A_209, %dma_wait3A_210] : memref<10000x256xf32, #tpu.memory_space<hbm>> -> memref<10000x256xf32, #tpu.memory_space<hbm>>
      tpu.wait_indirect_dma semaphore(%arg23 : memref<!tpu.dma_semaphore, #tpu.memory_space<semaphore_mem>>) src(%dma_wait3A_211 : memref<10000x256xf32, #tpu.memory_space<hbm>>) dst(%arg15 : memref<40x256xf32, #tpu.memory_space<vmem>>)
      %dma_wait3A_212 = arith.constant 0 : i32
      %dma_wait3A_213 = arith.constant 0 : i32
      %dma_wait3A_214 = tpu.memref_slice %arg17[%dma_wait3A_212, %dma_wait3A_213] : memref<10000x144xf32, #tpu.memory_space<vmem_shared>> -> memref<10000x144xf32, #tpu.memory_space<vmem_shared>>
      tpu.wait_indirect_dma semaphore(%arg24 : memref<!tpu.dma_semaphore, #tpu.memory_space<semaphore_mem>>) src(%arg16 : memref<40x144xf32, #tpu.memory_space<vmem>>) dst(%dma_wait3A_214 : memref<10000x144xf32, #tpu.memory_space<vmem_shared>>)
      %mul3A_215 = arith.constant 2 : i32
      %mul3A_216 = arith.muli %mul3A_215, %mul3A_21 : i32
      %multiple_of3A_217 = tpu.assume_multiple %mul3A_216, 8 : i32
      %dma_wait3A_218 = tpu.memref_slice %arg2[%multiple_of3A_217] : memref<1280000xi32, #tpu.memory_space<hbm>> -> memref<80xi32, #tpu.memory_space<hbm>>
      %dma_wait3A_219 = tpu.memref_slice %arg2[%multiple_of3A_217] : memref<1280000xi32, #tpu.memory_space<hbm>> -> memref<80xi32, #tpu.memory_space<hbm>>
      tpu.wait_dma2 semaphore(%arg18 : memref<!tpu.dma_semaphore, #tpu.memory_space<semaphore_mem>>) src(%dma_wait3A_219 : memref<80xi32, #tpu.memory_space<hbm>>) dst(%arg6 : memref<80xi32, #tpu.memory_space<vmem>>)
      %add3A_220 = arith.constant 0 : i32
      %add3A_221 = vector.broadcast %add3A_220 : i32 to vector<16xi32>
      %add3A_222 = arith.addi %add3A_221, %iota3A : vector<16xi32>
      %mul3A_223 = arith.constant 2 : i32
      %mul3A_224 = vector.broadcast %mul3A_223 : i32 to vector<16xi32>
      %mul3A_225 = arith.muli %mul3A_224, %add3A_222 : vector<16xi32>
      %gather3A_226 = tpu.vector_load_idx %arg6[%mul3A_225] : memref<80xi32, #tpu.memory_space<vmem>>[vector<16xi32>], vector<16xi32>,
      %swap3A_227 = arith.constant 0 : index
      %swap3A_228 = tpu.vector_load %arg8[%swap3A_227] {strides = array<i32>} : memref<40xi32, #tpu.memory_space<vmem>>, vector<16xi32>,
      tpu.vector_store %arg8[%swap3A_227], %gather3A_226 {strides = array<i32>} : memref<40xi32, #tpu.memory_space<vmem>>, vector<16xi32>,
      %add3A_229 = arith.constant 1 : i32
      %add3A_230 = vector.broadcast %add3A_229 : i32 to vector<16xi32>
      %add3A_231 = arith.addi %mul3A_225, %add3A_230 : vector<16xi32>
      %gather3A_232 = tpu.vector_load_idx %arg6[%add3A_231] : memref<80xi32, #tpu.memory_space<vmem>>[vector<16xi32>], vector<16xi32>,
      %swap3A_233 = arith.constant 0 : index
      %swap3A_234 = tpu.vector_load %arg10[%swap3A_233] {strides = array<i32>} : memref<40xi32, #tpu.memory_space<vmem>>, vector<16xi32>,
      tpu.vector_store %arg10[%swap3A_233], %gather3A_232 {strides = array<i32>} : memref<40xi32, #tpu.memory_space<vmem>>, vector<16xi32>,
      %add3A_235 = arith.constant 16 : i32
      %add3A_236 = vector.broadcast %add3A_235 : i32 to vector<16xi32>
      %add3A_237 = arith.addi %add3A_236, %iota3A : vector<16xi32>
      %mul3A_238 = arith.constant 2 : i32
      %mul3A_239 = vector.broadcast %mul3A_238 : i32 to vector<16xi32>
      %mul3A_240 = arith.muli %mul3A_239, %add3A_237 : vector<16xi32>
      %gather3A_241 = tpu.vector_load_idx %arg6[%mul3A_240] : memref<80xi32, #tpu.memory_space<vmem>>[vector<16xi32>], vector<16xi32>,
      %swap3A_242 = arith.constant 16 : index
      %swap3A_243 = tpu.vector_load %arg8[%swap3A_242] {strides = array<i32>} : memref<40xi32, #tpu.memory_space<vmem>>, vector<16xi32>,
      tpu.vector_store %arg8[%swap3A_242], %gather3A_241 {strides = array<i32>} : memref<40xi32, #tpu.memory_space<vmem>>, vector<16xi32>,
      %add3A_244 = arith.constant 1 : i32
      %add3A_245 = vector.broadcast %add3A_244 : i32 to vector<16xi32>
      %add3A_246 = arith.addi %mul3A_240, %add3A_245 : vector<16xi32>
      %gather3A_247 = tpu.vector_load_idx %arg6[%add3A_246] : memref<80xi32, #tpu.memory_space<vmem>>[vector<16xi32>], vector<16xi32>,
      %swap3A_248 = arith.constant 16 : index
      %swap3A_249 = tpu.vector_load %arg10[%swap3A_248] {strides = array<i32>} : memref<40xi32, #tpu.memory_space<vmem>>, vector<16xi32>,
      tpu.vector_store %arg10[%swap3A_248], %gather3A_247 {strides = array<i32>} : memref<40xi32, #tpu.memory_space<vmem>>, vector<16xi32>,
      %add3A_250 = arith.constant 24 : i32
      %add3A_251 = vector.broadcast %add3A_250 : i32 to vector<16xi32>
      %add3A_252 = arith.addi %add3A_251, %iota3A : vector<16xi32>
      %mul3A_253 = arith.constant 2 : i32
      %mul3A_254 = vector.broadcast %mul3A_253 : i32 to vector<16xi32>
      %mul3A_255 = arith.muli %mul3A_254, %add3A_252 : vector<16xi32>
      %gather3A_256 = tpu.vector_load_idx %arg6[%mul3A_255] : memref<80xi32, #tpu.memory_space<vmem>>[vector<16xi32>], vector<16xi32>,
      %swap3A_257 = arith.constant 24 : index
      %swap3A_258 = tpu.vector_load %arg8[%swap3A_257] {strides = array<i32>} : memref<40xi32, #tpu.memory_space<vmem>>, vector<16xi32>,
      tpu.vector_store %arg8[%swap3A_257], %gather3A_256 {strides = array<i32>} : memref<40xi32, #tpu.memory_space<vmem>>, vector<16xi32>,
      %add3A_259 = arith.constant 1 : i32
      %add3A_260 = vector.broadcast %add3A_259 : i32 to vector<16xi32>
      %add3A_261 = arith.addi %mul3A_255, %add3A_260 : vector<16xi32>
      %gather3A_262 = tpu.vector_load_idx %arg6[%add3A_261] : memref<80xi32, #tpu.memory_space<vmem>>[vector<16xi32>], vector<16xi32>,
      %swap3A_263 = arith.constant 24 : index
      %swap3A_264 = tpu.vector_load %arg10[%swap3A_263] {strides = array<i32>} : memref<40xi32, #tpu.memory_space<vmem>>, vector<16xi32>,
      tpu.vector_store %arg10[%swap3A_263], %gather3A_262 {strides = array<i32>} : memref<40xi32, #tpu.memory_space<vmem>>, vector<16xi32>,
      %dma_start3A_265 = arith.constant 0 : i32
      %dma_start3A_266 = arith.constant 0 : i32
      %dma_start3A_267 = tpu.memref_slice %arg3[%dma_start3A_265, %dma_start3A_266] : memref<10000x128xf32, #tpu.memory_space<hbm>> -> memref<10000x128xf32, #tpu.memory_space<hbm>>
      tpu.enqueue_indirect_dma source(%dma_start3A_267 : memref<10000x128xf32, #tpu.memory_space<hbm>>) target(%arg12 : memref<40x128xf32, #tpu.memory_space<vmem>>) offsets(%arg10 : memref<40xi32, #tpu.memory_space<vmem>>) semaphore(%arg20 : memref<!tpu.dma_semaphore, #tpu.memory_space<semaphore_mem>>)
      %dma_start3A_268 = arith.constant 0 : i32
      %dma_start3A_269 = arith.constant 0 : i32
      %dma_start3A_270 = tpu.memref_slice %arg4[%dma_start3A_268, %dma_start3A_269] : memref<10000x256xf32, #tpu.memory_space<hbm>> -> memref<10000x256xf32, #tpu.memory_space<hbm>>
      tpu.enqueue_indirect_dma source(%dma_start3A_270 : memref<10000x256xf32, #tpu.memory_space<hbm>>) target(%arg14 : memref<40x256xf32, #tpu.memory_space<vmem>>) offsets(%arg8 : memref<40xi32, #tpu.memory_space<vmem>>) semaphore(%arg22 : memref<!tpu.dma_semaphore, #tpu.memory_space<semaphore_mem>>)
      %add3A_271 = arith.constant 2 : i32
      %add3A_272 = arith.addi %add3A_205, %add3A_271 : i32
      %min3A_273 = arith.constant 499 : i32
      %min3A_274 = arith.minsi %add3A_272, %min3A_273 : i32
      %mul3A_275 = arith.constant 40 : i32
      %mul3A_276 = arith.muli %min3A_274, %mul3A_275 : i32
      %add3A_277 = arith.addi %mul3A_21, %mul3A_276 : i32
      %mul3A_278 = arith.constant 2 : i32
      %mul3A_279 = arith.muli %mul3A_278, %add3A_277 : i32
      %multiple_of3A_280 = tpu.assume_multiple %mul3A_279, 8 : i32
      %dma_start3A_281 = tpu.memref_slice %arg2[%multiple_of3A_280] : memref<1280000xi32, #tpu.memory_space<hbm>> -> memref<80xi32, #tpu.memory_space<hbm>>
      %dma_start3A_282 = tpu.memref_slice %arg2[%multiple_of3A_280] : memref<1280000xi32, #tpu.memory_space<hbm>> -> memref<80xi32, #tpu.memory_space<hbm>>
      tpu.enqueue_dma source(%dma_start3A_282 : memref<80xi32, #tpu.memory_space<hbm>>) target(%arg7 : memref<80xi32, #tpu.memory_space<vmem>>) target_semaphore(%arg19 : memref<!tpu.dma_semaphore, #tpu.memory_space<semaphore_mem>>)
      %parallel_loop3A_283 = arith.constant 0 : i32
      %parallel_loop3A_284 = arith.constant 40 : i32
      %parallel_loop3A_285 = arith.constant 1 : i32
      scf.for %parallel_loop3A_289 = %parallel_loop3A_283 to %parallel_loop3A_284 step %parallel_loop3A_285  : i32 {
        %parallel_loop3A_290 = arith.constant 0.000000e+00 : f32
        %parallel_loop3A_291 = vector.broadcast %parallel_loop3A_290 : f32 to vector<16xf32>
        %parallel_loop3A_292 = arith.index_cast %parallel_loop3A_289 : i32 to index
        %parallel_loop3A_293 = arith.constant 0 : index
        %parallel_loop3A_294 = tpu.vector_load %arg13[%parallel_loop3A_292, %parallel_loop3A_293] {strides = array<i32>} : memref<40x128xf32, #tpu.memory_space<vmem>>, vector<16xf32>,
        %parallel_loop3A_295 = arith.index_cast %parallel_loop3A_289 : i32 to index
        %parallel_loop3A_296 = arith.constant 16 : index
        %parallel_loop3A_297 = tpu.vector_load %arg13[%parallel_loop3A_295, %parallel_loop3A_296] {strides = array<i32>} : memref<40x128xf32, #tpu.memory_space<vmem>>, vector<16xf32>,
        %parallel_loop3A_298 = arith.index_cast %parallel_loop3A_289 : i32 to index
        %parallel_loop3A_299 = arith.constant 0 : index
        %parallel_loop3A_300 = tpu.vector_load %arg15[%parallel_loop3A_298, %parallel_loop3A_299] {strides = array<i32>} : memref<40x256xf32, #tpu.memory_space<vmem>>, vector<16xf32>,
        %parallel_loop3A_301 = arith.index_cast %parallel_loop3A_289 : i32 to index
        %parallel_loop3A_302 = arith.constant 16 : index
        %parallel_loop3A_303 = tpu.vector_load %arg15[%parallel_loop3A_301, %parallel_loop3A_302] {strides = array<i32>} : memref<40x256xf32, #tpu.memory_space<vmem>>, vector<16xf32>,
        %parallel_loop3A_304 = arith.mulf %parallel_loop3A_294, %parallel_loop3A_300 : vector<16xf32>
        %parallel_loop3A_305 = arith.mulf %parallel_loop3A_297, %parallel_loop3A_303 : vector<16xf32>
        %parallel_loop3A_306 = arith.addf %parallel_loop3A_304, %parallel_loop3A_305 : vector<16xf32>
        %parallel_loop3A_307 = arith.constant true
        %parallel_loop3A_308 = vector.broadcast %parallel_loop3A_307 : i1 to vector<16xi1>
        %parallel_loop3A_309 = tpu.scan <sum>, %parallel_loop3A_306 masked %parallel_loop3A_308 : vector<16xf32>, vector<16xi1> -> vector<16xf32>
        %parallel_loop3A_310 = vector.extract %parallel_loop3A_309[15] : f32 from vector<16xf32>
        %parallel_loop3A_311 = vector.broadcast %parallel_loop3A_310 : f32 to vector<16xf32>
        %parallel_loop3A_312 = math.exp %parallel_loop3A_311 : vector<16xf32>
        %parallel_loop3A_313 = arith.index_cast %parallel_loop3A_289 : i32 to index
        %parallel_loop3A_314 = arith.constant 128 : index
        %parallel_loop3A_315 = tpu.vector_load %arg15[%parallel_loop3A_313, %parallel_loop3A_314] {strides = array<i32>} : memref<40x256xf32, #tpu.memory_space<vmem>>, vector<16xf32>,
        %parallel_loop3A_316 = arith.index_cast %parallel_loop3A_289 : i32 to index
        %parallel_loop3A_317 = arith.constant 144 : index
        %parallel_loop3A_318 = tpu.vector_load %arg15[%parallel_loop3A_316, %parallel_loop3A_317] {strides = array<i32>} : memref<40x256xf32, #tpu.memory_space<vmem>>, vector<16xf32>,
        %parallel_loop3A_319 = arith.mulf %parallel_loop3A_312, %parallel_loop3A_315 : vector<16xf32>
        %parallel_loop3A_320 = arith.index_cast %parallel_loop3A_289 : i32 to index
        %parallel_loop3A_321 = arith.constant 0 : index
        %parallel_loop3A_322 = tpu.vector_load %arg16[%parallel_loop3A_320, %parallel_loop3A_321] {strides = array<i32>} : memref<40x144xf32, #tpu.memory_space<vmem>>, vector<16xf32>,
        tpu.vector_store %arg16[%parallel_loop3A_320, %parallel_loop3A_321], %parallel_loop3A_319 {strides = array<i32>} : memref<40x144xf32, #tpu.memory_space<vmem>>, vector<16xf32>,
        %parallel_loop3A_323 = arith.mulf %parallel_loop3A_312, %parallel_loop3A_318 : vector<16xf32>
        %parallel_loop3A_324 = arith.index_cast %parallel_loop3A_289 : i32 to index
        %parallel_loop3A_325 = arith.constant 16 : index
        %parallel_loop3A_326 = tpu.vector_load %arg16[%parallel_loop3A_324, %parallel_loop3A_325] {strides = array<i32>} : memref<40x144xf32, #tpu.memory_space<vmem>>, vector<16xf32>,
        tpu.vector_store %arg16[%parallel_loop3A_324, %parallel_loop3A_325], %parallel_loop3A_323 {strides = array<i32>} : memref<40x144xf32, #tpu.memory_space<vmem>>, vector<16xf32>,
        %parallel_loop3A_327 = arith.constant 0 : i32
        %parallel_loop3A_328 = vector.broadcast %parallel_loop3A_327 : i32 to vector<16xi32>
        %parallel_loop3A_329 = arith.cmpi eq, %iota3A, %parallel_loop3A_328 : vector<16xi32>
        %parallel_loop3A_330 = arith.select %parallel_loop3A_329, %parallel_loop3A_312, %parallel_loop3A_291 : vector<16xi1>, vector<16xf32>
        %parallel_loop3A_331 = arith.index_cast %parallel_loop3A_289 : i32 to index
        %parallel_loop3A_332 = arith.constant 32 : index
        %parallel_loop3A_333 = tpu.vector_load %arg13[%parallel_loop3A_331, %parallel_loop3A_332] {strides = array<i32>} : memref<40x128xf32, #tpu.memory_space<vmem>>, vector<16xf32>,
        %parallel_loop3A_334 = arith.index_cast %parallel_loop3A_289 : i32 to index
        %parallel_loop3A_335 = arith.constant 48 : index
        %parallel_loop3A_336 = tpu.vector_load %arg13[%parallel_loop3A_334, %parallel_loop3A_335] {strides = array<i32>} : memref<40x128xf32, #tpu.memory_space<vmem>>, vector<16xf32>,
        %parallel_loop3A_337 = arith.index_cast %parallel_loop3A_289 : i32 to index
        %parallel_loop3A_338 = arith.constant 32 : index
        %parallel_loop3A_339 = tpu.vector_load %arg15[%parallel_loop3A_337, %parallel_loop3A_338] {strides = array<i32>} : memref<40x256xf32, #tpu.memory_space<vmem>>, vector<16xf32>,
        %parallel_loop3A_340 = arith.index_cast %parallel_loop3A_289 : i32 to index
        %parallel_loop3A_341 = arith.constant 48 : index
        %parallel_loop3A_342 = tpu.vector_load %arg15[%parallel_loop3A_340, %parallel_loop3A_341] {strides = array<i32>} : memref<40x256xf32, #tpu.memory_space<vmem>>, vector<16xf32>,
        %parallel_loop3A_343 = arith.mulf %parallel_loop3A_333, %parallel_loop3A_339 : vector<16xf32>
        %parallel_loop3A_344 = arith.mulf %parallel_loop3A_336, %parallel_loop3A_342 : vector<16xf32>
        %parallel_loop3A_345 = arith.addf %parallel_loop3A_343, %parallel_loop3A_344 : vector<16xf32>
        %parallel_loop3A_346 = arith.constant true
        %parallel_loop3A_347 = vector.broadcast %parallel_loop3A_346 : i1 to vector<16xi1>
        %parallel_loop3A_348 = tpu.scan <sum>, %parallel_loop3A_345 masked %parallel_loop3A_347 : vector<16xf32>, vector<16xi1> -> vector<16xf32>
        %parallel_loop3A_349 = vector.extract %parallel_loop3A_348[15] : f32 from vector<16xf32>
        %parallel_loop3A_350 = vector.broadcast %parallel_loop3A_349 : f32 to vector<16xf32>
        %parallel_loop3A_351 = math.exp %parallel_loop3A_350 : vector<16xf32>
        %parallel_loop3A_352 = arith.index_cast %parallel_loop3A_289 : i32 to index
        %parallel_loop3A_353 = arith.constant 160 : index
        %parallel_loop3A_354 = tpu.vector_load %arg15[%parallel_loop3A_352, %parallel_loop3A_353] {strides = array<i32>} : memref<40x256xf32, #tpu.memory_space<vmem>>, vector<16xf32>,
        %parallel_loop3A_355 = arith.index_cast %parallel_loop3A_289 : i32 to index
        %parallel_loop3A_356 = arith.constant 176 : index
        %parallel_loop3A_357 = tpu.vector_load %arg15[%parallel_loop3A_355, %parallel_loop3A_356] {strides = array<i32>} : memref<40x256xf32, #tpu.memory_space<vmem>>, vector<16xf32>,
        %parallel_loop3A_358 = arith.mulf %parallel_loop3A_351, %parallel_loop3A_354 : vector<16xf32>
        %parallel_loop3A_359 = arith.index_cast %parallel_loop3A_289 : i32 to index
        %parallel_loop3A_360 = arith.constant 32 : index
        %parallel_loop3A_361 = tpu.vector_load %arg16[%parallel_loop3A_359, %parallel_loop3A_360] {strides = array<i32>} : memref<40x144xf32, #tpu.memory_space<vmem>>, vector<16xf32>,
        tpu.vector_store %arg16[%parallel_loop3A_359, %parallel_loop3A_360], %parallel_loop3A_358 {strides = array<i32>} : memref<40x144xf32, #tpu.memory_space<vmem>>, vector<16xf32>,
        %parallel_loop3A_362 = arith.mulf %parallel_loop3A_351, %parallel_loop3A_357 : vector<16xf32>
        %parallel_loop3A_363 = arith.index_cast %parallel_loop3A_289 : i32 to index
        %parallel_loop3A_364 = arith.constant 48 : index
        %parallel_loop3A_365 = tpu.vector_load %arg16[%parallel_loop3A_363, %parallel_loop3A_364] {strides = array<i32>} : memref<40x144xf32, #tpu.memory_space<vmem>>, vector<16xf32>,
        tpu.vector_store %arg16[%parallel_loop3A_363, %parallel_loop3A_364], %parallel_loop3A_362 {strides = array<i32>} : memref<40x144xf32, #tpu.memory_space<vmem>>, vector<16xf32>,
        %parallel_loop3A_366 = arith.constant 1 : i32
        %parallel_loop3A_367 = vector.broadcast %parallel_loop3A_366 : i32 to vector<16xi32>
        %parallel_loop3A_368 = arith.cmpi eq, %iota3A, %parallel_loop3A_367 : vector<16xi32>
        %parallel_loop3A_369 = arith.select %parallel_loop3A_368, %parallel_loop3A_351, %parallel_loop3A_330 : vector<16xi1>, vector<16xf32>
        %parallel_loop3A_370 = arith.index_cast %parallel_loop3A_289 : i32 to index
        %parallel_loop3A_371 = arith.constant 64 : index
        %parallel_loop3A_372 = tpu.vector_load %arg13[%parallel_loop3A_370, %parallel_loop3A_371] {strides = array<i32>} : memref<40x128xf32, #tpu.memory_space<vmem>>, vector<16xf32>,
        %parallel_loop3A_373 = arith.index_cast %parallel_loop3A_289 : i32 to index
        %parallel_loop3A_374 = arith.constant 80 : index
        %parallel_loop3A_375 = tpu.vector_load %arg13[%parallel_loop3A_373, %parallel_loop3A_374] {strides = array<i32>} : memref<40x128xf32, #tpu.memory_space<vmem>>, vector<16xf32>,
        %parallel_loop3A_376 = arith.index_cast %parallel_loop3A_289 : i32 to index
        %parallel_loop3A_377 = arith.constant 64 : index
        %parallel_loop3A_378 = tpu.vector_load %arg15[%parallel_loop3A_376, %parallel_loop3A_377] {strides = array<i32>} : memref<40x256xf32, #tpu.memory_space<vmem>>, vector<16xf32>,
        %parallel_loop3A_379 = arith.index_cast %parallel_loop3A_289 : i32 to index
        %parallel_loop3A_380 = arith.constant 80 : index
        %parallel_loop3A_381 = tpu.vector_load %arg15[%parallel_loop3A_379, %parallel_loop3A_380] {strides = array<i32>} : memref<40x256xf32, #tpu.memory_space<vmem>>, vector<16xf32>,
        %parallel_loop3A_382 = arith.mulf %parallel_loop3A_372, %parallel_loop3A_378 : vector<16xf32>
        %parallel_loop3A_383 = arith.mulf %parallel_loop3A_375, %parallel_loop3A_381 : vector<16xf32>
        %parallel_loop3A_384 = arith.addf %parallel_loop3A_382, %parallel_loop3A_383 : vector<16xf32>
        %parallel_loop3A_385 = arith.constant true
        %parallel_loop3A_386 = vector.broadcast %parallel_loop3A_385 : i1 to vector<16xi1>
        %parallel_loop3A_387 = tpu.scan <sum>, %parallel_loop3A_384 masked %parallel_loop3A_386 : vector<16xf32>, vector<16xi1> -> vector<16xf32>
        %parallel_loop3A_388 = vector.extract %parallel_loop3A_387[15] : f32 from vector<16xf32>
        %parallel_loop3A_389 = vector.broadcast %parallel_loop3A_388 : f32 to vector<16xf32>
        %parallel_loop3A_390 = math.exp %parallel_loop3A_389 : vector<16xf32>
        %parallel_loop3A_391 = arith.index_cast %parallel_loop3A_289 : i32 to index
        %parallel_loop3A_392 = arith.constant 192 : index
        %parallel_loop3A_393 = tpu.vector_load %arg15[%parallel_loop3A_391, %parallel_loop3A_392] {strides = array<i32>} : memref<40x256xf32, #tpu.memory_space<vmem>>, vector<16xf32>,
        %parallel_loop3A_394 = arith.index_cast %parallel_loop3A_289 : i32 to index
        %parallel_loop3A_395 = arith.constant 208 : index
        %parallel_loop3A_396 = tpu.vector_load %arg15[%parallel_loop3A_394, %parallel_loop3A_395] {strides = array<i32>} : memref<40x256xf32, #tpu.memory_space<vmem>>, vector<16xf32>,
        %parallel_loop3A_397 = arith.mulf %parallel_loop3A_390, %parallel_loop3A_393 : vector<16xf32>
        %parallel_loop3A_398 = arith.index_cast %parallel_loop3A_289 : i32 to index
        %parallel_loop3A_399 = arith.constant 64 : index
        %parallel_loop3A_400 = tpu.vector_load %arg16[%parallel_loop3A_398, %parallel_loop3A_399] {strides = array<i32>} : memref<40x144xf32, #tpu.memory_space<vmem>>, vector<16xf32>,
        tpu.vector_store %arg16[%parallel_loop3A_398, %parallel_loop3A_399], %parallel_loop3A_397 {strides = array<i32>} : memref<40x144xf32, #tpu.memory_space<vmem>>, vector<16xf32>,
        %parallel_loop3A_401 = arith.mulf %parallel_loop3A_390, %parallel_loop3A_396 : vector<16xf32>
        %parallel_loop3A_402 = arith.index_cast %parallel_loop3A_289 : i32 to index
        %parallel_loop3A_403 = arith.constant 80 : index
        %parallel_loop3A_404 = tpu.vector_load %arg16[%parallel_loop3A_402, %parallel_loop3A_403] {strides = array<i32>} : memref<40x144xf32, #tpu.memory_space<vmem>>, vector<16xf32>,
        tpu.vector_store %arg16[%parallel_loop3A_402, %parallel_loop3A_403], %parallel_loop3A_401 {strides = array<i32>} : memref<40x144xf32, #tpu.memory_space<vmem>>, vector<16xf32>,
        %parallel_loop3A_405 = arith.constant 2 : i32
        %parallel_loop3A_406 = vector.broadcast %parallel_loop3A_405 : i32 to vector<16xi32>
        %parallel_loop3A_407 = arith.cmpi eq, %iota3A, %parallel_loop3A_406 : vector<16xi32>
        %parallel_loop3A_408 = arith.select %parallel_loop3A_407, %parallel_loop3A_390, %parallel_loop3A_369 : vector<16xi1>, vector<16xf32>
        %parallel_loop3A_409 = arith.index_cast %parallel_loop3A_289 : i32 to index
        %parallel_loop3A_410 = arith.constant 96 : index
        %parallel_loop3A_411 = tpu.vector_load %arg13[%parallel_loop3A_409, %parallel_loop3A_410] {strides = array<i32>} : memref<40x128xf32, #tpu.memory_space<vmem>>, vector<16xf32>,
        %parallel_loop3A_412 = arith.index_cast %parallel_loop3A_289 : i32 to index
        %parallel_loop3A_413 = arith.constant 112 : index
        %parallel_loop3A_414 = tpu.vector_load %arg13[%parallel_loop3A_412, %parallel_loop3A_413] {strides = array<i32>} : memref<40x128xf32, #tpu.memory_space<vmem>>, vector<16xf32>,
        %parallel_loop3A_415 = arith.index_cast %parallel_loop3A_289 : i32 to index
        %parallel_loop3A_416 = arith.constant 96 : index
        %parallel_loop3A_417 = tpu.vector_load %arg15[%parallel_loop3A_415, %parallel_loop3A_416] {strides = array<i32>} : memref<40x256xf32, #tpu.memory_space<vmem>>, vector<16xf32>,
        %parallel_loop3A_418 = arith.index_cast %parallel_loop3A_289 : i32 to index
        %parallel_loop3A_419 = arith.constant 112 : index
        %parallel_loop3A_420 = tpu.vector_load %arg15[%parallel_loop3A_418, %parallel_loop3A_419] {strides = array<i32>} : memref<40x256xf32, #tpu.memory_space<vmem>>, vector<16xf32>,
        %parallel_loop3A_421 = arith.mulf %parallel_loop3A_411, %parallel_loop3A_417 : vector<16xf32>
        %parallel_loop3A_422 = arith.mulf %parallel_loop3A_414, %parallel_loop3A_420 : vector<16xf32>
        %parallel_loop3A_423 = arith.addf %parallel_loop3A_421, %parallel_loop3A_422 : vector<16xf32>
        %parallel_loop3A_424 = arith.constant true
        %parallel_loop3A_425 = vector.broadcast %parallel_loop3A_424 : i1 to vector<16xi1>
        %parallel_loop3A_426 = tpu.scan <sum>, %parallel_loop3A_423 masked %parallel_loop3A_425 : vector<16xf32>, vector<16xi1> -> vector<16xf32>
        %parallel_loop3A_427 = vector.extract %parallel_loop3A_426[15] : f32 from vector<16xf32>
        %parallel_loop3A_428 = vector.broadcast %parallel_loop3A_427 : f32 to vector<16xf32>
        %parallel_loop3A_429 = math.exp %parallel_loop3A_428 : vector<16xf32>
        %parallel_loop3A_430 = arith.index_cast %parallel_loop3A_289 : i32 to index
        %parallel_loop3A_431 = arith.constant 224 : index
        %parallel_loop3A_432 = tpu.vector_load %arg15[%parallel_loop3A_430, %parallel_loop3A_431] {strides = array<i32>} : memref<40x256xf32, #tpu.memory_space<vmem>>, vector<16xf32>,
        %parallel_loop3A_433 = arith.index_cast %parallel_loop3A_289 : i32 to index
        %parallel_loop3A_434 = arith.constant 240 : index
        %parallel_loop3A_435 = tpu.vector_load %arg15[%parallel_loop3A_433, %parallel_loop3A_434] {strides = array<i32>} : memref<40x256xf32, #tpu.memory_space<vmem>>, vector<16xf32>,
        %parallel_loop3A_436 = arith.mulf %parallel_loop3A_429, %parallel_loop3A_432 : vector<16xf32>
        %parallel_loop3A_437 = arith.index_cast %parallel_loop3A_289 : i32 to index
        %parallel_loop3A_438 = arith.constant 96 : index
        %parallel_loop3A_439 = tpu.vector_load %arg16[%parallel_loop3A_437, %parallel_loop3A_438] {strides = array<i32>} : memref<40x144xf32, #tpu.memory_space<vmem>>, vector<16xf32>,
        tpu.vector_store %arg16[%parallel_loop3A_437, %parallel_loop3A_438], %parallel_loop3A_436 {strides = array<i32>} : memref<40x144xf32, #tpu.memory_space<vmem>>, vector<16xf32>,
        %parallel_loop3A_440 = arith.mulf %parallel_loop3A_429, %parallel_loop3A_435 : vector<16xf32>
        %parallel_loop3A_441 = arith.index_cast %parallel_loop3A_289 : i32 to index
        %parallel_loop3A_442 = arith.constant 112 : index
        %parallel_loop3A_443 = tpu.vector_load %arg16[%parallel_loop3A_441, %parallel_loop3A_442] {strides = array<i32>} : memref<40x144xf32, #tpu.memory_space<vmem>>, vector<16xf32>,
        tpu.vector_store %arg16[%parallel_loop3A_441, %parallel_loop3A_442], %parallel_loop3A_440 {strides = array<i32>} : memref<40x144xf32, #tpu.memory_space<vmem>>, vector<16xf32>,
        %parallel_loop3A_444 = arith.constant 3 : i32
        %parallel_loop3A_445 = vector.broadcast %parallel_loop3A_444 : i32 to vector<16xi32>
        %parallel_loop3A_446 = arith.cmpi eq, %iota3A, %parallel_loop3A_445 : vector<16xi32>
        %parallel_loop3A_447 = arith.select %parallel_loop3A_446, %parallel_loop3A_429, %parallel_loop3A_408 : vector<16xi1>, vector<16xf32>
        %parallel_loop3A_448 = arith.index_cast %parallel_loop3A_289 : i32 to index
        %parallel_loop3A_449 = arith.constant 128 : index
        %parallel_loop3A_450 = tpu.vector_load %arg16[%parallel_loop3A_448, %parallel_loop3A_449] {strides = array<i32>} : memref<40x144xf32, #tpu.memory_space<vmem>>, vector<16xf32>,
        tpu.vector_store %arg16[%parallel_loop3A_448, %parallel_loop3A_449], %parallel_loop3A_447 {strides = array<i32>} : memref<40x144xf32, #tpu.memory_space<vmem>>, vector<16xf32>,
      } {sc.loop_unroll_factor = 4 : i64, sc.parallel_access}
      %dma_start3A_286 = arith.constant 0 : i32
      %dma_start3A_287 = arith.constant 0 : i32
      %dma_start3A_288 = tpu.memref_slice %arg17[%dma_start3A_286, %dma_start3A_287] : memref<10000x144xf32, #tpu.memory_space<vmem_shared>> -> memref<10000x144xf32, #tpu.memory_space<vmem_shared>>
      tpu.enqueue_indirect_dma source(%arg16 : memref<40x144xf32, #tpu.memory_space<vmem>>) target(%dma_start3A_288 : memref<10000x144xf32, #tpu.memory_space<vmem_shared>>) offsets(%arg11 : memref<40xi32, #tpu.memory_space<vmem>>) semaphore(%arg24 : memref<!tpu.dma_semaphore, #tpu.memory_space<semaphore_mem>>) {add = true}
    }
    %scan3A_92 = arith.constant 250 : i32
    %dma_wait3A_93 = arith.constant 0 : i32
    %dma_wait3A_94 = arith.constant 0 : i32
    %dma_wait3A_95 = tpu.memref_slice %arg17[%dma_wait3A_93, %dma_wait3A_94] : memref<10000x144xf32, #tpu.memory_space<vmem_shared>> -> memref<10000x144xf32, #tpu.memory_space<vmem_shared>>
    tpu.wait_indirect_dma semaphore(%arg24 : memref<!tpu.dma_semaphore, #tpu.memory_space<semaphore_mem>>) src(%arg16 : memref<40x144xf32, #tpu.memory_space<vmem>>) dst(%dma_wait3A_95 : memref<10000x144xf32, #tpu.memory_space<vmem_shared>>)
    %dma_wait3A_96 = arith.constant 0 : i32
    %dma_wait3A_97 = arith.constant 0 : i32
    %dma_wait3A_98 = tpu.memref_slice %arg3[%dma_wait3A_96, %dma_wait3A_97] : memref<10000x128xf32, #tpu.memory_space<hbm>> -> memref<10000x128xf32, #tpu.memory_space<hbm>>
    tpu.wait_indirect_dma semaphore(%arg20 : memref<!tpu.dma_semaphore, #tpu.memory_space<semaphore_mem>>) src(%dma_wait3A_98 : memref<10000x128xf32, #tpu.memory_space<hbm>>) dst(%arg12 : memref<40x128xf32, #tpu.memory_space<vmem>>)
    %dma_wait3A_99 = arith.constant 0 : i32
    %dma_wait3A_100 = arith.constant 0 : i32
    %dma_wait3A_101 = tpu.memref_slice %arg4[%dma_wait3A_99, %dma_wait3A_100] : memref<10000x256xf32, #tpu.memory_space<hbm>> -> memref<10000x256xf32, #tpu.memory_space<hbm>>
    tpu.wait_indirect_dma semaphore(%arg22 : memref<!tpu.dma_semaphore, #tpu.memory_space<semaphore_mem>>) src(%dma_wait3A_101 : memref<10000x256xf32, #tpu.memory_space<hbm>>) dst(%arg14 : memref<40x256xf32, #tpu.memory_space<vmem>>)
    %mul3A_102 = arith.constant 2 : i32
    %mul3A_103 = arith.muli %mul3A_102, %mul3A_21 : i32
    %multiple_of3A_104 = tpu.assume_multiple %mul3A_103, 8 : i32
    %dma_wait3A_105 = tpu.memref_slice %arg2[%multiple_of3A_104] : memref<1280000xi32, #tpu.memory_space<hbm>> -> memref<80xi32, #tpu.memory_space<hbm>>
    %dma_wait3A_106 = tpu.memref_slice %arg2[%multiple_of3A_104] : memref<1280000xi32, #tpu.memory_space<hbm>> -> memref<80xi32, #tpu.memory_space<hbm>>
    tpu.wait_dma2 semaphore(%arg19 : memref<!tpu.dma_semaphore, #tpu.memory_space<semaphore_mem>>) src(%dma_wait3A_106 : memref<80xi32, #tpu.memory_space<hbm>>) dst(%arg7 : memref<80xi32, #tpu.memory_space<vmem>>)
    %barrier3A_107 = arith.constant 0 : index
    tpu.barrier barrier_id(%barrier3A_107)
    %lt3A_108 = arith.constant 15 : i32
    %lt3A_109 = arith.cmpi slt, %arg1, %lt3A_108 : i32
    %convert_element_type3A = arith.extui %lt3A_109 : i1 to i32
    %cond3A = arith.constant 0 : i32
    %cond3A_110 = arith.cmpi ne, %convert_element_type3A, %cond3A : i32
    scf.if %cond3A_110 {
      "tpu.region"() ({
        %run_scoped3A = tpu.sem_alloc : memref<!tpu.dma_semaphore, #tpu.memory_space<semaphore_mem>>
        %dma_start3A_115 = arith.constant 0 : i32
        %dma_start3A_116 = tpu.memref_slice %arg5[%arg0, %mul3A_8, %dma_start3A_115] : memref<2x10000x144xf32, #tpu.memory_space<hbm>> -> memref<1x640x144xf32, #tpu.memory_space<hbm>>
        %dma_start3A_117 = tpu.memref_squeeze %dma_start3A_116 : memref<1x640x144xf32, #tpu.memory_space<hbm>> -> memref<640x144xf32, #tpu.memory_space<hbm>>
        %dma_start3A_118 = arith.constant 0 : i32
        %dma_start3A_119 = tpu.memref_slice %arg17[%mul3A_8, %dma_start3A_118] : memref<10000x144xf32, #tpu.memory_space<vmem_shared>> -> memref<640x144xf32, #tpu.memory_space<vmem_shared>>
        tpu.enqueue_dma source(%dma_start3A_119 : memref<640x144xf32, #tpu.memory_space<vmem_shared>>) target(%dma_start3A_117 : memref<640x144xf32, #tpu.memory_space<hbm>>) target_semaphore(%run_scoped3A : memref<!tpu.dma_semaphore, #tpu.memory_space<semaphore_mem>>)
        %dma_wait3A_120 = arith.constant 0 : i32
        %dma_wait3A_121 = tpu.memref_slice %arg5[%arg0, %mul3A_8, %dma_wait3A_120] : memref<2x10000x144xf32, #tpu.memory_space<hbm>> -> memref<1x640x144xf32, #tpu.memory_space<hbm>>
        %dma_wait3A_122 = tpu.memref_squeeze %dma_wait3A_121 : memref<1x640x144xf32, #tpu.memory_space<hbm>> -> memref<640x144xf32, #tpu.memory_space<hbm>>
        %dma_wait3A_123 = arith.constant 0 : i32
        %dma_wait3A_124 = tpu.memref_slice %arg17[%mul3A_8, %dma_wait3A_123] : memref<10000x144xf32, #tpu.memory_space<vmem_shared>> -> memref<640x144xf32, #tpu.memory_space<vmem_shared>>
        tpu.wait_dma2 semaphore(%run_scoped3A : memref<!tpu.dma_semaphore, #tpu.memory_space<semaphore_mem>>) src(%dma_wait3A_124 : memref<640x144xf32, #tpu.memory_space<vmem_shared>>) dst(%dma_wait3A_122 : memref<640x144xf32, #tpu.memory_space<hbm>>)
        tpu.yield
      }) : () -> ()
    } else {
    }
    %eq3A = arith.constant 15 : i32
    %eq3A_111 = arith.cmpi eq, %arg1, %eq3A : i32
    %convert_element_type3A_112 = arith.extui %eq3A_111 : i1 to i32
    %cond3A_113 = arith.constant 0 : i32
    %cond3A_114 = arith.cmpi ne, %convert_element_type3A_112, %cond3A_113 : i32
    scf.if %cond3A_114 {
      "tpu.region"() ({
        %run_scoped3A = tpu.sem_alloc : memref<!tpu.dma_semaphore, #tpu.memory_space<semaphore_mem>>
        %dma_start3A_115 = arith.constant 9600 : i32
        %dma_start3A_116 = arith.constant 0 : i32
        %dma_start3A_117 = tpu.memref_slice %arg5[%arg0, %dma_start3A_115, %dma_start3A_116] : memref<2x10000x144xf32, #tpu.memory_space<hbm>> -> memref<1x400x144xf32, #tpu.memory_space<hbm>>
        %dma_start3A_118 = tpu.memref_squeeze %dma_start3A_117 : memref<1x400x144xf32, #tpu.memory_space<hbm>> -> memref<400x144xf32, #tpu.memory_space<hbm>>
        %dma_start3A_119 = arith.constant 9600 : i32
        %dma_start3A_120 = arith.constant 0 : i32
        %dma_start3A_121 = tpu.memref_slice %arg17[%dma_start3A_119, %dma_start3A_120] : memref<10000x144xf32, #tpu.memory_space<vmem_shared>> -> memref<400x144xf32, #tpu.memory_space<vmem_shared>>
        tpu.enqueue_dma source(%dma_start3A_121 : memref<400x144xf32, #tpu.memory_space<vmem_shared>>) target(%dma_start3A_118 : memref<400x144xf32, #tpu.memory_space<hbm>>) target_semaphore(%run_scoped3A : memref<!tpu.dma_semaphore, #tpu.memory_space<semaphore_mem>>)
        %dma_wait3A_122 = arith.constant 9600 : i32
        %dma_wait3A_123 = arith.constant 0 : i32
        %dma_wait3A_124 = tpu.memref_slice %arg5[%arg0, %dma_wait3A_122, %dma_wait3A_123] : memref<2x10000x144xf32, #tpu.memory_space<hbm>> -> memref<1x400x144xf32, #tpu.memory_space<hbm>>
        %dma_wait3A_125 = tpu.memref_squeeze %dma_wait3A_124 : memref<1x400x144xf32, #tpu.memory_space<hbm>> -> memref<400x144xf32, #tpu.memory_space<hbm>>
        %dma_wait3A_126 = arith.constant 9600 : i32
        %dma_wait3A_127 = arith.constant 0 : i32
        %dma_wait3A_128 = tpu.memref_slice %arg17[%dma_wait3A_126, %dma_wait3A_127] : memref<10000x144xf32, #tpu.memory_space<vmem_shared>> -> memref<400x144xf32, #tpu.memory_space<vmem_shared>>
        tpu.wait_dma2 semaphore(%run_scoped3A : memref<!tpu.dma_semaphore, #tpu.memory_space<semaphore_mem>>) src(%dma_wait3A_128 : memref<400x144xf32, #tpu.memory_space<vmem_shared>>) dst(%dma_wait3A_125 : memref<400x144xf32, #tpu.memory_space<hbm>>)
        tpu.yield
      }) : () -> ()
    } else {
    }
    return
  }
}

#map = affine_map<(d0, d1) -> (0)>
#map1 = affine_map<(d0, d1) -> (0, 0)>
#map2 = affine_map<(d0, d1) -> (0, 0, 0)>
module attributes {stable_mosaic.version = 14 : i64} {
  func.func @_sc_layer2(%arg0: i32, %arg1: i32, %arg2: memref<1280000xi32, #tpu.memory_space<hbm>>, %arg3: memref<10000x32xf32, #tpu.memory_space<hbm>>, %arg4: memref<10000x64xf32, #tpu.memory_space<hbm>>, %arg5: memref<2x10000x48xf32, #tpu.memory_space<hbm>>, %arg6: memref<160xi32, #tpu.memory_space<vmem>>, %arg7: memref<160xi32, #tpu.memory_space<vmem>>, %arg8: memref<80xi32, #tpu.memory_space<vmem>>, %arg9: memref<80xi32, #tpu.memory_space<vmem>>, %arg10: memref<80xi32, #tpu.memory_space<vmem>>, %arg11: memref<80xi32, #tpu.memory_space<vmem>>, %arg12: memref<80x32xf32, #tpu.memory_space<vmem>>, %arg13: memref<80x32xf32, #tpu.memory_space<vmem>>, %arg14: memref<80x64xf32, #tpu.memory_space<vmem>>, %arg15: memref<80x64xf32, #tpu.memory_space<vmem>>, %arg16: memref<80x48xf32, #tpu.memory_space<vmem>>, %arg17: memref<10000x48xf32, #tpu.memory_space<vmem_shared>>, %arg18: memref<!tpu.dma_semaphore, #tpu.memory_space<semaphore_mem>>, %arg19: memref<!tpu.dma_semaphore, #tpu.memory_space<semaphore_mem>>, %arg20: memref<!tpu.dma_semaphore, #tpu.memory_space<semaphore_mem>>, %arg21: memref<!tpu.dma_semaphore, #tpu.memory_space<semaphore_mem>>, %arg22: memref<!tpu.dma_semaphore, #tpu.memory_space<semaphore_mem>>, %arg23: memref<!tpu.dma_semaphore, #tpu.memory_space<semaphore_mem>>, %arg24: memref<!tpu.dma_semaphore, #tpu.memory_space<semaphore_mem>>) attributes {dimension_semantics = [#tpu.dimension_semantics<core_parallel>, #tpu.dimension_semantics<subcore_parallel>], iteration_bounds = array<i64: 2, 16>, scalar_prefetch = 0 : i64, scratch_operands = 19 : i64, tpu.core_type = #tpu.core_type<sc_vector_subcore>, window_params = [{transform_indices = #map}, {transform_indices = #map1}, {transform_indices = #map1}, {transform_indices = #map2}]} {
    %mul3A = arith.constant 16 : i32
    %mul3A_0 = arith.muli %arg0, %mul3A : i32
    %add3A = arith.addi %mul3A_0, %arg1 : i32
    %iota3A = tpu.iota {dimensions = array<i32: 0>} : vector<16xi32>
    %broadcast_in_dim3A = arith.constant 0.000000e+00 : f32
    %broadcast_in_dim3A_1 = vector.broadcast %broadcast_in_dim3A : f32 to vector<16xf32>
    %scan3A = arith.constant 0 : i32
    %scan3A_2 = arith.constant 0 : i32
    %scan3A_3 = arith.constant 80 : i32
    %scan3A_4 = arith.addi %scan3A_2, %scan3A_3 : i32
    %scan3A_5 = arith.constant 1 : i32
    scf.for %scan3A_145 = %scan3A_2 to %scan3A_4 step %scan3A_5  : i32 {
      %swap3A_146 = arith.index_cast %scan3A_145 : i32 to index
      %swap3A_147 = arith.constant 0 : index
      %swap3A_148 = tpu.vector_load %arg16[%swap3A_146, %swap3A_147] {strides = array<i32>} : memref<80x48xf32, #tpu.memory_space<vmem>>, vector<16xf32>,
      tpu.vector_store %arg16[%swap3A_146, %swap3A_147], %broadcast_in_dim3A_1 {strides = array<i32>} : memref<80x48xf32, #tpu.memory_space<vmem>>, vector<16xf32>,
      %swap3A_149 = arith.index_cast %scan3A_145 : i32 to index
      %swap3A_150 = arith.constant 16 : index
      %swap3A_151 = tpu.vector_load %arg16[%swap3A_149, %swap3A_150] {strides = array<i32>} : memref<80x48xf32, #tpu.memory_space<vmem>>, vector<16xf32>,
      tpu.vector_store %arg16[%swap3A_149, %swap3A_150], %broadcast_in_dim3A_1 {strides = array<i32>} : memref<80x48xf32, #tpu.memory_space<vmem>>, vector<16xf32>,
      %swap3A_152 = arith.index_cast %scan3A_145 : i32 to index
      %swap3A_153 = arith.constant 32 : index
      %swap3A_154 = tpu.vector_load %arg16[%swap3A_152, %swap3A_153] {strides = array<i32>} : memref<80x48xf32, #tpu.memory_space<vmem>>, vector<16xf32>,
      tpu.vector_store %arg16[%swap3A_152, %swap3A_153], %broadcast_in_dim3A_1 {strides = array<i32>} : memref<80x48xf32, #tpu.memory_space<vmem>>, vector<16xf32>,
    }
    %scan3A_6 = arith.constant 80 : i32
    %mul3A_7 = arith.constant 640 : i32
    %mul3A_8 = arith.muli %arg1, %mul3A_7 : i32
    %lt3A = arith.constant 15 : i32
    %lt3A_9 = arith.cmpi slt, %arg1, %lt3A : i32
    %jit3A = arith.constant 8 : i32
    %jit3A_10 = arith.constant 5 : i32
    %select_n3A = arith.select %lt3A_9, %jit3A, %jit3A_10 : i32
    %while3A = arith.constant 0 : i32
    %while3A_11 = arith.constant 0 : i32
    %while3A_12 = arith.subi %select_n3A, %while3A_11 : i32
    %while3A_13 = arith.addi %while3A_11, %while3A_12 : i32
    %while3A_14 = arith.constant 1 : i32
    %while3A_15 = arith.divsi %while3A_12, %while3A_14 : i32
    %while3A_16 = arith.muli %while3A_15, %while3A_14 : i32
    %while3A_17 = arith.addi %while3A_11, %while3A_16 : i32
    %while3A_18 = arith.constant 1 : i32
    scf.for %while3A_145 = %while3A_11 to %while3A_17 step %while3A_18  : i32 {
      %mul3A_146 = arith.constant 80 : i32
      %mul3A_147 = arith.muli %while3A_145, %mul3A_146 : i32
      %add3A_148 = arith.addi %mul3A_8, %mul3A_147 : i32
      "tpu.region"() ({
        %run_scoped3A = tpu.sem_alloc : memref<!tpu.dma_semaphore, #tpu.memory_space<semaphore_mem>>
        %dma_start3A_149 = arith.constant 0 : i32
        %dma_start3A_150 = tpu.memref_slice %arg17[%add3A_148, %dma_start3A_149] : memref<10000x48xf32, #tpu.memory_space<vmem_shared>> -> memref<80x48xf32, #tpu.memory_space<vmem_shared>>
        %dma_start3A_151 = arith.constant 0 : i32
        %dma_start3A_152 = tpu.memref_slice %arg17[%add3A_148, %dma_start3A_151] : memref<10000x48xf32, #tpu.memory_space<vmem_shared>> -> memref<80x48xf32, #tpu.memory_space<vmem_shared>>
        tpu.enqueue_dma source(%arg16 : memref<80x48xf32, #tpu.memory_space<vmem>>) target(%dma_start3A_152 : memref<80x48xf32, #tpu.memory_space<vmem_shared>>) target_semaphore(%run_scoped3A : memref<!tpu.dma_semaphore, #tpu.memory_space<semaphore_mem>>)
        %dma_wait3A_153 = arith.constant 0 : i32
        %dma_wait3A_154 = tpu.memref_slice %arg17[%add3A_148, %dma_wait3A_153] : memref<10000x48xf32, #tpu.memory_space<vmem_shared>> -> memref<80x48xf32, #tpu.memory_space<vmem_shared>>
        %dma_wait3A_155 = arith.constant 0 : i32
        %dma_wait3A_156 = tpu.memref_slice %arg17[%add3A_148, %dma_wait3A_155] : memref<10000x48xf32, #tpu.memory_space<vmem_shared>> -> memref<80x48xf32, #tpu.memory_space<vmem_shared>>
        tpu.wait_dma2 semaphore(%run_scoped3A : memref<!tpu.dma_semaphore, #tpu.memory_space<semaphore_mem>>) src(%arg16 : memref<80x48xf32, #tpu.memory_space<vmem>>) dst(%dma_wait3A_156 : memref<80x48xf32, #tpu.memory_space<vmem_shared>>)
        tpu.yield
      }) : () -> ()
    }
    %while3A_19 = arith.constant 1 : i32
    scf.for %while3A_145 = %while3A_17 to %while3A_13 step %while3A_19  : i32 {
      %mul3A_146 = arith.constant 80 : i32
      %mul3A_147 = arith.muli %while3A_145, %mul3A_146 : i32
      %add3A_148 = arith.addi %mul3A_8, %mul3A_147 : i32
      "tpu.region"() ({
        %run_scoped3A = tpu.sem_alloc : memref<!tpu.dma_semaphore, #tpu.memory_space<semaphore_mem>>
        %dma_start3A_149 = arith.constant 0 : i32
        %dma_start3A_150 = tpu.memref_slice %arg17[%add3A_148, %dma_start3A_149] : memref<10000x48xf32, #tpu.memory_space<vmem_shared>> -> memref<80x48xf32, #tpu.memory_space<vmem_shared>>
        %dma_start3A_151 = arith.constant 0 : i32
        %dma_start3A_152 = tpu.memref_slice %arg17[%add3A_148, %dma_start3A_151] : memref<10000x48xf32, #tpu.memory_space<vmem_shared>> -> memref<80x48xf32, #tpu.memory_space<vmem_shared>>
        tpu.enqueue_dma source(%arg16 : memref<80x48xf32, #tpu.memory_space<vmem>>) target(%dma_start3A_152 : memref<80x48xf32, #tpu.memory_space<vmem_shared>>) target_semaphore(%run_scoped3A : memref<!tpu.dma_semaphore, #tpu.memory_space<semaphore_mem>>)
        %dma_wait3A_153 = arith.constant 0 : i32
        %dma_wait3A_154 = tpu.memref_slice %arg17[%add3A_148, %dma_wait3A_153] : memref<10000x48xf32, #tpu.memory_space<vmem_shared>> -> memref<80x48xf32, #tpu.memory_space<vmem_shared>>
        %dma_wait3A_155 = arith.constant 0 : i32
        %dma_wait3A_156 = tpu.memref_slice %arg17[%add3A_148, %dma_wait3A_155] : memref<10000x48xf32, #tpu.memory_space<vmem_shared>> -> memref<80x48xf32, #tpu.memory_space<vmem_shared>>
        tpu.wait_dma2 semaphore(%run_scoped3A : memref<!tpu.dma_semaphore, #tpu.memory_space<semaphore_mem>>) src(%arg16 : memref<80x48xf32, #tpu.memory_space<vmem>>) dst(%dma_wait3A_156 : memref<80x48xf32, #tpu.memory_space<vmem_shared>>)
        tpu.yield
      }) : () -> ()
    }
    %barrier3A = arith.constant 0 : index
    tpu.barrier barrier_id(%barrier3A)
    %mul3A_20 = arith.constant 20000 : i32
    %mul3A_21 = arith.muli %add3A, %mul3A_20 : i32
    %add3A_22 = arith.constant 0 : i32
    %add3A_23 = arith.addi %mul3A_21, %add3A_22 : i32
    %mul3A_24 = arith.constant 2 : i32
    %mul3A_25 = arith.muli %mul3A_24, %add3A_23 : i32
    %multiple_of3A = tpu.assume_multiple %mul3A_25, 8 : i32
    %dma_start3A = tpu.memref_slice %arg2[%multiple_of3A] : memref<1280000xi32, #tpu.memory_space<hbm>> -> memref<160xi32, #tpu.memory_space<hbm>>
    %dma_start3A_26 = tpu.memref_slice %arg2[%multiple_of3A] : memref<1280000xi32, #tpu.memory_space<hbm>> -> memref<160xi32, #tpu.memory_space<hbm>>
    tpu.enqueue_dma source(%dma_start3A_26 : memref<160xi32, #tpu.memory_space<hbm>>) target(%arg6 : memref<160xi32, #tpu.memory_space<vmem>>) target_semaphore(%arg18 : memref<!tpu.dma_semaphore, #tpu.memory_space<semaphore_mem>>)
    %mul3A_27 = arith.constant 2 : i32
    %mul3A_28 = arith.muli %mul3A_27, %mul3A_21 : i32
    %multiple_of3A_29 = tpu.assume_multiple %mul3A_28, 8 : i32
    %dma_wait3A = tpu.memref_slice %arg2[%multiple_of3A_29] : memref<1280000xi32, #tpu.memory_space<hbm>> -> memref<160xi32, #tpu.memory_space<hbm>>
    %dma_wait3A_30 = tpu.memref_slice %arg2[%multiple_of3A_29] : memref<1280000xi32, #tpu.memory_space<hbm>> -> memref<160xi32, #tpu.memory_space<hbm>>
    tpu.wait_dma2 semaphore(%arg18 : memref<!tpu.dma_semaphore, #tpu.memory_space<semaphore_mem>>) src(%dma_wait3A_30 : memref<160xi32, #tpu.memory_space<hbm>>) dst(%arg6 : memref<160xi32, #tpu.memory_space<vmem>>)
    %add3A_31 = arith.constant 0 : i32
    %add3A_32 = vector.broadcast %add3A_31 : i32 to vector<16xi32>
    %add3A_33 = arith.addi %add3A_32, %iota3A : vector<16xi32>
    %mul3A_34 = arith.constant 2 : i32
    %mul3A_35 = vector.broadcast %mul3A_34 : i32 to vector<16xi32>
    %mul3A_36 = arith.muli %mul3A_35, %add3A_33 : vector<16xi32>
    %gather3A = tpu.vector_load_idx %arg6[%mul3A_36] : memref<160xi32, #tpu.memory_space<vmem>>[vector<16xi32>], vector<16xi32>,
    %swap3A = arith.constant 0 : index
    %swap3A_37 = tpu.vector_load %arg8[%swap3A] {strides = array<i32>} : memref<80xi32, #tpu.memory_space<vmem>>, vector<16xi32>,
    tpu.vector_store %arg8[%swap3A], %gather3A {strides = array<i32>} : memref<80xi32, #tpu.memory_space<vmem>>, vector<16xi32>,
    %add3A_38 = arith.constant 1 : i32
    %add3A_39 = vector.broadcast %add3A_38 : i32 to vector<16xi32>
    %add3A_40 = arith.addi %mul3A_36, %add3A_39 : vector<16xi32>
    %gather3A_41 = tpu.vector_load_idx %arg6[%add3A_40] : memref<160xi32, #tpu.memory_space<vmem>>[vector<16xi32>], vector<16xi32>,
    %swap3A_42 = arith.constant 0 : index
    %swap3A_43 = tpu.vector_load %arg10[%swap3A_42] {strides = array<i32>} : memref<80xi32, #tpu.memory_space<vmem>>, vector<16xi32>,
    tpu.vector_store %arg10[%swap3A_42], %gather3A_41 {strides = array<i32>} : memref<80xi32, #tpu.memory_space<vmem>>, vector<16xi32>,
    %add3A_44 = arith.constant 16 : i32
    %add3A_45 = vector.broadcast %add3A_44 : i32 to vector<16xi32>
    %add3A_46 = arith.addi %add3A_45, %iota3A : vector<16xi32>
    %mul3A_47 = arith.constant 2 : i32
    %mul3A_48 = vector.broadcast %mul3A_47 : i32 to vector<16xi32>
    %mul3A_49 = arith.muli %mul3A_48, %add3A_46 : vector<16xi32>
    %gather3A_50 = tpu.vector_load_idx %arg6[%mul3A_49] : memref<160xi32, #tpu.memory_space<vmem>>[vector<16xi32>], vector<16xi32>,
    %swap3A_51 = arith.constant 16 : index
    %swap3A_52 = tpu.vector_load %arg8[%swap3A_51] {strides = array<i32>} : memref<80xi32, #tpu.memory_space<vmem>>, vector<16xi32>,
    tpu.vector_store %arg8[%swap3A_51], %gather3A_50 {strides = array<i32>} : memref<80xi32, #tpu.memory_space<vmem>>, vector<16xi32>,
    %add3A_53 = arith.constant 1 : i32
    %add3A_54 = vector.broadcast %add3A_53 : i32 to vector<16xi32>
    %add3A_55 = arith.addi %mul3A_49, %add3A_54 : vector<16xi32>
    %gather3A_56 = tpu.vector_load_idx %arg6[%add3A_55] : memref<160xi32, #tpu.memory_space<vmem>>[vector<16xi32>], vector<16xi32>,
    %swap3A_57 = arith.constant 16 : index
    %swap3A_58 = tpu.vector_load %arg10[%swap3A_57] {strides = array<i32>} : memref<80xi32, #tpu.memory_space<vmem>>, vector<16xi32>,
    tpu.vector_store %arg10[%swap3A_57], %gather3A_56 {strides = array<i32>} : memref<80xi32, #tpu.memory_space<vmem>>, vector<16xi32>,
    %add3A_59 = arith.constant 32 : i32
    %add3A_60 = vector.broadcast %add3A_59 : i32 to vector<16xi32>
    %add3A_61 = arith.addi %add3A_60, %iota3A : vector<16xi32>
    %mul3A_62 = arith.constant 2 : i32
    %mul3A_63 = vector.broadcast %mul3A_62 : i32 to vector<16xi32>
    %mul3A_64 = arith.muli %mul3A_63, %add3A_61 : vector<16xi32>
    %gather3A_65 = tpu.vector_load_idx %arg6[%mul3A_64] : memref<160xi32, #tpu.memory_space<vmem>>[vector<16xi32>], vector<16xi32>,
    %swap3A_66 = arith.constant 32 : index
    %swap3A_67 = tpu.vector_load %arg8[%swap3A_66] {strides = array<i32>} : memref<80xi32, #tpu.memory_space<vmem>>, vector<16xi32>,
    tpu.vector_store %arg8[%swap3A_66], %gather3A_65 {strides = array<i32>} : memref<80xi32, #tpu.memory_space<vmem>>, vector<16xi32>,
    %add3A_68 = arith.constant 1 : i32
    %add3A_69 = vector.broadcast %add3A_68 : i32 to vector<16xi32>
    %add3A_70 = arith.addi %mul3A_64, %add3A_69 : vector<16xi32>
    %gather3A_71 = tpu.vector_load_idx %arg6[%add3A_70] : memref<160xi32, #tpu.memory_space<vmem>>[vector<16xi32>], vector<16xi32>,
    %swap3A_72 = arith.constant 32 : index
    %swap3A_73 = tpu.vector_load %arg10[%swap3A_72] {strides = array<i32>} : memref<80xi32, #tpu.memory_space<vmem>>, vector<16xi32>,
    tpu.vector_store %arg10[%swap3A_72], %gather3A_71 {strides = array<i32>} : memref<80xi32, #tpu.memory_space<vmem>>, vector<16xi32>,
    %add3A_74 = arith.constant 48 : i32
    %add3A_75 = vector.broadcast %add3A_74 : i32 to vector<16xi32>
    %add3A_76 = arith.addi %add3A_75, %iota3A : vector<16xi32>
    %mul3A_77 = arith.constant 2 : i32
    %mul3A_78 = vector.broadcast %mul3A_77 : i32 to vector<16xi32>
    %mul3A_79 = arith.muli %mul3A_78, %add3A_76 : vector<16xi32>
    %gather3A_80 = tpu.vector_load_idx %arg6[%mul3A_79] : memref<160xi32, #tpu.memory_space<vmem>>[vector<16xi32>], vector<16xi32>,
    %swap3A_81 = arith.constant 48 : index
    %swap3A_82 = tpu.vector_load %arg8[%swap3A_81] {strides = array<i32>} : memref<80xi32, #tpu.memory_space<vmem>>, vector<16xi32>,
    tpu.vector_store %arg8[%swap3A_81], %gather3A_80 {strides = array<i32>} : memref<80xi32, #tpu.memory_space<vmem>>, vector<16xi32>,
    %add3A_83 = arith.constant 1 : i32
    %add3A_84 = vector.broadcast %add3A_83 : i32 to vector<16xi32>
    %add3A_85 = arith.addi %mul3A_79, %add3A_84 : vector<16xi32>
    %gather3A_86 = tpu.vector_load_idx %arg6[%add3A_85] : memref<160xi32, #tpu.memory_space<vmem>>[vector<16xi32>], vector<16xi32>,
    %swap3A_87 = arith.constant 48 : index
    %swap3A_88 = tpu.vector_load %arg10[%swap3A_87] {strides = array<i32>} : memref<80xi32, #tpu.memory_space<vmem>>, vector<16xi32>,
    tpu.vector_store %arg10[%swap3A_87], %gather3A_86 {strides = array<i32>} : memref<80xi32, #tpu.memory_space<vmem>>, vector<16xi32>,
    %add3A_89 = arith.constant 64 : i32
    %add3A_90 = vector.broadcast %add3A_89 : i32 to vector<16xi32>
    %add3A_91 = arith.addi %add3A_90, %iota3A : vector<16xi32>
    %mul3A_92 = arith.constant 2 : i32
    %mul3A_93 = vector.broadcast %mul3A_92 : i32 to vector<16xi32>
    %mul3A_94 = arith.muli %mul3A_93, %add3A_91 : vector<16xi32>
    %gather3A_95 = tpu.vector_load_idx %arg6[%mul3A_94] : memref<160xi32, #tpu.memory_space<vmem>>[vector<16xi32>], vector<16xi32>,
    %swap3A_96 = arith.constant 64 : index
    %swap3A_97 = tpu.vector_load %arg8[%swap3A_96] {strides = array<i32>} : memref<80xi32, #tpu.memory_space<vmem>>, vector<16xi32>,
    tpu.vector_store %arg8[%swap3A_96], %gather3A_95 {strides = array<i32>} : memref<80xi32, #tpu.memory_space<vmem>>, vector<16xi32>,
    %add3A_98 = arith.constant 1 : i32
    %add3A_99 = vector.broadcast %add3A_98 : i32 to vector<16xi32>
    %add3A_100 = arith.addi %mul3A_94, %add3A_99 : vector<16xi32>
    %gather3A_101 = tpu.vector_load_idx %arg6[%add3A_100] : memref<160xi32, #tpu.memory_space<vmem>>[vector<16xi32>], vector<16xi32>,
    %swap3A_102 = arith.constant 64 : index
    %swap3A_103 = tpu.vector_load %arg10[%swap3A_102] {strides = array<i32>} : memref<80xi32, #tpu.memory_space<vmem>>, vector<16xi32>,
    tpu.vector_store %arg10[%swap3A_102], %gather3A_101 {strides = array<i32>} : memref<80xi32, #tpu.memory_space<vmem>>, vector<16xi32>,
    %dma_start3A_104 = arith.constant 0 : i32
    %dma_start3A_105 = arith.constant 0 : i32
    %dma_start3A_106 = tpu.memref_slice %arg3[%dma_start3A_104, %dma_start3A_105] : memref<10000x32xf32, #tpu.memory_space<hbm>> -> memref<10000x32xf32, #tpu.memory_space<hbm>>
    tpu.enqueue_indirect_dma source(%dma_start3A_106 : memref<10000x32xf32, #tpu.memory_space<hbm>>) target(%arg12 : memref<80x32xf32, #tpu.memory_space<vmem>>) offsets(%arg10 : memref<80xi32, #tpu.memory_space<vmem>>) semaphore(%arg20 : memref<!tpu.dma_semaphore, #tpu.memory_space<semaphore_mem>>)
    %dma_start3A_107 = arith.constant 0 : i32
    %dma_start3A_108 = arith.constant 0 : i32
    %dma_start3A_109 = tpu.memref_slice %arg4[%dma_start3A_107, %dma_start3A_108] : memref<10000x64xf32, #tpu.memory_space<hbm>> -> memref<10000x64xf32, #tpu.memory_space<hbm>>
    tpu.enqueue_indirect_dma source(%dma_start3A_109 : memref<10000x64xf32, #tpu.memory_space<hbm>>) target(%arg14 : memref<80x64xf32, #tpu.memory_space<vmem>>) offsets(%arg8 : memref<80xi32, #tpu.memory_space<vmem>>) semaphore(%arg22 : memref<!tpu.dma_semaphore, #tpu.memory_space<semaphore_mem>>)
    %add3A_110 = arith.constant 80 : i32
    %add3A_111 = arith.addi %mul3A_21, %add3A_110 : i32
    %mul3A_112 = arith.constant 2 : i32
    %mul3A_113 = arith.muli %mul3A_112, %add3A_111 : i32
    %multiple_of3A_114 = tpu.assume_multiple %mul3A_113, 8 : i32
    %dma_start3A_115 = tpu.memref_slice %arg2[%multiple_of3A_114] : memref<1280000xi32, #tpu.memory_space<hbm>> -> memref<160xi32, #tpu.memory_space<hbm>>
    %dma_start3A_116 = tpu.memref_slice %arg2[%multiple_of3A_114] : memref<1280000xi32, #tpu.memory_space<hbm>> -> memref<160xi32, #tpu.memory_space<hbm>>
    tpu.enqueue_dma source(%dma_start3A_116 : memref<160xi32, #tpu.memory_space<hbm>>) target(%arg7 : memref<160xi32, #tpu.memory_space<vmem>>) target_semaphore(%arg19 : memref<!tpu.dma_semaphore, #tpu.memory_space<semaphore_mem>>)
    %scan3A_117 = arith.constant 0 : i32
    %scan3A_118 = arith.constant 0 : i32
    %scan3A_119 = arith.constant 125 : i32
    %scan3A_120 = arith.addi %scan3A_118, %scan3A_119 : i32
    %scan3A_121 = arith.constant 1 : i32
    scf.for %scan3A_145 = %scan3A_118 to %scan3A_120 step %scan3A_121  : i32 {
      %mul3A_146 = arith.constant 2 : i32
      %mul3A_147 = arith.muli %mul3A_146, %scan3A_145 : i32
      %add3A_148 = arith.constant 0 : i32
      %add3A_149 = arith.addi %mul3A_147, %add3A_148 : i32
      %dma_wait3A_150 = arith.constant 0 : i32
      %dma_wait3A_151 = arith.constant 0 : i32
      %dma_wait3A_152 = tpu.memref_slice %arg3[%dma_wait3A_150, %dma_wait3A_151] : memref<10000x32xf32, #tpu.memory_space<hbm>> -> memref<10000x32xf32, #tpu.memory_space<hbm>>
      tpu.wait_indirect_dma semaphore(%arg20 : memref<!tpu.dma_semaphore, #tpu.memory_space<semaphore_mem>>) src(%dma_wait3A_152 : memref<10000x32xf32, #tpu.memory_space<hbm>>) dst(%arg12 : memref<80x32xf32, #tpu.memory_space<vmem>>)
      %dma_wait3A_153 = arith.constant 0 : i32
      %dma_wait3A_154 = arith.constant 0 : i32
      %dma_wait3A_155 = tpu.memref_slice %arg4[%dma_wait3A_153, %dma_wait3A_154] : memref<10000x64xf32, #tpu.memory_space<hbm>> -> memref<10000x64xf32, #tpu.memory_space<hbm>>
      tpu.wait_indirect_dma semaphore(%arg22 : memref<!tpu.dma_semaphore, #tpu.memory_space<semaphore_mem>>) src(%dma_wait3A_155 : memref<10000x64xf32, #tpu.memory_space<hbm>>) dst(%arg14 : memref<80x64xf32, #tpu.memory_space<vmem>>)
      %gt3A = arith.constant 0 : i32
      %gt3A_156 = arith.cmpi sgt, %scan3A_145, %gt3A : i32
      %convert_element_type3A_157 = arith.extui %gt3A_156 : i1 to i32
      %cond3A_158 = arith.constant 0 : i32
      %cond3A_159 = arith.cmpi ne, %convert_element_type3A_157, %cond3A_158 : i32
      scf.if %cond3A_159 {
        %dma_wait3A_379 = arith.constant 0 : i32
        %dma_wait3A_380 = arith.constant 0 : i32
        %dma_wait3A_381 = tpu.memref_slice %arg17[%dma_wait3A_379, %dma_wait3A_380] : memref<10000x48xf32, #tpu.memory_space<vmem_shared>> -> memref<10000x48xf32, #tpu.memory_space<vmem_shared>>
        tpu.wait_indirect_dma semaphore(%arg24 : memref<!tpu.dma_semaphore, #tpu.memory_space<semaphore_mem>>) src(%arg16 : memref<80x48xf32, #tpu.memory_space<vmem>>) dst(%dma_wait3A_381 : memref<10000x48xf32, #tpu.memory_space<vmem_shared>>)
      } else {
      }
      %mul3A_160 = arith.constant 2 : i32
      %mul3A_161 = arith.muli %mul3A_160, %mul3A_21 : i32
      %multiple_of3A_162 = tpu.assume_multiple %mul3A_161, 8 : i32
      %dma_wait3A_163 = tpu.memref_slice %arg2[%multiple_of3A_162] : memref<1280000xi32, #tpu.memory_space<hbm>> -> memref<160xi32, #tpu.memory_space<hbm>>
      %dma_wait3A_164 = tpu.memref_slice %arg2[%multiple_of3A_162] : memref<1280000xi32, #tpu.memory_space<hbm>> -> memref<160xi32, #tpu.memory_space<hbm>>
      tpu.wait_dma2 semaphore(%arg19 : memref<!tpu.dma_semaphore, #tpu.memory_space<semaphore_mem>>) src(%dma_wait3A_164 : memref<160xi32, #tpu.memory_space<hbm>>) dst(%arg7 : memref<160xi32, #tpu.memory_space<vmem>>)
      %add3A_165 = arith.constant 0 : i32
      %add3A_166 = vector.broadcast %add3A_165 : i32 to vector<16xi32>
      %add3A_167 = arith.addi %add3A_166, %iota3A : vector<16xi32>
      %mul3A_168 = arith.constant 2 : i32
      %mul3A_169 = vector.broadcast %mul3A_168 : i32 to vector<16xi32>
      %mul3A_170 = arith.muli %mul3A_169, %add3A_167 : vector<16xi32>
      %gather3A_171 = tpu.vector_load_idx %arg7[%mul3A_170] : memref<160xi32, #tpu.memory_space<vmem>>[vector<16xi32>], vector<16xi32>,
      %swap3A_172 = arith.constant 0 : index
      %swap3A_173 = tpu.vector_load %arg9[%swap3A_172] {strides = array<i32>} : memref<80xi32, #tpu.memory_space<vmem>>, vector<16xi32>,
      tpu.vector_store %arg9[%swap3A_172], %gather3A_171 {strides = array<i32>} : memref<80xi32, #tpu.memory_space<vmem>>, vector<16xi32>,
      %add3A_174 = arith.constant 1 : i32
      %add3A_175 = vector.broadcast %add3A_174 : i32 to vector<16xi32>
      %add3A_176 = arith.addi %mul3A_170, %add3A_175 : vector<16xi32>
      %gather3A_177 = tpu.vector_load_idx %arg7[%add3A_176] : memref<160xi32, #tpu.memory_space<vmem>>[vector<16xi32>], vector<16xi32>,
      %swap3A_178 = arith.constant 0 : index
      %swap3A_179 = tpu.vector_load %arg11[%swap3A_178] {strides = array<i32>} : memref<80xi32, #tpu.memory_space<vmem>>, vector<16xi32>,
      tpu.vector_store %arg11[%swap3A_178], %gather3A_177 {strides = array<i32>} : memref<80xi32, #tpu.memory_space<vmem>>, vector<16xi32>,
      %add3A_180 = arith.constant 16 : i32
      %add3A_181 = vector.broadcast %add3A_180 : i32 to vector<16xi32>
      %add3A_182 = arith.addi %add3A_181, %iota3A : vector<16xi32>
      %mul3A_183 = arith.constant 2 : i32
      %mul3A_184 = vector.broadcast %mul3A_183 : i32 to vector<16xi32>
      %mul3A_185 = arith.muli %mul3A_184, %add3A_182 : vector<16xi32>
      %gather3A_186 = tpu.vector_load_idx %arg7[%mul3A_185] : memref<160xi32, #tpu.memory_space<vmem>>[vector<16xi32>], vector<16xi32>,
      %swap3A_187 = arith.constant 16 : index
      %swap3A_188 = tpu.vector_load %arg9[%swap3A_187] {strides = array<i32>} : memref<80xi32, #tpu.memory_space<vmem>>, vector<16xi32>,
      tpu.vector_store %arg9[%swap3A_187], %gather3A_186 {strides = array<i32>} : memref<80xi32, #tpu.memory_space<vmem>>, vector<16xi32>,
      %add3A_189 = arith.constant 1 : i32
      %add3A_190 = vector.broadcast %add3A_189 : i32 to vector<16xi32>
      %add3A_191 = arith.addi %mul3A_185, %add3A_190 : vector<16xi32>
      %gather3A_192 = tpu.vector_load_idx %arg7[%add3A_191] : memref<160xi32, #tpu.memory_space<vmem>>[vector<16xi32>], vector<16xi32>,
      %swap3A_193 = arith.constant 16 : index
      %swap3A_194 = tpu.vector_load %arg11[%swap3A_193] {strides = array<i32>} : memref<80xi32, #tpu.memory_space<vmem>>, vector<16xi32>,
      tpu.vector_store %arg11[%swap3A_193], %gather3A_192 {strides = array<i32>} : memref<80xi32, #tpu.memory_space<vmem>>, vector<16xi32>,
      %add3A_195 = arith.constant 32 : i32
      %add3A_196 = vector.broadcast %add3A_195 : i32 to vector<16xi32>
      %add3A_197 = arith.addi %add3A_196, %iota3A : vector<16xi32>
      %mul3A_198 = arith.constant 2 : i32
      %mul3A_199 = vector.broadcast %mul3A_198 : i32 to vector<16xi32>
      %mul3A_200 = arith.muli %mul3A_199, %add3A_197 : vector<16xi32>
      %gather3A_201 = tpu.vector_load_idx %arg7[%mul3A_200] : memref<160xi32, #tpu.memory_space<vmem>>[vector<16xi32>], vector<16xi32>,
      %swap3A_202 = arith.constant 32 : index
      %swap3A_203 = tpu.vector_load %arg9[%swap3A_202] {strides = array<i32>} : memref<80xi32, #tpu.memory_space<vmem>>, vector<16xi32>,
      tpu.vector_store %arg9[%swap3A_202], %gather3A_201 {strides = array<i32>} : memref<80xi32, #tpu.memory_space<vmem>>, vector<16xi32>,
      %add3A_204 = arith.constant 1 : i32
      %add3A_205 = vector.broadcast %add3A_204 : i32 to vector<16xi32>
      %add3A_206 = arith.addi %mul3A_200, %add3A_205 : vector<16xi32>
      %gather3A_207 = tpu.vector_load_idx %arg7[%add3A_206] : memref<160xi32, #tpu.memory_space<vmem>>[vector<16xi32>], vector<16xi32>,
      %swap3A_208 = arith.constant 32 : index
      %swap3A_209 = tpu.vector_load %arg11[%swap3A_208] {strides = array<i32>} : memref<80xi32, #tpu.memory_space<vmem>>, vector<16xi32>,
      tpu.vector_store %arg11[%swap3A_208], %gather3A_207 {strides = array<i32>} : memref<80xi32, #tpu.memory_space<vmem>>, vector<16xi32>,
      %add3A_210 = arith.constant 48 : i32
      %add3A_211 = vector.broadcast %add3A_210 : i32 to vector<16xi32>
      %add3A_212 = arith.addi %add3A_211, %iota3A : vector<16xi32>
      %mul3A_213 = arith.constant 2 : i32
      %mul3A_214 = vector.broadcast %mul3A_213 : i32 to vector<16xi32>
      %mul3A_215 = arith.muli %mul3A_214, %add3A_212 : vector<16xi32>
      %gather3A_216 = tpu.vector_load_idx %arg7[%mul3A_215] : memref<160xi32, #tpu.memory_space<vmem>>[vector<16xi32>], vector<16xi32>,
      %swap3A_217 = arith.constant 48 : index
      %swap3A_218 = tpu.vector_load %arg9[%swap3A_217] {strides = array<i32>} : memref<80xi32, #tpu.memory_space<vmem>>, vector<16xi32>,
      tpu.vector_store %arg9[%swap3A_217], %gather3A_216 {strides = array<i32>} : memref<80xi32, #tpu.memory_space<vmem>>, vector<16xi32>,
      %add3A_219 = arith.constant 1 : i32
      %add3A_220 = vector.broadcast %add3A_219 : i32 to vector<16xi32>
      %add3A_221 = arith.addi %mul3A_215, %add3A_220 : vector<16xi32>
      %gather3A_222 = tpu.vector_load_idx %arg7[%add3A_221] : memref<160xi32, #tpu.memory_space<vmem>>[vector<16xi32>], vector<16xi32>,
      %swap3A_223 = arith.constant 48 : index
      %swap3A_224 = tpu.vector_load %arg11[%swap3A_223] {strides = array<i32>} : memref<80xi32, #tpu.memory_space<vmem>>, vector<16xi32>,
      tpu.vector_store %arg11[%swap3A_223], %gather3A_222 {strides = array<i32>} : memref<80xi32, #tpu.memory_space<vmem>>, vector<16xi32>,
      %add3A_225 = arith.constant 64 : i32
      %add3A_226 = vector.broadcast %add3A_225 : i32 to vector<16xi32>
      %add3A_227 = arith.addi %add3A_226, %iota3A : vector<16xi32>
      %mul3A_228 = arith.constant 2 : i32
      %mul3A_229 = vector.broadcast %mul3A_228 : i32 to vector<16xi32>
      %mul3A_230 = arith.muli %mul3A_229, %add3A_227 : vector<16xi32>
      %gather3A_231 = tpu.vector_load_idx %arg7[%mul3A_230] : memref<160xi32, #tpu.memory_space<vmem>>[vector<16xi32>], vector<16xi32>,
      %swap3A_232 = arith.constant 64 : index
      %swap3A_233 = tpu.vector_load %arg9[%swap3A_232] {strides = array<i32>} : memref<80xi32, #tpu.memory_space<vmem>>, vector<16xi32>,
      tpu.vector_store %arg9[%swap3A_232], %gather3A_231 {strides = array<i32>} : memref<80xi32, #tpu.memory_space<vmem>>, vector<16xi32>,
      %add3A_234 = arith.constant 1 : i32
      %add3A_235 = vector.broadcast %add3A_234 : i32 to vector<16xi32>
      %add3A_236 = arith.addi %mul3A_230, %add3A_235 : vector<16xi32>
      %gather3A_237 = tpu.vector_load_idx %arg7[%add3A_236] : memref<160xi32, #tpu.memory_space<vmem>>[vector<16xi32>], vector<16xi32>,
      %swap3A_238 = arith.constant 64 : index
      %swap3A_239 = tpu.vector_load %arg11[%swap3A_238] {strides = array<i32>} : memref<80xi32, #tpu.memory_space<vmem>>, vector<16xi32>,
      tpu.vector_store %arg11[%swap3A_238], %gather3A_237 {strides = array<i32>} : memref<80xi32, #tpu.memory_space<vmem>>, vector<16xi32>,
      %dma_start3A_240 = arith.constant 0 : i32
      %dma_start3A_241 = arith.constant 0 : i32
      %dma_start3A_242 = tpu.memref_slice %arg3[%dma_start3A_240, %dma_start3A_241] : memref<10000x32xf32, #tpu.memory_space<hbm>> -> memref<10000x32xf32, #tpu.memory_space<hbm>>
      tpu.enqueue_indirect_dma source(%dma_start3A_242 : memref<10000x32xf32, #tpu.memory_space<hbm>>) target(%arg13 : memref<80x32xf32, #tpu.memory_space<vmem>>) offsets(%arg11 : memref<80xi32, #tpu.memory_space<vmem>>) semaphore(%arg21 : memref<!tpu.dma_semaphore, #tpu.memory_space<semaphore_mem>>)
      %dma_start3A_243 = arith.constant 0 : i32
      %dma_start3A_244 = arith.constant 0 : i32
      %dma_start3A_245 = tpu.memref_slice %arg4[%dma_start3A_243, %dma_start3A_244] : memref<10000x64xf32, #tpu.memory_space<hbm>> -> memref<10000x64xf32, #tpu.memory_space<hbm>>
      tpu.enqueue_indirect_dma source(%dma_start3A_245 : memref<10000x64xf32, #tpu.memory_space<hbm>>) target(%arg15 : memref<80x64xf32, #tpu.memory_space<vmem>>) offsets(%arg9 : memref<80xi32, #tpu.memory_space<vmem>>) semaphore(%arg23 : memref<!tpu.dma_semaphore, #tpu.memory_space<semaphore_mem>>)
      %add3A_246 = arith.constant 2 : i32
      %add3A_247 = arith.addi %add3A_149, %add3A_246 : i32
      %min3A = arith.constant 249 : i32
      %min3A_248 = arith.minsi %add3A_247, %min3A : i32
      %mul3A_249 = arith.constant 80 : i32
      %mul3A_250 = arith.muli %min3A_248, %mul3A_249 : i32
      %add3A_251 = arith.addi %mul3A_21, %mul3A_250 : i32
      %mul3A_252 = arith.constant 2 : i32
      %mul3A_253 = arith.muli %mul3A_252, %add3A_251 : i32
      %multiple_of3A_254 = tpu.assume_multiple %mul3A_253, 8 : i32
      %dma_start3A_255 = tpu.memref_slice %arg2[%multiple_of3A_254] : memref<1280000xi32, #tpu.memory_space<hbm>> -> memref<160xi32, #tpu.memory_space<hbm>>
      %dma_start3A_256 = tpu.memref_slice %arg2[%multiple_of3A_254] : memref<1280000xi32, #tpu.memory_space<hbm>> -> memref<160xi32, #tpu.memory_space<hbm>>
      tpu.enqueue_dma source(%dma_start3A_256 : memref<160xi32, #tpu.memory_space<hbm>>) target(%arg6 : memref<160xi32, #tpu.memory_space<vmem>>) target_semaphore(%arg18 : memref<!tpu.dma_semaphore, #tpu.memory_space<semaphore_mem>>)
      %parallel_loop3A = arith.constant 0 : i32
      %parallel_loop3A_257 = arith.constant 80 : i32
      %parallel_loop3A_258 = arith.constant 1 : i32
      scf.for %parallel_loop3A_379 = %parallel_loop3A to %parallel_loop3A_257 step %parallel_loop3A_258  : i32 {
        %parallel_loop3A_380 = arith.constant 0.000000e+00 : f32
        %parallel_loop3A_381 = vector.broadcast %parallel_loop3A_380 : f32 to vector<16xf32>
        %parallel_loop3A_382 = arith.index_cast %parallel_loop3A_379 : i32 to index
        %parallel_loop3A_383 = arith.constant 0 : index
        %parallel_loop3A_384 = tpu.vector_load %arg12[%parallel_loop3A_382, %parallel_loop3A_383] {strides = array<i32>} : memref<80x32xf32, #tpu.memory_space<vmem>>, vector<16xf32>,
        %parallel_loop3A_385 = arith.index_cast %parallel_loop3A_379 : i32 to index
        %parallel_loop3A_386 = arith.constant 16 : index
        %parallel_loop3A_387 = tpu.vector_load %arg12[%parallel_loop3A_385, %parallel_loop3A_386] {strides = array<i32>} : memref<80x32xf32, #tpu.memory_space<vmem>>, vector<16xf32>,
        %parallel_loop3A_388 = arith.index_cast %parallel_loop3A_379 : i32 to index
        %parallel_loop3A_389 = arith.constant 0 : index
        %parallel_loop3A_390 = tpu.vector_load %arg14[%parallel_loop3A_388, %parallel_loop3A_389] {strides = array<i32>} : memref<80x64xf32, #tpu.memory_space<vmem>>, vector<16xf32>,
        %parallel_loop3A_391 = arith.index_cast %parallel_loop3A_379 : i32 to index
        %parallel_loop3A_392 = arith.constant 16 : index
        %parallel_loop3A_393 = tpu.vector_load %arg14[%parallel_loop3A_391, %parallel_loop3A_392] {strides = array<i32>} : memref<80x64xf32, #tpu.memory_space<vmem>>, vector<16xf32>,
        %parallel_loop3A_394 = arith.mulf %parallel_loop3A_384, %parallel_loop3A_390 : vector<16xf32>
        %parallel_loop3A_395 = arith.mulf %parallel_loop3A_387, %parallel_loop3A_393 : vector<16xf32>
        %parallel_loop3A_396 = arith.addf %parallel_loop3A_394, %parallel_loop3A_395 : vector<16xf32>
        %parallel_loop3A_397 = arith.constant true
        %parallel_loop3A_398 = vector.broadcast %parallel_loop3A_397 : i1 to vector<16xi1>
        %parallel_loop3A_399 = tpu.scan <sum>, %parallel_loop3A_396 masked %parallel_loop3A_398 : vector<16xf32>, vector<16xi1> -> vector<16xf32>
        %parallel_loop3A_400 = vector.extract %parallel_loop3A_399[15] : f32 from vector<16xf32>
        %parallel_loop3A_401 = vector.broadcast %parallel_loop3A_400 : f32 to vector<16xf32>
        %parallel_loop3A_402 = math.exp %parallel_loop3A_401 : vector<16xf32>
        %parallel_loop3A_403 = arith.index_cast %parallel_loop3A_379 : i32 to index
        %parallel_loop3A_404 = arith.constant 32 : index
        %parallel_loop3A_405 = tpu.vector_load %arg14[%parallel_loop3A_403, %parallel_loop3A_404] {strides = array<i32>} : memref<80x64xf32, #tpu.memory_space<vmem>>, vector<16xf32>,
        %parallel_loop3A_406 = arith.index_cast %parallel_loop3A_379 : i32 to index
        %parallel_loop3A_407 = arith.constant 48 : index
        %parallel_loop3A_408 = tpu.vector_load %arg14[%parallel_loop3A_406, %parallel_loop3A_407] {strides = array<i32>} : memref<80x64xf32, #tpu.memory_space<vmem>>, vector<16xf32>,
        %parallel_loop3A_409 = arith.mulf %parallel_loop3A_402, %parallel_loop3A_405 : vector<16xf32>
        %parallel_loop3A_410 = arith.index_cast %parallel_loop3A_379 : i32 to index
        %parallel_loop3A_411 = arith.constant 0 : index
        %parallel_loop3A_412 = tpu.vector_load %arg16[%parallel_loop3A_410, %parallel_loop3A_411] {strides = array<i32>} : memref<80x48xf32, #tpu.memory_space<vmem>>, vector<16xf32>,
        tpu.vector_store %arg16[%parallel_loop3A_410, %parallel_loop3A_411], %parallel_loop3A_409 {strides = array<i32>} : memref<80x48xf32, #tpu.memory_space<vmem>>, vector<16xf32>,
        %parallel_loop3A_413 = arith.mulf %parallel_loop3A_402, %parallel_loop3A_408 : vector<16xf32>
        %parallel_loop3A_414 = arith.index_cast %parallel_loop3A_379 : i32 to index
        %parallel_loop3A_415 = arith.constant 16 : index
        %parallel_loop3A_416 = tpu.vector_load %arg16[%parallel_loop3A_414, %parallel_loop3A_415] {strides = array<i32>} : memref<80x48xf32, #tpu.memory_space<vmem>>, vector<16xf32>,
        tpu.vector_store %arg16[%parallel_loop3A_414, %parallel_loop3A_415], %parallel_loop3A_413 {strides = array<i32>} : memref<80x48xf32, #tpu.memory_space<vmem>>, vector<16xf32>,
        %parallel_loop3A_417 = arith.constant 0 : i32
        %parallel_loop3A_418 = vector.broadcast %parallel_loop3A_417 : i32 to vector<16xi32>
        %parallel_loop3A_419 = arith.cmpi eq, %iota3A, %parallel_loop3A_418 : vector<16xi32>
        %parallel_loop3A_420 = arith.select %parallel_loop3A_419, %parallel_loop3A_402, %parallel_loop3A_381 : vector<16xi1>, vector<16xf32>
        %parallel_loop3A_421 = arith.index_cast %parallel_loop3A_379 : i32 to index
        %parallel_loop3A_422 = arith.constant 32 : index
        %parallel_loop3A_423 = tpu.vector_load %arg16[%parallel_loop3A_421, %parallel_loop3A_422] {strides = array<i32>} : memref<80x48xf32, #tpu.memory_space<vmem>>, vector<16xf32>,
        tpu.vector_store %arg16[%parallel_loop3A_421, %parallel_loop3A_422], %parallel_loop3A_420 {strides = array<i32>} : memref<80x48xf32, #tpu.memory_space<vmem>>, vector<16xf32>,
      } {sc.loop_unroll_factor = 4 : i64, sc.parallel_access}
      %dma_start3A_259 = arith.constant 0 : i32
      %dma_start3A_260 = arith.constant 0 : i32
      %dma_start3A_261 = tpu.memref_slice %arg17[%dma_start3A_259, %dma_start3A_260] : memref<10000x48xf32, #tpu.memory_space<vmem_shared>> -> memref<10000x48xf32, #tpu.memory_space<vmem_shared>>
      tpu.enqueue_indirect_dma source(%arg16 : memref<80x48xf32, #tpu.memory_space<vmem>>) target(%dma_start3A_261 : memref<10000x48xf32, #tpu.memory_space<vmem_shared>>) offsets(%arg10 : memref<80xi32, #tpu.memory_space<vmem>>) semaphore(%arg24 : memref<!tpu.dma_semaphore, #tpu.memory_space<semaphore_mem>>) {add = true}
      %mul3A_262 = arith.constant 2 : i32
      %mul3A_263 = arith.muli %mul3A_262, %scan3A_145 : i32
      %add3A_264 = arith.constant 1 : i32
      %add3A_265 = arith.addi %mul3A_263, %add3A_264 : i32
      %dma_wait3A_266 = arith.constant 0 : i32
      %dma_wait3A_267 = arith.constant 0 : i32
      %dma_wait3A_268 = tpu.memref_slice %arg3[%dma_wait3A_266, %dma_wait3A_267] : memref<10000x32xf32, #tpu.memory_space<hbm>> -> memref<10000x32xf32, #tpu.memory_space<hbm>>
      tpu.wait_indirect_dma semaphore(%arg21 : memref<!tpu.dma_semaphore, #tpu.memory_space<semaphore_mem>>) src(%dma_wait3A_268 : memref<10000x32xf32, #tpu.memory_space<hbm>>) dst(%arg13 : memref<80x32xf32, #tpu.memory_space<vmem>>)
      %dma_wait3A_269 = arith.constant 0 : i32
      %dma_wait3A_270 = arith.constant 0 : i32
      %dma_wait3A_271 = tpu.memref_slice %arg4[%dma_wait3A_269, %dma_wait3A_270] : memref<10000x64xf32, #tpu.memory_space<hbm>> -> memref<10000x64xf32, #tpu.memory_space<hbm>>
      tpu.wait_indirect_dma semaphore(%arg23 : memref<!tpu.dma_semaphore, #tpu.memory_space<semaphore_mem>>) src(%dma_wait3A_271 : memref<10000x64xf32, #tpu.memory_space<hbm>>) dst(%arg15 : memref<80x64xf32, #tpu.memory_space<vmem>>)
      %dma_wait3A_272 = arith.constant 0 : i32
      %dma_wait3A_273 = arith.constant 0 : i32
      %dma_wait3A_274 = tpu.memref_slice %arg17[%dma_wait3A_272, %dma_wait3A_273] : memref<10000x48xf32, #tpu.memory_space<vmem_shared>> -> memref<10000x48xf32, #tpu.memory_space<vmem_shared>>
      tpu.wait_indirect_dma semaphore(%arg24 : memref<!tpu.dma_semaphore, #tpu.memory_space<semaphore_mem>>) src(%arg16 : memref<80x48xf32, #tpu.memory_space<vmem>>) dst(%dma_wait3A_274 : memref<10000x48xf32, #tpu.memory_space<vmem_shared>>)
      %mul3A_275 = arith.constant 2 : i32
      %mul3A_276 = arith.muli %mul3A_275, %mul3A_21 : i32
      %multiple_of3A_277 = tpu.assume_multiple %mul3A_276, 8 : i32
      %dma_wait3A_278 = tpu.memref_slice %arg2[%multiple_of3A_277] : memref<1280000xi32, #tpu.memory_space<hbm>> -> memref<160xi32, #tpu.memory_space<hbm>>
      %dma_wait3A_279 = tpu.memref_slice %arg2[%multiple_of3A_277] : memref<1280000xi32, #tpu.memory_space<hbm>> -> memref<160xi32, #tpu.memory_space<hbm>>
      tpu.wait_dma2 semaphore(%arg18 : memref<!tpu.dma_semaphore, #tpu.memory_space<semaphore_mem>>) src(%dma_wait3A_279 : memref<160xi32, #tpu.memory_space<hbm>>) dst(%arg6 : memref<160xi32, #tpu.memory_space<vmem>>)
      %add3A_280 = arith.constant 0 : i32
      %add3A_281 = vector.broadcast %add3A_280 : i32 to vector<16xi32>
      %add3A_282 = arith.addi %add3A_281, %iota3A : vector<16xi32>
      %mul3A_283 = arith.constant 2 : i32
      %mul3A_284 = vector.broadcast %mul3A_283 : i32 to vector<16xi32>
      %mul3A_285 = arith.muli %mul3A_284, %add3A_282 : vector<16xi32>
      %gather3A_286 = tpu.vector_load_idx %arg6[%mul3A_285] : memref<160xi32, #tpu.memory_space<vmem>>[vector<16xi32>], vector<16xi32>,
      %swap3A_287 = arith.constant 0 : index
      %swap3A_288 = tpu.vector_load %arg8[%swap3A_287] {strides = array<i32>} : memref<80xi32, #tpu.memory_space<vmem>>, vector<16xi32>,
      tpu.vector_store %arg8[%swap3A_287], %gather3A_286 {strides = array<i32>} : memref<80xi32, #tpu.memory_space<vmem>>, vector<16xi32>,
      %add3A_289 = arith.constant 1 : i32
      %add3A_290 = vector.broadcast %add3A_289 : i32 to vector<16xi32>
      %add3A_291 = arith.addi %mul3A_285, %add3A_290 : vector<16xi32>
      %gather3A_292 = tpu.vector_load_idx %arg6[%add3A_291] : memref<160xi32, #tpu.memory_space<vmem>>[vector<16xi32>], vector<16xi32>,
      %swap3A_293 = arith.constant 0 : index
      %swap3A_294 = tpu.vector_load %arg10[%swap3A_293] {strides = array<i32>} : memref<80xi32, #tpu.memory_space<vmem>>, vector<16xi32>,
      tpu.vector_store %arg10[%swap3A_293], %gather3A_292 {strides = array<i32>} : memref<80xi32, #tpu.memory_space<vmem>>, vector<16xi32>,
      %add3A_295 = arith.constant 16 : i32
      %add3A_296 = vector.broadcast %add3A_295 : i32 to vector<16xi32>
      %add3A_297 = arith.addi %add3A_296, %iota3A : vector<16xi32>
      %mul3A_298 = arith.constant 2 : i32
      %mul3A_299 = vector.broadcast %mul3A_298 : i32 to vector<16xi32>
      %mul3A_300 = arith.muli %mul3A_299, %add3A_297 : vector<16xi32>
      %gather3A_301 = tpu.vector_load_idx %arg6[%mul3A_300] : memref<160xi32, #tpu.memory_space<vmem>>[vector<16xi32>], vector<16xi32>,
      %swap3A_302 = arith.constant 16 : index
      %swap3A_303 = tpu.vector_load %arg8[%swap3A_302] {strides = array<i32>} : memref<80xi32, #tpu.memory_space<vmem>>, vector<16xi32>,
      tpu.vector_store %arg8[%swap3A_302], %gather3A_301 {strides = array<i32>} : memref<80xi32, #tpu.memory_space<vmem>>, vector<16xi32>,
      %add3A_304 = arith.constant 1 : i32
      %add3A_305 = vector.broadcast %add3A_304 : i32 to vector<16xi32>
      %add3A_306 = arith.addi %mul3A_300, %add3A_305 : vector<16xi32>
      %gather3A_307 = tpu.vector_load_idx %arg6[%add3A_306] : memref<160xi32, #tpu.memory_space<vmem>>[vector<16xi32>], vector<16xi32>,
      %swap3A_308 = arith.constant 16 : index
      %swap3A_309 = tpu.vector_load %arg10[%swap3A_308] {strides = array<i32>} : memref<80xi32, #tpu.memory_space<vmem>>, vector<16xi32>,
      tpu.vector_store %arg10[%swap3A_308], %gather3A_307 {strides = array<i32>} : memref<80xi32, #tpu.memory_space<vmem>>, vector<16xi32>,
      %add3A_310 = arith.constant 32 : i32
      %add3A_311 = vector.broadcast %add3A_310 : i32 to vector<16xi32>
      %add3A_312 = arith.addi %add3A_311, %iota3A : vector<16xi32>
      %mul3A_313 = arith.constant 2 : i32
      %mul3A_314 = vector.broadcast %mul3A_313 : i32 to vector<16xi32>
      %mul3A_315 = arith.muli %mul3A_314, %add3A_312 : vector<16xi32>
      %gather3A_316 = tpu.vector_load_idx %arg6[%mul3A_315] : memref<160xi32, #tpu.memory_space<vmem>>[vector<16xi32>], vector<16xi32>,
      %swap3A_317 = arith.constant 32 : index
      %swap3A_318 = tpu.vector_load %arg8[%swap3A_317] {strides = array<i32>} : memref<80xi32, #tpu.memory_space<vmem>>, vector<16xi32>,
      tpu.vector_store %arg8[%swap3A_317], %gather3A_316 {strides = array<i32>} : memref<80xi32, #tpu.memory_space<vmem>>, vector<16xi32>,
      %add3A_319 = arith.constant 1 : i32
      %add3A_320 = vector.broadcast %add3A_319 : i32 to vector<16xi32>
      %add3A_321 = arith.addi %mul3A_315, %add3A_320 : vector<16xi32>
      %gather3A_322 = tpu.vector_load_idx %arg6[%add3A_321] : memref<160xi32, #tpu.memory_space<vmem>>[vector<16xi32>], vector<16xi32>,
      %swap3A_323 = arith.constant 32 : index
      %swap3A_324 = tpu.vector_load %arg10[%swap3A_323] {strides = array<i32>} : memref<80xi32, #tpu.memory_space<vmem>>, vector<16xi32>,
      tpu.vector_store %arg10[%swap3A_323], %gather3A_322 {strides = array<i32>} : memref<80xi32, #tpu.memory_space<vmem>>, vector<16xi32>,
      %add3A_325 = arith.constant 48 : i32
      %add3A_326 = vector.broadcast %add3A_325 : i32 to vector<16xi32>
      %add3A_327 = arith.addi %add3A_326, %iota3A : vector<16xi32>
      %mul3A_328 = arith.constant 2 : i32
      %mul3A_329 = vector.broadcast %mul3A_328 : i32 to vector<16xi32>
      %mul3A_330 = arith.muli %mul3A_329, %add3A_327 : vector<16xi32>
      %gather3A_331 = tpu.vector_load_idx %arg6[%mul3A_330] : memref<160xi32, #tpu.memory_space<vmem>>[vector<16xi32>], vector<16xi32>,
      %swap3A_332 = arith.constant 48 : index
      %swap3A_333 = tpu.vector_load %arg8[%swap3A_332] {strides = array<i32>} : memref<80xi32, #tpu.memory_space<vmem>>, vector<16xi32>,
      tpu.vector_store %arg8[%swap3A_332], %gather3A_331 {strides = array<i32>} : memref<80xi32, #tpu.memory_space<vmem>>, vector<16xi32>,
      %add3A_334 = arith.constant 1 : i32
      %add3A_335 = vector.broadcast %add3A_334 : i32 to vector<16xi32>
      %add3A_336 = arith.addi %mul3A_330, %add3A_335 : vector<16xi32>
      %gather3A_337 = tpu.vector_load_idx %arg6[%add3A_336] : memref<160xi32, #tpu.memory_space<vmem>>[vector<16xi32>], vector<16xi32>,
      %swap3A_338 = arith.constant 48 : index
      %swap3A_339 = tpu.vector_load %arg10[%swap3A_338] {strides = array<i32>} : memref<80xi32, #tpu.memory_space<vmem>>, vector<16xi32>,
      tpu.vector_store %arg10[%swap3A_338], %gather3A_337 {strides = array<i32>} : memref<80xi32, #tpu.memory_space<vmem>>, vector<16xi32>,
      %add3A_340 = arith.constant 64 : i32
      %add3A_341 = vector.broadcast %add3A_340 : i32 to vector<16xi32>
      %add3A_342 = arith.addi %add3A_341, %iota3A : vector<16xi32>
      %mul3A_343 = arith.constant 2 : i32
      %mul3A_344 = vector.broadcast %mul3A_343 : i32 to vector<16xi32>
      %mul3A_345 = arith.muli %mul3A_344, %add3A_342 : vector<16xi32>
      %gather3A_346 = tpu.vector_load_idx %arg6[%mul3A_345] : memref<160xi32, #tpu.memory_space<vmem>>[vector<16xi32>], vector<16xi32>,
      %swap3A_347 = arith.constant 64 : index
      %swap3A_348 = tpu.vector_load %arg8[%swap3A_347] {strides = array<i32>} : memref<80xi32, #tpu.memory_space<vmem>>, vector<16xi32>,
      tpu.vector_store %arg8[%swap3A_347], %gather3A_346 {strides = array<i32>} : memref<80xi32, #tpu.memory_space<vmem>>, vector<16xi32>,
      %add3A_349 = arith.constant 1 : i32
      %add3A_350 = vector.broadcast %add3A_349 : i32 to vector<16xi32>
      %add3A_351 = arith.addi %mul3A_345, %add3A_350 : vector<16xi32>
      %gather3A_352 = tpu.vector_load_idx %arg6[%add3A_351] : memref<160xi32, #tpu.memory_space<vmem>>[vector<16xi32>], vector<16xi32>,
      %swap3A_353 = arith.constant 64 : index
      %swap3A_354 = tpu.vector_load %arg10[%swap3A_353] {strides = array<i32>} : memref<80xi32, #tpu.memory_space<vmem>>, vector<16xi32>,
      tpu.vector_store %arg10[%swap3A_353], %gather3A_352 {strides = array<i32>} : memref<80xi32, #tpu.memory_space<vmem>>, vector<16xi32>,
      %dma_start3A_355 = arith.constant 0 : i32
      %dma_start3A_356 = arith.constant 0 : i32
      %dma_start3A_357 = tpu.memref_slice %arg3[%dma_start3A_355, %dma_start3A_356] : memref<10000x32xf32, #tpu.memory_space<hbm>> -> memref<10000x32xf32, #tpu.memory_space<hbm>>
      tpu.enqueue_indirect_dma source(%dma_start3A_357 : memref<10000x32xf32, #tpu.memory_space<hbm>>) target(%arg12 : memref<80x32xf32, #tpu.memory_space<vmem>>) offsets(%arg10 : memref<80xi32, #tpu.memory_space<vmem>>) semaphore(%arg20 : memref<!tpu.dma_semaphore, #tpu.memory_space<semaphore_mem>>)
      %dma_start3A_358 = arith.constant 0 : i32
      %dma_start3A_359 = arith.constant 0 : i32
      %dma_start3A_360 = tpu.memref_slice %arg4[%dma_start3A_358, %dma_start3A_359] : memref<10000x64xf32, #tpu.memory_space<hbm>> -> memref<10000x64xf32, #tpu.memory_space<hbm>>
      tpu.enqueue_indirect_dma source(%dma_start3A_360 : memref<10000x64xf32, #tpu.memory_space<hbm>>) target(%arg14 : memref<80x64xf32, #tpu.memory_space<vmem>>) offsets(%arg8 : memref<80xi32, #tpu.memory_space<vmem>>) semaphore(%arg22 : memref<!tpu.dma_semaphore, #tpu.memory_space<semaphore_mem>>)
      %add3A_361 = arith.constant 2 : i32
      %add3A_362 = arith.addi %add3A_265, %add3A_361 : i32
      %min3A_363 = arith.constant 249 : i32
      %min3A_364 = arith.minsi %add3A_362, %min3A_363 : i32
      %mul3A_365 = arith.constant 80 : i32
      %mul3A_366 = arith.muli %min3A_364, %mul3A_365 : i32
      %add3A_367 = arith.addi %mul3A_21, %mul3A_366 : i32
      %mul3A_368 = arith.constant 2 : i32
      %mul3A_369 = arith.muli %mul3A_368, %add3A_367 : i32
      %multiple_of3A_370 = tpu.assume_multiple %mul3A_369, 8 : i32
      %dma_start3A_371 = tpu.memref_slice %arg2[%multiple_of3A_370] : memref<1280000xi32, #tpu.memory_space<hbm>> -> memref<160xi32, #tpu.memory_space<hbm>>
      %dma_start3A_372 = tpu.memref_slice %arg2[%multiple_of3A_370] : memref<1280000xi32, #tpu.memory_space<hbm>> -> memref<160xi32, #tpu.memory_space<hbm>>
      tpu.enqueue_dma source(%dma_start3A_372 : memref<160xi32, #tpu.memory_space<hbm>>) target(%arg7 : memref<160xi32, #tpu.memory_space<vmem>>) target_semaphore(%arg19 : memref<!tpu.dma_semaphore, #tpu.memory_space<semaphore_mem>>)
      %parallel_loop3A_373 = arith.constant 0 : i32
      %parallel_loop3A_374 = arith.constant 80 : i32
      %parallel_loop3A_375 = arith.constant 1 : i32
      scf.for %parallel_loop3A_379 = %parallel_loop3A_373 to %parallel_loop3A_374 step %parallel_loop3A_375  : i32 {
        %parallel_loop3A_380 = arith.constant 0.000000e+00 : f32
        %parallel_loop3A_381 = vector.broadcast %parallel_loop3A_380 : f32 to vector<16xf32>
        %parallel_loop3A_382 = arith.index_cast %parallel_loop3A_379 : i32 to index
        %parallel_loop3A_383 = arith.constant 0 : index
        %parallel_loop3A_384 = tpu.vector_load %arg13[%parallel_loop3A_382, %parallel_loop3A_383] {strides = array<i32>} : memref<80x32xf32, #tpu.memory_space<vmem>>, vector<16xf32>,
        %parallel_loop3A_385 = arith.index_cast %parallel_loop3A_379 : i32 to index
        %parallel_loop3A_386 = arith.constant 16 : index
        %parallel_loop3A_387 = tpu.vector_load %arg13[%parallel_loop3A_385, %parallel_loop3A_386] {strides = array<i32>} : memref<80x32xf32, #tpu.memory_space<vmem>>, vector<16xf32>,
        %parallel_loop3A_388 = arith.index_cast %parallel_loop3A_379 : i32 to index
        %parallel_loop3A_389 = arith.constant 0 : index
        %parallel_loop3A_390 = tpu.vector_load %arg15[%parallel_loop3A_388, %parallel_loop3A_389] {strides = array<i32>} : memref<80x64xf32, #tpu.memory_space<vmem>>, vector<16xf32>,
        %parallel_loop3A_391 = arith.index_cast %parallel_loop3A_379 : i32 to index
        %parallel_loop3A_392 = arith.constant 16 : index
        %parallel_loop3A_393 = tpu.vector_load %arg15[%parallel_loop3A_391, %parallel_loop3A_392] {strides = array<i32>} : memref<80x64xf32, #tpu.memory_space<vmem>>, vector<16xf32>,
        %parallel_loop3A_394 = arith.mulf %parallel_loop3A_384, %parallel_loop3A_390 : vector<16xf32>
        %parallel_loop3A_395 = arith.mulf %parallel_loop3A_387, %parallel_loop3A_393 : vector<16xf32>
        %parallel_loop3A_396 = arith.addf %parallel_loop3A_394, %parallel_loop3A_395 : vector<16xf32>
        %parallel_loop3A_397 = arith.constant true
        %parallel_loop3A_398 = vector.broadcast %parallel_loop3A_397 : i1 to vector<16xi1>
        %parallel_loop3A_399 = tpu.scan <sum>, %parallel_loop3A_396 masked %parallel_loop3A_398 : vector<16xf32>, vector<16xi1> -> vector<16xf32>
        %parallel_loop3A_400 = vector.extract %parallel_loop3A_399[15] : f32 from vector<16xf32>
        %parallel_loop3A_401 = vector.broadcast %parallel_loop3A_400 : f32 to vector<16xf32>
        %parallel_loop3A_402 = math.exp %parallel_loop3A_401 : vector<16xf32>
        %parallel_loop3A_403 = arith.index_cast %parallel_loop3A_379 : i32 to index
        %parallel_loop3A_404 = arith.constant 32 : index
        %parallel_loop3A_405 = tpu.vector_load %arg15[%parallel_loop3A_403, %parallel_loop3A_404] {strides = array<i32>} : memref<80x64xf32, #tpu.memory_space<vmem>>, vector<16xf32>,
        %parallel_loop3A_406 = arith.index_cast %parallel_loop3A_379 : i32 to index
        %parallel_loop3A_407 = arith.constant 48 : index
        %parallel_loop3A_408 = tpu.vector_load %arg15[%parallel_loop3A_406, %parallel_loop3A_407] {strides = array<i32>} : memref<80x64xf32, #tpu.memory_space<vmem>>, vector<16xf32>,
        %parallel_loop3A_409 = arith.mulf %parallel_loop3A_402, %parallel_loop3A_405 : vector<16xf32>
        %parallel_loop3A_410 = arith.index_cast %parallel_loop3A_379 : i32 to index
        %parallel_loop3A_411 = arith.constant 0 : index
        %parallel_loop3A_412 = tpu.vector_load %arg16[%parallel_loop3A_410, %parallel_loop3A_411] {strides = array<i32>} : memref<80x48xf32, #tpu.memory_space<vmem>>, vector<16xf32>,
        tpu.vector_store %arg16[%parallel_loop3A_410, %parallel_loop3A_411], %parallel_loop3A_409 {strides = array<i32>} : memref<80x48xf32, #tpu.memory_space<vmem>>, vector<16xf32>,
        %parallel_loop3A_413 = arith.mulf %parallel_loop3A_402, %parallel_loop3A_408 : vector<16xf32>
        %parallel_loop3A_414 = arith.index_cast %parallel_loop3A_379 : i32 to index
        %parallel_loop3A_415 = arith.constant 16 : index
        %parallel_loop3A_416 = tpu.vector_load %arg16[%parallel_loop3A_414, %parallel_loop3A_415] {strides = array<i32>} : memref<80x48xf32, #tpu.memory_space<vmem>>, vector<16xf32>,
        tpu.vector_store %arg16[%parallel_loop3A_414, %parallel_loop3A_415], %parallel_loop3A_413 {strides = array<i32>} : memref<80x48xf32, #tpu.memory_space<vmem>>, vector<16xf32>,
        %parallel_loop3A_417 = arith.constant 0 : i32
        %parallel_loop3A_418 = vector.broadcast %parallel_loop3A_417 : i32 to vector<16xi32>
        %parallel_loop3A_419 = arith.cmpi eq, %iota3A, %parallel_loop3A_418 : vector<16xi32>
        %parallel_loop3A_420 = arith.select %parallel_loop3A_419, %parallel_loop3A_402, %parallel_loop3A_381 : vector<16xi1>, vector<16xf32>
        %parallel_loop3A_421 = arith.index_cast %parallel_loop3A_379 : i32 to index
        %parallel_loop3A_422 = arith.constant 32 : index
        %parallel_loop3A_423 = tpu.vector_load %arg16[%parallel_loop3A_421, %parallel_loop3A_422] {strides = array<i32>} : memref<80x48xf32, #tpu.memory_space<vmem>>, vector<16xf32>,
        tpu.vector_store %arg16[%parallel_loop3A_421, %parallel_loop3A_422], %parallel_loop3A_420 {strides = array<i32>} : memref<80x48xf32, #tpu.memory_space<vmem>>, vector<16xf32>,
      } {sc.loop_unroll_factor = 4 : i64, sc.parallel_access}
      %dma_start3A_376 = arith.constant 0 : i32
      %dma_start3A_377 = arith.constant 0 : i32
      %dma_start3A_378 = tpu.memref_slice %arg17[%dma_start3A_376, %dma_start3A_377] : memref<10000x48xf32, #tpu.memory_space<vmem_shared>> -> memref<10000x48xf32, #tpu.memory_space<vmem_shared>>
      tpu.enqueue_indirect_dma source(%arg16 : memref<80x48xf32, #tpu.memory_space<vmem>>) target(%dma_start3A_378 : memref<10000x48xf32, #tpu.memory_space<vmem_shared>>) offsets(%arg11 : memref<80xi32, #tpu.memory_space<vmem>>) semaphore(%arg24 : memref<!tpu.dma_semaphore, #tpu.memory_space<semaphore_mem>>) {add = true}
    }
    %scan3A_122 = arith.constant 125 : i32
    %dma_wait3A_123 = arith.constant 0 : i32
    %dma_wait3A_124 = arith.constant 0 : i32
    %dma_wait3A_125 = tpu.memref_slice %arg17[%dma_wait3A_123, %dma_wait3A_124] : memref<10000x48xf32, #tpu.memory_space<vmem_shared>> -> memref<10000x48xf32, #tpu.memory_space<vmem_shared>>
    tpu.wait_indirect_dma semaphore(%arg24 : memref<!tpu.dma_semaphore, #tpu.memory_space<semaphore_mem>>) src(%arg16 : memref<80x48xf32, #tpu.memory_space<vmem>>) dst(%dma_wait3A_125 : memref<10000x48xf32, #tpu.memory_space<vmem_shared>>)
    %dma_wait3A_126 = arith.constant 0 : i32
    %dma_wait3A_127 = arith.constant 0 : i32
    %dma_wait3A_128 = tpu.memref_slice %arg3[%dma_wait3A_126, %dma_wait3A_127] : memref<10000x32xf32, #tpu.memory_space<hbm>> -> memref<10000x32xf32, #tpu.memory_space<hbm>>
    tpu.wait_indirect_dma semaphore(%arg20 : memref<!tpu.dma_semaphore, #tpu.memory_space<semaphore_mem>>) src(%dma_wait3A_128 : memref<10000x32xf32, #tpu.memory_space<hbm>>) dst(%arg12 : memref<80x32xf32, #tpu.memory_space<vmem>>)
    %dma_wait3A_129 = arith.constant 0 : i32
    %dma_wait3A_130 = arith.constant 0 : i32
    %dma_wait3A_131 = tpu.memref_slice %arg4[%dma_wait3A_129, %dma_wait3A_130] : memref<10000x64xf32, #tpu.memory_space<hbm>> -> memref<10000x64xf32, #tpu.memory_space<hbm>>
    tpu.wait_indirect_dma semaphore(%arg22 : memref<!tpu.dma_semaphore, #tpu.memory_space<semaphore_mem>>) src(%dma_wait3A_131 : memref<10000x64xf32, #tpu.memory_space<hbm>>) dst(%arg14 : memref<80x64xf32, #tpu.memory_space<vmem>>)
    %mul3A_132 = arith.constant 2 : i32
    %mul3A_133 = arith.muli %mul3A_132, %mul3A_21 : i32
    %multiple_of3A_134 = tpu.assume_multiple %mul3A_133, 8 : i32
    %dma_wait3A_135 = tpu.memref_slice %arg2[%multiple_of3A_134] : memref<1280000xi32, #tpu.memory_space<hbm>> -> memref<160xi32, #tpu.memory_space<hbm>>
    %dma_wait3A_136 = tpu.memref_slice %arg2[%multiple_of3A_134] : memref<1280000xi32, #tpu.memory_space<hbm>> -> memref<160xi32, #tpu.memory_space<hbm>>
    tpu.wait_dma2 semaphore(%arg19 : memref<!tpu.dma_semaphore, #tpu.memory_space<semaphore_mem>>) src(%dma_wait3A_136 : memref<160xi32, #tpu.memory_space<hbm>>) dst(%arg7 : memref<160xi32, #tpu.memory_space<vmem>>)
    %barrier3A_137 = arith.constant 0 : index
    tpu.barrier barrier_id(%barrier3A_137)
    %lt3A_138 = arith.constant 15 : i32
    %lt3A_139 = arith.cmpi slt, %arg1, %lt3A_138 : i32
    %convert_element_type3A = arith.extui %lt3A_139 : i1 to i32
    %cond3A = arith.constant 0 : i32
    %cond3A_140 = arith.cmpi ne, %convert_element_type3A, %cond3A : i32
    scf.if %cond3A_140 {
      "tpu.region"() ({
        %run_scoped3A = tpu.sem_alloc : memref<!tpu.dma_semaphore, #tpu.memory_space<semaphore_mem>>
        %dma_start3A_145 = arith.constant 0 : i32
        %dma_start3A_146 = tpu.memref_slice %arg5[%arg0, %mul3A_8, %dma_start3A_145] : memref<2x10000x48xf32, #tpu.memory_space<hbm>> -> memref<1x640x48xf32, #tpu.memory_space<hbm>>
        %dma_start3A_147 = tpu.memref_squeeze %dma_start3A_146 : memref<1x640x48xf32, #tpu.memory_space<hbm>> -> memref<640x48xf32, #tpu.memory_space<hbm>>
        %dma_start3A_148 = arith.constant 0 : i32
        %dma_start3A_149 = tpu.memref_slice %arg17[%mul3A_8, %dma_start3A_148] : memref<10000x48xf32, #tpu.memory_space<vmem_shared>> -> memref<640x48xf32, #tpu.memory_space<vmem_shared>>
        tpu.enqueue_dma source(%dma_start3A_149 : memref<640x48xf32, #tpu.memory_space<vmem_shared>>) target(%dma_start3A_147 : memref<640x48xf32, #tpu.memory_space<hbm>>) target_semaphore(%run_scoped3A : memref<!tpu.dma_semaphore, #tpu.memory_space<semaphore_mem>>)
        %dma_wait3A_150 = arith.constant 0 : i32
        %dma_wait3A_151 = tpu.memref_slice %arg5[%arg0, %mul3A_8, %dma_wait3A_150] : memref<2x10000x48xf32, #tpu.memory_space<hbm>> -> memref<1x640x48xf32, #tpu.memory_space<hbm>>
        %dma_wait3A_152 = tpu.memref_squeeze %dma_wait3A_151 : memref<1x640x48xf32, #tpu.memory_space<hbm>> -> memref<640x48xf32, #tpu.memory_space<hbm>>
        %dma_wait3A_153 = arith.constant 0 : i32
        %dma_wait3A_154 = tpu.memref_slice %arg17[%mul3A_8, %dma_wait3A_153] : memref<10000x48xf32, #tpu.memory_space<vmem_shared>> -> memref<640x48xf32, #tpu.memory_space<vmem_shared>>
        tpu.wait_dma2 semaphore(%run_scoped3A : memref<!tpu.dma_semaphore, #tpu.memory_space<semaphore_mem>>) src(%dma_wait3A_154 : memref<640x48xf32, #tpu.memory_space<vmem_shared>>) dst(%dma_wait3A_152 : memref<640x48xf32, #tpu.memory_space<hbm>>)
        tpu.yield
      }) : () -> ()
    } else {
    }
    %eq3A = arith.constant 15 : i32
    %eq3A_141 = arith.cmpi eq, %arg1, %eq3A : i32
    %convert_element_type3A_142 = arith.extui %eq3A_141 : i1 to i32
    %cond3A_143 = arith.constant 0 : i32
    %cond3A_144 = arith.cmpi ne, %convert_element_type3A_142, %cond3A_143 : i32
    scf.if %cond3A_144 {
      "tpu.region"() ({
        %run_scoped3A = tpu.sem_alloc : memref<!tpu.dma_semaphore, #tpu.memory_space<semaphore_mem>>
        %dma_start3A_145 = arith.constant 9600 : i32
        %dma_start3A_146 = arith.constant 0 : i32
        %dma_start3A_147 = tpu.memref_slice %arg5[%arg0, %dma_start3A_145, %dma_start3A_146] : memref<2x10000x48xf32, #tpu.memory_space<hbm>> -> memref<1x400x48xf32, #tpu.memory_space<hbm>>
        %dma_start3A_148 = tpu.memref_squeeze %dma_start3A_147 : memref<1x400x48xf32, #tpu.memory_space<hbm>> -> memref<400x48xf32, #tpu.memory_space<hbm>>
        %dma_start3A_149 = arith.constant 9600 : i32
        %dma_start3A_150 = arith.constant 0 : i32
        %dma_start3A_151 = tpu.memref_slice %arg17[%dma_start3A_149, %dma_start3A_150] : memref<10000x48xf32, #tpu.memory_space<vmem_shared>> -> memref<400x48xf32, #tpu.memory_space<vmem_shared>>
        tpu.enqueue_dma source(%dma_start3A_151 : memref<400x48xf32, #tpu.memory_space<vmem_shared>>) target(%dma_start3A_148 : memref<400x48xf32, #tpu.memory_space<hbm>>) target_semaphore(%run_scoped3A : memref<!tpu.dma_semaphore, #tpu.memory_space<semaphore_mem>>)
        %dma_wait3A_152 = arith.constant 9600 : i32
        %dma_wait3A_153 = arith.constant 0 : i32
        %dma_wait3A_154 = tpu.memref_slice %arg5[%arg0, %dma_wait3A_152, %dma_wait3A_153] : memref<2x10000x48xf32, #tpu.memory_space<hbm>> -> memref<1x400x48xf32, #tpu.memory_space<hbm>>
        %dma_wait3A_155 = tpu.memref_squeeze %dma_wait3A_154 : memref<1x400x48xf32, #tpu.memory_space<hbm>> -> memref<400x48xf32, #tpu.memory_space<hbm>>
        %dma_wait3A_156 = arith.constant 9600 : i32
        %dma_wait3A_157 = arith.constant 0 : i32
        %dma_wait3A_158 = tpu.memref_slice %arg17[%dma_wait3A_156, %dma_wait3A_157] : memref<10000x48xf32, #tpu.memory_space<vmem_shared>> -> memref<400x48xf32, #tpu.memory_space<vmem_shared>>
        tpu.wait_dma2 semaphore(%run_scoped3A : memref<!tpu.dma_semaphore, #tpu.memory_space<semaphore_mem>>) src(%dma_wait3A_158 : memref<400x48xf32, #tpu.memory_space<vmem_shared>>) dst(%dma_wait3A_155 : memref<400x48xf32, #tpu.memory_space<hbm>>)
        tpu.yield
      }) : () -> ()
    } else {
    }
    return
  }
}

module attributes {stable_mosaic.version = 14 : i64} {
  func.func @_tca_body(%arg0: i32, %arg1: memref<2000x128xf32, #tpu.memory_space<vmem>>, %arg2: memref<2000x128xf32, #tpu.memory_space<vmem>>, %arg3: memref<128x32xf32, #tpu.memory_space<vmem>>, %arg4: memref<1x32xf32, #tpu.memory_space<vmem>>, %arg5: memref<32x128xf32, #tpu.memory_space<vmem>>, %arg6: memref<1x128xf32, #tpu.memory_space<vmem>>, %arg7: memref<32x128xf32, #tpu.memory_space<vmem>>, %arg8: memref<1x128xf32, #tpu.memory_space<vmem>>, %arg9: memref<32x128xf32, #tpu.memory_space<vmem>>, %arg10: memref<1x128xf32, #tpu.memory_space<vmem>>, %arg11: memref<32x32xf32, #tpu.memory_space<vmem>>, %arg12: memref<1x32xf32, #tpu.memory_space<vmem>>, %arg13: memref<2000x128xf32, #tpu.memory_space<vmem>>, %arg14: memref<2000x256xf32, #tpu.memory_space<vmem>>, %arg15: memref<2000x32xf32, #tpu.memory_space<vmem>>, %arg16: memref<2000x128xi32, #tpu.memory_space<vmem>>) attributes {dimension_semantics = [#tpu.dimension_semantics<arbitrary>], iteration_bounds = array<i64: 5>, scalar_prefetch = 0 : i64, scratch_operands = 0 : i64, tpu.core_type = #tpu.core_type<tc>, window_params = [{transform_indices = @transform_0, window_bounds = array<i64: 2000, 128>}, {transform_indices = @transform_1, window_bounds = array<i64: 2000, 128>}, {pipeline_mode = #tpu.pipeline_mode<synchronous>, transform_indices = @transform_2, window_bounds = array<i64: 128, 32>}, {pipeline_mode = #tpu.pipeline_mode<synchronous>, transform_indices = @transform_3, window_bounds = array<i64: 1, 32>}, {pipeline_mode = #tpu.pipeline_mode<synchronous>, transform_indices = @transform_4, window_bounds = array<i64: 32, 128>}, {pipeline_mode = #tpu.pipeline_mode<synchronous>, transform_indices = @transform_5, window_bounds = array<i64: 1, 128>}, {pipeline_mode = #tpu.pipeline_mode<synchronous>, transform_indices = @transform_6, window_bounds = array<i64: 32, 128>}, {pipeline_mode = #tpu.pipeline_mode<synchronous>, transform_indices = @transform_7, window_bounds = array<i64: 1, 128>}, {pipeline_mode = #tpu.pipeline_mode<synchronous>, transform_indices = @transform_8, window_bounds = array<i64: 32, 128>}, {pipeline_mode = #tpu.pipeline_mode<synchronous>, transform_indices = @transform_9, window_bounds = array<i64: 1, 128>}, {pipeline_mode = #tpu.pipeline_mode<synchronous>, transform_indices = @transform_10, window_bounds = array<i64: 32, 32>}, {pipeline_mode = #tpu.pipeline_mode<synchronous>, transform_indices = @transform_11, window_bounds = array<i64: 1, 32>}, {transform_indices = @transform_12, window_bounds = array<i64: 2000, 128>}, {transform_indices = @transform_13, window_bounds = array<i64: 2000, 256>}, {transform_indices = @transform_14, window_bounds = array<i64: 2000, 32>}, {transform_indices = @transform_15, window_bounds = array<i64: 2000, 128>}]} {
    %get3A = arith.constant 0 : index
    %get3A_0 = arith.constant 0 : index
    %get3A_1 = vector.load %arg1[%get3A, %get3A_0] : memref<2000x128xf32, #tpu.memory_space<vmem>>, vector<2000x128xf32>
    %get3A_2 = arith.constant 0 : index
    %get3A_3 = arith.constant 0 : index
    %get3A_4 = vector.load %arg3[%get3A_2, %get3A_3] : memref<128x32xf32, #tpu.memory_space<vmem>>, vector<128x32xf32>
    %get3A_5 = arith.constant 0 : index
    %get3A_6 = arith.constant 0 : index
    %get3A_7 = vector.load %arg4[%get3A_5, %get3A_6] : memref<1x32xf32, #tpu.memory_space<vmem>>, vector<1x32xf32>
    %dot_general3A = arith.constant dense<0.000000e+00> : vector<2000x32xf32>
    %dot_general3A_8 = tpu.matmul %get3A_1, %get3A_4, %dot_general3A {dimension_numbers = #tpu.dot_dimension_numbers<[1], [0], [0], [1], [0, 0, 1, 1], [], []>, transpose_lhs_hint = false} : vector<2000x128xf32>, vector<128x32xf32>, vector<2000x32xf32> -> vector<2000x32xf32>
    %add3A = vector.broadcast %get3A_7 : vector<1x32xf32> to vector<2000x32xf32>
    %add3A_9 = arith.addf %dot_general3A_8, %add3A : vector<2000x32xf32>
    %get3A_10 = arith.constant 0 : index
    %get3A_11 = arith.constant 0 : index
    %get3A_12 = vector.load %arg5[%get3A_10, %get3A_11] : memref<32x128xf32, #tpu.memory_space<vmem>>, vector<32x128xf32>
    %get3A_13 = arith.constant 0 : index
    %get3A_14 = arith.constant 0 : index
    %get3A_15 = vector.load %arg6[%get3A_13, %get3A_14] : memref<1x128xf32, #tpu.memory_space<vmem>>, vector<1x128xf32>
    %dot_general3A_16 = arith.constant dense<0.000000e+00> : vector<2000x128xf32>
    %dot_general3A_17 = tpu.matmul %add3A_9, %get3A_12, %dot_general3A_16 {dimension_numbers = #tpu.dot_dimension_numbers<[1], [0], [0], [1], [0, 0, 1, 1], [], []>, transpose_lhs_hint = false} : vector<2000x32xf32>, vector<32x128xf32>, vector<2000x128xf32> -> vector<2000x128xf32>
    %add3A_18 = vector.broadcast %get3A_15 : vector<1x128xf32> to vector<2000x128xf32>
    %add3A_19 = arith.addf %dot_general3A_17, %add3A_18 : vector<2000x128xf32>
    %swap3A = arith.constant 0 : index
    %swap3A_20 = arith.constant 0 : index
    %swap3A_21 = vector.load %arg13[%swap3A, %swap3A_20] : memref<2000x128xf32, #tpu.memory_space<vmem>>, vector<2000x128xf32>
    tpu.vector_store %arg13[%swap3A, %swap3A_20], %add3A_19 {strides = array<i32>} : memref<2000x128xf32, #tpu.memory_space<vmem>>, vector<2000x128xf32>,
    %get3A_22 = arith.constant 0 : index
    %get3A_23 = arith.constant 0 : index
    %get3A_24 = vector.load %arg7[%get3A_22, %get3A_23] : memref<32x128xf32, #tpu.memory_space<vmem>>, vector<32x128xf32>
    %get3A_25 = arith.constant 0 : index
    %get3A_26 = arith.constant 0 : index
    %get3A_27 = vector.load %arg8[%get3A_25, %get3A_26] : memref<1x128xf32, #tpu.memory_space<vmem>>, vector<1x128xf32>
    %dot_general3A_28 = arith.constant dense<0.000000e+00> : vector<2000x128xf32>
    %dot_general3A_29 = tpu.matmul %add3A_9, %get3A_24, %dot_general3A_28 {dimension_numbers = #tpu.dot_dimension_numbers<[1], [0], [0], [1], [0, 0, 1, 1], [], []>, transpose_lhs_hint = false} : vector<2000x32xf32>, vector<32x128xf32>, vector<2000x128xf32> -> vector<2000x128xf32>
    %add3A_30 = vector.broadcast %get3A_27 : vector<1x128xf32> to vector<2000x128xf32>
    %add3A_31 = arith.addf %dot_general3A_29, %add3A_30 : vector<2000x128xf32>
    %get3A_32 = arith.constant 0 : index
    %get3A_33 = arith.constant 0 : index
    %get3A_34 = vector.load %arg9[%get3A_32, %get3A_33] : memref<32x128xf32, #tpu.memory_space<vmem>>, vector<32x128xf32>
    %get3A_35 = arith.constant 0 : index
    %get3A_36 = arith.constant 0 : index
    %get3A_37 = vector.load %arg10[%get3A_35, %get3A_36] : memref<1x128xf32, #tpu.memory_space<vmem>>, vector<1x128xf32>
    %dot_general3A_38 = arith.constant dense<0.000000e+00> : vector<2000x128xf32>
    %dot_general3A_39 = tpu.matmul %add3A_9, %get3A_34, %dot_general3A_38 {dimension_numbers = #tpu.dot_dimension_numbers<[1], [0], [0], [1], [0, 0, 1, 1], [], []>, transpose_lhs_hint = false} : vector<2000x32xf32>, vector<32x128xf32>, vector<2000x128xf32> -> vector<2000x128xf32>
    %add3A_40 = vector.broadcast %get3A_37 : vector<1x128xf32> to vector<2000x128xf32>
    %add3A_41 = arith.addf %dot_general3A_39, %add3A_40 : vector<2000x128xf32>
    %concatenate3A = tpu.concatenate %add3A_31, %add3A_41 in 1 : vector<2000x128xf32>, vector<2000x128xf32> -> vector<2000x256xf32>
    %swap3A_42 = arith.constant 0 : index
    %swap3A_43 = arith.constant 0 : index
    %swap3A_44 = vector.load %arg14[%swap3A_42, %swap3A_43] : memref<2000x256xf32, #tpu.memory_space<vmem>>, vector<2000x256xf32>
    tpu.vector_store %arg14[%swap3A_42, %swap3A_43], %concatenate3A {strides = array<i32>} : memref<2000x256xf32, #tpu.memory_space<vmem>>, vector<2000x256xf32>,
    %get3A_45 = arith.constant 0 : index
    %get3A_46 = arith.constant 0 : index
    %get3A_47 = vector.load %arg11[%get3A_45, %get3A_46] : memref<32x32xf32, #tpu.memory_space<vmem>>, vector<32x32xf32>
    %get3A_48 = arith.constant 0 : index
    %get3A_49 = arith.constant 0 : index
    %get3A_50 = vector.load %arg12[%get3A_48, %get3A_49] : memref<1x32xf32, #tpu.memory_space<vmem>>, vector<1x32xf32>
    %dot_general3A_51 = arith.constant dense<0.000000e+00> : vector<2000x32xf32>
    %dot_general3A_52 = tpu.matmul %add3A_9, %get3A_47, %dot_general3A_51 {dimension_numbers = #tpu.dot_dimension_numbers<[1], [0], [0], [1], [0, 0, 1, 1], [], []>, transpose_lhs_hint = false} : vector<2000x32xf32>, vector<32x32xf32>, vector<2000x32xf32> -> vector<2000x32xf32>
    %add3A_53 = vector.broadcast %get3A_50 : vector<1x32xf32> to vector<2000x32xf32>
    %add3A_54 = arith.addf %dot_general3A_52, %add3A_53 : vector<2000x32xf32>
    %swap3A_55 = arith.constant 0 : index
    %swap3A_56 = arith.constant 0 : index
    %swap3A_57 = vector.load %arg15[%swap3A_55, %swap3A_56] : memref<2000x32xf32, #tpu.memory_space<vmem>>, vector<2000x32xf32>
    tpu.vector_store %arg15[%swap3A_55, %swap3A_56], %add3A_54 {strides = array<i32>} : memref<2000x32xf32, #tpu.memory_space<vmem>>, vector<2000x32xf32>,
    %get3A_58 = arith.constant 0 : index
    %get3A_59 = arith.constant 0 : index
    %get3A_60 = vector.load %arg2[%get3A_58, %get3A_59] : memref<2000x128xf32, #tpu.memory_space<vmem>>, vector<2000x128xf32>
    %convert_element_type3A = arith.fptosi %get3A_60 : vector<2000x128xf32> to vector<2000x128xi32>
    %jit3A = arith.constant 0 : i32
    %jit3A_61 = arith.constant 9999 : i32
    %max3A = vector.broadcast %jit3A : i32 to vector<2000x128xi32>
    %max3A_62 = arith.maxsi %max3A, %convert_element_type3A : vector<2000x128xi32>
    %min3A = vector.broadcast %jit3A_61 : i32 to vector<2000x128xi32>
    %min3A_63 = arith.minsi %min3A, %max3A_62 : vector<2000x128xi32>
    %swap3A_64 = arith.constant 0 : index
    %swap3A_65 = arith.constant 0 : index
    %swap3A_66 = vector.load %arg16[%swap3A_64, %swap3A_65] : memref<2000x128xi32, #tpu.memory_space<vmem>>, vector<2000x128xi32>
    tpu.vector_store %arg16[%swap3A_64, %swap3A_65], %min3A_63 {strides = array<i32>} : memref<2000x128xi32, #tpu.memory_space<vmem>>, vector<2000x128xi32>,
    return
  }
  func.func @transform_0(%arg0: i32) -> (i32, i32) {
    %c0_i32 = arith.constant 0 : i32
    %c0_i32_0 = arith.constant 0 : i32
    return %arg0, %c0_i32 : i32, i32
  }
  func.func @transform_1(%arg0: i32) -> (i32, i32) {
    %c0_i32 = arith.constant 0 : i32
    %c0_i32_0 = arith.constant 0 : i32
    return %arg0, %c0_i32 : i32, i32
  }
  func.func @transform_2(%arg0: i32) -> (i32, i32) {
    %c0_i32 = arith.constant 0 : i32
    %c0_i32_0 = arith.constant 0 : i32
    %c0_i32_1 = arith.constant 0 : i32
    return %c0_i32, %c0_i32_0 : i32, i32
  }
  func.func @transform_3(%arg0: i32) -> (i32, i32) {
    %c0_i32 = arith.constant 0 : i32
    %c0_i32_0 = arith.constant 0 : i32
    %c0_i32_1 = arith.constant 0 : i32
    return %c0_i32, %c0_i32_0 : i32, i32
  }
  func.func @transform_4(%arg0: i32) -> (i32, i32) {
    %c0_i32 = arith.constant 0 : i32
    %c0_i32_0 = arith.constant 0 : i32
    %c0_i32_1 = arith.constant 0 : i32
    return %c0_i32, %c0_i32_0 : i32, i32
  }
  func.func @transform_5(%arg0: i32) -> (i32, i32) {
    %c0_i32 = arith.constant 0 : i32
    %c0_i32_0 = arith.constant 0 : i32
    %c0_i32_1 = arith.constant 0 : i32
    return %c0_i32, %c0_i32_0 : i32, i32
  }
  func.func @transform_6(%arg0: i32) -> (i32, i32) {
    %c0_i32 = arith.constant 0 : i32
    %c0_i32_0 = arith.constant 0 : i32
    %c0_i32_1 = arith.constant 0 : i32
    return %c0_i32, %c0_i32_0 : i32, i32
  }
  func.func @transform_7(%arg0: i32) -> (i32, i32) {
    %c0_i32 = arith.constant 0 : i32
    %c0_i32_0 = arith.constant 0 : i32
    %c0_i32_1 = arith.constant 0 : i32
    return %c0_i32, %c0_i32_0 : i32, i32
  }
  func.func @transform_8(%arg0: i32) -> (i32, i32) {
    %c0_i32 = arith.constant 0 : i32
    %c0_i32_0 = arith.constant 0 : i32
    %c0_i32_1 = arith.constant 0 : i32
    return %c0_i32, %c0_i32_0 : i32, i32
  }
  func.func @transform_9(%arg0: i32) -> (i32, i32) {
    %c0_i32 = arith.constant 0 : i32
    %c0_i32_0 = arith.constant 0 : i32
    %c0_i32_1 = arith.constant 0 : i32
    return %c0_i32, %c0_i32_0 : i32, i32
  }
  func.func @transform_10(%arg0: i32) -> (i32, i32) {
    %c0_i32 = arith.constant 0 : i32
    %c0_i32_0 = arith.constant 0 : i32
    %c0_i32_1 = arith.constant 0 : i32
    return %c0_i32, %c0_i32_0 : i32, i32
  }
  func.func @transform_11(%arg0: i32) -> (i32, i32) {
    %c0_i32 = arith.constant 0 : i32
    %c0_i32_0 = arith.constant 0 : i32
    %c0_i32_1 = arith.constant 0 : i32
    return %c0_i32, %c0_i32_0 : i32, i32
  }
  func.func @transform_12(%arg0: i32) -> (i32, i32) {
    %c0_i32 = arith.constant 0 : i32
    %c0_i32_0 = arith.constant 0 : i32
    return %arg0, %c0_i32 : i32, i32
  }
  func.func @transform_13(%arg0: i32) -> (i32, i32) {
    %c0_i32 = arith.constant 0 : i32
    %c0_i32_0 = arith.constant 0 : i32
    return %arg0, %c0_i32 : i32, i32
  }
  func.func @transform_14(%arg0: i32) -> (i32, i32) {
    %c0_i32 = arith.constant 0 : i32
    %c0_i32_0 = arith.constant 0 : i32
    return %arg0, %c0_i32 : i32, i32
  }
  func.func @transform_15(%arg0: i32) -> (i32, i32) {
    %c0_i32 = arith.constant 0 : i32
    %c0_i32_0 = arith.constant 0 : i32
    return %arg0, %c0_i32 : i32, i32
  }
}

module attributes {stable_mosaic.version = 14 : i64} {
  func.func @_tcb_body(%arg0: i32, %arg1: memref<2000x144xf32, #tpu.memory_space<vmem>>, %arg2: memref<2000x144xf32, #tpu.memory_space<vmem>>, %arg3: memref<2000x32xf32, #tpu.memory_space<vmem>>, %arg4: memref<32x32xf32, #tpu.memory_space<vmem>>, %arg5: memref<1x32xf32, #tpu.memory_space<vmem>>, %arg6: memref<32x32xf32, #tpu.memory_space<vmem>>, %arg7: memref<1x32xf32, #tpu.memory_space<vmem>>, %arg8: memref<32x32xf32, #tpu.memory_space<vmem>>, %arg9: memref<1x32xf32, #tpu.memory_space<vmem>>, %arg10: memref<32x32xf32, #tpu.memory_space<vmem>>, %arg11: memref<1x32xf32, #tpu.memory_space<vmem>>, %arg12: memref<2000x32xf32, #tpu.memory_space<vmem>>, %arg13: memref<2000x64xf32, #tpu.memory_space<vmem>>, %arg14: memref<2000x32xf32, #tpu.memory_space<vmem>>) attributes {dimension_semantics = [#tpu.dimension_semantics<arbitrary>], iteration_bounds = array<i64: 5>, scalar_prefetch = 0 : i64, scratch_operands = 0 : i64, tpu.core_type = #tpu.core_type<tc>, window_params = [{transform_indices = @transform_0, window_bounds = array<i64: 2000, 144>}, {transform_indices = @transform_1, window_bounds = array<i64: 2000, 144>}, {transform_indices = @transform_2, window_bounds = array<i64: 2000, 32>}, {pipeline_mode = #tpu.pipeline_mode<synchronous>, transform_indices = @transform_3, window_bounds = array<i64: 32, 32>}, {pipeline_mode = #tpu.pipeline_mode<synchronous>, transform_indices = @transform_4, window_bounds = array<i64: 1, 32>}, {pipeline_mode = #tpu.pipeline_mode<synchronous>, transform_indices = @transform_5, window_bounds = array<i64: 32, 32>}, {pipeline_mode = #tpu.pipeline_mode<synchronous>, transform_indices = @transform_6, window_bounds = array<i64: 1, 32>}, {pipeline_mode = #tpu.pipeline_mode<synchronous>, transform_indices = @transform_7, window_bounds = array<i64: 32, 32>}, {pipeline_mode = #tpu.pipeline_mode<synchronous>, transform_indices = @transform_8, window_bounds = array<i64: 1, 32>}, {pipeline_mode = #tpu.pipeline_mode<synchronous>, transform_indices = @transform_9, window_bounds = array<i64: 32, 32>}, {pipeline_mode = #tpu.pipeline_mode<synchronous>, transform_indices = @transform_10, window_bounds = array<i64: 1, 32>}, {transform_indices = @transform_11, window_bounds = array<i64: 2000, 32>}, {transform_indices = @transform_12, window_bounds = array<i64: 2000, 64>}, {transform_indices = @transform_13, window_bounds = array<i64: 2000, 32>}]} {
    %get3A = arith.constant 0 : index
    %get3A_0 = arith.constant 0 : index
    %get3A_1 = vector.load %arg1[%get3A, %get3A_0] : memref<2000x144xf32, #tpu.memory_space<vmem>>, vector<2000x144xf32>
    %slice3A = vector.extract_strided_slice %get3A_1 {offsets = [0, 0], sizes = [2000, 128], strides = [1, 1]} : vector<2000x144xf32> to vector<2000x128xf32>
    %get3A_2 = arith.constant 0 : index
    %get3A_3 = arith.constant 0 : index
    %get3A_4 = vector.load %arg2[%get3A_2, %get3A_3] : memref<2000x144xf32, #tpu.memory_space<vmem>>, vector<2000x144xf32>
    %slice3A_5 = vector.extract_strided_slice %get3A_4 {offsets = [0, 0], sizes = [2000, 128], strides = [1, 1]} : vector<2000x144xf32> to vector<2000x128xf32>
    %add3A = arith.addf %slice3A, %slice3A_5 : vector<2000x128xf32>
    %get3A_6 = arith.constant 0 : index
    %get3A_7 = arith.constant 0 : index
    %get3A_8 = vector.load %arg1[%get3A_6, %get3A_7] : memref<2000x144xf32, #tpu.memory_space<vmem>>, vector<2000x144xf32>
    %slice3A_9 = vector.extract_strided_slice %get3A_8 {offsets = [0, 128], sizes = [2000, 4], strides = [1, 1]} : vector<2000x144xf32> to vector<2000x4xf32>
    %get3A_10 = arith.constant 0 : index
    %get3A_11 = arith.constant 0 : index
    %get3A_12 = vector.load %arg2[%get3A_10, %get3A_11] : memref<2000x144xf32, #tpu.memory_space<vmem>>, vector<2000x144xf32>
    %slice3A_13 = vector.extract_strided_slice %get3A_12 {offsets = [0, 128], sizes = [2000, 4], strides = [1, 1]} : vector<2000x144xf32> to vector<2000x4xf32>
    %add3A_14 = arith.addf %slice3A_9, %slice3A_13 : vector<2000x4xf32>
    %broadcast_in_dim3A = arith.constant 0.000000e+00 : f32
    %broadcast_in_dim3A_15 = vector.broadcast %broadcast_in_dim3A : f32 to vector<2000x32xf32>
    %slice3A_16 = vector.extract_strided_slice %add3A {offsets = [0, 0], sizes = [2000, 32], strides = [1, 1]} : vector<2000x128xf32> to vector<2000x32xf32>
    %slice3A_17 = vector.extract_strided_slice %add3A_14 {offsets = [0, 0], sizes = [2000, 1], strides = [1, 1]} : vector<2000x4xf32> to vector<2000x1xf32>
    %broadcast_in_dim3A_18 = vector.shape_cast %slice3A_17 : vector<2000x1xf32> to vector<2000x1xf32>
    %broadcast_in_dim3A_19 = vector.broadcast %broadcast_in_dim3A_18 : vector<2000x1xf32> to vector<2000x32xf32>
    %add3A_20 = arith.constant 1.000000e-16 : f32
    %add3A_21 = vector.broadcast %add3A_20 : f32 to vector<2000x32xf32>
    %add3A_22 = arith.addf %broadcast_in_dim3A_19, %add3A_21 : vector<2000x32xf32>
    %div3A = arith.divf %slice3A_16, %add3A_22 : vector<2000x32xf32>
    %add3A_23 = arith.addf %broadcast_in_dim3A_15, %div3A : vector<2000x32xf32>
    %slice3A_24 = vector.extract_strided_slice %add3A {offsets = [0, 32], sizes = [2000, 32], strides = [1, 1]} : vector<2000x128xf32> to vector<2000x32xf32>
    %slice3A_25 = vector.extract_strided_slice %add3A_14 {offsets = [0, 1], sizes = [2000, 1], strides = [1, 1]} : vector<2000x4xf32> to vector<2000x1xf32>
    %broadcast_in_dim3A_26 = vector.shape_cast %slice3A_25 : vector<2000x1xf32> to vector<2000x1xf32>
    %broadcast_in_dim3A_27 = vector.broadcast %broadcast_in_dim3A_26 : vector<2000x1xf32> to vector<2000x32xf32>
    %add3A_28 = arith.constant 1.000000e-16 : f32
    %add3A_29 = vector.broadcast %add3A_28 : f32 to vector<2000x32xf32>
    %add3A_30 = arith.addf %broadcast_in_dim3A_27, %add3A_29 : vector<2000x32xf32>
    %div3A_31 = arith.divf %slice3A_24, %add3A_30 : vector<2000x32xf32>
    %add3A_32 = arith.addf %add3A_23, %div3A_31 : vector<2000x32xf32>
    %slice3A_33 = vector.extract_strided_slice %add3A {offsets = [0, 64], sizes = [2000, 32], strides = [1, 1]} : vector<2000x128xf32> to vector<2000x32xf32>
    %slice3A_34 = vector.extract_strided_slice %add3A_14 {offsets = [0, 2], sizes = [2000, 1], strides = [1, 1]} : vector<2000x4xf32> to vector<2000x1xf32>
    %broadcast_in_dim3A_35 = vector.shape_cast %slice3A_34 : vector<2000x1xf32> to vector<2000x1xf32>
    %broadcast_in_dim3A_36 = vector.broadcast %broadcast_in_dim3A_35 : vector<2000x1xf32> to vector<2000x32xf32>
    %add3A_37 = arith.constant 1.000000e-16 : f32
    %add3A_38 = vector.broadcast %add3A_37 : f32 to vector<2000x32xf32>
    %add3A_39 = arith.addf %broadcast_in_dim3A_36, %add3A_38 : vector<2000x32xf32>
    %div3A_40 = arith.divf %slice3A_33, %add3A_39 : vector<2000x32xf32>
    %add3A_41 = arith.addf %add3A_32, %div3A_40 : vector<2000x32xf32>
    %slice3A_42 = vector.extract_strided_slice %add3A {offsets = [0, 96], sizes = [2000, 32], strides = [1, 1]} : vector<2000x128xf32> to vector<2000x32xf32>
    %slice3A_43 = vector.extract_strided_slice %add3A_14 {offsets = [0, 3], sizes = [2000, 1], strides = [1, 1]} : vector<2000x4xf32> to vector<2000x1xf32>
    %broadcast_in_dim3A_44 = vector.shape_cast %slice3A_43 : vector<2000x1xf32> to vector<2000x1xf32>
    %broadcast_in_dim3A_45 = vector.broadcast %broadcast_in_dim3A_44 : vector<2000x1xf32> to vector<2000x32xf32>
    %add3A_46 = arith.constant 1.000000e-16 : f32
    %add3A_47 = vector.broadcast %add3A_46 : f32 to vector<2000x32xf32>
    %add3A_48 = arith.addf %broadcast_in_dim3A_45, %add3A_47 : vector<2000x32xf32>
    %div3A_49 = arith.divf %slice3A_42, %add3A_48 : vector<2000x32xf32>
    %add3A_50 = arith.addf %add3A_41, %div3A_49 : vector<2000x32xf32>
    %mul3A = arith.constant 2.500000e-01 : f32
    %mul3A_51 = vector.broadcast %mul3A : f32 to vector<2000x32xf32>
    %mul3A_52 = arith.mulf %mul3A_51, %add3A_50 : vector<2000x32xf32>
    %get3A_53 = arith.constant 0 : index
    %get3A_54 = arith.constant 0 : index
    %get3A_55 = vector.load %arg3[%get3A_53, %get3A_54] : memref<2000x32xf32, #tpu.memory_space<vmem>>, vector<2000x32xf32>
    %add3A_56 = arith.addf %mul3A_52, %get3A_55 : vector<2000x32xf32>
    %max3A = arith.constant 0.000000e+00 : f32
    %max3A_57 = vector.broadcast %max3A : f32 to vector<2000x32xf32>
    %max3A_58 = arith.maximumf %add3A_56, %max3A_57 : vector<2000x32xf32>
    %get3A_59 = arith.constant 0 : index
    %get3A_60 = arith.constant 0 : index
    %get3A_61 = vector.load %arg4[%get3A_59, %get3A_60] : memref<32x32xf32, #tpu.memory_space<vmem>>, vector<32x32xf32>
    %get3A_62 = arith.constant 0 : index
    %get3A_63 = arith.constant 0 : index
    %get3A_64 = vector.load %arg5[%get3A_62, %get3A_63] : memref<1x32xf32, #tpu.memory_space<vmem>>, vector<1x32xf32>
    %dot_general3A = arith.constant dense<0.000000e+00> : vector<2000x32xf32>
    %dot_general3A_65 = tpu.matmul %max3A_58, %get3A_61, %dot_general3A {dimension_numbers = #tpu.dot_dimension_numbers<[1], [0], [0], [1], [0, 0, 1, 1], [], []>, transpose_lhs_hint = false} : vector<2000x32xf32>, vector<32x32xf32>, vector<2000x32xf32> -> vector<2000x32xf32>
    %add3A_66 = vector.broadcast %get3A_64 : vector<1x32xf32> to vector<2000x32xf32>
    %add3A_67 = arith.addf %dot_general3A_65, %add3A_66 : vector<2000x32xf32>
    %swap3A = arith.constant 0 : index
    %swap3A_68 = arith.constant 0 : index
    %swap3A_69 = vector.load %arg12[%swap3A, %swap3A_68] : memref<2000x32xf32, #tpu.memory_space<vmem>>, vector<2000x32xf32>
    tpu.vector_store %arg12[%swap3A, %swap3A_68], %add3A_67 {strides = array<i32>} : memref<2000x32xf32, #tpu.memory_space<vmem>>, vector<2000x32xf32>,
    %get3A_70 = arith.constant 0 : index
    %get3A_71 = arith.constant 0 : index
    %get3A_72 = vector.load %arg6[%get3A_70, %get3A_71] : memref<32x32xf32, #tpu.memory_space<vmem>>, vector<32x32xf32>
    %get3A_73 = arith.constant 0 : index
    %get3A_74 = arith.constant 0 : index
    %get3A_75 = vector.load %arg7[%get3A_73, %get3A_74] : memref<1x32xf32, #tpu.memory_space<vmem>>, vector<1x32xf32>
    %dot_general3A_76 = arith.constant dense<0.000000e+00> : vector<2000x32xf32>
    %dot_general3A_77 = tpu.matmul %max3A_58, %get3A_72, %dot_general3A_76 {dimension_numbers = #tpu.dot_dimension_numbers<[1], [0], [0], [1], [0, 0, 1, 1], [], []>, transpose_lhs_hint = false} : vector<2000x32xf32>, vector<32x32xf32>, vector<2000x32xf32> -> vector<2000x32xf32>
    %add3A_78 = vector.broadcast %get3A_75 : vector<1x32xf32> to vector<2000x32xf32>
    %add3A_79 = arith.addf %dot_general3A_77, %add3A_78 : vector<2000x32xf32>
    %get3A_80 = arith.constant 0 : index
    %get3A_81 = arith.constant 0 : index
    %get3A_82 = vector.load %arg8[%get3A_80, %get3A_81] : memref<32x32xf32, #tpu.memory_space<vmem>>, vector<32x32xf32>
    %get3A_83 = arith.constant 0 : index
    %get3A_84 = arith.constant 0 : index
    %get3A_85 = vector.load %arg9[%get3A_83, %get3A_84] : memref<1x32xf32, #tpu.memory_space<vmem>>, vector<1x32xf32>
    %dot_general3A_86 = arith.constant dense<0.000000e+00> : vector<2000x32xf32>
    %dot_general3A_87 = tpu.matmul %max3A_58, %get3A_82, %dot_general3A_86 {dimension_numbers = #tpu.dot_dimension_numbers<[1], [0], [0], [1], [0, 0, 1, 1], [], []>, transpose_lhs_hint = false} : vector<2000x32xf32>, vector<32x32xf32>, vector<2000x32xf32> -> vector<2000x32xf32>
    %add3A_88 = vector.broadcast %get3A_85 : vector<1x32xf32> to vector<2000x32xf32>
    %add3A_89 = arith.addf %dot_general3A_87, %add3A_88 : vector<2000x32xf32>
    %concatenate3A = tpu.concatenate %add3A_79, %add3A_89 in 1 : vector<2000x32xf32>, vector<2000x32xf32> -> vector<2000x64xf32>
    %swap3A_90 = arith.constant 0 : index
    %swap3A_91 = arith.constant 0 : index
    %swap3A_92 = vector.load %arg13[%swap3A_90, %swap3A_91] : memref<2000x64xf32, #tpu.memory_space<vmem>>, vector<2000x64xf32>
    tpu.vector_store %arg13[%swap3A_90, %swap3A_91], %concatenate3A {strides = array<i32>} : memref<2000x64xf32, #tpu.memory_space<vmem>>, vector<2000x64xf32>,
    %get3A_93 = arith.constant 0 : index
    %get3A_94 = arith.constant 0 : index
    %get3A_95 = vector.load %arg10[%get3A_93, %get3A_94] : memref<32x32xf32, #tpu.memory_space<vmem>>, vector<32x32xf32>
    %get3A_96 = arith.constant 0 : index
    %get3A_97 = arith.constant 0 : index
    %get3A_98 = vector.load %arg11[%get3A_96, %get3A_97] : memref<1x32xf32, #tpu.memory_space<vmem>>, vector<1x32xf32>
    %dot_general3A_99 = arith.constant dense<0.000000e+00> : vector<2000x32xf32>
    %dot_general3A_100 = tpu.matmul %max3A_58, %get3A_95, %dot_general3A_99 {dimension_numbers = #tpu.dot_dimension_numbers<[1], [0], [0], [1], [0, 0, 1, 1], [], []>, transpose_lhs_hint = false} : vector<2000x32xf32>, vector<32x32xf32>, vector<2000x32xf32> -> vector<2000x32xf32>
    %add3A_101 = vector.broadcast %get3A_98 : vector<1x32xf32> to vector<2000x32xf32>
    %add3A_102 = arith.addf %dot_general3A_100, %add3A_101 : vector<2000x32xf32>
    %swap3A_103 = arith.constant 0 : index
    %swap3A_104 = arith.constant 0 : index
    %swap3A_105 = vector.load %arg14[%swap3A_103, %swap3A_104] : memref<2000x32xf32, #tpu.memory_space<vmem>>, vector<2000x32xf32>
    tpu.vector_store %arg14[%swap3A_103, %swap3A_104], %add3A_102 {strides = array<i32>} : memref<2000x32xf32, #tpu.memory_space<vmem>>, vector<2000x32xf32>,
    return
  }
  func.func @transform_0(%arg0: i32) -> (i32, i32) {
    %c0_i32 = arith.constant 0 : i32
    %c0_i32_0 = arith.constant 0 : i32
    return %arg0, %c0_i32 : i32, i32
  }
  func.func @transform_1(%arg0: i32) -> (i32, i32) {
    %c0_i32 = arith.constant 0 : i32
    %c0_i32_0 = arith.constant 0 : i32
    return %arg0, %c0_i32 : i32, i32
  }
  func.func @transform_2(%arg0: i32) -> (i32, i32) {
    %c0_i32 = arith.constant 0 : i32
    %c0_i32_0 = arith.constant 0 : i32
    return %arg0, %c0_i32 : i32, i32
  }
  func.func @transform_3(%arg0: i32) -> (i32, i32) {
    %c0_i32 = arith.constant 0 : i32
    %c0_i32_0 = arith.constant 0 : i32
    %c0_i32_1 = arith.constant 0 : i32
    return %c0_i32, %c0_i32_0 : i32, i32
  }
  func.func @transform_4(%arg0: i32) -> (i32, i32) {
    %c0_i32 = arith.constant 0 : i32
    %c0_i32_0 = arith.constant 0 : i32
    %c0_i32_1 = arith.constant 0 : i32
    return %c0_i32, %c0_i32_0 : i32, i32
  }
  func.func @transform_5(%arg0: i32) -> (i32, i32) {
    %c0_i32 = arith.constant 0 : i32
    %c0_i32_0 = arith.constant 0 : i32
    %c0_i32_1 = arith.constant 0 : i32
    return %c0_i32, %c0_i32_0 : i32, i32
  }
  func.func @transform_6(%arg0: i32) -> (i32, i32) {
    %c0_i32 = arith.constant 0 : i32
    %c0_i32_0 = arith.constant 0 : i32
    %c0_i32_1 = arith.constant 0 : i32
    return %c0_i32, %c0_i32_0 : i32, i32
  }
  func.func @transform_7(%arg0: i32) -> (i32, i32) {
    %c0_i32 = arith.constant 0 : i32
    %c0_i32_0 = arith.constant 0 : i32
    %c0_i32_1 = arith.constant 0 : i32
    return %c0_i32, %c0_i32_0 : i32, i32
  }
  func.func @transform_8(%arg0: i32) -> (i32, i32) {
    %c0_i32 = arith.constant 0 : i32
    %c0_i32_0 = arith.constant 0 : i32
    %c0_i32_1 = arith.constant 0 : i32
    return %c0_i32, %c0_i32_0 : i32, i32
  }
  func.func @transform_9(%arg0: i32) -> (i32, i32) {
    %c0_i32 = arith.constant 0 : i32
    %c0_i32_0 = arith.constant 0 : i32
    %c0_i32_1 = arith.constant 0 : i32
    return %c0_i32, %c0_i32_0 : i32, i32
  }
  func.func @transform_10(%arg0: i32) -> (i32, i32) {
    %c0_i32 = arith.constant 0 : i32
    %c0_i32_0 = arith.constant 0 : i32
    %c0_i32_1 = arith.constant 0 : i32
    return %c0_i32, %c0_i32_0 : i32, i32
  }
  func.func @transform_11(%arg0: i32) -> (i32, i32) {
    %c0_i32 = arith.constant 0 : i32
    %c0_i32_0 = arith.constant 0 : i32
    return %arg0, %c0_i32 : i32, i32
  }
  func.func @transform_12(%arg0: i32) -> (i32, i32) {
    %c0_i32 = arith.constant 0 : i32
    %c0_i32_0 = arith.constant 0 : i32
    return %arg0, %c0_i32 : i32, i32
  }
  func.func @transform_13(%arg0: i32) -> (i32, i32) {
    %c0_i32 = arith.constant 0 : i32
    %c0_i32_0 = arith.constant 0 : i32
    return %arg0, %c0_i32 : i32, i32
  }
}

module attributes {stable_mosaic.version = 14 : i64} {
  func.func @_tcc_body(%arg0: i32, %arg1: memref<2000x48xf32, #tpu.memory_space<vmem>>, %arg2: memref<2000x48xf32, #tpu.memory_space<vmem>>, %arg3: memref<2000x32xf32, #tpu.memory_space<vmem>>, %arg4: memref<32x32xf32, #tpu.memory_space<vmem>>, %arg5: memref<1x32xf32, #tpu.memory_space<vmem>>, %arg6: memref<2000x32xf32, #tpu.memory_space<vmem>>) attributes {dimension_semantics = [#tpu.dimension_semantics<arbitrary>], iteration_bounds = array<i64: 5>, scalar_prefetch = 0 : i64, scratch_operands = 0 : i64, tpu.core_type = #tpu.core_type<tc>, window_params = [{transform_indices = @transform_0, window_bounds = array<i64: 2000, 48>}, {transform_indices = @transform_1, window_bounds = array<i64: 2000, 48>}, {transform_indices = @transform_2, window_bounds = array<i64: 2000, 32>}, {pipeline_mode = #tpu.pipeline_mode<synchronous>, transform_indices = @transform_3, window_bounds = array<i64: 32, 32>}, {pipeline_mode = #tpu.pipeline_mode<synchronous>, transform_indices = @transform_4, window_bounds = array<i64: 1, 32>}, {transform_indices = @transform_5, window_bounds = array<i64: 2000, 32>}]} {
    %get3A = arith.constant 0 : index
    %get3A_0 = arith.constant 0 : index
    %get3A_1 = vector.load %arg1[%get3A, %get3A_0] : memref<2000x48xf32, #tpu.memory_space<vmem>>, vector<2000x48xf32>
    %slice3A = vector.extract_strided_slice %get3A_1 {offsets = [0, 0], sizes = [2000, 32], strides = [1, 1]} : vector<2000x48xf32> to vector<2000x32xf32>
    %get3A_2 = arith.constant 0 : index
    %get3A_3 = arith.constant 0 : index
    %get3A_4 = vector.load %arg2[%get3A_2, %get3A_3] : memref<2000x48xf32, #tpu.memory_space<vmem>>, vector<2000x48xf32>
    %slice3A_5 = vector.extract_strided_slice %get3A_4 {offsets = [0, 0], sizes = [2000, 32], strides = [1, 1]} : vector<2000x48xf32> to vector<2000x32xf32>
    %add3A = arith.addf %slice3A, %slice3A_5 : vector<2000x32xf32>
    %get3A_6 = arith.constant 0 : index
    %get3A_7 = arith.constant 0 : index
    %get3A_8 = vector.load %arg1[%get3A_6, %get3A_7] : memref<2000x48xf32, #tpu.memory_space<vmem>>, vector<2000x48xf32>
    %slice3A_9 = vector.extract_strided_slice %get3A_8 {offsets = [0, 32], sizes = [2000, 1], strides = [1, 1]} : vector<2000x48xf32> to vector<2000x1xf32>
    %get3A_10 = arith.constant 0 : index
    %get3A_11 = arith.constant 0 : index
    %get3A_12 = vector.load %arg2[%get3A_10, %get3A_11] : memref<2000x48xf32, #tpu.memory_space<vmem>>, vector<2000x48xf32>
    %slice3A_13 = vector.extract_strided_slice %get3A_12 {offsets = [0, 32], sizes = [2000, 1], strides = [1, 1]} : vector<2000x48xf32> to vector<2000x1xf32>
    %add3A_14 = arith.addf %slice3A_9, %slice3A_13 : vector<2000x1xf32>
    %broadcast_in_dim3A = vector.shape_cast %add3A_14 : vector<2000x1xf32> to vector<2000x1xf32>
    %broadcast_in_dim3A_15 = vector.broadcast %broadcast_in_dim3A : vector<2000x1xf32> to vector<2000x32xf32>
    %add3A_16 = arith.constant 1.000000e-16 : f32
    %add3A_17 = vector.broadcast %add3A_16 : f32 to vector<2000x32xf32>
    %add3A_18 = arith.addf %broadcast_in_dim3A_15, %add3A_17 : vector<2000x32xf32>
    %div3A = arith.divf %add3A, %add3A_18 : vector<2000x32xf32>
    %get3A_19 = arith.constant 0 : index
    %get3A_20 = arith.constant 0 : index
    %get3A_21 = vector.load %arg3[%get3A_19, %get3A_20] : memref<2000x32xf32, #tpu.memory_space<vmem>>, vector<2000x32xf32>
    %add3A_22 = arith.addf %div3A, %get3A_21 : vector<2000x32xf32>
    %max3A = arith.constant 0.000000e+00 : f32
    %max3A_23 = vector.broadcast %max3A : f32 to vector<2000x32xf32>
    %max3A_24 = arith.maximumf %add3A_22, %max3A_23 : vector<2000x32xf32>
    %get3A_25 = arith.constant 0 : index
    %get3A_26 = arith.constant 0 : index
    %get3A_27 = vector.load %arg4[%get3A_25, %get3A_26] : memref<32x32xf32, #tpu.memory_space<vmem>>, vector<32x32xf32>
    %get3A_28 = arith.constant 0 : index
    %get3A_29 = arith.constant 0 : index
    %get3A_30 = vector.load %arg5[%get3A_28, %get3A_29] : memref<1x32xf32, #tpu.memory_space<vmem>>, vector<1x32xf32>
    %dot_general3A = arith.constant dense<0.000000e+00> : vector<2000x32xf32>
    %dot_general3A_31 = tpu.matmul %max3A_24, %get3A_27, %dot_general3A {dimension_numbers = #tpu.dot_dimension_numbers<[1], [0], [0], [1], [0, 0, 1, 1], [], []>, transpose_lhs_hint = false} : vector<2000x32xf32>, vector<32x32xf32>, vector<2000x32xf32> -> vector<2000x32xf32>
    %add3A_32 = vector.broadcast %get3A_30 : vector<1x32xf32> to vector<2000x32xf32>
    %add3A_33 = arith.addf %dot_general3A_31, %add3A_32 : vector<2000x32xf32>
    %swap3A = arith.constant 0 : index
    %swap3A_34 = arith.constant 0 : index
    %swap3A_35 = vector.load %arg6[%swap3A, %swap3A_34] : memref<2000x32xf32, #tpu.memory_space<vmem>>, vector<2000x32xf32>
    tpu.vector_store %arg6[%swap3A, %swap3A_34], %add3A_33 {strides = array<i32>} : memref<2000x32xf32, #tpu.memory_space<vmem>>, vector<2000x32xf32>,
    return
  }
  func.func @transform_0(%arg0: i32) -> (i32, i32) {
    %c0_i32 = arith.constant 0 : i32
    %c0_i32_0 = arith.constant 0 : i32
    return %arg0, %c0_i32 : i32, i32
  }
  func.func @transform_1(%arg0: i32) -> (i32, i32) {
    %c0_i32 = arith.constant 0 : i32
    %c0_i32_0 = arith.constant 0 : i32
    return %arg0, %c0_i32 : i32, i32
  }
  func.func @transform_2(%arg0: i32) -> (i32, i32) {
    %c0_i32 = arith.constant 0 : i32
    %c0_i32_0 = arith.constant 0 : i32
    return %arg0, %c0_i32 : i32, i32
  }
  func.func @transform_3(%arg0: i32) -> (i32, i32) {
    %c0_i32 = arith.constant 0 : i32
    %c0_i32_0 = arith.constant 0 : i32
    %c0_i32_1 = arith.constant 0 : i32
    return %c0_i32, %c0_i32_0 : i32, i32
  }
  func.func @transform_4(%arg0: i32) -> (i32, i32) {
    %c0_i32 = arith.constant 0 : i32
    %c0_i32_0 = arith.constant 0 : i32
    %c0_i32_1 = arith.constant 0 : i32
    return %c0_i32, %c0_i32_0 : i32, i32
  }
  func.func @transform_5(%arg0: i32) -> (i32, i32) {
    %c0_i32 = arith.constant 0 : i32
    %c0_i32_0 = arith.constant 0 : i32
    return %arg0, %c0_i32 : i32, i32
  }
}

</mosaic_0001>

<sc_bundles>
// kernel: kernel.10.cloned.1.call-start
scs
__scs_entry_jumppad:
0x0: {  	(pc) =	sbr.rel $0x88, $3  }
0x1: {  	(tag) =	ssettag $0x0;
	lr =	simm.s32 $0x1  }
0x2: {  	[smem:$0x3F89] =	sst lr;
	_ =	strace $0xD0000000  }
0x3: {  	_ = 	snop  }
0x4: {  	_ = 	snop  }
0x5: {  	_ = 	snop  }
0x6: {  	_ = 	snop  }
0x7: {  	_ = 	snop  }
__scs_overlays_trampoline_lowered:
0x8: {  	[smem:$0x3F98] =	sst s0  }
0x9: {  	[smem:$0x3F99] =	sst s1  }
0xa: {  	[smem:$0x3F9A] =	sst s2  }
0xb: {  	[smem:$0x3F9B] =	sst s3  }
0xc: {  	[smem:$0x3F9C] =	sst s4  }
0xd: {  	[smem:$0x3F9D] =	sst s5  }
0xe: {  	[smem:$0x3F9E] =	sst s6  }
0xf: {  	[smem:$0x3F9F] =	sst s7  }
0x10: {  	[smem:$0x3FA0] =	sst s8  }
0x11: {  	[smem:$0x3FA1] =	sst s9;
	s0 =	simm.s32 @!p0 $0x0  }
0x12: {  	s1 =	sld [smem:$0x3F87];
	s0 =	simm.s32 @p0 $0x1  }
0x13: {  	[smem:$0x3FA2] =	sst s0;
	s0 =	simm.s32 @!p1 $0x0  }
0x14: {  	s2 =	sld [smem:$0x3F86];
	s0 =	simm.s32 @p1 $0x1  }
0x15: {  	[smem:$0x3FA3] =	sst s0;
	s0 =	simm.s32 @!p2 $0x0  }
0x16: {  	s3 =	sld [smem:$0x3FDB];
	s0 =	simm.s32 @p2 $0x1  }
0x17: {  	s4 =	simm.s32 $0x1BF5;
	[smem:$0x3FA5] =	sst s0  }
0x18: {  	s0 =	sld [smem:$0x3F88];
	_ =	swait.ge [sflag:s4], $0x0  }
0x19: {  	s7 =	sld [smem:$0x3F89]  }
0x1a: {  	s8 =	sadd.s32 $0xFFFFE003, lr  }
0x1b: {  	s9 =	sadd.s32 $0xFFFFFEF7, lr;
	s5 =	simm.s32 $0xFFFFFFFF;
	p2 =	slt.u32 s8, $0xFFFFF086  }
0x1c: {  	p1 =	slt.u32 s9, $0xF7A;
	s5 =	simm.s32 @!p2 $0x0  }
0x1d: {  	s5 =	simm.s32 @p1 $0x1;
	p0 =	seq.s32 s7, s2  }
0x1e: {  	s7 =	smul.u32 @!p0 $0xF7A, s2;
	p2 =	seq.s32 @!p0 s5, $0x0  }
0x1f: {  	s9 =	smul.u32 $0xF7A, s1;
	s8 =	simm.s32 @!p0 $0x1BF5;
	p2 =	por !p2, p0  }
0x20: {  	[sflag:s8] =	ssyncset.s32 @!p0 $0xFFFFF086;
	s6 =	sadd.s32 @!p0 s3, s7;
	s7 =	simm.s32 @!p0 $0x108  }
0x21: {  	s3 =	sadd.s32 s3, s9;
	s6 =	sadd.s32 @!p0 $0x88, s6;
	s7 =	simm.s32 @p2 $0x1082  }
0x22: {  	[simem:s7], [sflag:s8] =	dma.local @!p0 [hbm:s6], $0xF7A  }
0x23: {  	s9 =	sor.u32 $0xD0000000, s2;
	s6 =	simm.s32 $0x108;
	_ =	swait.ge @!p0 [sflag:s8], $0x0  }
0x24: {  	s3 =	sadd.s32 $0x88, s3;
	s6 =	simm.s32 @!p1 $0x1082;
	[sflag:s4] =	ssyncset.s32 $0xFFFFF086  }
0x25: {  	[simem:s6], [sflag:s4] =	dma.local [hbm:s3], $0xF7A  }
0x26: {  	[smem:$0x3F89] =	sst s1;
	(tag) =	ssettag s2;
	_ =	strace s9  }
0x27: {  	s1 =	sld [smem:$0x3F99]  }
0x28: {  	s2 =	sld [smem:$0x3F9A]  }
0x29: {  	s4 =	sld [smem:$0x3F9C]  }
0x2a: {  	p0 =	seq.s32 s5, $0x0;
	s5 =	sld [smem:$0x3F9D]  }
0x2b: {  	s6 =	sld [smem:$0x3F9E]  }
0x2c: {  	s7 =	sld [smem:$0x3F9F]  }
0x2d: {  	s3 =	simm.s32 $0x108;
	s8 =	sld [smem:$0x3FA0]  }
0x2e: {  	s3 =	simm.s32 @!p0 $0x1082;
	s9 =	sld [smem:$0x3FA1]  }
0x2f: {  	lr =	sadd.s32 s0, s3;
	s0 =	sld [smem:$0x3F98]  }
0x30: {  	s3 =	sld [smem:$0x3F9B]  }
0x31: {  	[smem:$0x3FA4] =	sst s10  }
0x32: {  	s10 =	sld [smem:$0x3FA2];
	_ =	sdelay $0x3  }
0x33: {  	p0 =	seq.s32 s10, $0x1;
	s10 =	sld [smem:$0x3FA4];
	_ =	sdelay $0x3  }
0x34: {  	[smem:$0x3FA4] =	sst s10  }
0x35: {  	s10 =	sld [smem:$0x3FA3];
	_ =	sdelay $0x3  }
0x36: {  	p1 =	seq.s32 s10, $0x1;
	s10 =	sld [smem:$0x3FA4];
	_ =	sdelay $0x3  }
0x37: {  	[smem:$0x3FA4] =	sst s10  }
0x38: {  	s10 =	sld [smem:$0x3FA5]  }
0x39: {  	_ = 	snop;
	(pc) =	sbr.ind lr, $3  }
0x3a: {  	_ = 	snop  }
0x3b: {  	_ = 	snop  }
0x3c: {  	p2 =	seq.s32 s10, $0x1;
	s10 =	sld [smem:$0x3FA4]  }
0x3d: {  	_ =	shalt  }
0x3e: {  	_ =	shalt  }
0x3f: {  	_ =	shalt  }
0x40: {  	_ =	shalt  }
0x41: {  	_ =	shalt  }
0x42: {  	_ =	shalt  }
0x43: {  	_ =	shalt  }
0x44: {  	_ =	shalt  }
0x45: {  	_ =	shalt  }
0x46: {  	_ =	shalt  }
0x47: {  	_ =	shalt  }
0x48: {  	_ =	shalt  }
0x49: {  	_ =	shalt  }
0x4a: {  	_ =	shalt  }
0x4b: {  	_ =	shalt  }
0x4c: {  	_ =	shalt  }
0x4d: {  	_ =	shalt  }
0x4e: {  	_ =	shalt  }
0x4f: {  	_ =	shalt  }
0x50: {  	_ =	shalt  }
0x51: {  	_ =	shalt  }
0x52: {  	_ =	shalt  }
0x53: {  	_ =	shalt  }
0x54: {  	_ =	shalt  }
0x55: {  	_ =	shalt  }
0x56: {  	_ =	shalt  }
0x57: {  	_ =	shalt  }
0x58: {  	_ =	shalt  }
0x59: {  	_ =	shalt  }
0x5a: {  	_ =	shalt  }
0x5b: {  	_ =	shalt  }
0x5c: {  	_ =	shalt  }
0x5d: {  	_ =	shalt  }
0x5e: {  	_ =	shalt  }
0x5f: {  	_ =	shalt  }
0x60: {  	_ =	shalt  }
0x61: {  	_ =	shalt  }
0x62: {  	_ =	shalt  }
0x63: {  	_ =	shalt  }
0x64: {  	_ =	shalt  }
0x65: {  	_ =	shalt  }
0x66: {  	_ =	shalt  }
0x67: {  	_ =	shalt  }
0x68: {  	_ =	shalt  }
0x69: {  	_ =	shalt  }
0x6a: {  	_ =	shalt  }
0x6b: {  	_ =	shalt  }
0x6c: {  	_ =	shalt  }
0x6d: {  	_ =	shalt  }
0x6e: {  	_ =	shalt  }
0x6f: {  	_ =	shalt  }
0x70: {  	_ =	shalt  }
0x71: {  	_ =	shalt  }
0x72: {  	_ =	shalt  }
0x73: {  	_ =	shalt  }
0x74: {  	_ =	shalt  }
0x75: {  	_ =	shalt  }
0x76: {  	_ =	shalt  }
0x77: {  	_ =	shalt  }
0x78: {  	_ =	shalt  }
0x79: {  	_ =	shalt  }
0x7a: {  	_ =	shalt  }
0x7b: {  	_ =	shalt  }
0x7c: {  	_ =	shalt  }
0x7d: {  	_ =	shalt  }
0x7e: {  	_ =	shalt  }
0x7f: {  	_ =	shalt  }
0x80: {  	_ =	shalt  }
0x81: {  	_ =	shalt  }
0x82: {  	_ =	shalt  }
0x83: {  	_ =	shalt  }
0x84: {  	_ =	shalt  }
0x85: {  	_ =	shalt  }
0x86: {  	_ =	shalt  }
0x87: {  	_ =	shalt  }
.Lfunc_end0:
.L_simem_size_0:
called_computation.1_lowered:
.L_overlay_start_0:
0x88: {  	s2 =	sld [smem:$0x3FD9]  }
0x89: {  	s3 =	sld [smem:$0x3FFE];
	_ =	sdelay $0x1  }
0x8a: {  	s1 =	srdreg.scid  }
0x8b: {  	s0 =	sand.u32 $0x1, s1  }
0x8c: {  	s17 =	sshll.u32 s0, $0xA;
	s2 =	sadd.s32 s3, s2  }
0x8d: {  	s2 =	sadd.s32 s2, s17  }
0x8e: {  	[smem:$0x3FB0] =	sst s2  }
0x8f: {  	_ = 	snop  }
0x90: {  	s2 =	sld [smem:$0x3FD0];
	(tm) =	ssettm $0x1  }
0x91: {  	s18 =	sld [smem:$0x3FFB];
	_ =	sdelay $0x3  }
0x92: {  	_ =	strace s18  }
0x93: {  	s3 =	sld [smem:$0x3FFC];
	_ =	sdelay $0x3  }
0x94: {  	_ =	strace s3  }
0x95: {  	s3 =	sld [smem:$0x3FFD];
	_ =	sdelay $0x3  }
0x96: {  	_ =	strace s3  }
0x97: {  	_ =	strace $0x8FFFFFFF  }
0x98: {  	s19 =	sld [smem:$0x3FDB];
	_ =	sdelay $0x1  }
0x99: {  	s4 =	simm.s32 $_scs_section_size  }
0x9a: {  	s5 =	simm.s32 $_size__tile_overlayer_lowered;
	s6 =	simm.s32 $_tile_overlayer_lowered  }
0x9b: {  	s22 =	simm.s32 $0x1BFF;
	s21 =	sshll.u32 s6, $0x1;
	s3 =	sadd.s32 s4, s19  }
0x9c: {  	s7 =	simm.s32 $0x0;
	s20 =	sshll.u32 s5, $0x1;
	s5 =	sadd.s32 s21, s3  }
0x9d: {  	[timem:s7], [sflag:s22] =	dma.local [hbm:s5], s20  }
0x9e: {  	_ =	swait.ge [sflag:s22], s20  }
0x9f: {  	s4 =	ssub.s32 $0x0, s20;
	[sflag:s22] =	ssyncset.done $0x0  }
0xa0: {  	[sflag:s22] =	ssyncadd.s32 s4;
	_ =	sdelay $0x1  }
0xa1: {  	s23 =	simm.s32 $0x1B8B  }
0xa2: {  	_ =	swait.ge [sflag:s23], $0x1  }
0xa3: {  	[sflag:s23] =	ssyncset.done $0x0  }
0xa4: {  	s25 =	simm.s32 $0x1B8E;
	s24 =	sld [smem:$0x3FFE];
	[sflag:s23] =	ssyncadd.s32 $0xFFFFFFFF  }
0xa5: {  	s26 =	simm.s32 $execute0_lowered;
	[smem:$0x3FD2] =	sst s25  }
0xa6: {  	s5 =	sshll.u32 s26, $0x1;
	_ =	strace $0x80000049;
	[dreg:$0x1] =	wrdreg $0xFFFFFFFF  }
0xa7: {  	s28 =	simm.s32 $_size_execute0_lowered;
	s3 =	sadd.s32 s3, s5;
	[dreg:$0x0] =	wrdreg $0x0  }
0xa8: {  	s5 =	sshll.u32 s28, $0x1;
	[dreg:$0x2] =	wrdreg s3  }
0xa9: {  	[dreg:$0x3] =	wrdreg s5  }
0xaa: {  	[dreg:$0x4] =	wrdreg $0xC0  }
0xab: {  	_ =	task [dreg:s7], $0x5FFFF  }
0xac: {  	[dreg:$0x1] =	wrdreg $0xFFFFFFFF  }
0xad: {  	[dreg:$0x0] =	wrdreg $0x60  }
0xae: {  	[dreg:$0x2] =	wrdreg s24  }
0xaf: {  	[dreg:$0x3] =	wrdreg s2  }
0xb0: {  	[dreg:$0x4] =	wrdreg $0x4D800  }
0xb1: {  	[dreg:$0x5] =	wrdreg $0x9  }
0xb2: {  	_ =	task.clear_ibuf [dreg:s7], $0x6FFFF;
	_ =	strace $0x90000049  }
0xb3: {  	s29 =	simm.s32 $0x9;
	_ =	strace $0x8000004B  }
0xb4: {  	_ =	swait.ge [sflag:s29], $0x1  }
0xb5: {  	[sflag:s29] =	ssyncadd.s32 $0xFFFFFFFF  }
0xb6: {  	_ =	strace $0x9000004B  }
0xb7: {  	_ =	sfence  }
0xb8: {  	s30 =	sld [smem:$0x0];
	_ =	sdelay $0x2  }
0xb9: {  	s31 =	sshll.u32 s1, $0xD;
	s1 =	sshrl.u32 s1, $0x2  }
0xba: {  	s3 =	sand.u32 $0x4000, s31;
	s1 =	sadd.s32 s1, s30  }
0xbb: {  	s0 =	sor.u32 s3, s0;
	s1 =	sshll.u32 s1, $0x11  }
0xbc: {  	s0 =	sor.u32 s1, s0  }
0xbd: {  	s0 =	sadd.s32 $0x8F2B, s0  }
0xbe: {  	[sflag:s0] =	ssyncadd.remote.s32 $0x1  }
0xbf: {  	_ =	sfence.sel $0xFFFF  }
0xc0: {  	[dreg:$0x0] =	wrdreg $0xFFFFFFFF;
	(pc) =	sbr.abs _section_cstart, $3  }
0xc1: {  	[dreg:$0x1] =	wrdreg $0xFFFFFFFF  }
0xc2: {  	_ =	task.clear_ibuf [dreg:s7], $0x2FFFF;
	_ =	strace $0x9FFFFFFF  }
0xc3: {  	(tm) =	ssettm $0x7FFFFFFF  }
tec
execute0_lowered:
.L_overlay_start_1:
0x0: {  	(tag) =	ssettag $0x1  }
0x1: {  	s0 =	rddreg [dreg:$0x0]  }
0x2: {  	s1 =	rddreg [dreg:$0x1]  }
0x3: {  	s2 =	rddreg [dreg:$0x2]  }
0x4: {  	s3 =	srdreg.scid;
	s4 =	simm.s32 $0x0;
	s12 =	stileid.u32  }
0x5: {  	s14 =	simm.s32 $0x5;
	s17 =	simm.s32 $0x3E80;
	s18 =	simm.s32 $0x8  }
0x6: {  	s19 =	simm.s32 $0x1;
	s20 =	simm.s32 $0x50;
	s21 =	simm.s32 $0x1E0  }
0x7: {  	s28 =	simm.s32 $0xA0;
	s29 =	simm.s32 $0x3;
	s30 =	simm.s32 $0x2  }
0x8: {  	s31 =	simm.s32 $0x230;
	s3 =	sand.u32 $0x1, s3;
	[smem:$0x7FF] =	sst s4  }
0x9: {  	s6 =	sadd.s32 $0x4400, s0;
	p0 =	seq.s32 s12, $0xF;
	s13 =	smul.u32 $0x7800, s12  }
0xa: {  	s24 =	smul.u32 $0x1E000, s12;
	s5 =	sshll.u32 s3, $0x4;
	_ =	strace $0x8000004A  }
0xb: {  	s8 =	ssub.s32 $0x2, s3;
	s3 =	smul.u32 $0x75300, s3;
	s14 =	simm.s32 @!p0 $0x8  }
0xc: {  	s7 =	sor.u32 s12, s5;
	s5 =	sadd.s32 $0x52600, s0;
	s10 =	sshrl.u32 s8, $0x1  }
0xd: {  	s0 =	sadd.s32 $0x17E00, s0;
	[dreg:$0x4] =	wrdreg s14;
	s9 =	smul.u32 $0x4E20, s7  }
0xe: {  	s26 =	sshrl.u32 s24, $0x2;
	s14 =	simm.s32 $0x7;
	s11 =	smul.u32 $0x1388, s7  }
0xf: {  	s8 =	ssub.s32 s8, s10;
	s22 =	smul.u32 $0x9C40, s7;
	s7 =	simm.s32 $0x5  }
0x10: {  	s23 =	sadd.s32 s13, s3;
	s3 =	sshrl.u32 s3, $0x3;
	s8 =	smax.u32 s8, $0x1  }
0x11: {  	s10 =	sshrl.u32 s22, $0x3;
	s11 =	sadd.s32 s5, s11;
	s12 =	sadd.s32 $0xF0, s9  }
0x12: {  	[dreg:$0x9] =	wrdreg s8;
	s22 =	simm.s32 $0x280;
	s10 =	sadd.s32 s5, s10  }
0x13: {  	s8 =	simm.s32 $0x0;
	[dreg:$0x5] =	wrdreg s11;
	s10 =	sadd.s32 $0x14, s10  }
0x14: {  	s11 =	sadd.s32 $0xA0, s9;
	[dreg:$0x6] =	wrdreg s10;
	s10 =	sshrl.u32 s23, $0x3  }
0x15: {  	v0 =	vlaneseq.u32;
	s9 =	sadd.s32 $0x70800, s2;
	s25 =	sadd.s32 s0, s10;
	s0 =	sadd.s32 s0, s3  }
0x16: {  	v0 =	vmul.u32 $0x2, v0;
	s23 =	simm.s32 $0x140;
	[dreg:$0x7] =	wrdreg s25;
	s0 =	sadd.s32 $0xE100, s0  }
0x17: {  	v1 =	vimm.f32 $0.0e+00;
	vm0 =	vmmov $0x1;
	s3 =	sadd.s32 s13, s2;
	[dreg:$0x8] =	wrdreg s0;
	s0 =	sadd.s32 s26, s2  }
0x18: {  	v2 =	vor.u32 $0x1, v0;
	v3 =	vor.u32 $0x20, v0;
	v4 =	vor.u32 $0x21, v0;
	s10 =	simm.s32 $0x4;
	[dreg:$0xa] =	wrdreg s0;
	s0 =	sshrl.u32 @p0 s9, $0x3  }
0x19: {  	v5 =	vor.u32 $0x40, v0;
	v6 =	vor.u32 $0x41, v0;
	v7 =	vor.u32 $0x60, v0;
	s13 =	simm.s32 $0x6;
	[dreg:$0xb] =	wrdreg s0;
	s0 =	sshrl.u32 @!p0 s3, $0x3  }
0x1a: {  	v8 =	vor.u32 $0x61, v0;
	v9 =	vor.u32 $0x80, v0;
	v10 =	vor.u32 $0x81, v0;
	s26 =	simm.s32 $0x1680;
	s9 =	simm.s32 $0x2A80;
	[dreg:$0xc] =	wrdreg s0  }
.LBB2_1:
0x1b: {  	[dreg:$0xd] =	wrdreg s8;
	s0 =	simm.s32 $0xC0;
	s3 =	simm.s32 $0x0  }
.LBB2_2:
0x1c: {  	p1 =	sne.s32 s0, $0x3B40;
	[tilespmem:s3+$0x3EA0] =	vst v1;
	s8 =	smov.u32 s0;
	s0 =	sadd.s32 $0xC0, s0  }
.Ltmp0:
0x1d: {  	[tilespmem:s3+$0x3E80] =	vst v1;
	(pc) =	sbr.rel @p1 .LBB2_2-.Ltmp0, $2  }
0x1e: {  	[tilespmem:s3+$0x3E90] =	vst v1;
	_ =	sdelay $0x2  }
0x1f: {  	s3 =	sshra.s32 s8, $0x2  }
0x20: {  	s0 =	rddreg [dreg:$0x4]  }
0x21: {  	[tilespmem:s3+$0x3EA0] =	vst v1;
	p1 =	sne.s32 s0, $0x1  }
.Ltmp1:
0x22: {  	[tilespmem:s3+$0x3E80] =	vst v1;
	(pc) =	sbr.rel @!p1 .LBB2_5-.Ltmp1, $4  }
0x23: {  	[tilespmem:s3+$0x3E90] =	vst v1;
	s3 =	rddreg [dreg:$0xa]  }
0x24: {  	[spmem:s3] =	stream.linear.scatter [tilespmem:s17], [sflag:$0x8], $0xF00, $0x38;
	[tilespmem:$0xC2B0] =	vst v63  }
0x25: {  	_ =	swait.ge [sflag:s18], $0xF00  }
0x26: {  	s0 =	sadd.s32 $0xFFFFFFFF, s0;
	[sflag:s18] =	ssyncset.done $0x0  }
.LBB2_4:
0x27: {  	p1 =	sne.s32 s0, $0x1;
	[sflag:s18] =	ssyncadd.s32 $0xFFFFF100;
	s3 =	sadd.s32 $0xF00, s3  }
.Ltmp2:
0x28: {  	s0 =	sadd.s32 $0xFFFFFFFF, s0;
	(pc) =	sbr.rel @p1 .LBB2_4-.Ltmp2, $4  }
0x29: {  	_ = 	snop  }
0x2a: {  	[spmem:s3] =	stream.linear.scatter [tilespmem:s17], [sflag:$0x8], $0xF00, $0x38;
	[tilespmem:$0xC2B0] =	vst v63  }
0x2b: {  	_ =	swait.ge [sflag:s18], $0xF00  }
0x2c: {  	[sflag:s18] =	ssyncset.done $0x0  }
.LBB2_5:
0x2d: {  	[sflag:s18] =	ssyncadd.s32 $0xFFFFF100  }
0x2e: {  	[bflag:$0x0] =	sbarrier.arrive $0xFFFF  }
0x2f: {  	s24 =	simm.s32 $0x0;
	s0 =	rddreg [dreg:$0x5]  }
0x30: {  	[tilespmem:s24], [sflag:$0x1] =	stream.linear.gather [hbm4b:s0+s24], $0xA0, $0x38;
	[tilespmem:$0xC2B0] =	vst v63  }
0x31: {  	_ =	swait.ge [sflag:s19], $0xA0  }
0x32: {  	[sflag:s19] =	ssyncset.done $0x0  }
0x33: {  	[sflag:s19] =	ssyncadd.s32 $0xFFFFFF60  }
0x34: {  	v11 =	vld.idx.msk [tilespmem:v0+s24+$0x0], $0xffff;
	_ =	sdelay $0x4  }
0x35: {  	[tilespmem:$0x140] =	vst v11  }
0x36: {  	v11 =	vld.idx.msk [tilespmem:v2+s24+$0x0], $0xffff;
	_ =	sdelay $0x4  }
0x37: {  	[tilespmem:$0x1E0] =	vst v11  }
0x38: {  	v11 =	vld.idx.msk [tilespmem:v3+s24+$0x0], $0xffff;
	_ =	sdelay $0x4  }
0x39: {  	[tilespmem:$0x150] =	vst v11  }
0x3a: {  	v11 =	vld.idx.msk [tilespmem:v4+s24+$0x0], $0xffff;
	_ =	sdelay $0x4  }
0x3b: {  	[tilespmem:$0x1F0] =	vst v11  }
0x3c: {  	v11 =	vld.idx.msk [tilespmem:v5+s24+$0x0], $0xffff;
	_ =	sdelay $0x4  }
0x3d: {  	[tilespmem:$0x160] =	vst v11  }
0x3e: {  	v11 =	vld.idx.msk [tilespmem:v6+s24+$0x0], $0xffff;
	_ =	sdelay $0x4  }
0x3f: {  	[tilespmem:$0x200] =	vst v11  }
0x40: {  	v11 =	vld.idx.msk [tilespmem:v7+s24+$0x0], $0xffff;
	_ =	sdelay $0x4  }
0x41: {  	[tilespmem:$0x170] =	vst v11  }
0x42: {  	v11 =	vld.idx.msk [tilespmem:v8+s24+$0x0], $0xffff;
	_ =	sdelay $0x4  }
0x43: {  	[tilespmem:$0x210] =	vst v11  }
0x44: {  	v11 =	vld.idx.msk [tilespmem:v9+s24+$0x0], $0xffff;
	_ =	sdelay $0x4  }
0x45: {  	[tilespmem:$0x180] =	vst v11  }
0x46: {  	v11 =	vld.idx.msk [tilespmem:v10+s24+$0x0], $0xffff;
	_ =	sdelay $0x4  }
0x47: {  	[tilespmem:$0x220] =	vst v11  }
0x48: {  	[tilespmem:s22], [sflag:$0x3] =	stream.indirect.gather [hbm4b:s1+s20], $0x20, s21, s20, $0xb8;
	[tilespmem:$0xC2B0] =	vst v63  }
0x49: {  	_ = 	snop  }
0x4a: {  	[tilespmem:s26], [sflag:$0x5] =	stream.indirect.gather [hbm4b:s6+s20], $0x40, s23, s20, $0xb8;
	[tilespmem:$0xC2B0] =	vst v63  }
0x4b: {  	s25 =	rddreg [dreg:$0x6]  }
0x4c: {  	[tilespmem:s28], [sflag:$0x2] =	stream.linear.gather [hbm4b:s25+s24], $0xA0, $0x38;
	[tilespmem:$0xC2B0] =	vst v63  }
.LBB2_6:
0x4d: {  	_ =	swait.ge [sflag:s29], $0xA00  }
0x4e: {  	[sflag:s29] =	ssyncset.done $0x0  }
0x4f: {  	[sflag:s29] =	ssyncadd.s32 $0xFFFFF600  }
0x50: {  	_ =	swait.ge [sflag:s7], $0x1400  }
0x51: {  	p1 =	seq.s32 s24, $0x0;
	[sflag:s7] =	ssyncset.done $0x0  }
0x52: {  	s0 =	simm.s32 @!p1 $0x7;
	[sflag:s7] =	ssyncadd.s32 $0xFFFFEC00  }
0x53: {  	_ =	swait.ge @!p1 [sflag:s0], $0xF00  }
0x54: {  	[sflag:s0] =	ssyncset.done @!p1 $0x0  }
0x55: {  	[sflag:s0] =	ssyncadd.s32 @!p1 $0xFFFFF100  }
0x56: {  	_ =	swait.ge [sflag:s30], $0xA0  }
0x57: {  	[sflag:s30] =	ssyncset.done $0x0  }
0x58: {  	[sflag:s30] =	ssyncadd.s32 $0xFFFFFF60  }
0x59: {  	v11 =	vld.idx.msk [tilespmem:v0+s28+$0x0], $0xffff;
	_ =	sdelay $0x4  }
0x5a: {  	[tilespmem:$0x190] =	vst v11  }
0x5b: {  	v11 =	vld.idx.msk [tilespmem:v2+s28+$0x0], $0xffff;
	_ =	sdelay $0x4  }
0x5c: {  	[tilespmem:$0x230] =	vst v11  }
0x5d: {  	v11 =	vld.idx.msk [tilespmem:v3+s28+$0x0], $0xffff;
	_ =	sdelay $0x4  }
0x5e: {  	[tilespmem:$0x1A0] =	vst v11  }
0x5f: {  	v11 =	vld.idx.msk [tilespmem:v4+s28+$0x0], $0xffff;
	_ =	sdelay $0x4  }
0x60: {  	[tilespmem:$0x240] =	vst v11  }
0x61: {  	v11 =	vld.idx.msk [tilespmem:v5+s28+$0x0], $0xffff;
	_ =	sdelay $0x4  }
0x62: {  	[tilespmem:$0x1B0] =	vst v11  }
0x63: {  	v11 =	vld.idx.msk [tilespmem:v6+s28+$0x0], $0xffff;
	_ =	sdelay $0x4  }
0x64: {  	[tilespmem:$0x250] =	vst v11  }
0x65: {  	v11 =	vld.idx.msk [tilespmem:v7+s28+$0x0], $0xffff;
	_ =	sdelay $0x4  }
0x66: {  	[tilespmem:$0x1C0] =	vst v11  }
0x67: {  	v11 =	vld.idx.msk [tilespmem:v8+s28+$0x0], $0xffff;
	_ =	sdelay $0x4  }
0x68: {  	[tilespmem:$0x260] =	vst v11  }
0x69: {  	v11 =	vld.idx.msk [tilespmem:v9+s28+$0x0], $0xffff;
	_ =	sdelay $0x4  }
0x6a: {  	[tilespmem:$0x1D0] =	vst v11  }
0x6b: {  	v11 =	vld.idx.msk [tilespmem:v10+s28+$0x0], $0xffff  }
0x6c: {  	s25 =	sshll.u32 s24, $0x1  }
0x6d: {  	s3 =	smin.u32 s25, $0xF7  }
0x6e: {  	s0 =	smul.u32 $0x50, s3;
	_ =	sdelay $0x1  }
0x6f: {  	s16 =	simm.s32 $0xC80;
	s0 =	sadd.s32 s0, s11;
	[tilespmem:$0x270] =	vst v11  }
0x70: {  	[tilespmem:s16], [sflag:$0x4] =	stream.indirect.gather [hbm4b:s1+s20], $0x20, s31, s20, $0xb8;
	[tilespmem:$0xC2B0] =	vst v63  }
0x71: {  	s3 =	simm.s32 $0x190;
	s0 =	sshrl.u32 s0, $0x2  }
0x72: {  	[tilespmem:s9], [sflag:$0x6] =	stream.indirect.gather [hbm4b:s6+s20], $0x40, s3, s20, $0xb8;
	[tilespmem:$0xC2B0] =	vst v63  }
0x73: {  	s8 =	simm.s32 $0x2C0;
	s0 =	sadd.s32 s5, s0  }
0x74: {  	[tilespmem:s4], [sflag:$0x1] =	stream.linear.gather [hbm4b:s0+s4], $0xA0, $0x38;
	[tilespmem:$0xC2B0] =	vst v63  }
0x75: {  	v11 =	vld [tilespmem:s8+$0x20]  }
0x76: {  	s15 =	simm.s32 $0x1700;
	v12 =	vld [tilespmem:s8+$0x30]  }
0x77: {  	v13 =	vld [tilespmem:s15+$0x40]  }
0x78: {  	v14 =	vld [tilespmem:s15+$0x50]  }
0x79: {  	v15 =	vld [tilespmem:s8+$0xFFFFFFD0]  }
0x7a: {  	v16 =	vld [tilespmem:s15+$0xFFFFFF80]  }
0x7b: {  	v17 =	vld [tilespmem:s8+$0xFFFFFFE0]  }
0x7c: {  	v18 =	vld [tilespmem:s8+$0xFFFFFFF0]  }
0x7d: {  	v19 =	vld [tilespmem:s15+$0xFFFFFFC0]  }
0x7e: {  	v20 =	vld [tilespmem:s15+$0xFFFFFFD0]  }
0x7f: {  	v21 =	vld [tilespmem:s15+$0xFFFFFF90];
	v11 =	vmul.f32 v13, v11;
	v12 =	vmul.f32 v14, v12  }
0x80: {  	v22 =	vld [tilespmem:s8+$0x0]  }
0x81: {  	v23 =	vld [tilespmem:s8+$0x10];
	v11 =	vadd.f32 v12, v11  }
0x82: {  	v24 =	vld [tilespmem:s15+$0x0]  }
0x83: {  	v12 =	vmul.f32 v20, v18;
	v18 =	vld [tilespmem:s8+$0xFFFFFFC0];
	(xrf2) =	vadd.scan.msk.f32 $0xffff, v11;
	v11 =	vmul.f32 v19, v17  }
0x84: {  	v25 =	vld [tilespmem:s15+$0xFFFFFFE0]  }
0x85: {  	s16 =	simm.s32 $0x340;
	v27 =	vld [tilespmem:s15+$0xFFFFFFF0];
	v11 =	vadd.f32 v12, v11  }
0x86: {  	v26 =	vld [tilespmem:s16+$0x0];
	s8 =	simm.s32 $0x1800  }
0x87: {  	v20 =	vmul.f32 v24, v22;
	v22 =	vld [tilespmem:s8+$0x50];
	(xrf2) =	vadd.scan.msk.f32 $0xffff, v11  }
0x88: {  	v15 =	vmul.f32 v21, v15;
	v17 =	vld [tilespmem:s15+$0x10];
	v16 =	vmul.f32 v16, v18  }
0x89: {  	v18 =	vld [tilespmem:s16+$0x20]  }
0x8a: {  	v15 =	vadd.f32 v15, v16;
	v16 =	vld [tilespmem:s8+$0x40]  }
0x8b: {  	v19 =	vld [tilespmem:s16+$0x30]  }
0x8c: {  	v28 =	vld [tilespmem:s16+$0x10]  }
0x8d: {  	v30 =	vld [tilespmem:s15+$0x60];
	v21, _, _ =	vpop (xrf2)  }
0x8e: {  	v32 =	vld [tilespmem:s16+$0xFFFFFFC0];
	v17 =	vmul.f32 v17, v23;
	(xrf2) =	vadd.scan.msk.f32 $0xffff, v15;
	v21 =	vmul.f32 $1.442695020e+00, v21  }
0x8f: {  	v14 =	vld [tilespmem:s15+$0xFFFFFFA0];
	v16 =	vmul.f32 v16, v18  }
0x90: {  	v13 =	vld [tilespmem:s15+$0xFFFFFFB0];
	v17 =	vadd.f32 v17, v20;
	v18 =	vmul.f32 v22, v19;
	v20 =	vbroadcast v21, $0xF  }
0x91: {  	v15 =	vld [tilespmem:s16+$0xFFFFFFD0];
	v23, _, _ =	vpop (xrf2)  }
0x92: {  	v16 =	vadd.f32 v18, v16;
	v18 =	vld [tilespmem:s8+$0xFFFFFFD0];
	(xrf2) =	vadd.scan.msk.f32 $0xffff, v17;
	(erf) = vpow2.f32 v20;
	v20 =	vmul.f32 $1.442695020e+00, v23  }
0x93: {  	v21 =	vld [tilespmem:s8+$0xFFFFFF90]  }
0x94: {  	v17 =	vld [tilespmem:s16+$0xFFFFFFE0];
	v19 =	vbroadcast v20, $0xF  }
0x95: {  	v23 =	vld [tilespmem:s16+$0xFFFFFFF0]  }
0x96: {  	(xrf2) =	vadd.scan.msk.f32 $0xffff, v16;
	v20 =	vld [tilespmem:s8+$0xFFFFFFC0];
	(erf) = vpow2.f32 v19  }
0x97: {  	v22 =	vld [tilespmem:s15+$0x70]  }
0x98: {  	v29 =	vld [tilespmem:s8+$0x0];
	v16, _, _ =	vpop (xrf2)  }
0x99: {  	v31 =	vld [tilespmem:s8+$0x10];
	v16 =	vmul.f32 $1.442695020e+00, v16  }
0x9a: {  	v24 =	vld [tilespmem:s8+$0xFFFFFF80];
	v19 =	vmul.f32 v21, v15;
	v18 =	vmul.f32 v18, v23  }
0x9b: {  	v12 =	vld [tilespmem:s15+$0x20];
	v17 =	vmul.f32 v20, v17;
	v16 =	vbroadcast v16, $0xF;
	v21 =	vpop (erf)  }
0x9c: {  	v11 =	vld [tilespmem:s15+$0x30];
	v15, _, _ =	vpop (xrf2);
	v20 =	vmul.f32 v21, v22  }
0x9d: {  	v17 =	vadd.f32 v18, v17;
	v22 =	vmul.f32 $1.442695020e+00, v15;
	v15 =	vld [tilespmem:s8+$0xFFFFFFA0];
	(erf) = vpow2.f32 v16  }
0x9e: {  	v28 =	vmul.f32 v31, v28;
	s16 =	simm.s32 $0x3EE0;
	v18 =	vmul.f32 v29, v26;
	v16 =	vld [tilespmem:s8+$0xFFFFFFB0];
	v23 =	vnsel vm0, $0x0, v21  }
0x9f: {  	v26 =	vmul.f32 v21, v30;
	(xrf2) =	vadd.scan.msk.f32 $0xffff, v17;
	[tilespmem:s16+$0x40] =	vst v20;
	v22 =	vbroadcast v22, $0xF;
	v20 =	vld [tilespmem:s8+$0xFFFFFFE0];
	v62 =	vpop (erf)  }
0xa0: {  	v24 =	vmul.f32 v24, v32;
	v21 =	vld [tilespmem:s8+$0xFFFFFFF0];
	v63, _, _ =	vpop (xrf2);
	[tilespmem:s16+$0x50] =	vst v23;
	v25 =	vmul.f32 v62, v25  }
0xa1: {  	v17 =	vld [tilespmem:s8+$0x20];
	[tilespmem:s16+$0x30] =	vst v26;
	v26 =	vmul.f32 $1.442695020e+00, v63;
	(erf) = vpow2.f32 v22  }
0xa2: {  	s3 =	simm.s32 $0x3C0;
	s0 =	simm.s32 $0x4;
	s15 =	simm.s32 $0x1800;
	v23 =	vnsel vm0, $0x0, v62;
	v22 =	vadd.f32 v28, v18;
	v18 =	vld [tilespmem:s8+$0x30];
	[tilespmem:s16+$0xFFFFFFD0] =	vst v25;
	v25 =	vmul.f32 v62, v27  }
.LBB2_7:
0xa3: {  	v27 =	vld [tilespmem:s3+$0x20];
	v29 =	vadd.f32 v19, v24;
	[tilespmem:s16+$0xFFFFFFF0] =	vst v23  }
0xa4: {  	s8 =	sadd.s32 $0x100, s8;
	v23 =	vld [tilespmem:s3+$0x30];
	v24 =	vbroadcast v26, $0xF;
	[tilespmem:s16+$0xFFFFFFE0] =	vst v25;
	v25 =	vmov v20  }
0xa5: {  	v20 =	vld [tilespmem:s8+$0x40];
	v28 =	vmov v21  }
0xa6: {  	s0 =	sadd.s32 $0x4, s0;
	v21 =	vld [tilespmem:s8+$0x50];
	(xrf2) =	vadd.scan.msk.f32 $0xffff, v29;
	(erf) = vpow2.f32 v24;
	v19 =	vpop (erf)  }
0xa7: {  	p1 =	slt.u32 s0, $0x4C;
	v24 =	vld [tilespmem:s3+$0xFFFFFFD0];
	v26 =	vmul.f32 v19, v14;
	v29 =	vmul.f32 v19, v13;
	v19 =	vnsel vm0, $0x0, v19;
	v14 =	vmovc v15;
	v13 =	vmovc v16  }
0xa8: {  	v30 =	vld [tilespmem:s8+$0xFFFFFF80];
	[tilespmem:s16+$0xFFFFFFC0] =	vst v19  }
0xa9: {  	v15 =	vld [tilespmem:s8+$0xFFFFFF90];
	v16, _, _ =	vpop (xrf2);
	(xrf2) =	vadd.scan.msk.f32 $0xffff, v22;
	[tilespmem:s16+$0xFFFFFFA0] =	vst v26  }
0xaa: {  	v22 =	vld [tilespmem:s3+$0xFFFFFFE0];
	v16 =	vmul.f32 $1.442695020e+00, v16;
	[tilespmem:s16+$0xFFFFFFB0] =	vst v29;
	v19 =	vpop (erf)  }
0xab: {  	v20 =	vmul.f32 v20, v27;
	v21 =	vmul.f32 v21, v23;
	v23 =	vld [tilespmem:s15+$0x70];
	v26 =	vnsel vm0, $0x0, v19  }
0xac: {  	v29 =	vmul.f32 v19, v12;
	v12 =	vmov v17;
	v27 =	vld [tilespmem:s3+$0xFFFFFFF0];
	v16 =	vbroadcast v16, $0xF;
	[tilespmem:s16+$0x20] =	vst v26  }
0xad: {  	v31 =	vmul.f32 v19, v11;
	v11 =	vmov v18;
	v17 =	vld [tilespmem:s8+$0xFFFFFFC0];
	v20 =	vadd.f32 v21, v20  }
0xae: {  	v19 =	vmul.f32 v15, v24;
	v15 =	vld [tilespmem:s8+$0xFFFFFFD0];
	(erf) = vpow2.f32 v16;
	[tilespmem:s16+$0x0] =	vst v29  }
0xaf: {  	v18 =	vld [tilespmem:s3+$0x0];
	(xrf2) =	vadd.scan.msk.f32 $0xffff, v20;
	v24 =	vpop (erf);
	[tilespmem:s16+$0x10] =	vst v31  }
0xb0: {  	v26 =	vld [tilespmem:s3+$0x10];
	v16 =	vmul.f32 v24, v23;
	v20 =	vnsel vm0, $0x0, v24;
	v21, _, _ =	vpop (xrf2)  }
0xb1: {  	s16 =	sadd.s32 $0xC0, s16;
	v23 =	vld [tilespmem:s8+$0x0];
	v21 =	vmul.f32 $1.442695020e+00, v21  }
0xb2: {  	v17 =	vmul.f32 v17, v22;
	v22 =	vld [tilespmem:s15+$0x60];
	[tilespmem:s16+$0x40] =	vst v16;
	s15 =	smov.u32 s8  }
0xb3: {  	v16 =	vmul.f32 v15, v27;
	v27 =	vld [tilespmem:s8+$0x10];
	v21 =	vbroadcast v21, $0xF;
	[tilespmem:s16+$0x50] =	vst v20;
	v15, _, _ =	vpop (xrf2)  }
0xb4: {  	v29 =	vld [tilespmem:s3+$0xFFFFFFC0];
	v20 =	vmul.f32 $1.442695020e+00, v15  }
0xb5: {  	v15 =	vld [tilespmem:s8+$0xFFFFFFA0];
	v17 =	vadd.f32 v16, v17;
	(erf) = vpow2.f32 v21  }
.Ltmp3:
0xb6: {  	v16 =	vld [tilespmem:s8+$0xFFFFFFB0];
	v18 =	vmul.f32 v23, v18;
	v31 =	vbroadcast v20, $0xF;
	(pc) =	sbr.rel @p1 .LBB2_7-.Ltmp3, $4  }
0xb7: {  	v20 =	vld [tilespmem:s8+$0xFFFFFFE0];
	(xrf2) =	vadd.scan.msk.f32 $0xffff, v17;
	v22 =	vmul.f32 v24, v22;
	v32 =	vpop (erf)  }
0xb8: {  	v21 =	vld [tilespmem:s8+$0xFFFFFFF0];
	v26 =	vmul.f32 v27, v26;
	v25 =	vmul.f32 v32, v25;
	v23 =	vnsel vm0, $0x0, v32  }
0xb9: {  	v24 =	vmul.f32 v30, v29;
	v17 =	vld [tilespmem:s8+$0x20];
	v27, _, _ =	vpop (xrf2);
	[tilespmem:s16+$0x30] =	vst v22;
	(erf) = vpow2.f32 v31  }
0xba: {  	s3 =	sadd.s32 $0x80, s3;
	v22 =	vadd.f32 v26, v18;
	v18 =	vld [tilespmem:s8+$0x30];
	v26 =	vmul.f32 $1.442695020e+00, v27;
	[tilespmem:s16+$0xFFFFFFD0] =	vst v25;
	v25 =	vmul.f32 v32, v28  }
0xbb: {  	v19 =	vadd.f32 v19, v24;
	_ =	sdelay $0x1  }
0xbc: {  	(xrf2) =	vadd.scan.msk.f32 $0xffff, v19;
	_ =	sdelay $0x4  }
0xbd: {  	(xrf2) =	vadd.scan.msk.f32 $0xffff, v22;
	v22, _, _ =	vpop (xrf2)  }
0xbe: {  	v22 =	vmul.f32 $1.442695020e+00, v22  }
0xbf: {  	v19 =	vbroadcast v26, $0xF;
	_ =	sdelay $0x1  }
0xc0: {  	(erf) = vpow2.f32 v19;
	v19 =	vbroadcast v22, $0xF  }
0xc1: {  	v22, _, _ =	vpop (xrf2)  }
0xc2: {  	(erf) = vpow2.f32 v19;
	v19 =	vmul.f32 $1.442695020e+00, v22;
	v22 =	vpop (erf)  }
0xc3: {  	v14 =	vmul.f32 v22, v14;
	_ =	sdelay $0x2  }
0xc4: {  	[tilespmem:s16+$0xFFFFFFF0] =	vst v23;
	v13 =	vmul.f32 v22, v13  }
0xc5: {  	v24 =	vld [tilespmem:s15+$0x70];
	[tilespmem:s16+$0xFFFFFFA0] =	vst v14;
	v14 =	vpop (erf)  }
0xc6: {  	v23 =	vnsel vm0, $0x0, v22;
	v19 =	vbroadcast v19, $0xF;
	[tilespmem:s16+$0xFFFFFFB0] =	vst v13;
	v13 =	vnsel vm0, $0x0, v14  }
0xc7: {  	[tilespmem:s16+$0xFFFFFFC0] =	vst v23;
	v23 =	vld [tilespmem:s15+$0x60]  }
0xc8: {  	[tilespmem:s16+$0xFFFFFFE0] =	vst v25;
	v25, _, _ =	vpop (xrf2);
	(erf) = vpow2.f32 v19;
	v12 =	vmul.f32 v14, v12  }
0xc9: {  	v22 =	vmul.f32 $1.442695020e+00, v25;
	v11 =	vmul.f32 v14, v11;
	[tilespmem:s16+$0x20] =	vst v13;
	v13 =	vpop (erf)  }
0xca: {  	[tilespmem:s16+$0x0] =	vst v12;
	v12 =	vmul.f32 v13, v24  }
0xcb: {  	s0 =	sadd.s32 $0xC0, s16;
	v19 =	vbroadcast v22, $0xF;
	[tilespmem:s16+$0x10] =	vst v11  }
0xcc: {  	v11 =	vnsel vm0, $0x0, v13;
	[tilespmem:s0+$0x40] =	vst v12;
	v12 =	vmul.f32 v13, v23  }
0xcd: {  	(erf) = vpow2.f32 v19;
	[tilespmem:s0+$0x50] =	vst v11;
	v13 =	vpop (erf)  }
0xce: {  	v11 =	vmul.f32 v13, v20;
	[tilespmem:s0+$0x30] =	vst v12;
	v12 =	vnsel vm0, $0x0, v13;
	_ =	sdelay $0x1  }
0xcf: {  	[tilespmem:s0+$0xFFFFFFD0] =	vst v11;
	v11 =	vmul.f32 v13, v21  }
0xd0: {  	[tilespmem:s0+$0xFFFFFFF0] =	vst v12;
	v12 =	vpop (erf)  }
0xd1: {  	[tilespmem:s0+$0xFFFFFFE0] =	vst v11;
	v11 =	vmul.f32 v12, v15;
	_ =	sdelay $0x1  }
0xd2: {  	v13 =	vnsel vm0, $0x0, v12  }
0xd3: {  	v12 =	vmul.f32 v12, v16;
	[tilespmem:s0+$0xFFFFFFC0] =	vst v13  }
0xd4: {  	[tilespmem:s0+$0xFFFFFFA0] =	vst v11;
	v11 =	vpop (erf)  }
0xd5: {  	[tilespmem:s0+$0xFFFFFFB0] =	vst v12;
	v12 =	vnsel vm0, $0x0, v11;
	v13 =	vmul.f32 v11, v17  }
0xd6: {  	v11 =	vmul.f32 v11, v18;
	[tilespmem:s0+$0x20] =	vst v12  }
0xd7: {  	[tilespmem:s0+$0x0] =	vst v13  }
0xd8: {  	[tilespmem:s0+$0x10] =	vst v11  }
0xd9: {  	[spmem:s2] =	stream.indirect.scatter.add.f32 [tilespmem:s17], [sflag:$0x7], $0x30, s21, s20, $0xb8;
	[tilespmem:$0xC2B0] =	vst v63  }
0xda: {  	_ =	swait.ge [sflag:s10], $0xA00  }
0xdb: {  	[sflag:s10] =	ssyncset.done $0x0  }
0xdc: {  	[sflag:s10] =	ssyncadd.s32 $0xFFFFF600  }
0xdd: {  	_ =	swait.ge [sflag:s13], $0x1400  }
0xde: {  	[sflag:s13] =	ssyncset.done $0x0  }
0xdf: {  	[sflag:s13] =	ssyncadd.s32 $0xFFFFEC00  }
0xe0: {  	_ =	swait.ge [sflag:s14], $0xF00  }
0xe1: {  	[sflag:s14] =	ssyncset.done $0x0  }
0xe2: {  	[sflag:s14] =	ssyncadd.s32 $0xFFFFF100  }
0xe3: {  	_ =	swait.ge [sflag:s19], $0xA0  }
0xe4: {  	[sflag:s19] =	ssyncset.done $0x0  }
0xe5: {  	[sflag:s19] =	ssyncadd.s32 $0xFFFFFF60  }
0xe6: {  	v11 =	vld.idx.msk [tilespmem:v0+s4+$0x0], $0xffff;
	_ =	sdelay $0x4  }
0xe7: {  	[tilespmem:$0x140] =	vst v11  }
0xe8: {  	v11 =	vld.idx.msk [tilespmem:v2+s4+$0x0], $0xffff;
	_ =	sdelay $0x4  }
0xe9: {  	[tilespmem:$0x1E0] =	vst v11  }
0xea: {  	v11 =	vld.idx.msk [tilespmem:v3+s4+$0x0], $0xffff;
	_ =	sdelay $0x4  }
0xeb: {  	[tilespmem:$0x150] =	vst v11  }
0xec: {  	v11 =	vld.idx.msk [tilespmem:v4+s4+$0x0], $0xffff;
	_ =	sdelay $0x4  }
0xed: {  	[tilespmem:$0x1F0] =	vst v11  }
0xee: {  	v11 =	vld.idx.msk [tilespmem:v5+s4+$0x0], $0xffff;
	_ =	sdelay $0x4  }
0xef: {  	[tilespmem:$0x160] =	vst v11  }
0xf0: {  	v11 =	vld.idx.msk [tilespmem:v6+s4+$0x0], $0xffff;
	_ =	sdelay $0x4  }
0xf1: {  	[tilespmem:$0x200] =	vst v11  }
0xf2: {  	v11 =	vld.idx.msk [tilespmem:v7+s4+$0x0], $0xffff;
	_ =	sdelay $0x4  }
0xf3: {  	[tilespmem:$0x170] =	vst v11  }
0xf4: {  	v11 =	vld.idx.msk [tilespmem:v8+s4+$0x0], $0xffff;
	_ =	sdelay $0x4  }
0xf5: {  	[tilespmem:$0x210] =	vst v11  }
0xf6: {  	v11 =	vld.idx.msk [tilespmem:v9+s4+$0x0], $0xffff;
	_ =	sdelay $0x4  }
0xf7: {  	[tilespmem:$0x180] =	vst v11  }
0xf8: {  	v11 =	vld.idx.msk [tilespmem:v10+s4+$0x0], $0xffff;
	_ =	sdelay $0x1  }
0xf9: {  	s15 =	smin.u32 s25, $0xF6  }
0xfa: {  	s0 =	smul.u32 $0x50, s15;
	_ =	sdelay $0x1  }
0xfb: {  	s0 =	sadd.s32 s0, s12;
	[tilespmem:$0x220] =	vst v11  }
0xfc: {  	[tilespmem:s22], [sflag:$0x3] =	stream.indirect.gather [hbm4b:s1+s20], $0x20, s21, s20, $0xb8;
	[tilespmem:$0xC2B0] =	vst v63  }
0xfd: {  	s0 =	sshrl.u32 s0, $0x2  }
0xfe: {  	[tilespmem:s26], [sflag:$0x5] =	stream.indirect.gather [hbm4b:s6+s20], $0x40, s23, s20, $0xb8;
	[tilespmem:$0xC2B0] =	vst v63  }
0xff: {  	s3 =	simm.s32 $0xCC0;
	s0 =	sadd.s32 s5, s0  }
0x100: {  	[tilespmem:s28], [sflag:$0x2] =	stream.linear.gather [hbm4b:s0+s4], $0xA0, $0x38;
	[tilespmem:$0xC2B0] =	vst v63  }
0x101: {  	v11 =	vld [tilespmem:s3+$0x20]  }
0x102: {  	s16 =	simm.s32 $0x2B00;
	v12 =	vld [tilespmem:s3+$0x30]  }
0x103: {  	v13 =	vld [tilespmem:s16+$0x40]  }
0x104: {  	v14 =	vld [tilespmem:s16+$0x50]  }
0x105: {  	v15 =	vld [tilespmem:s3+$0xFFFFFFD0]  }
0x106: {  	v16 =	vld [tilespmem:s16+$0xFFFFFF80]  }
0x107: {  	v17 =	vld [tilespmem:s3+$0xFFFFFFE0]  }
0x108: {  	v18 =	vld [tilespmem:s3+$0xFFFFFFF0]  }
0x109: {  	v19 =	vld [tilespmem:s16+$0xFFFFFFC0]  }
0x10a: {  	v20 =	vld [tilespmem:s16+$0xFFFFFFD0]  }
0x10b: {  	v21 =	vld [tilespmem:s16+$0xFFFFFF90];
	v11 =	vmul.f32 v13, v11;
	v12 =	vmul.f32 v14, v12  }
0x10c: {  	v22 =	vld [tilespmem:s3+$0x0]  }
0x10d: {  	v23 =	vld [tilespmem:s3+$0x10];
	v11 =	vadd.f32 v12, v11  }
0x10e: {  	v24 =	vld [tilespmem:s16+$0x0]  }
0x10f: {  	v25 =	vld [tilespmem:s16+$0xFFFFFFE0];
	v12 =	vmul.f32 v20, v18;
	(xrf2) =	vadd.scan.msk.f32 $0xffff, v11;
	v11 =	vmul.f32 v19, v17  }
0x110: {  	v18 =	vld [tilespmem:s3+$0xFFFFFFC0]  }
0x111: {  	s25 =	simm.s32 $0xD40;
	v27 =	vld [tilespmem:s16+$0xFFFFFFF0];
	v11 =	vadd.f32 v12, v11  }
0x112: {  	v26 =	vld [tilespmem:s25+$0x0]  }
0x113: {  	v28 =	vld [tilespmem:s25+$0x10];
	(xrf2) =	vadd.scan.msk.f32 $0xffff, v11  }
0x114: {  	s8 =	simm.s32 $0x2C00;
	v15 =	vmul.f32 v21, v15;
	v17 =	vld [tilespmem:s16+$0x10]  }
0x115: {  	v20 =	vmul.f32 v24, v22;
	v22 =	vld [tilespmem:s8+$0x50];
	v16 =	vmul.f32 v16, v18  }
0x116: {  	v19 =	vld [tilespmem:s25+$0x30]  }
0x117: {  	v18 =	vld [tilespmem:s25+$0x20];
	v15 =	vadd.f32 v15, v16  }
0x118: {  	v16 =	vld [tilespmem:s8+$0x40]  }
0x119: {  	v29 =	vld [tilespmem:s8+$0x0];
	v17 =	vmul.f32 v17, v23;
	(xrf2) =	vadd.scan.msk.f32 $0xffff, v15;
	v21, _, _ =	vpop (xrf2)  }
0x11a: {  	v30 =	vld [tilespmem:s16+$0x60];
	v21 =	vmul.f32 $1.442695020e+00, v21  }
0x11b: {  	v31 =	vld [tilespmem:s8+$0x10];
	v17 =	vadd.f32 v17, v20  }
0x11c: {  	v32 =	vld [tilespmem:s25+$0xFFFFFFC0];
	v20 =	vbroadcast v21, $0xF  }
0x11d: {  	v15 =	vld [tilespmem:s25+$0xFFFFFFD0];
	(xrf2) =	vadd.scan.msk.f32 $0xffff, v17;
	v16 =	vmul.f32 v16, v18;
	v18 =	vmul.f32 v22, v19;
	v23, _, _ =	vpop (xrf2)  }
0x11e: {  	v17 =	vld [tilespmem:s25+$0xFFFFFFE0];
	(erf) = vpow2.f32 v20;
	v20 =	vmul.f32 $1.442695020e+00, v23  }
0x11f: {  	v16 =	vadd.f32 v18, v16;
	v18 =	vld [tilespmem:s8+$0xFFFFFFD0]  }
0x120: {  	v21 =	vld [tilespmem:s8+$0xFFFFFF90];
	v19 =	vbroadcast v20, $0xF  }
0x121: {  	v23 =	vld [tilespmem:s25+$0xFFFFFFF0]  }
0x122: {  	(xrf2) =	vadd.scan.msk.f32 $0xffff, v16;
	v20 =	vld [tilespmem:s8+$0xFFFFFFC0];
	(erf) = vpow2.f32 v19  }
0x123: {  	v14 =	vld [tilespmem:s16+$0xFFFFFFA0];
	v16, _, _ =	vpop (xrf2)  }
0x124: {  	v22 =	vld [tilespmem:s16+$0x70];
	v16 =	vmul.f32 $1.442695020e+00, v16  }
0x125: {  	v13 =	vld [tilespmem:s16+$0xFFFFFFB0]  }
0x126: {  	v24 =	vld [tilespmem:s8+$0xFFFFFF80];
	v19 =	vmul.f32 v21, v15;
	v16 =	vbroadcast v16, $0xF  }
0x127: {  	v12 =	vld [tilespmem:s16+$0x20];
	v18 =	vmul.f32 v18, v23;
	v15, _, _ =	vpop (xrf2);
	v17 =	vmul.f32 v20, v17  }
0x128: {  	v11 =	vld [tilespmem:s16+$0x30];
	v21 =	vpop (erf);
	(erf) = vpow2.f32 v16  }
0x129: {  	v17 =	vadd.f32 v18, v17;
	v16 =	vld [tilespmem:s8+$0xFFFFFFB0];
	v20 =	vmul.f32 v21, v22;
	v22 =	vmul.f32 $1.442695020e+00, v15  }
0x12a: {  	v28 =	vmul.f32 v31, v28;
	s16 =	simm.s32 $0x3EE0;
	v18 =	vmul.f32 v29, v26;
	v15 =	vld [tilespmem:s8+$0xFFFFFFA0];
	v23 =	vnsel vm0, $0x0, v21  }
0x12b: {  	v26 =	vmul.f32 v21, v30;
	(xrf2) =	vadd.scan.msk.f32 $0xffff, v17;
	[tilespmem:s16+$0x40] =	vst v20;
	v22 =	vbroadcast v22, $0xF;
	v20 =	vld [tilespmem:s8+$0xFFFFFFE0];
	v62 =	vpop (erf)  }
0x12c: {  	v24 =	vmul.f32 v24, v32;
	v63, _, _ =	vpop (xrf2);
	v21 =	vld [tilespmem:s8+$0xFFFFFFF0];
	[tilespmem:s16+$0x50] =	vst v23;
	v25 =	vmul.f32 v62, v25  }
0x12d: {  	v17 =	vld [tilespmem:s8+$0x20];
	[tilespmem:s16+$0x30] =	vst v26;
	v26 =	vmul.f32 $1.442695020e+00, v63;
	(erf) = vpow2.f32 v22  }
0x12e: {  	s15 =	simm.s32 $0x2C00;
	s0 =	simm.s32 $0x4;
	s3 =	simm.s32 $0xDC0;
	v23 =	vnsel vm0, $0x0, v62;
	v22 =	vadd.f32 v28, v18;
	v18 =	vld [tilespmem:s8+$0x30];
	[tilespmem:s16+$0xFFFFFFD0] =	vst v25;
	v25 =	vmul.f32 v62, v27  }
.LBB2_9:
0x12f: {  	v27 =	vld [tilespmem:s3+$0x20];
	v29 =	vadd.f32 v19, v24;
	[tilespmem:s16+$0xFFFFFFF0] =	vst v23  }
0x130: {  	s8 =	sadd.s32 $0x100, s8;
	v23 =	vld [tilespmem:s3+$0x30];
	v24 =	vbroadcast v26, $0xF;
	[tilespmem:s16+$0xFFFFFFE0] =	vst v25;
	v25 =	vmov v20  }
0x131: {  	v20 =	vld [tilespmem:s8+$0x40];
	v28 =	vmov v21  }
0x132: {  	s0 =	sadd.s32 $0x4, s0;
	v21 =	vld [tilespmem:s8+$0x50];
	(xrf2) =	vadd.scan.msk.f32 $0xffff, v29;
	(erf) = vpow2.f32 v24;
	v19 =	vpop (erf)  }
0x133: {  	p1 =	slt.u32 s0, $0x4C;
	v24 =	vld [tilespmem:s3+$0xFFFFFFD0];
	v26 =	vmul.f32 v19, v14;
	v29 =	vmul.f32 v19, v13;
	v19 =	vnsel vm0, $0x0, v19;
	v14 =	vmovc v15;
	v13 =	vmovc v16  }
0x134: {  	v30 =	vld [tilespmem:s8+$0xFFFFFF80];
	[tilespmem:s16+$0xFFFFFFC0] =	vst v19  }
0x135: {  	v15 =	vld [tilespmem:s8+$0xFFFFFF90];
	v16, _, _ =	vpop (xrf2);
	(xrf2) =	vadd.scan.msk.f32 $0xffff, v22;
	[tilespmem:s16+$0xFFFFFFA0] =	vst v26  }
0x136: {  	v22 =	vld [tilespmem:s3+$0xFFFFFFE0];
	v16 =	vmul.f32 $1.442695020e+00, v16;
	[tilespmem:s16+$0xFFFFFFB0] =	vst v29;
	v19 =	vpop (erf)  }
0x137: {  	v20 =	vmul.f32 v20, v27;
	v21 =	vmul.f32 v21, v23;
	v23 =	vld [tilespmem:s15+$0x70];
	v26 =	vnsel vm0, $0x0, v19  }
0x138: {  	v29 =	vmul.f32 v19, v12;
	v12 =	vmov v17;
	v27 =	vld [tilespmem:s3+$0xFFFFFFF0];
	v16 =	vbroadcast v16, $0xF;
	[tilespmem:s16+$0x20] =	vst v26  }
0x139: {  	v31 =	vmul.f32 v19, v11;
	v11 =	vmov v18;
	v17 =	vld [tilespmem:s8+$0xFFFFFFC0];
	v20 =	vadd.f32 v21, v20  }
0x13a: {  	v19 =	vmul.f32 v15, v24;
	v15 =	vld [tilespmem:s8+$0xFFFFFFD0];
	(erf) = vpow2.f32 v16;
	[tilespmem:s16+$0x0] =	vst v29  }
0x13b: {  	v18 =	vld [tilespmem:s3+$0x0];
	(xrf2) =	vadd.scan.msk.f32 $0xffff, v20;
	v24 =	vpop (erf);
	[tilespmem:s16+$0x10] =	vst v31  }
0x13c: {  	v26 =	vld [tilespmem:s3+$0x10];
	v16 =	vmul.f32 v24, v23;
	v20 =	vnsel vm0, $0x0, v24;
	v21, _, _ =	vpop (xrf2)  }
0x13d: {  	s16 =	sadd.s32 $0xC0, s16;
	v23 =	vld [tilespmem:s8+$0x0];
	v21 =	vmul.f32 $1.442695020e+00, v21  }
0x13e: {  	v17 =	vmul.f32 v17, v22;
	v22 =	vld [tilespmem:s15+$0x60];
	[tilespmem:s16+$0x40] =	vst v16;
	s15 =	smov.u32 s8  }
0x13f: {  	v16 =	vmul.f32 v15, v27;
	v27 =	vld [tilespmem:s8+$0x10];
	v21 =	vbroadcast v21, $0xF;
	[tilespmem:s16+$0x50] =	vst v20;
	v15, _, _ =	vpop (xrf2)  }
0x140: {  	v29 =	vld [tilespmem:s3+$0xFFFFFFC0];
	v20 =	vmul.f32 $1.442695020e+00, v15  }
0x141: {  	v15 =	vld [tilespmem:s8+$0xFFFFFFA0];
	v17 =	vadd.f32 v16, v17;
	(erf) = vpow2.f32 v21  }
.Ltmp4:
0x142: {  	v16 =	vld [tilespmem:s8+$0xFFFFFFB0];
	v18 =	vmul.f32 v23, v18;
	v31 =	vbroadcast v20, $0xF;
	(pc) =	sbr.rel @p1 .LBB2_9-.Ltmp4, $4  }
0x143: {  	v20 =	vld [tilespmem:s8+$0xFFFFFFE0];
	(xrf2) =	vadd.scan.msk.f32 $0xffff, v17;
	v22 =	vmul.f32 v24, v22;
	v32 =	vpop (erf)  }
0x144: {  	v21 =	vld [tilespmem:s8+$0xFFFFFFF0];
	v26 =	vmul.f32 v27, v26;
	v25 =	vmul.f32 v32, v25;
	v23 =	vnsel vm0, $0x0, v32  }
0x145: {  	v24 =	vmul.f32 v30, v29;
	v17 =	vld [tilespmem:s8+$0x20];
	v27, _, _ =	vpop (xrf2);
	[tilespmem:s16+$0x30] =	vst v22;
	(erf) = vpow2.f32 v31  }
0x146: {  	s3 =	sadd.s32 $0x80, s3;
	v22 =	vadd.f32 v26, v18;
	v18 =	vld [tilespmem:s8+$0x30];
	v26 =	vmul.f32 $1.442695020e+00, v27;
	[tilespmem:s16+$0xFFFFFFD0] =	vst v25;
	v25 =	vmul.f32 v32, v28  }
0x147: {  	v19 =	vadd.f32 v19, v24;
	_ =	sdelay $0x1  }
0x148: {  	(xrf2) =	vadd.scan.msk.f32 $0xffff, v19;
	_ =	sdelay $0x4  }
0x149: {  	(xrf2) =	vadd.scan.msk.f32 $0xffff, v22  }
0x14a: {  	v42, _, _ =	vpop (xrf2)  }
0x14b: {  	v19 =	vmul.f32 $1.442695020e+00, v42  }
0x14c: {  	v43 =	vbroadcast v26, $0xF  }
0x14d: {  	v19 =	vbroadcast v19, $0xF  }
0x14e: {  	(erf) = vpow2.f32 v43;
	v44, _, _ =	vpop (xrf2)  }
0x14f: {  	(erf) = vpow2.f32 v19;
	v45 =	vmul.f32 $1.442695020e+00, v44;
	_ =	sdelay $0x1  }
0x150: {  	v19 =	vbroadcast v45, $0xF  }
0x151: {  	[tilespmem:s16+$0xFFFFFFF0] =	vst v23;
	v46 =	vpop (erf)  }
0x152: {  	[tilespmem:s16+$0xFFFFFFE0] =	vst v25;
	v14 =	vmul.f32 v46, v14;
	v47 =	vnsel vm0, $0x0, v46;
	v49, _, _ =	vpop (xrf2);
	(erf) = vpow2.f32 v19  }
0x153: {  	v13 =	vmul.f32 v46, v13;
	[tilespmem:s16+$0xFFFFFFC0] =	vst v47;
	v50 =	vmul.f32 $1.442695020e+00, v49  }
0x154: {  	v48 =	vld [tilespmem:s15+$0x70];
	[tilespmem:s16+$0xFFFFFFA0] =	vst v14;
	v51 =	vpop (erf)  }
0x155: {  	[tilespmem:s16+$0xFFFFFFB0] =	vst v13;
	v53 =	vnsel vm0, $0x0, v51;
	v11 =	vmul.f32 v51, v11;
	v54 =	vbroadcast v50, $0xF  }
0x156: {  	v52 =	vld [tilespmem:s15+$0x60];
	[tilespmem:s16+$0x20] =	vst v53;
	v55 =	vpop (erf)  }
0x157: {  	s0 =	sadd.s32 $0xC0, s16;
	v12 =	vmul.f32 v51, v12;
	[tilespmem:s16+$0x10] =	vst v11;
	v11 =	vnsel vm0, $0x0, v55;
	(erf) = vpow2.f32 v54;
	v58 =	vpop (erf)  }
0x158: {  	[tilespmem:s0+$0x50] =	vst v11;
	v11 =	vmul.f32 v58, v20  }
0x159: {  	[tilespmem:s16+$0x0] =	vst v12;
	v56 =	vmul.f32 v55, v48  }
0x15a: {  	[tilespmem:s0+$0xFFFFFFD0] =	vst v11;
	v11 =	vmul.f32 v58, v21  }
0x15b: {  	v57 =	vmul.f32 v55, v52;
	[tilespmem:s0+$0x40] =	vst v56;
	v60 =	vpop (erf)  }
0x15c: {  	[tilespmem:s0+$0xFFFFFFE0] =	vst v11;
	v11 =	vmul.f32 v60, v15  }
0x15d: {  	[tilespmem:s0+$0x30] =	vst v57;
	v59 =	vnsel vm0, $0x0, v58  }
0x15e: {  	[tilespmem:s0+$0xFFFFFFF0] =	vst v59;
	v61 =	vnsel vm0, $0x0, v60  }
0x15f: {  	s24 =	sadd.s32 $0x1, s24;
	v12 =	vmul.f32 v60, v16;
	[tilespmem:s0+$0xFFFFFFC0] =	vst v61  }
0x160: {  	p1 =	sne.s32 s24, $0x7D;
	[tilespmem:s0+$0xFFFFFFA0] =	vst v11;
	v11 =	vpop (erf)  }
.Ltmp5:
0x161: {  	[tilespmem:s0+$0xFFFFFFB0] =	vst v12;
	v62 =	vnsel vm0, $0x0, v11;
	v63 =	vmul.f32 v11, v17;
	(pc) =	sbr.rel @p1 .LBB2_6-.Ltmp5, $4  }
0x162: {  	v11 =	vmul.f32 v11, v18;
	[tilespmem:s0+$0x20] =	vst v62  }
0x163: {  	[tilespmem:s0+$0x0] =	vst v63  }
0x164: {  	[tilespmem:s0+$0x10] =	vst v11  }
0x165: {  	[spmem:s2] =	stream.indirect.scatter.add.f32 [tilespmem:s17], [sflag:$0x7], $0x30, s31, s20, $0xb8;
	[tilespmem:$0xC2B0] =	vst v63  }
0x166: {  	_ =	swait.ge [sflag:s14], $0xF00  }
0x167: {  	[sflag:s14] =	ssyncset.done $0x0  }
0x168: {  	[sflag:s14] =	ssyncadd.s32 $0xFFFFF100  }
0x169: {  	_ =	swait.ge [sflag:s29], $0xA00  }
0x16a: {  	[sflag:s29] =	ssyncset.done $0x0  }
0x16b: {  	[sflag:s29] =	ssyncadd.s32 $0xFFFFF600  }
0x16c: {  	_ =	swait.ge [sflag:s7], $0x1400  }
0x16d: {  	[sflag:s7] =	ssyncset.done $0x0  }
0x16e: {  	[sflag:s7] =	ssyncadd.s32 $0xFFFFEC00  }
0x16f: {  	_ =	swait.ge [sflag:s30], $0xA0  }
0x170: {  	[sflag:s30] =	ssyncset.done $0x0  }
0x171: {  	[sflag:s30] =	ssyncadd.s32 $0xFFFFFF60  }
0x172: {  	[bflag:$0x0] =	sbarrier.arrive $0xFFFF  }
0x173: {  	s3 =	rddreg [dreg:$0x8]  }
0x174: {  	s0 =	simm.s32 @p0 $0x1FC8;
	s8 =	rddreg [dreg:$0xb]  }
0x175: {  	[hbm:s3], [sflag:s0] =	dma.local @p0 [spmem:s8], $0x960  }
0x176: {  	s0 =	simm.s32 @p0 $0x8  }
0x177: {  	s3 =	stileid.u32;
	_ =	swait.ge @p0 [sflag:s0], $0x960  }
0x178: {  	s3 =	sshll.u32 @!p0 s3, $0x6;
	[sflag:s0] =	ssyncset.done @p0 $0x0;
	s8 =	rddreg [dreg:$0xc]  }
0x179: {  	[sflag:s0] =	ssyncadd.s32 @p0 $0xFFFFF6A0;
	s0 =	sor.u32 @!p0 $0x1C08, s3;
	s3 =	rddreg [dreg:$0x7]  }
0x17a: {  	[hbm:s3], [sflag:s0] =	dma.local @!p0 [spmem:s8], $0xF00  }
0x17b: {  	s0 =	simm.s32 @!p0 $0x8  }
0x17c: {  	_ =	swait.ge @!p0 [sflag:s0], $0xF00  }
0x17d: {  	s24 =	rddreg [dreg:$0xd]  }
0x17e: {  	s25 =	rddreg [dreg:$0x9];
	s8 =	sadd.s32 $0x1, s24  }
0x17f: {  	p1 =	sne.s32 s8, s25  }
.Ltmp6:
0x180: {  	_ = 	snop;
	(pc) =	sbr.rel @p1 .LBB2_1-.Ltmp6, $3  }
0x181: {  	_ =	sdelay $0x1  }
0x182: {  	[sflag:s0] =	ssyncset.done @!p0 $0x0  }
0x183: {  	[sflag:s0] =	ssyncadd.s32 @!p0 $0xFFFFF100  }
0x184: {  	_ =	sfence.sel $0x180000  }
0x185: {  	[bflag:$0x0] =	sbarrier.arrive $0xFFFF  }
0x186: {  	_ =	strace $0x9000004A  }
0x187: {  	s0 =	stileid.u32;
	[bflag:$0x2] =	sbarrier.arrive $0xFFFF  }
0x188: {  	p0 =	sne.s32 s0, $0x0;
	s0 =	rddreg [dreg:$0x3]  }
0x189: {  	s0 =	sadd.s32 @!p0 $0x100000, s0  }
0x18a: {  	[sflag:s0] =	ssyncadd.tile.s32 @!p0 $0x1;
	_ =	shalt  }
.Lfunc_end2:
_tile_overlayer_lowered:
.L_overlay_start_2:
0x18b: {  	(tag) =	ssettag $0x2  }
0x18c: {  	s0 =	rddreg [dreg:$0x0];
	s2 =	stileid.u32  }
0x18d: {  	s1 =	rddreg [dreg:$0x1];
	p0 =	sne.s32 s2, $0x0  }
0x18e: {  	s3 =	rddreg [dreg:$0x2];
	[bflag:$0x3] =	sbarrier.arrive $0xFFFF;
	s2 =	simm.s32 @!p0 $0x1C08  }
0x18f: {  	[timem:s3], [sflag:s2] =	dma.local @!p0 [hbm:s0], s1  }
0x190: {  	s0 =	simm.s32 @!p0 $0x8  }
0x191: {  	_ =	swait.ge @!p0 [sflag:s0], s1  }
0x192: {  	s1 =	ssub.s32 @!p0 $0x0, s1;
	[sflag:s0] =	ssyncset.done @!p0 $0x0  }
0x193: {  	[sflag:s0] =	ssyncadd.s32 @!p0 s1  }
0x194: {  	[bflag:$0x3] =	sbarrier.arrive $0xFFFF  }
0x195: {  	_ =	shalt  }

// kernel: kernel.7.cloned.1.call-start
scs
__scs_entry_jumppad:
0x0: {  	(pc) =	sbr.rel $0x88, $3  }
0x1: {  	(tag) =	ssettag $0x0;
	lr =	simm.s32 $0x1  }
0x2: {  	[smem:$0x3F89] =	sst lr;
	_ =	strace $0xD0000000  }
0x3: {  	_ = 	snop  }
0x4: {  	_ = 	snop  }
0x5: {  	_ = 	snop  }
0x6: {  	_ = 	snop  }
0x7: {  	_ = 	snop  }
__scs_overlays_trampoline_lowered:
0x8: {  	[smem:$0x3F98] =	sst s0  }
0x9: {  	[smem:$0x3F99] =	sst s1  }
0xa: {  	[smem:$0x3F9A] =	sst s2  }
0xb: {  	[smem:$0x3F9B] =	sst s3  }
0xc: {  	[smem:$0x3F9C] =	sst s4  }
0xd: {  	[smem:$0x3F9D] =	sst s5  }
0xe: {  	[smem:$0x3F9E] =	sst s6  }
0xf: {  	[smem:$0x3F9F] =	sst s7  }
0x10: {  	[smem:$0x3FA0] =	sst s8  }
0x11: {  	[smem:$0x3FA1] =	sst s9;
	s0 =	simm.s32 @!p0 $0x0  }
0x12: {  	s1 =	sld [smem:$0x3F87];
	s0 =	simm.s32 @p0 $0x1  }
0x13: {  	[smem:$0x3FA2] =	sst s0;
	s0 =	simm.s32 @!p1 $0x0  }
0x14: {  	s2 =	sld [smem:$0x3F86];
	s0 =	simm.s32 @p1 $0x1  }
0x15: {  	[smem:$0x3FA3] =	sst s0;
	s0 =	simm.s32 @!p2 $0x0  }
0x16: {  	s3 =	sld [smem:$0x3FDB];
	s0 =	simm.s32 @p2 $0x1  }
0x17: {  	s4 =	simm.s32 $0x1BF5;
	[smem:$0x3FA5] =	sst s0  }
0x18: {  	s0 =	sld [smem:$0x3F88];
	_ =	swait.ge [sflag:s4], $0x0  }
0x19: {  	s7 =	sld [smem:$0x3F89]  }
0x1a: {  	s8 =	sadd.s32 $0xFFFFE003, lr  }
0x1b: {  	s9 =	sadd.s32 $0xFFFFFEF7, lr;
	s5 =	simm.s32 $0xFFFFFFFF;
	p2 =	slt.u32 s8, $0xFFFFF086  }
0x1c: {  	p1 =	slt.u32 s9, $0xF7A;
	s5 =	simm.s32 @!p2 $0x0  }
0x1d: {  	s5 =	simm.s32 @p1 $0x1;
	p0 =	seq.s32 s7, s2  }
0x1e: {  	s7 =	smul.u32 @!p0 $0xF7A, s2;
	p2 =	seq.s32 @!p0 s5, $0x0  }
0x1f: {  	s9 =	smul.u32 $0xF7A, s1;
	s8 =	simm.s32 @!p0 $0x1BF5;
	p2 =	por !p2, p0  }
0x20: {  	[sflag:s8] =	ssyncset.s32 @!p0 $0xFFFFF086;
	s6 =	sadd.s32 @!p0 s3, s7;
	s7 =	simm.s32 @!p0 $0x108  }
0x21: {  	s3 =	sadd.s32 s3, s9;
	s6 =	sadd.s32 @!p0 $0x88, s6;
	s7 =	simm.s32 @p2 $0x1082  }
0x22: {  	[simem:s7], [sflag:s8] =	dma.local @!p0 [hbm:s6], $0xF7A  }
0x23: {  	s9 =	sor.u32 $0xD0000000, s2;
	s6 =	simm.s32 $0x108;
	_ =	swait.ge @!p0 [sflag:s8], $0x0  }
0x24: {  	s3 =	sadd.s32 $0x88, s3;
	s6 =	simm.s32 @!p1 $0x1082;
	[sflag:s4] =	ssyncset.s32 $0xFFFFF086  }
0x25: {  	[simem:s6], [sflag:s4] =	dma.local [hbm:s3], $0xF7A  }
0x26: {  	[smem:$0x3F89] =	sst s1;
	(tag) =	ssettag s2;
	_ =	strace s9  }
0x27: {  	s1 =	sld [smem:$0x3F99]  }
0x28: {  	s2 =	sld [smem:$0x3F9A]  }
0x29: {  	s4 =	sld [smem:$0x3F9C]  }
0x2a: {  	p0 =	seq.s32 s5, $0x0;
	s5 =	sld [smem:$0x3F9D]  }
0x2b: {  	s6 =	sld [smem:$0x3F9E]  }
0x2c: {  	s7 =	sld [smem:$0x3F9F]  }
0x2d: {  	s3 =	simm.s32 $0x108;
	s8 =	sld [smem:$0x3FA0]  }
0x2e: {  	s3 =	simm.s32 @!p0 $0x1082;
	s9 =	sld [smem:$0x3FA1]  }
0x2f: {  	lr =	sadd.s32 s0, s3;
	s0 =	sld [smem:$0x3F98]  }
0x30: {  	s3 =	sld [smem:$0x3F9B]  }
0x31: {  	[smem:$0x3FA4] =	sst s10  }
0x32: {  	s10 =	sld [smem:$0x3FA2];
	_ =	sdelay $0x3  }
0x33: {  	p0 =	seq.s32 s10, $0x1;
	s10 =	sld [smem:$0x3FA4];
	_ =	sdelay $0x3  }
0x34: {  	[smem:$0x3FA4] =	sst s10  }
0x35: {  	s10 =	sld [smem:$0x3FA3];
	_ =	sdelay $0x3  }
0x36: {  	p1 =	seq.s32 s10, $0x1;
	s10 =	sld [smem:$0x3FA4];
	_ =	sdelay $0x3  }
0x37: {  	[smem:$0x3FA4] =	sst s10  }
0x38: {  	s10 =	sld [smem:$0x3FA5]  }
0x39: {  	_ = 	snop;
	(pc) =	sbr.ind lr, $3  }
0x3a: {  	_ = 	snop  }
0x3b: {  	_ = 	snop  }
0x3c: {  	p2 =	seq.s32 s10, $0x1;
	s10 =	sld [smem:$0x3FA4]  }
0x3d: {  	_ =	shalt  }
0x3e: {  	_ =	shalt  }
0x3f: {  	_ =	shalt  }
0x40: {  	_ =	shalt  }
0x41: {  	_ =	shalt  }
0x42: {  	_ =	shalt  }
0x43: {  	_ =	shalt  }
0x44: {  	_ =	shalt  }
0x45: {  	_ =	shalt  }
0x46: {  	_ =	shalt  }
0x47: {  	_ =	shalt  }
0x48: {  	_ =	shalt  }
0x49: {  	_ =	shalt  }
0x4a: {  	_ =	shalt  }
0x4b: {  	_ =	shalt  }
0x4c: {  	_ =	shalt  }
0x4d: {  	_ =	shalt  }
0x4e: {  	_ =	shalt  }
0x4f: {  	_ =	shalt  }
0x50: {  	_ =	shalt  }
0x51: {  	_ =	shalt  }
0x52: {  	_ =	shalt  }
0x53: {  	_ =	shalt  }
0x54: {  	_ =	shalt  }
0x55: {  	_ =	shalt  }
0x56: {  	_ =	shalt  }
0x57: {  	_ =	shalt  }
0x58: {  	_ =	shalt  }
0x59: {  	_ =	shalt  }
0x5a: {  	_ =	shalt  }
0x5b: {  	_ =	shalt  }
0x5c: {  	_ =	shalt  }
0x5d: {  	_ =	shalt  }
0x5e: {  	_ =	shalt  }
0x5f: {  	_ =	shalt  }
0x60: {  	_ =	shalt  }
0x61: {  	_ =	shalt  }
0x62: {  	_ =	shalt  }
0x63: {  	_ =	shalt  }
0x64: {  	_ =	shalt  }
0x65: {  	_ =	shalt  }
0x66: {  	_ =	shalt  }
0x67: {  	_ =	shalt  }
0x68: {  	_ =	shalt  }
0x69: {  	_ =	shalt  }
0x6a: {  	_ =	shalt  }
0x6b: {  	_ =	shalt  }
0x6c: {  	_ =	shalt  }
0x6d: {  	_ =	shalt  }
0x6e: {  	_ =	shalt  }
0x6f: {  	_ =	shalt  }
0x70: {  	_ =	shalt  }
0x71: {  	_ =	shalt  }
0x72: {  	_ =	shalt  }
0x73: {  	_ =	shalt  }
0x74: {  	_ =	shalt  }
0x75: {  	_ =	shalt  }
0x76: {  	_ =	shalt  }
0x77: {  	_ =	shalt  }
0x78: {  	_ =	shalt  }
0x79: {  	_ =	shalt  }
0x7a: {  	_ =	shalt  }
0x7b: {  	_ =	shalt  }
0x7c: {  	_ =	shalt  }
0x7d: {  	_ =	shalt  }
0x7e: {  	_ =	shalt  }
0x7f: {  	_ =	shalt  }
0x80: {  	_ =	shalt  }
0x81: {  	_ =	shalt  }
0x82: {  	_ =	shalt  }
0x83: {  	_ =	shalt  }
0x84: {  	_ =	shalt  }
0x85: {  	_ =	shalt  }
0x86: {  	_ =	shalt  }
0x87: {  	_ =	shalt  }
.Lfunc_end0:
.L_simem_size_0:
called_computation_lowered:
.L_overlay_start_0:
0x88: {  	s2 =	sld [smem:$0x3FD9]  }
0x89: {  	s3 =	sld [smem:$0x3FFE];
	_ =	sdelay $0x1  }
0x8a: {  	s1 =	srdreg.scid  }
0x8b: {  	s0 =	sand.u32 $0x1, s1  }
0x8c: {  	s16 =	sshll.u32 s0, $0xA;
	s2 =	sadd.s32 s3, s2  }
0x8d: {  	s2 =	sadd.s32 s2, s16  }
0x8e: {  	[smem:$0x3FB0] =	sst s2  }
0x8f: {  	_ = 	snop  }
0x90: {  	(tm) =	ssettm $0x1  }
0x91: {  	s17 =	sld [smem:$0x3FFB];
	_ =	sdelay $0x3  }
0x92: {  	_ =	strace s17  }
0x93: {  	s2 =	sld [smem:$0x3FFC];
	_ =	sdelay $0x3  }
0x94: {  	_ =	strace s2  }
0x95: {  	s2 =	sld [smem:$0x3FFD];
	_ =	sdelay $0x3  }
0x96: {  	_ =	strace s2  }
0x97: {  	_ =	strace $0x8FFFFFFF  }
0x98: {  	s18 =	sld [smem:$0x3FDB];
	_ =	sdelay $0x1  }
0x99: {  	s19 =	simm.s32 $_scs_section_size  }
0x9a: {  	s4 =	simm.s32 $_size__tile_overlayer_lowered;
	s5 =	simm.s32 $_tile_overlayer_lowered  }
0x9b: {  	s22 =	simm.s32 $0x1BFF;
	s21 =	sshll.u32 s5, $0x1;
	s2 =	sadd.s32 s19, s18  }
0x9c: {  	s6 =	simm.s32 $0x0;
	s20 =	sshll.u32 s4, $0x1;
	s4 =	sadd.s32 s21, s2  }
0x9d: {  	[timem:s6], [sflag:s22] =	dma.local [hbm:s4], s20  }
0x9e: {  	_ =	swait.ge [sflag:s22], s20  }
0x9f: {  	s3 =	ssub.s32 $0x0, s20;
	[sflag:s22] =	ssyncset.done $0x0  }
0xa0: {  	[sflag:s22] =	ssyncadd.s32 s3;
	_ =	sdelay $0x1  }
0xa1: {  	s23 =	simm.s32 $0x1B8B  }
0xa2: {  	_ =	swait.ge [sflag:s23], $0x1  }
0xa3: {  	[sflag:s23] =	ssyncset.done $0x0  }
0xa4: {  	s25 =	simm.s32 $0x1B8E;
	s24 =	sld [smem:$0x3FFE];
	[sflag:s23] =	ssyncadd.s32 $0xFFFFFFFF  }
0xa5: {  	s26 =	simm.s32 $execute0_lowered;
	[smem:$0x3FD2] =	sst s25  }
0xa6: {  	s4 =	sshll.u32 s26, $0x1;
	_ =	strace $0x80000046;
	[dreg:$0x1] =	wrdreg $0xFFFFFFFF  }
0xa7: {  	s28 =	simm.s32 $_size_execute0_lowered;
	s2 =	sadd.s32 s2, s4;
	[dreg:$0x0] =	wrdreg $0x0  }
0xa8: {  	s4 =	sshll.u32 s28, $0x1;
	[dreg:$0x2] =	wrdreg s2  }
0xa9: {  	[dreg:$0x3] =	wrdreg s4  }
0xaa: {  	[dreg:$0x4] =	wrdreg $0xC0  }
0xab: {  	_ =	task [dreg:s6], $0x5FFFF  }
0xac: {  	[dreg:$0x1] =	wrdreg $0xFFFFFFFF  }
0xad: {  	[dreg:$0x0] =	wrdreg $0x60  }
0xae: {  	[dreg:$0x2] =	wrdreg s24  }
0xaf: {  	[dreg:$0x3] =	wrdreg $0x8FC00  }
0xb0: {  	[dreg:$0x4] =	wrdreg $0x9  }
0xb1: {  	_ =	task.clear_ibuf [dreg:s6], $0x5FFFF;
	_ =	strace $0x90000046  }
0xb2: {  	s29 =	simm.s32 $0x9;
	_ =	strace $0x80000048  }
0xb3: {  	_ =	swait.ge [sflag:s29], $0x1  }
0xb4: {  	[sflag:s29] =	ssyncadd.s32 $0xFFFFFFFF  }
0xb5: {  	_ =	strace $0x90000048  }
0xb6: {  	_ =	sfence  }
0xb7: {  	s30 =	sld [smem:$0x0];
	_ =	sdelay $0x2  }
0xb8: {  	s31 =	sshll.u32 s1, $0xD;
	s1 =	sshrl.u32 s1, $0x2  }
0xb9: {  	s3 =	sand.u32 $0x4000, s31;
	s1 =	sadd.s32 s1, s30  }
0xba: {  	s0 =	sor.u32 s3, s0;
	s1 =	sshll.u32 s1, $0x11  }
0xbb: {  	s0 =	sor.u32 s1, s0  }
0xbc: {  	s0 =	sadd.s32 $0x8F2B, s0  }
0xbd: {  	[sflag:s0] =	ssyncadd.remote.s32 $0x1  }
0xbe: {  	_ =	sfence.sel $0xFFFF  }
0xbf: {  	[dreg:$0x0] =	wrdreg $0xFFFFFFFF;
	(pc) =	sbr.abs _section_cstart, $3  }
0xc0: {  	[dreg:$0x1] =	wrdreg $0xFFFFFFFF  }
0xc1: {  	_ =	task.clear_ibuf [dreg:s6], $0x2FFFF;
	_ =	strace $0x9FFFFFFF  }
0xc2: {  	(tm) =	ssettm $0x7FFFFFFF  }
0xc3: {  	_ =	shalt  }
tec
execute0_lowered:
.L_overlay_start_1:
0x0: {  	(tag) =	ssettag $0x1  }
0x1: {  	s0 =	rddreg [dreg:$0x0]  }
0x2: {  	s1 =	rddreg [dreg:$0x1];
	s2 =	srdreg.scid;
	s3 =	simm.s32 $0x0  }
0x3: {  	s13 =	stileid.u32;
	s16 =	simm.s32 $0x7940;
	s17 =	simm.s32 $0x8  }
0x4: {  	s18 =	simm.s32 $0x1;
	s19 =	simm.s32 $0x28;
	s20 =	simm.s32 $0xF0  }
0x5: {  	s28 =	simm.s32 $0x3;
	s29 =	simm.s32 $0x5;
	s30 =	simm.s32 $0x2  }
0x6: {  	s31 =	simm.s32 $0x118;
	s2 =	sand.u32 $0x1, s2;
	[smem:$0x7FF] =	sst s3  }
0x7: {  	s4 =	sadd.s32 $0x52600, s0;
	s6 =	sadd.s32 $0xA0A00, s0;
	s12 =	smul.u32 $0x16800, s13  }
0x8: {  	p0 =	seq.s32 s13, $0xF;
	s25 =	smul.u32 $0x5A000, s13;
	s5 =	sshll.u32 s2, $0x4  }
0x9: {  	_ =	strace $0x80000047;
	s8 =	ssub.s32 $0x2, s2;
	s2 =	smul.u32 $0x15F900, s2  }
0xa: {  	s7 =	sor.u32 s13, s5;
	s5 =	sadd.s32 $0x79800, s0;
	s10 =	sshrl.u32 s8, $0x1  }
0xb: {  	s0 =	sadd.s32 $0xEEC00, s0;
	s26 =	sshrl.u32 s25, $0x2;
	s9 =	smul.u32 $0x4E20, s7  }
0xc: {  	s13 =	simm.s32 $0x7;
	s11 =	smul.u32 $0x9C40, s7;
	s8 =	ssub.s32 s8, s10  }
0xd: {  	s7 =	smul.u32 $0x1388, s7;
	s24 =	sadd.s32 s12, s2;
	s2 =	sshrl.u32 s2, $0x3  }
0xe: {  	s8 =	smax.u32 s8, $0x1;
	s22 =	sshrl.u32 s11, $0x3;
	s11 =	simm.s32 $0xA  }
0xf: {  	s7 =	sadd.s32 s4, s7;
	[dreg:$0x8] =	wrdreg s8;
	s10 =	sadd.s32 s4, s22  }
0x10: {  	s11 =	simm.s32 @!p0 $0x10;
	[dreg:$0x4] =	wrdreg s7;
	s7 =	sshrl.u32 s24, $0x3  }
0x11: {  	s22 =	simm.s32 $0xA0;
	[dreg:$0x3] =	wrdreg s11;
	s23 =	sadd.s32 $0xA, s10  }
0x12: {  	s10 =	sadd.s32 $0x50, s9;
	s11 =	sadd.s32 $0x78, s9;
	s7 =	sadd.s32 s0, s7  }
0x13: {  	s0 =	sadd.s32 s0, s2;
	s2 =	sadd.s32 s26, s1;
	[dreg:$0x5] =	wrdreg s23  }
0x14: {  	v0 =	vlaneseq.u32;
	s26 =	simm.s32 $0x50;
	[dreg:$0x6] =	wrdreg s7;
	s0 =	sadd.s32 $0x2A300, s0  }
0x15: {  	v1 =	vimm.f32 $0.0e+00;
	v0 =	vmul.u32 $0x2, v0;
	s9 =	simm.s32 $0x4;
	[dreg:$0x7] =	wrdreg s0;
	s0 =	sadd.s32 $0x151800, s1  }
0x16: {  	vm0 =	vmmov $0x1;
	vm1 =	vcmask $0x310;
	vm2 =	vcmask $0x710;
	s7 =	sadd.s32 s12, s1;
	[dreg:$0x9] =	wrdreg s2;
	s0 =	sshrl.u32 @p0 s0, $0x3  }
0x17: {  	vm3 =	vcmask $0xB10;
	v2 =	vor.u32 $0x1, v0;
	v3 =	vor.u32 $0x20, v0;
	s23 =	simm.s32 $0x2940;
	[dreg:$0xa] =	wrdreg s0;
	s0 =	sshrl.u32 @!p0 s7, $0x3  }
0x18: {  	v4 =	vor.u32 $0x21, v0;
	v5 =	vadd.s32 $0x30, v0;
	v6 =	vadd.s32 $0x31, v0;
	s12 =	simm.s32 $0x6;
	s7 =	simm.s32 $0x0;
	[dreg:$0xb] =	wrdreg s0  }
.LBB2_1:
0x19: {  	s0 =	simm.s32 $0x0;
	s2 =	simm.s32 $0x240  }
.LBB2_2:
0x1a: {  	p1 =	sne.s32 s2, $0x57C0;
	[tilespmem:s0+$0x79C0] =	vst v1  }
0x1b: {  	[tilespmem:s0+$0x7940] =	vst v1  }
0x1c: {  	[tilespmem:s0+$0x7950] =	vst v1  }
0x1d: {  	[tilespmem:s0+$0x7960] =	vst v1  }
.Ltmp0:
0x1e: {  	[tilespmem:s0+$0x7970] =	vst v1;
	(pc) =	sbr.rel @p1 .LBB2_2-.Ltmp0, $4  }
0x1f: {  	[tilespmem:s0+$0x7980] =	vst v1  }
0x20: {  	[tilespmem:s0+$0x7990] =	vst v1  }
0x21: {  	[tilespmem:s0+$0x79A0] =	vst v1  }
0x22: {  	[tilespmem:s0+$0x79B0] =	vst v1;
	s0 =	sshra.s32 s2, $0x2;
	s2 =	sadd.s32 $0x240, s2  }
0x23: {  	[tilespmem:s0+$0x79C0] =	vst v1  }
0x24: {  	[tilespmem:s0+$0x7940] =	vst v1  }
0x25: {  	[tilespmem:s0+$0x7950] =	vst v1  }
0x26: {  	[tilespmem:s0+$0x7960] =	vst v1  }
0x27: {  	[tilespmem:s0+$0x7970] =	vst v1  }
0x28: {  	[tilespmem:s0+$0x7980] =	vst v1;
	s25 =	rddreg [dreg:$0x3]  }
0x29: {  	[tilespmem:s0+$0x7990] =	vst v1;
	p1 =	sne.s32 s25, $0x1  }
.Ltmp1:
0x2a: {  	[tilespmem:s0+$0x79A0] =	vst v1;
	(pc) =	sbr.rel @!p1 .LBB2_5-.Ltmp1, $4  }
0x2b: {  	[tilespmem:s0+$0x79B0] =	vst v1;
	s2 =	rddreg [dreg:$0x9]  }
0x2c: {  	[spmem:s2] =	stream.linear.scatter [tilespmem:s16], [sflag:$0x8], $0x1680, $0x38;
	[tilespmem:$0x1EF50] =	vst v63  }
0x2d: {  	_ =	swait.ge [sflag:s17], $0x1680  }
0x2e: {  	s0 =	sadd.s32 $0xFFFFFFFF, s25;
	[sflag:s17] =	ssyncset.done $0x0  }
.LBB2_4:
0x2f: {  	p1 =	sne.s32 s0, $0x1;
	[sflag:s17] =	ssyncadd.s32 $0xFFFFE980;
	s2 =	sadd.s32 $0x1680, s2  }
.Ltmp2:
0x30: {  	s0 =	sadd.s32 $0xFFFFFFFF, s0;
	(pc) =	sbr.rel @p1 .LBB2_4-.Ltmp2, $4  }
0x31: {  	_ = 	snop  }
0x32: {  	[spmem:s2] =	stream.linear.scatter [tilespmem:s16], [sflag:$0x8], $0x1680, $0x38;
	[tilespmem:$0x1EF50] =	vst v63  }
0x33: {  	_ =	swait.ge [sflag:s17], $0x1680  }
0x34: {  	[sflag:s17] =	ssyncset.done $0x0  }
.LBB2_5:
0x35: {  	[dreg:$0xc] =	wrdreg s7;
	[sflag:s17] =	ssyncadd.s32 $0xFFFFE980  }
0x36: {  	[bflag:$0x0] =	sbarrier.arrive $0xFFFF  }
0x37: {  	s24 =	simm.s32 $0x0;
	s0 =	rddreg [dreg:$0x4]  }
0x38: {  	[tilespmem:s24], [sflag:$0x1] =	stream.linear.gather [hbm4b:s0+s24], $0x50, $0x38;
	[tilespmem:$0x1EF50] =	vst v63  }
0x39: {  	_ =	swait.ge [sflag:s18], $0x50  }
0x3a: {  	[sflag:s18] =	ssyncset.done $0x0  }
0x3b: {  	[sflag:s18] =	ssyncadd.s32 $0xFFFFFFB0  }
0x3c: {  	v7 =	vld.idx.msk [tilespmem:v0+s24+$0x0], $0xffff;
	_ =	sdelay $0x4  }
0x3d: {  	[tilespmem:$0xA0] =	vst v7  }
0x3e: {  	v7 =	vld.idx.msk [tilespmem:v2+s24+$0x0], $0xffff;
	_ =	sdelay $0x4  }
0x3f: {  	[tilespmem:$0xF0] =	vst v7  }
0x40: {  	v7 =	vld.idx.msk [tilespmem:v3+s24+$0x0], $0xffff;
	_ =	sdelay $0x4  }
0x41: {  	[tilespmem:$0xB0] =	vst v7  }
0x42: {  	v7 =	vld.idx.msk [tilespmem:v4+s24+$0x0], $0xffff;
	_ =	sdelay $0x4  }
0x43: {  	[tilespmem:$0x100] =	vst v7  }
0x44: {  	v7 =	vld.idx.msk [tilespmem:v5+s24+$0x0], $0xffff;
	_ =	sdelay $0x4  }
0x45: {  	[tilespmem:$0xB8] =	vst v7  }
0x46: {  	v7 =	vld.idx.msk [tilespmem:v6+s24+$0x0], $0xffff;
	_ =	sdelay $0x4  }
0x47: {  	s21 =	simm.s32 $0x140;
	[tilespmem:$0x108] =	vst v7  }
0x48: {  	[tilespmem:s21], [sflag:$0x3] =	stream.indirect.gather [hbm4b:s5+s19], $0x80, s20, s19, $0xb8;
	[tilespmem:$0x1EF50] =	vst v63  }
0x49: {  	_ = 	snop  }
0x4a: {  	[tilespmem:s23], [sflag:$0x5] =	stream.indirect.gather [hbm4b:s6+s19], $0x100, s22, s19, $0xb8;
	[tilespmem:$0x1EF50] =	vst v63  }
0x4b: {  	s25 =	rddreg [dreg:$0x5]  }
0x4c: {  	[tilespmem:s26], [sflag:$0x2] =	stream.linear.gather [hbm4b:s25+s24], $0x50, $0x38;
	[tilespmem:$0x1EF50] =	vst v63  }
.LBB2_6:
0x4d: {  	_ =	swait.ge [sflag:s28], $0x1400  }
0x4e: {  	[sflag:s28] =	ssyncset.done $0x0  }
0x4f: {  	[sflag:s28] =	ssyncadd.s32 $0xFFFFEC00  }
0x50: {  	_ =	swait.ge [sflag:s29], $0x2800  }
0x51: {  	p1 =	seq.s32 s24, $0x0;
	[sflag:s29] =	ssyncset.done $0x0  }
0x52: {  	s0 =	simm.s32 @!p1 $0x7;
	[sflag:s29] =	ssyncadd.s32 $0xFFFFD800  }
0x53: {  	_ =	swait.ge @!p1 [sflag:s0], $0x1680  }
0x54: {  	[sflag:s0] =	ssyncset.done @!p1 $0x0  }
0x55: {  	[sflag:s0] =	ssyncadd.s32 @!p1 $0xFFFFE980  }
0x56: {  	_ =	swait.ge [sflag:s30], $0x50  }
0x57: {  	[sflag:s30] =	ssyncset.done $0x0  }
0x58: {  	[sflag:s30] =	ssyncadd.s32 $0xFFFFFFB0  }
0x59: {  	v7 =	vld.idx.msk [tilespmem:v0+s26+$0x0], $0xffff;
	_ =	sdelay $0x4  }
0x5a: {  	[tilespmem:$0xC8] =	vst v7  }
0x5b: {  	v7 =	vld.idx.msk [tilespmem:v2+s26+$0x0], $0xffff;
	_ =	sdelay $0x4  }
0x5c: {  	[tilespmem:$0x118] =	vst v7  }
0x5d: {  	v7 =	vld.idx.msk [tilespmem:v3+s26+$0x0], $0xffff;
	_ =	sdelay $0x4  }
0x5e: {  	[tilespmem:$0xD8] =	vst v7  }
0x5f: {  	v7 =	vld.idx.msk [tilespmem:v4+s26+$0x0], $0xffff;
	_ =	sdelay $0x4  }
0x60: {  	[tilespmem:$0x128] =	vst v7  }
0x61: {  	v7 =	vld.idx.msk [tilespmem:v5+s26+$0x0], $0xffff;
	_ =	sdelay $0x4  }
0x62: {  	[tilespmem:$0xE0] =	vst v7  }
0x63: {  	v7 =	vld.idx.msk [tilespmem:v6+s26+$0x0], $0xffff  }
0x64: {  	s25 =	sshll.u32 s24, $0x1  }
0x65: {  	s21 =	smin.u32 s25, $0x1F1  }
0x66: {  	s0 =	smul.u32 $0x28, s21;
	_ =	sdelay $0x1  }
0x67: {  	s15 =	simm.s32 $0x1540;
	s0 =	sadd.s32 s0, s10;
	[tilespmem:$0x130] =	vst v7  }
0x68: {  	[tilespmem:s15], [sflag:$0x4] =	stream.indirect.gather [hbm4b:s5+s19], $0x80, s31, s19, $0xb8;
	[tilespmem:$0x1EF50] =	vst v63  }
0x69: {  	s2 =	simm.s32 $0xC8;
	s7 =	simm.s32 $0x5140;
	s0 =	sshrl.u32 s0, $0x2  }
0x6a: {  	[tilespmem:s7], [sflag:$0x6] =	stream.indirect.gather [hbm4b:s6+s19], $0x100, s2, s19, $0xb8;
	[tilespmem:$0x1EF50] =	vst v63  }
0x6b: {  	s8 =	simm.s32 $0x240;
	s0 =	sadd.s32 s4, s0  }
0x6c: {  	[tilespmem:s3], [sflag:$0x1] =	stream.linear.gather [hbm4b:s0+s3], $0x50, $0x38;
	[tilespmem:$0x1EF50] =	vst v63  }
0x6d: {  	v7 =	vld [tilespmem:s8+$0x80]  }
0x6e: {  	s2 =	simm.s32 $0x2B40;
	v8 =	vld [tilespmem:s8+$0x90]  }
0x6f: {  	v9 =	vld [tilespmem:s2+$0x100]  }
0x70: {  	v10 =	vld [tilespmem:s2+$0x110];
	_ =	sdelay $0x3  }
0x71: {  	v11 =	vld [tilespmem:s8+$0xFFFFFF80]  }
0x72: {  	v12 =	vld [tilespmem:s8+$0xFFFFFF90];
	v7 =	vmul.f32 v9, v7;
	v8 =	vmul.f32 v10, v8  }
0x73: {  	v9 =	vld [tilespmem:s2+$0xFFFFFF00]  }
0x74: {  	v10 =	vld [tilespmem:s2+$0xFFFFFF10];
	v7 =	vadd.f32 v8, v7;
	_ =	sdelay $0x1  }
0x75: {  	(xrf2) =	vadd.scan.msk.f32 $0xffff, v7;
	_ =	sdelay $0x2  }
0x76: {  	v7 =	vmul.f32 v9, v11;
	v8 =	vmul.f32 v10, v12;
	_ =	sdelay $0x1  }
0x77: {  	v7 =	vadd.f32 v8, v7;
	_ =	sdelay $0x1  }
0x78: {  	(xrf2) =	vadd.scan.msk.f32 $0xffff, v7;
	_ =	sdelay $0x2  }
0x79: {  	v7, _, _ =	vpop (xrf2)  }
0x7a: {  	v7 =	vmul.f32 $1.442695020e+00, v7;
	_ =	sdelay $0x1  }
0x7b: {  	v7 =	vbroadcast v7, $0xF;
	_ =	sdelay $0x1  }
0x7c: {  	(erf) = vpow2.f32 v7  }
0x7d: {  	v9 =	vld [tilespmem:s2+$0xFFFFFE00]  }
0x7e: {  	v10 =	vld [tilespmem:s2+$0xFFFFFE10];
	v7, _, _ =	vpop (xrf2)  }
0x7f: {  	v11 =	vld [tilespmem:s8+$0xFFFFFF00];
	v7 =	vmul.f32 $1.442695020e+00, v7  }
0x80: {  	v12 =	vld [tilespmem:s2+$0x180]  }
0x81: {  	v8 =	vld [tilespmem:s8+$0xFFFFFF10];
	v7 =	vbroadcast v7, $0xF  }
0x82: {  	v13 =	vld [tilespmem:s2+$0x190];
	_ =	sdelay $0x1  }
0x83: {  	v14 =	vld [tilespmem:s8+$0x0]  }
0x84: {  	v15 =	vld [tilespmem:s8+$0x10];
	v9 =	vmul.f32 v9, v11;
	(erf) = vpow2.f32 v7;
	v7 =	vpop (erf)  }
0x85: {  	v16 =	vld [tilespmem:s2+$0x10];
	v8 =	vmul.f32 v10, v8;
	v12 =	vmul.f32 v7, v12  }
0x86: {  	s15 =	simm.s32 $0x7A60;
	v10 =	vld [tilespmem:s2+$0x0];
	v11 =	vmul.f32 v7, v13  }
0x87: {  	v8 =	vadd.f32 v8, v9;
	v13 =	vld [tilespmem:s2+$0xFFFFFF80];
	[tilespmem:s15+$0x90] =	vst v12  }
0x88: {  	v12 =	vld [tilespmem:s2+$0xFFFFFF90];
	[tilespmem:s15+$0xA0] =	vst v11  }
0x89: {  	(xrf2) =	vadd.scan.msk.f32 $0xffff, v8;
	v11 =	vld [tilespmem:s8+$0xB0]  }
0x8a: {  	v15 =	vmul.f32 v16, v15;
	v16 =	vld [tilespmem:s2+$0x130]  }
0x8b: {  	v9 =	vld [tilespmem:s8+$0xA0]  }
0x8c: {  	v10 =	vmul.f32 v10, v14;
	v14 =	vld [tilespmem:s2+$0x120]  }
0x8d: {  	v8 =	vpop (erf)  }
0x8e: {  	v10 =	vadd.f32 v15, v10;
	v13 =	vmul.f32 v8, v13  }
0x8f: {  	v12 =	vmul.f32 v8, v12;
	v11 =	vmul.f32 v16, v11  }
0x90: {  	(xrf2) =	vadd.scan.msk.f32 $0xffff, v10;
	[tilespmem:s15+$0xFFFFFF70] =	vst v13  }
0x91: {  	v9 =	vmul.f32 v14, v9;
	[tilespmem:s15+$0xFFFFFF80] =	vst v12  }
0x92: {  	v10 =	vld [tilespmem:s8+$0xFFFFFFA0]  }
0x93: {  	v12 =	vld [tilespmem:s8+$0xFFFFFFB0];
	v9 =	vadd.f32 v11, v9;
	v11, _, _ =	vpop (xrf2)  }
0x94: {  	v13 =	vld [tilespmem:s2+$0xFFFFFF20];
	v11 =	vmul.f32 $1.442695020e+00, v11  }
0x95: {  	v14 =	vld [tilespmem:s2+$0xFFFFFF30]  }
0x96: {  	(xrf2) =	vadd.scan.msk.f32 $0xffff, v9;
	v9 =	vbroadcast v11, $0xF;
	_ =	sdelay $0x2  }
0x97: {  	v10 =	vmul.f32 v13, v10  }
0x98: {  	v11 =	vmul.f32 v14, v12;
	(erf) = vpow2.f32 v9;
	v9, _, _ =	vpop (xrf2)  }
0x99: {  	v9 =	vmul.f32 $1.442695020e+00, v9  }
0x9a: {  	v10 =	vadd.f32 v11, v10  }
0x9b: {  	v9 =	vbroadcast v9, $0xF  }
0x9c: {  	(xrf2) =	vadd.scan.msk.f32 $0xffff, v10  }
0x9d: {  	v10 =	vld [tilespmem:s2+$0xFFFFFE80];
	_ =	sdelay $0x1  }
0x9e: {  	(erf) = vpow2.f32 v9;
	v9, _, _ =	vpop (xrf2)  }
0x9f: {  	v11 =	vld [tilespmem:s2+$0xFFFFFE90];
	v12 =	vmul.f32 $1.442695020e+00, v9  }
0xa0: {  	v9 =	vpop (erf)  }
0xa1: {  	v10 =	vmul.f32 v9, v10;
	v12 =	vbroadcast v12, $0xF;
	_ =	sdelay $0x1  }
0xa2: {  	v18 =	vld [tilespmem:s2+$0x1A0];
	(erf) = vpow2.f32 v12  }
0xa3: {  	v13 =	vld [tilespmem:s2+$0x80];
	v11 =	vmul.f32 v9, v11  }
0xa4: {  	v14 =	vld [tilespmem:s2+$0x90];
	[tilespmem:s15+$0xFFFFFEE0] =	vst v10;
	v10, _, _ =	vpop (xrf2)  }
0xa5: {  	v19 =	vld [tilespmem:s2+$0x1B0];
	[tilespmem:s15+$0xFFFFFEF0] =	vst v11;
	v11 =	vmul.f32 $1.442695020e+00, v10  }
0xa6: {  	v15 =	vld [tilespmem:s2+$0xFFFFFFA0]  }
0xa7: {  	v16 =	vld [tilespmem:s2+$0xFFFFFFB0];
	v10 =	vpop (erf);
	v11 =	vbroadcast v11, $0xF  }
0xa8: {  	v12 =	vld [tilespmem:s8+$0xFFFFFF20];
	v13 =	vmul.f32 v10, v13  }
0xa9: {  	v17 =	vld [tilespmem:s8+$0xFFFFFF30];
	v14 =	vmul.f32 v10, v14  }
0xaa: {  	[tilespmem:s15+$0x0] =	vst v13;
	v13 =	vld [tilespmem:s2+$0xFFFFFE20];
	(erf) = vpow2.f32 v11  }
0xab: {  	[tilespmem:s15+$0x10] =	vst v14;
	v14 =	vld [tilespmem:s2+$0xFFFFFE30];
	v11 =	vpop (erf)  }
0xac: {  	v20 =	vld [tilespmem:s8+$0x20];
	v18 =	vmul.f32 v11, v18  }
0xad: {  	v21 =	vld [tilespmem:s8+$0x30];
	v19 =	vmul.f32 v11, v19  }
0xae: {  	v22 =	vld [tilespmem:s2+$0x20];
	[tilespmem:s15+$0xB0] =	vst v18  }
0xaf: {  	v23 =	vld [tilespmem:s2+$0x30];
	[tilespmem:s15+$0xC0] =	vst v19  }
0xb0: {  	v19 =	vld [tilespmem:s8+$0xC0]  }
0xb1: {  	v24 =	vld [tilespmem:s8+$0xD0]  }
0xb2: {  	v13 =	vmul.f32 v13, v12;
	v14 =	vmul.f32 v14, v17;
	v17 =	vld [tilespmem:s2+$0x140]  }
0xb3: {  	v25 =	vld [tilespmem:s2+$0x150];
	v12 =	vpop (erf)  }
0xb4: {  	v20 =	vmul.f32 v22, v20;
	v13 =	vadd.f32 v14, v13;
	v15 =	vmul.f32 v12, v15  }
0xb5: {  	s0 =	simm.s32 $0x2F40;
	v21 =	vmul.f32 v23, v21;
	v16 =	vmul.f32 v12, v16  }
0xb6: {  	s7 =	simm.s32 $0x440;
	v27 =	vld [tilespmem:s0+$0x110];
	(xrf2) =	vadd.scan.msk.f32 $0xffff, v13;
	[tilespmem:s15+$0xFFFFFF90] =	vst v15  }
0xb7: {  	v28 =	vld [tilespmem:s7+$0xFFFFFF10];
	v13 =	vadd.f32 v21, v20;
	[tilespmem:s15+$0xFFFFFFA0] =	vst v16  }
0xb8: {  	v17 =	vmul.f32 v17, v19;
	v19 =	vmul.f32 v25, v24;
	v15 =	vld [tilespmem:s8+$0xFFFFFFC0]  }
0xb9: {  	(xrf2) =	vadd.scan.msk.f32 $0xffff, v13;
	v16 =	vld [tilespmem:s8+$0xFFFFFFD0]  }
0xba: {  	v13 =	vld [tilespmem:s2+$0xFFFFFF40];
	v17 =	vadd.f32 v19, v17  }
0xbb: {  	v20 =	vld [tilespmem:s2+$0xFFFFFF50]  }
0xbc: {  	v29 =	vld [tilespmem:s0+$0xFFFFFE10];
	(xrf2) =	vadd.scan.msk.f32 $0xffff, v17  }
0xbd: {  	v30 =	vld [tilespmem:s7+$0xFFFFFF90]  }
0xbe: {  	v24 =	vld [tilespmem:s0+$0x100]  }
0xbf: {  	v19 =	vld [tilespmem:s7+$0x90]  }
0xc0: {  	v17 =	vld [tilespmem:s7+$0x80];
	v25, _, _ =	vpop (xrf2);
	v13 =	vmul.f32 v13, v15;
	v15 =	vmul.f32 v20, v16  }
0xc1: {  	v31 =	vld [tilespmem:s0+$0xFFFFFF80];
	v25 =	vmul.f32 $1.442695020e+00, v25  }
0xc2: {  	v35 =	vld [tilespmem:s0+$0x180];
	v13 =	vadd.f32 v15, v13  }
0xc3: {  	v20, _, _ =	vpop (xrf2);
	v15 =	vld [tilespmem:s7+$0xFFFFFF80];
	v25 =	vbroadcast v25, $0xF  }
0xc4: {  	v19 =	vmul.f32 v27, v19;
	v20 =	vmul.f32 $1.442695020e+00, v20;
	(xrf2) =	vadd.scan.msk.f32 $0xffff, v13;
	v13 =	vld [tilespmem:s0+$0xFFFFFF00]  }
0xc5: {  	v17 =	vmul.f32 v24, v17;
	(erf) = vpow2.f32 v25;
	v25 =	vld [tilespmem:s0+$0xFFFFFF10]  }
0xc6: {  	v18 =	vld [tilespmem:s2+$0xFFFFFEA0];
	v24, _, _ =	vpop (xrf2)  }
0xc7: {  	v14 =	vld [tilespmem:s2+$0xFFFFFEB0];
	v20 =	vbroadcast v20, $0xF;
	v17 =	vadd.f32 v19, v17;
	v19 =	vmul.f32 $1.442695020e+00, v24  }
0xc8: {  	v16 =	vld [tilespmem:s0+$0xFFFFFE00]  }
0xc9: {  	v27 =	vld [tilespmem:s0+$0x10];
	(erf) = vpow2.f32 v20;
	(xrf2) =	vadd.scan.msk.f32 $0xffff, v17;
	v17 =	vbroadcast v19, $0xF  }
0xca: {  	v24 =	vld [tilespmem:s7+$0x0];
	v13 =	vmul.f32 v13, v15;
	v15 =	vmul.f32 v25, v30  }
0xcb: {  	v19 =	vld [tilespmem:s0+$0x0];
	(erf) = vpow2.f32 v17  }
0xcc: {  	v15 =	vadd.f32 v15, v13;
	v17 =	vld [tilespmem:s7+$0xFFFFFF00]  }
0xcd: {  	v20 =	vld [tilespmem:s7+$0x10]  }
0xce: {  	v28 =	vmul.f32 v29, v28;
	v29 =	vld [tilespmem:s0+$0x80];
	v13 =	vpop (erf);
	(xrf2) =	vadd.scan.msk.f32 $0xffff, v15  }
0xcf: {  	v26 =	vld [tilespmem:s2+$0xA0];
	v32, _, _ =	vpop (xrf2);
	v18 =	vmul.f32 v13, v18  }
0xd0: {  	v22 =	vld [tilespmem:s2+$0xB0];
	v14 =	vmul.f32 v13, v14;
	v32 =	vmul.f32 $1.442695020e+00, v32  }
0xd1: {  	v33 =	vld [tilespmem:s2+$0x1C0];
	v19 =	vmul.f32 v19, v24;
	v16 =	vmul.f32 v16, v17  }
0xd2: {  	v34 =	vld [tilespmem:s2+$0x1D0];
	v15 =	vpop (erf);
	v24 =	vbroadcast v32, $0xF;
	[tilespmem:s15+$0xFFFFFF10] =	vst v14;
	v14 =	vmul.f32 v27, v20  }
0xd3: {  	v21 =	vld [tilespmem:s2+$0xFFFFFFC0];
	[tilespmem:s15+$0xFFFFFF00] =	vst v18;
	v18, _, _ =	vpop (xrf2);
	v16 =	vadd.f32 v28, v16  }
0xd4: {  	v23 =	vld [tilespmem:s2+$0xFFFFFFD0];
	v14 =	vadd.f32 v14, v19;
	v27 =	vmul.f32 $1.442695020e+00, v18;
	v18 =	vpop (erf);
	(erf) = vpow2.f32 v24  }
0xd5: {  	v25 =	vld [tilespmem:s0+$0xFFFFFE80];
	(xrf2) =	vadd.scan.msk.f32 $0xffff, v16  }
0xd6: {  	v53 =	vld [tilespmem:s2+$0xFFFFFE40]  }
0xd7: {  	v24 =	vld [tilespmem:s8+$0xFFFFFF40];
	v16 =	vbroadcast v27, $0xF;
	v28 =	vmul.f32 v18, v33  }
0xd8: {  	v19 =	vmul.f32 v15, v26;
	v27 =	vld [tilespmem:s8+$0xFFFFFF50];
	v52 =	vmul.f32 v18, v34;
	(xrf2) =	vadd.scan.msk.f32 $0xffff, v14;
	v14, _, _ =	vpop (xrf2)  }
0xd9: {  	(erf) = vpow2.f32 v16;
	v16 =	vld [tilespmem:s2+$0xFFFFFE50];
	[tilespmem:s15+$0xD0] =	vst v28;
	v14 =	vmul.f32 $1.442695020e+00, v14  }
0xda: {  	v30 =	vld [tilespmem:s0+$0xFFFFFE90];
	[tilespmem:s15+$0xE0] =	vst v52  }
0xdb: {  	v28 =	vld [tilespmem:s8+$0xE0];
	v14 =	vbroadcast v14, $0xF  }
0xdc: {  	v22 =	vmul.f32 v15, v22;
	v32 =	vld [tilespmem:s8+$0xF0]  }
0xdd: {  	[tilespmem:s15+$0x20] =	vst v19;
	v26 =	vld [tilespmem:s2+$0x160];
	v19 =	vpop (erf);
	(erf) = vpow2.f32 v14  }
0xde: {  	[tilespmem:s15+$0x30] =	vst v22;
	v54 =	vld [tilespmem:s2+$0x170];
	v22 =	vmul.f32 v53, v24;
	v16 =	vmul.f32 v16, v27  }
0xdf: {  	v24 =	vld [tilespmem:s0+$0x190];
	v27, _, _ =	vpop (xrf2)  }
0xe0: {  	v17 =	vld [tilespmem:s0+$0xFFFFFF90];
	v16 =	vadd.f32 v16, v22;
	v27 =	vmul.f32 $1.442695020e+00, v27  }
0xe1: {  	v55 =	vld [tilespmem:s8+$0x50]  }
0xe2: {  	v36 =	vld [tilespmem:s2+$0x40];
	v26 =	vmul.f32 v26, v28;
	v22 =	vpop (erf);
	(xrf2) =	vadd.scan.msk.f32 $0xffff, v16;
	v16 =	vbroadcast v27, $0xF  }
0xe3: {  	v37 =	vld [tilespmem:s2+$0x50];
	v28 =	vmul.f32 v54, v32;
	v35 =	vmul.f32 v22, v35  }
0xe4: {  	s14 =	simm.s32 $0x7CA0;
	v14 =	vld [tilespmem:s8+$0x40];
	v56, _, _ =	vpop (xrf2);
	v24 =	vmul.f32 v22, v24;
	(erf) = vpow2.f32 v16  }
0xe5: {  	v20 =	vld [tilespmem:s0+$0x90];
	v21 =	vmul.f32 v19, v21;
	v32 =	vmul.f32 $1.442695020e+00, v56;
	[tilespmem:s14+$0x90] =	vst v35  }
0xe6: {  	v57 =	vld [tilespmem:s2+$0xFFFFFED0];
	[tilespmem:s14+$0xA0] =	vst v24;
	v24 =	vmul.f32 v19, v23;
	v23 =	vpop (erf)  }
0xe7: {  	v26 =	vadd.f32 v28, v26;
	[tilespmem:s15+$0xFFFFFFB0] =	vst v21;
	v28 =	vbroadcast v32, $0xF;
	v35 =	vld [tilespmem:s7+$0xA0];
	v21 =	vmul.f32 v23, v31  }
0xe8: {  	v33 =	vmul.f32 v37, v55;
	v58 =	vld [tilespmem:s7+$0xB0];
	v17 =	vmul.f32 v23, v17  }
0xe9: {  	v14 =	vmul.f32 v36, v14;
	v59 =	vld [tilespmem:s0+$0x120];
	(erf) = vpow2.f32 v28;
	[tilespmem:s14+$0xFFFFFF70] =	vst v21  }
0xea: {  	(xrf2) =	vadd.scan.msk.f32 $0xffff, v26;
	v26 =	vld [tilespmem:s0+$0x130];
	[tilespmem:s14+$0xFFFFFF80] =	vst v17  }
0xeb: {  	v14 =	vadd.f32 v33, v14;
	v21 =	vld [tilespmem:s7+$0xFFFFFFA0]  }
0xec: {  	v60 =	vld [tilespmem:s7+$0xFFFFFFB0]  }
0xed: {  	[tilespmem:s15+$0xFFFFFFC0] =	vst v24;
	(xrf2) =	vadd.scan.msk.f32 $0xffff, v14;
	v61 =	vld [tilespmem:s0+$0xFFFFFF20];
	v24 =	vpop (erf)  }
0xee: {  	v7 =	vnsel vm0, $0x0, v7;
	v8 =	vnsel vm0, $0x0, v8;
	v62 =	vld [tilespmem:s0+$0xFFFFFF30];
	v25 =	vmul.f32 v24, v25  }
0xef: {  	v10 =	vnsel vm0, $0x0, v10;
	v7 =	vsel vm1, v7, v11;
	v8 =	vsel vm1, v8, v12;
	v51 =	vld [tilespmem:s2+$0x1E0];
	v17, _, _ =	vpop (xrf2)  }
0xf0: {  	v10 =	vsel vm1, v10, v15;
	v27 =	vld [tilespmem:s2+$0xFFFFFEC0];
	v35 =	vmul.f32 v59, v35;
	v17 =	vmul.f32 $1.442695020e+00, v17  }
0xf1: {  	v15 =	vsel vm2, v7, v18;
	v16 =	vld [tilespmem:s2+$0xC0];
	v26 =	vmul.f32 v26, v58;
	v30 =	vmul.f32 v24, v30  }
0xf2: {  	v7 =	vsel vm2, v8, v19;
	v41 =	vld [tilespmem:s2+$0xFFFFFF60];
	v17 =	vbroadcast v17, $0xF;
	[tilespmem:s14+$0xFFFFFEE0] =	vst v25;
	v21 =	vmul.f32 v61, v21;
	v25 =	vpop (erf)  }
0xf3: {  	v19 =	vld [tilespmem:s2+$0xFFFFFFF0];
	v26 =	vadd.f32 v26, v35;
	[tilespmem:s14+$0xFFFFFEF0] =	vst v30;
	v44 =	vmul.f32 v62, v60;
	v20 =	vmul.f32 v25, v20  }
0xf4: {  	(erf) = vpow2.f32 v17;
	v17 =	vld [tilespmem:s7+$0xFFFFFF20];
	v29 =	vmul.f32 v25, v29  }
0xf5: {  	(xrf2) =	vadd.scan.msk.f32 $0xffff, v26;
	v43 =	vld [tilespmem:s7+$0xFFFFFF30];
	v21 =	vadd.f32 v44, v21  }
0xf6: {  	v42, _, _ =	vpop (xrf2);
	[tilespmem:s14+$0x0] =	vst v29;
	v29 =	vld [tilespmem:s0+$0xFFFFFE20]  }
0xf7: {  	v26 =	vmul.f32 $1.442695020e+00, v42;
	v45 =	vld [tilespmem:s0+$0xFFFFFE30];
	(xrf2) =	vadd.scan.msk.f32 $0xffff, v21;
	[tilespmem:s14+$0x10] =	vst v20;
	v20, _, _ =	vpop (xrf2)  }
0xf8: {  	v28 =	vld [tilespmem:s2+$0xD0];
	v20 =	vmul.f32 $1.442695020e+00, v20  }
0xf9: {  	v26 =	vbroadcast v26, $0xF;
	v46 =	vld [tilespmem:s7+$0x20]  }
0xfa: {  	v47 =	vld [tilespmem:s7+$0x30];
	v20 =	vbroadcast v20, $0xF  }
0xfb: {  	(erf) = vpow2.f32 v26;
	v21 =	vld [tilespmem:s0+$0x20];
	v17 =	vmul.f32 v29, v17  }
0xfc: {  	v48 =	vld [tilespmem:s0+$0x30];
	v29 =	vmul.f32 v45, v43;
	(erf) = vpow2.f32 v20  }
0xfd: {  	v14 =	vld [tilespmem:s8+$0xFFFFFFF0];
	v49 =	vpop (erf)  }
0xfe: {  	v31 =	vld [tilespmem:s8+$0xFFFFFFE0];
	v27 =	vmul.f32 v49, v27;
	v17 =	vadd.f32 v29, v17  }
0xff: {  	v63 =	vld [tilespmem:s0+$0xFFFFFFA0];
	v39, _, _ =	vpop (xrf2);
	v34 =	vmul.f32 v49, v57  }
0x100: {  	v42 =	vld [tilespmem:s2+$0xFFFFFF70];
	v39 =	vmul.f32 $1.442695020e+00, v39;
	[tilespmem:s15+$0xFFFFFF20] =	vst v27;
	(xrf2) =	vadd.scan.msk.f32 $0xffff, v17  }
0x101: {  	v30 =	vld [tilespmem:s0+$0xFFFFFFB0];
	v27 =	vmul.f32 v21, v46;
	[tilespmem:s15+$0xFFFFFF30] =	vst v34;
	v17 =	vmul.f32 v48, v47;
	v53, _, _ =	vpop (xrf2)  }
0x102: {  	v50 =	vbroadcast v39, $0xF;
	v34 =	vld [tilespmem:s8+$0xFFFFFF60];
	v32 =	vmul.f32 $1.442695020e+00, v53  }
0x103: {  	v54 =	vld [tilespmem:s2+$0xFFFFFE60];
	v17 =	vadd.f32 v17, v27  }
0x104: {  	v52 =	vpop (erf);
	(erf) = vpow2.f32 v50;
	v27 =	vld [tilespmem:s8+$0xFFFFFF70];
	v32 =	vbroadcast v32, $0xF  }
0x105: {  	(xrf2) =	vadd.scan.msk.f32 $0xffff, v17;
	v17 =	vld [tilespmem:s2+$0xFFFFFE70];
	v40 =	vpop (erf)  }
0x106: {  	v38 =	vld [tilespmem:s0+$0xFFFFFEA0];
	(erf) = vpow2.f32 v32;
	v28 =	vmul.f32 v40, v28  }
0x107: {  	v26 =	vld [tilespmem:s2+$0x1F0];
	v16 =	vmul.f32 v40, v16  }
0x108: {  	v43 =	vld [tilespmem:s0+$0x1A0]  }
0x109: {  	v29 =	vld [tilespmem:s0+$0xFFFFFEB0];
	[tilespmem:s15+$0x40] =	vst v16  }
0x10a: {  	v34 =	vmul.f32 v54, v34;
	v17 =	vmul.f32 v17, v27;
	v16 =	vld [tilespmem:s0+$0x1B0];
	[tilespmem:s15+$0x50] =	vst v28;
	v28, _, _ =	vpop (xrf2)  }
0x10b: {  	v20 =	vld [tilespmem:s0+$0xA0];
	v28 =	vmul.f32 $1.442695020e+00, v28  }
0x10c: {  	v8 =	vmul.f32 v52, v26;
	v56 =	vld [tilespmem:s8+$0x70];
	v34 =	vadd.f32 v17, v34  }
0x10d: {  	v27 =	vmul.f32 v41, v31;
	v31 =	vpop (erf);
	v44 =	vld [tilespmem:s2+$0x70];
	v28 =	vbroadcast v28, $0xF  }
0x10e: {  	v43 =	vmul.f32 v31, v43;
	v55 =	vld [tilespmem:s8+$0x60];
	(xrf2) =	vadd.scan.msk.f32 $0xffff, v34  }
0x10f: {  	v14 =	vmul.f32 v42, v14;
	[tilespmem:s15+$0x100] =	vst v8;
	v57 =	vld [tilespmem:s2+$0x60];
	v60 =	vpop (erf);
	v58 =	vmul.f32 v31, v16  }
0x110: {  	v9 =	vnsel vm0, $0x0, v9;
	v21 =	vld [tilespmem:s0+$0xB0];
	[tilespmem:s14+$0xB0] =	vst v43;
	v12 =	vmul.f32 v60, v63;
	(erf) = vpow2.f32 v28  }
0x111: {  	v9 =	vsel vm1, v9, v13;
	v8 =	vnsel vm0, $0x0, v22;
	v17 =	vld [tilespmem:s2+$0xFFFFFEF0];
	v27 =	vadd.f32 v14, v27;
	[tilespmem:s14+$0xC0] =	vst v58;
	v28, _, _ =	vpop (xrf2)  }
0x112: {  	v14 =	vld [tilespmem:s2+$0xFFFFFFE0];
	v22 =	vmul.f32 v44, v56;
	[tilespmem:s14+$0xFFFFFF90] =	vst v12;
	v12 =	vsel vm2, v9, v49;
	v28 =	vmul.f32 $1.442695020e+00, v28  }
0x113: {  	v9 =	vsel vm3, v15, v52;
	v15 =	vmul.f32 v52, v51;
	v59 =	vld [tilespmem:s7+$0xC0];
	(xrf2) =	vadd.scan.msk.f32 $0xffff, v27;
	v27 =	vmul.f32 v60, v30  }
0x114: {  	v13 =	vld [tilespmem:s0+$0x140];
	v30 =	vmul.f32 v57, v55;
	v11 =	vbroadcast v28, $0xF  }
0x115: {  	v28 =	vld [tilespmem:s7+$0xD0]  }
0x116: {  	[tilespmem:s15+$0xF0] =	vst v15;
	v15 =	vadd.f32 v22, v30;
	(erf) = vpow2.f32 v11;
	v11 =	vld [tilespmem:s0+$0x150]  }
0x117: {  	v18 =	vld [tilespmem:s2+$0xE0]  }
0x118: {  	v16 =	vld [tilespmem:s2+$0xFFFFFEE0];
	[tilespmem:s14+$0xFFFFFFA0] =	vst v27;
	v30, _, _ =	vpop (xrf2);
	(xrf2) =	vadd.scan.msk.f32 $0xffff, v15  }
0x119: {  	v26 =	vld [tilespmem:s7+$0xFFFFFFC0];
	v61 =	vpop (erf)  }
0x11a: {  	v27 =	vld [tilespmem:s7+$0xFFFFFFD0];
	v13 =	vmul.f32 v13, v59;
	v62 =	vmul.f32 v61, v38  }
0x11b: {  	v63 =	vmul.f32 v61, v29;
	v29 =	vld [tilespmem:s0+$0xFFFFFF50];
	v11 =	vmul.f32 v11, v28  }
0x11c: {  	v23 =	vnsel vm0, $0x0, v23;
	v24 =	vnsel vm0, $0x0, v24;
	[tilespmem:s15+$0x110] =	vst v9;
	v28 =	vld [tilespmem:s0+$0xFFFFFF40]  }
0x11d: {  	v9 =	vnsel vm0, $0x0, v25;
	v22 =	vld [tilespmem:s0+$0xFFFFFFC0];
	v30 =	vmul.f32 $1.442695020e+00, v30;
	[tilespmem:s14+$0xFFFFFF00] =	vst v62;
	v25 =	vadd.f32 v11, v13  }
0x11e: {  	v10 =	vsel vm2, v10, v40;
	[tilespmem:s14+$0xFFFFFF10] =	vst v63;
	v13 =	vsel vm1, v8, v31;
	v11 =	vsel vm1, v23, v60;
	v23 =	vld [tilespmem:s0+$0xFFFFFFD0];
	v31, _, _ =	vpop (xrf2)  }
0x11f: {  	s21 =	simm.s32 $0x640;
	s8 =	simm.s32 $0x4;
	v8 =	vsel vm1, v24, v61;
	v24 =	vld [tilespmem:s2+$0xF0];
	s2 =	simm.s32 $0x2F40;
	v15 =	vpop (erf);
	(xrf2) =	vadd.scan.msk.f32 $0xffff, v25;
	v25 =	vbroadcast v30, $0xF;
	v30 =	vmul.f32 $1.442695020e+00, v31  }
.LBB2_7:
0x120: {  	v31 =	vld [tilespmem:s21+$0x80];
	v20 =	vmul.f32 v15, v20;
	v21 =	vmul.f32 v15, v21;
	v15 =	vsel vm1, v9, v15  }
0x121: {  	v26 =	vmul.f32 v28, v26;
	s0 =	sadd.s32 $0x400, s0;
	v9 =	vld [tilespmem:s21+$0x90];
	v27 =	vmul.f32 v29, v27  }
0x122: {  	v28 =	vld [tilespmem:s0+$0x100];
	[tilespmem:s14+$0x20] =	vst v20;
	v20 =	vbroadcast v30, $0xF;
	(erf) = vpow2.f32 v25;
	v25, _, _ =	vpop (xrf2)  }
0x123: {  	v29 =	vld [tilespmem:s0+$0x110];
	v26 =	vadd.f32 v27, v26;
	[tilespmem:s14+$0x30] =	vst v21;
	v21 =	vmul.f32 $1.442695020e+00, v25  }
0x124: {  	v25 =	vld [tilespmem:s21+$0xFFFFFF10];
	(erf) = vpow2.f32 v20  }
0x125: {  	v20 =	vld [tilespmem:s0+$0xFFFFFE00];
	(xrf2) =	vadd.scan.msk.f32 $0xffff, v26;
	v21 =	vbroadcast v21, $0xF  }
0x126: {  	v26 =	vld [tilespmem:s0+$0xFFFFFE10]  }
0x127: {  	v27 =	vld [tilespmem:s21+$0xFFFFFF80];
	(erf) = vpow2.f32 v21  }
0x128: {  	v28 =	vmul.f32 v28, v31;
	v21 =	vld [tilespmem:s21+$0xFFFFFF90];
	v9 =	vmul.f32 v29, v9  }
0x129: {  	v29 =	vld [tilespmem:s0+$0xFFFFFF00];
	v30, _, _ =	vpop (xrf2)  }
0x12a: {  	v31 =	vld [tilespmem:s0+$0xFFFFFF10];
	v9 =	vadd.f32 v9, v28;
	v28 =	vmul.f32 $1.442695020e+00, v30  }
0x12b: {  	v25 =	vmul.f32 v26, v25;
	v26 =	vld [tilespmem:s21+$0x0];
	v30 =	vpop (erf)  }
0x12c: {  	v32 =	vld [tilespmem:s21+$0x10];
	(xrf2) =	vadd.scan.msk.f32 $0xffff, v9;
	v9 =	vbroadcast v28, $0xF;
	v16 =	vmul.f32 v30, v16;
	v33 =	vsel vm3, v12, v30  }
0x12d: {  	v17 =	vmul.f32 v30, v17;
	v28 =	vld [tilespmem:s0+$0x0];
	[tilespmem:s15+$0xFFFFFF60] =	vst v33;
	v12 =	vpop (erf)  }
0x12e: {  	v27 =	vmul.f32 v29, v27;
	v29 =	vld [tilespmem:s0+$0x10];
	(erf) = vpow2.f32 v9;
	[tilespmem:s15+$0xFFFFFF40] =	vst v16;
	v33 =	vsel vm3, v7, v12  }
0x12f: {  	v14 =	vmul.f32 v12, v14;
	v16 =	vld [tilespmem:s21+$0xFFFFFF00];
	v21 =	vmul.f32 v31, v21;
	v30, _, _ =	vpop (xrf2);
	[tilespmem:s15+$0xFFFFFF50] =	vst v17  }
0x130: {  	s8 =	sadd.s32 $0x4, s8;
	v19 =	vmul.f32 v12, v19;
	v9 =	vld [tilespmem:s0+$0xFFFFFE80];
	v17 =	vmul.f32 $1.442695020e+00, v30;
	[tilespmem:s15+$0xFFFFFFF0] =	vst v33;
	v7 =	vpop (erf)  }
0x131: {  	p1 =	slt.u32 s8, $0x24;
	v12 =	vld [tilespmem:s0+$0xFFFFFE90];
	v21 =	vadd.f32 v21, v27;
	[tilespmem:s15+$0xFFFFFFD0] =	vst v14;
	v14 =	vmul.f32 v7, v18;
	v18 =	vmul.f32 v7, v24  }
0x132: {  	v7 =	vsel vm3, v10, v7;
	v24 =	vld [tilespmem:s0+$0xFFFFFF80];
	v26 =	vmul.f32 v28, v26;
	v17 =	vbroadcast v17, $0xF;
	[tilespmem:s15+$0xFFFFFFE0] =	vst v19  }
0x133: {  	v27 =	vmul.f32 v29, v32;
	(xrf2) =	vadd.scan.msk.f32 $0xffff, v21;
	v19 =	vld [tilespmem:s2+$0x1C0];
	[tilespmem:s15+$0x60] =	vst v14  }
0x134: {  	v14 =	vmul.f32 v20, v16;
	v16 =	vld [tilespmem:s2+$0x1D0];
	[tilespmem:s15+$0x70] =	vst v18  }
0x135: {  	v18 =	vld [tilespmem:s0+$0xFFFFFF90];
	v20 =	vadd.f32 v27, v26;
	(erf) = vpow2.f32 v17;
	[tilespmem:s15+$0x80] =	vst v7;
	s15 =	smov.u32 s14  }
0x136: {  	v7 =	vadd.f32 v25, v14;
	v17 =	vld [tilespmem:s0+$0x80];
	v10, _, _ =	vpop (xrf2)  }
0x137: {  	v21 =	vld [tilespmem:s0+$0x90];
	v14 =	vmul.f32 $1.442695020e+00, v10;
	v25 =	vpop (erf)  }
0x138: {  	(xrf2) =	vadd.scan.msk.f32 $0xffff, v7;
	v7 =	vld [tilespmem:s7+$0xFFFFFF40];
	v19 =	vmul.f32 v25, v19;
	v10 =	vsel vm2, v13, v25  }
0x139: {  	v13 =	vbroadcast v14, $0xF;
	v14 =	vld [tilespmem:s7+$0xFFFFFF50];
	v16 =	vmul.f32 v25, v16  }
0x13a: {  	v25 =	vld [tilespmem:s2+$0xFFFFFE40];
	[tilespmem:s14+$0xD0] =	vst v19  }
0x13b: {  	(xrf2) =	vadd.scan.msk.f32 $0xffff, v20;
	(erf) = vpow2.f32 v13;
	v13 =	vld [tilespmem:s2+$0xFFFFFE50];
	[tilespmem:s14+$0xE0] =	vst v16  }
0x13c: {  	v16 =	vld [tilespmem:s7+$0xE0]  }
0x13d: {  	v19, _, _ =	vpop (xrf2);
	v20 =	vld [tilespmem:s7+$0xF0]  }
0x13e: {  	v19 =	vmul.f32 $1.442695020e+00, v19;
	v26 =	vld [tilespmem:s2+$0x160];
	v27 =	vpop (erf)  }
0x13f: {  	v25 =	vmul.f32 v25, v7;
	v22 =	vmul.f32 v27, v22;
	v7 =	vsel vm2, v11, v27;
	v11 =	vld [tilespmem:s2+$0x170]  }
0x140: {  	v19 =	vbroadcast v19, $0xF;
	v28 =	vld [tilespmem:s0+$0x180];
	v13 =	vmul.f32 v13, v14  }
0x141: {  	v14 =	vld [tilespmem:s0+$0x190];
	[tilespmem:s14+$0xFFFFFFB0] =	vst v22;
	v22 =	vmul.f32 v27, v23  }
0x142: {  	v23, _, _ =	vpop (xrf2);
	(erf) = vpow2.f32 v19;
	v13 =	vadd.f32 v13, v25;
	v19 =	vld [tilespmem:s7+$0x40]  }
0x143: {  	v23 =	vmul.f32 $1.442695020e+00, v23;
	[tilespmem:s14+$0xFFFFFFC0] =	vst v22;
	v22 =	vld [tilespmem:s7+$0x50]  }
0x144: {  	v16 =	vmul.f32 v26, v16;
	v25 =	vpop (erf);
	v27 =	vld [tilespmem:s2+$0x40];
	v20 =	vmul.f32 v11, v20;
	(xrf2) =	vadd.scan.msk.f32 $0xffff, v13  }
0x145: {  	v13 =	vbroadcast v23, $0xF;
	v23 =	vmul.f32 v25, v28;
	v11 =	vnsel vm0, $0x0, v25;
	v26, _, _ =	vpop (xrf2);
	v28 =	vld [tilespmem:s2+$0x50]  }
0x146: {  	s14 =	sadd.s32 $0x240, s14;
	v26 =	vmul.f32 $1.442695020e+00, v26;
	v14 =	vmul.f32 v25, v14;
	v25 =	vld [tilespmem:s2+$0xFFFFFEC0];
	v20 =	vadd.f32 v20, v16  }
0x147: {  	[tilespmem:s14+$0x90] =	vst v23;
	(erf) = vpow2.f32 v13;
	v29 =	vld [tilespmem:s2+$0xFFFFFED0]  }
0x148: {  	v13 =	vbroadcast v26, $0xF;
	[tilespmem:s14+$0xA0] =	vst v14;
	v16 =	vld [tilespmem:s2+$0xC0];
	(xrf2) =	vadd.scan.msk.f32 $0xffff, v20  }
0x149: {  	v20 =	vld [tilespmem:s21+$0xA0];
	v14 =	vmul.f32 v27, v19  }
0x14a: {  	v19 =	vld [tilespmem:s21+$0xB0];
	(erf) = vpow2.f32 v13;
	v13 =	vmul.f32 v28, v22  }
0x14b: {  	v23 =	vld [tilespmem:s0+$0x120];
	v22 =	vpop (erf)  }
0x14c: {  	v24 =	vmul.f32 v22, v24;
	v26 =	vmul.f32 v22, v18;
	v27 =	vld [tilespmem:s0+$0x130];
	v14 =	vadd.f32 v13, v14  }
0x14d: {  	v18 =	vnsel vm0, $0x0, v22;
	v28 =	vld [tilespmem:s2+$0xD0]  }
0x14e: {  	[tilespmem:s14+$0xFFFFFF70] =	vst v24;
	v13 =	vld [tilespmem:s7+$0xFFFFFFE0];
	v22, _, _ =	vpop (xrf2);
	(xrf2) =	vadd.scan.msk.f32 $0xffff, v14  }
0x14f: {  	[tilespmem:s14+$0xFFFFFF80] =	vst v26;
	v24 =	vmul.f32 $1.442695020e+00, v22;
	v14 =	vld [tilespmem:s7+$0xFFFFFFF0]  }
0x150: {  	v26 =	vld [tilespmem:s21+$0xFFFFFFA0];
	v30 =	vpop (erf)  }
0x151: {  	v20 =	vmul.f32 v23, v20;
	v22 =	vnsel vm0, $0x0, v30;
	v31 =	vld [tilespmem:s21+$0xFFFFFFB0];
	v19 =	vmul.f32 v27, v19  }
0x152: {  	v9 =	vmul.f32 v30, v9;
	v12 =	vmul.f32 v30, v12;
	v27 =	vld [tilespmem:s0+$0xFFFFFF20];
	v23, _, _ =	vpop (xrf2)  }
0x153: {  	v24 =	vbroadcast v24, $0xF;
	v30 =	vld [tilespmem:s0+$0xFFFFFF30];
	v20 =	vadd.f32 v19, v20;
	v32 =	vpop (erf);
	v33 =	vmul.f32 $1.442695020e+00, v23  }
0x154: {  	[tilespmem:s14+$0xFFFFFEE0] =	vst v9;
	v19 =	vld [tilespmem:s0+$0xFFFFFFA0];
	v17 =	vmul.f32 v32, v17;
	v21 =	vmul.f32 v32, v21;
	v9 =	vnsel vm0, $0x0, v32  }
0x155: {  	[tilespmem:s14+$0xFFFFFEF0] =	vst v12;
	v23 =	vld [tilespmem:s0+$0xFFFFFFB0];
	(xrf2) =	vadd.scan.msk.f32 $0xffff, v20;
	v12 =	vbroadcast v33, $0xF;
	(erf) = vpow2.f32 v24  }
0x156: {  	v20 =	vld [tilespmem:s21+$0xFFFFFF20];
	[tilespmem:s14+$0x0] =	vst v17  }
0x157: {  	v17 =	vld [tilespmem:s21+$0xFFFFFF30];
	v24 =	vmul.f32 v27, v26;
	[tilespmem:s14+$0x10] =	vst v21;
	(erf) = vpow2.f32 v12  }
0x158: {  	v12 =	vld [tilespmem:s0+$0xFFFFFE20];
	v21 =	vmul.f32 v30, v31;
	v26, _, _ =	vpop (xrf2)  }
0x159: {  	v27 =	vld [tilespmem:s0+$0xFFFFFE30];
	v26 =	vmul.f32 $1.442695020e+00, v26  }
0x15a: {  	v21 =	vadd.f32 v21, v24;
	v24 =	vld [tilespmem:s21+$0x20]  }
0x15b: {  	v30 =	vld [tilespmem:s21+$0x30];
	v26 =	vbroadcast v26, $0xF  }
0x15c: {  	(xrf2) =	vadd.scan.msk.f32 $0xffff, v21;
	v21 =	vld [tilespmem:s2+$0x1F0]  }
0x15d: {  	v20 =	vmul.f32 v12, v20;
	v31 =	vld [tilespmem:s0+$0x20]  }
0x15e: {  	v34 =	vmul.f32 v27, v17;
	v27 =	vld [tilespmem:s0+$0x30];
	v12 =	vpop (erf);
	(erf) = vpow2.f32 v26  }
0x15f: {  	v32 =	vld [tilespmem:s0+$0xFFFFFEA0];
	v26, _, _ =	vpop (xrf2);
	v25 =	vmul.f32 v12, v25;
	v29 =	vmul.f32 v12, v29;
	v12 =	vsel vm2, v8, v12  }
0x160: {  	v8 =	vadd.f32 v34, v20;
	v33 =	vld [tilespmem:s0+$0xFFFFFEB0];
	v17 =	vpop (erf)  }
0x161: {  	v26 =	vmul.f32 $1.442695020e+00, v26;
	v20 =	vld [tilespmem:s0+$0xA0];
	[tilespmem:s15+$0xFFFFFF20] =	vst v25;
	v25 =	vmul.f32 v17, v21;
	v10 =	vsel vm3, v10, v17  }
0x162: {  	v24 =	vmul.f32 v31, v24;
	v21 =	vld [tilespmem:s0+$0xB0];
	(xrf2) =	vadd.scan.msk.f32 $0xffff, v8;
	[tilespmem:s15+$0xFFFFFF30] =	vst v29  }
0x163: {  	v26 =	vbroadcast v26, $0xF;
	v8 =	vmul.f32 v27, v30;
	v27 =	vld [tilespmem:s2+$0x1E0];
	[tilespmem:s15+$0x100] =	vst v25  }
0x164: {  	v25 =	vld [tilespmem:s7+$0xFFFFFF60];
	[tilespmem:s15+$0x110] =	vst v10  }
0x165: {  	v8 =	vadd.f32 v8, v24;
	(erf) = vpow2.f32 v26;
	v24 =	vld [tilespmem:s7+$0xFFFFFF70]  }
0x166: {  	v10, _, _ =	vpop (xrf2);
	v26 =	vld [tilespmem:s2+$0xFFFFFE60]  }
0x167: {  	v29 =	vmul.f32 $1.442695020e+00, v10;
	(xrf2) =	vadd.scan.msk.f32 $0xffff, v8;
	v8 =	vld [tilespmem:s2+$0xFFFFFE70];
	v10 =	vpop (erf)  }
0x168: {  	v30 =	vld [tilespmem:s2+$0xFFFFFF60];
	v16 =	vmul.f32 v10, v16;
	v28 =	vmul.f32 v10, v28;
	v10 =	vsel vm2, v15, v10  }
0x169: {  	v17 =	vmul.f32 v17, v27;
	v15 =	vbroadcast v29, $0xF;
	v29 =	vld [tilespmem:s2+$0xFFFFFF70]  }
0x16a: {  	v27 =	vld [tilespmem:s0+$0x1A0];
	[tilespmem:s15+$0x40] =	vst v16  }
0x16b: {  	v16 =	vld [tilespmem:s0+$0x1B0];
	(erf) = vpow2.f32 v15;
	v15 =	vmul.f32 v26, v25;
	[tilespmem:s15+$0x50] =	vst v28  }
0x16c: {  	v25, _, _ =	vpop (xrf2);
	v8 =	vmul.f32 v8, v24;
	v24 =	vld [tilespmem:s7+$0x60];
	[tilespmem:s15+$0xF0] =	vst v17  }
0x16d: {  	v17 =	vmul.f32 $1.442695020e+00, v25;
	v25 =	vmul.f32 v30, v13;
	v26 =	vld [tilespmem:s7+$0x70];
	s7 =	smov.u32 s21  }
0x16e: {  	v28 =	vpop (erf);
	v8 =	vadd.f32 v8, v15;
	v29 =	vmul.f32 v29, v14;
	v15 =	vld [tilespmem:s2+$0x60]  }
0x16f: {  	v17 =	vbroadcast v17, $0xF;
	v27 =	vmul.f32 v28, v27;
	v13 =	vsel vm1, v11, v28;
	v11 =	vld [tilespmem:s2+$0x70]  }
0x170: {  	v28 =	vmul.f32 v28, v16;
	v16 =	vld [tilespmem:s2+$0xFFFFFEE0];
	v25 =	vadd.f32 v29, v25  }
0x171: {  	[tilespmem:s14+$0xB0] =	vst v27;
	(erf) = vpow2.f32 v17;
	v14, _, _ =	vpop (xrf2);
	v17 =	vld [tilespmem:s2+$0xFFFFFEF0];
	(xrf2) =	vadd.scan.msk.f32 $0xffff, v8  }
0x172: {  	v8 =	vmul.f32 $1.442695020e+00, v14;
	[tilespmem:s14+$0xC0] =	vst v28;
	v14 =	vld [tilespmem:s2+$0xFFFFFFE0]  }
0x173: {  	v29 =	vld [tilespmem:s21+$0xC0];
	v15 =	vmul.f32 v15, v24  }
0x174: {  	v8 =	vbroadcast v8, $0xF;
	v24 =	vld [tilespmem:s21+$0xD0];
	v27 =	vpop (erf);
	v26 =	vmul.f32 v11, v26;
	(xrf2) =	vadd.scan.msk.f32 $0xffff, v25  }
0x175: {  	v19 =	vmul.f32 v27, v19;
	v23 =	vmul.f32 v27, v23;
	v11 =	vsel vm1, v18, v27;
	v25 =	vld [tilespmem:s0+$0x140]  }
0x176: {  	v30 =	vld [tilespmem:s0+$0x150];
	(erf) = vpow2.f32 v8;
	v8 =	vadd.f32 v26, v15  }
0x177: {  	[tilespmem:s14+$0xFFFFFF90] =	vst v19;
	v19 =	vld [tilespmem:s2+$0xFFFFFFF0]  }
0x178: {  	[tilespmem:s14+$0xFFFFFFA0] =	vst v23;
	v18 =	vld [tilespmem:s2+$0xE0];
	(xrf2) =	vadd.scan.msk.f32 $0xffff, v8  }
0x179: {  	v26 =	vld [tilespmem:s21+$0xFFFFFFC0]  }
0x17a: {  	v27 =	vld [tilespmem:s21+$0xFFFFFFD0];
	v15 =	vpop (erf)  }
.Ltmp3:
0x17b: {  	v23 =	vmul.f32 v25, v29;
	v8 =	vsel vm1, v22, v15;
	v28 =	vld [tilespmem:s0+$0xFFFFFF40];
	v24 =	vmul.f32 v30, v24;
	v25, _, _ =	vpop (xrf2);
	(pc) =	sbr.rel @p1 .LBB2_7-.Ltmp3, $4  }
0x17c: {  	v31 =	vmul.f32 v15, v32;
	v32 =	vmul.f32 v15, v33;
	v29 =	vld [tilespmem:s0+$0xFFFFFF50]  }
0x17d: {  	v25 =	vmul.f32 $1.442695020e+00, v25;
	v22 =	vld [tilespmem:s0+$0xFFFFFFC0];
	v24 =	vadd.f32 v24, v23  }
0x17e: {  	[tilespmem:s14+$0xFFFFFF00] =	vst v31;
	v23 =	vld [tilespmem:s0+$0xFFFFFFD0];
	v30, _, _ =	vpop (xrf2)  }
0x17f: {  	s21 =	sadd.s32 $0x200, s21;
	v25 =	vbroadcast v25, $0xF;
	[tilespmem:s14+$0xFFFFFF10] =	vst v32;
	v15 =	vpop (erf);
	(xrf2) =	vadd.scan.msk.f32 $0xffff, v24;
	v30 =	vmul.f32 $1.442695020e+00, v30;
	v24 =	vld [tilespmem:s2+$0xF0];
	s2 =	smov.u32 s0  }
0x180: {  	_ =	sdelay $0x7  }
0x181: {  	v31, _, _ =	vpop (xrf2)  }
0x182: {  	v31 =	vmul.f32 $1.442695020e+00, v31;
	v32, _, _ =	vpop (xrf2)  }
0x183: {  	v30 =	vbroadcast v30, $0xF;
	v32 =	vmul.f32 $1.442695020e+00, v32  }
0x184: {  	(erf) = vpow2.f32 v25;
	v25 =	vbroadcast v31, $0xF  }
0x185: {  	(erf) = vpow2.f32 v30;
	v30 =	vbroadcast v32, $0xF  }
0x186: {  	(erf) = vpow2.f32 v25  }
0x187: {  	(erf) = vpow2.f32 v30;
	_ =	sdelay $0x4  }
0x188: {  	v30 =	vld [tilespmem:s2+$0x1C0]  }
0x189: {  	v56 =	vld [tilespmem:s2+$0x1D0];
	v20 =	vmul.f32 v15, v20;
	v31 =	vpop (erf)  }
0x18a: {  	v35 =	vld [tilespmem:s7+$0xFFFFFF40];
	v21 =	vmul.f32 v15, v21;
	v33 =	vpop (erf)  }
0x18b: {  	v36 =	vld [tilespmem:s7+$0xFFFFFF50];
	[tilespmem:s14+$0x20] =	vst v20;
	v34 =	vpop (erf)  }
0x18c: {  	v37 =	vld [tilespmem:s2+$0xFFFFFE40];
	[tilespmem:s14+$0x30] =	vst v21;
	v25 =	vpop (erf)  }
0x18d: {  	v26 =	vmul.f32 v28, v26;
	v28 =	vld [tilespmem:s7+$0x40];
	v30 =	vmul.f32 v25, v30  }
0x18e: {  	v27 =	vmul.f32 v29, v27;
	v29 =	vld [tilespmem:s7+$0x50];
	v32 =	vmul.f32 v25, v56  }
0x18f: {  	[tilespmem:s14+$0xD0] =	vst v30;
	v30 =	vld [tilespmem:s2+$0xFFFFFE50]  }
0x190: {  	v57 =	vld [tilespmem:s2+$0x40];
	[tilespmem:s14+$0xE0] =	vst v32  }
0x191: {  	v32 =	vld [tilespmem:s7+$0xE0]  }
0x192: {  	v38 =	vld [tilespmem:s7+$0xF0]  }
0x193: {  	v20 =	vld [tilespmem:s2+$0x160]  }
0x194: {  	v26 =	vadd.f32 v27, v26;
	v27 =	vmul.f32 v37, v35;
	v21 =	vld [tilespmem:s2+$0x170];
	v30 =	vmul.f32 v30, v36  }
0x195: {  	v58 =	vld [tilespmem:s2+$0x50]  }
0x196: {  	(xrf2) =	vadd.scan.msk.f32 $0xffff, v26;
	v26 =	vadd.f32 v30, v27;
	_ =	sdelay $0x1  }
0x197: {  	(xrf2) =	vadd.scan.msk.f32 $0xffff, v26  }
0x198: {  	v20 =	vmul.f32 v20, v32;
	v21 =	vmul.f32 v21, v38  }
0x199: {  	v27 =	vmul.f32 v58, v29;
	v26 =	vmul.f32 v57, v28  }
0x19a: {  	v20 =	vadd.f32 v21, v20  }
0x19b: {  	v21 =	vadd.f32 v27, v26  }
0x19c: {  	(xrf2) =	vadd.scan.msk.f32 $0xffff, v20  }
0x19d: {  	(xrf2) =	vadd.scan.msk.f32 $0xffff, v21;
	_ =	sdelay $0x2  }
0x19e: {  	v20, _, _ =	vpop (xrf2)  }
0x19f: {  	v20 =	vmul.f32 $1.442695020e+00, v20;
	v21, _, _ =	vpop (xrf2)  }
0x1a0: {  	v21 =	vmul.f32 $1.442695020e+00, v21  }
0x1a1: {  	v20 =	vbroadcast v20, $0xF;
	_ =	sdelay $0x1  }
0x1a2: {  	(erf) = vpow2.f32 v20;
	v20 =	vbroadcast v21, $0xF  }
0x1a3: {  	v21, _, _ =	vpop (xrf2)  }
0x1a4: {  	(erf) = vpow2.f32 v20;
	v20 =	vmul.f32 $1.442695020e+00, v21;
	v21, _, _ =	vpop (xrf2)  }
0x1a5: {  	v21 =	vmul.f32 $1.442695020e+00, v21;
	_ =	sdelay $0x1  }
0x1a6: {  	v20 =	vbroadcast v20, $0xF;
	v21 =	vbroadcast v21, $0xF  }
0x1a7: {  	v26 =	vld [tilespmem:s2+$0xFFFFFEC0]  }
0x1a8: {  	(erf) = vpow2.f32 v20;
	v20 =	vld [tilespmem:s2+$0xFFFFFED0]  }
0x1a9: {  	(erf) = vpow2.f32 v21  }
0x1aa: {  	v21 =	vpop (erf)  }
0x1ab: {  	v22 =	vmul.f32 v21, v22  }
0x1ac: {  	v23 =	vmul.f32 v21, v23;
	v27 =	vpop (erf)  }
0x1ad: {  	v26 =	vmul.f32 v27, v26;
	v20 =	vmul.f32 v27, v20;
	[tilespmem:s14+$0xFFFFFFB0] =	vst v22;
	v22 =	vld [tilespmem:s2+$0xC0]  }
0x1ae: {  	[tilespmem:s14+$0xFFFFFFC0] =	vst v23;
	v23 =	vld [tilespmem:s2+$0xD0]  }
0x1af: {  	v28 =	vld [tilespmem:s7+$0xFFFFFFE0];
	[tilespmem:s14+$0xFFFFFF20] =	vst v26  }
0x1b0: {  	v26 =	vld [tilespmem:s7+$0xFFFFFFF0];
	[tilespmem:s14+$0xFFFFFF30] =	vst v20  }
0x1b1: {  	v29 =	vld [tilespmem:s7+$0xFFFFFF60];
	v20 =	vpop (erf)  }
0x1b2: {  	v30 =	vld [tilespmem:s7+$0xFFFFFF70];
	v59 =	vpop (erf)  }
0x1b3: {  	v60 =	vld [tilespmem:s2+$0xFFFFFE60];
	v22 =	vmul.f32 v59, v22  }
0x1b4: {  	v61 =	vld [tilespmem:s2+$0xFFFFFE70];
	v23 =	vmul.f32 v59, v23  }
0x1b5: {  	v62 =	vld [tilespmem:s2+$0xFFFFFF60];
	[tilespmem:s14+$0x40] =	vst v22  }
0x1b6: {  	v22 =	vld [tilespmem:s2+$0xFFFFFF70];
	[tilespmem:s14+$0x50] =	vst v23  }
0x1b7: {  	v23 =	vld [tilespmem:s7+$0x60]  }
0x1b8: {  	v63 =	vld [tilespmem:s7+$0x70]  }
0x1b9: {  	v29 =	vmul.f32 v60, v29;
	v30 =	vmul.f32 v61, v30;
	v39 =	vld [tilespmem:s2+$0x60]  }
0x1ba: {  	v36 =	vld [tilespmem:s2+$0x70]  }
0x1bb: {  	v28 =	vmul.f32 v62, v28;
	v29 =	vadd.f32 v30, v29;
	v22 =	vmul.f32 v22, v26;
	_ =	sdelay $0x1  }
0x1bc: {  	(xrf2) =	vadd.scan.msk.f32 $0xffff, v29;
	v22 =	vadd.f32 v22, v28;
	_ =	sdelay $0x1  }
0x1bd: {  	v23 =	vmul.f32 v39, v23;
	v26 =	vmul.f32 v36, v63;
	(xrf2) =	vadd.scan.msk.f32 $0xffff, v22;
	_ =	sdelay $0x1  }
0x1be: {  	v22 =	vadd.f32 v26, v23;
	_ =	sdelay $0x1  }
0x1bf: {  	(xrf2) =	vadd.scan.msk.f32 $0xffff, v22;
	_ =	sdelay $0x3  }
0x1c0: {  	v22, _, _ =	vpop (xrf2)  }
0x1c1: {  	v22 =	vmul.f32 $1.442695020e+00, v22  }
0x1c2: {  	v16 =	vmul.f32 v31, v16;
	v12 =	vsel vm3, v12, v31;
	v23, _, _ =	vpop (xrf2)  }
0x1c3: {  	[tilespmem:s15+$0xFFFFFF60] =	vst v12;
	v22 =	vbroadcast v22, $0xF;
	v12 =	vmul.f32 $1.442695020e+00, v23  }
0x1c4: {  	v17 =	vmul.f32 v31, v17  }
0x1c5: {  	[tilespmem:s15+$0xFFFFFF40] =	vst v16;
	(erf) = vpow2.f32 v22;
	v12 =	vbroadcast v12, $0xF  }
0x1c6: {  	v14 =	vmul.f32 v33, v14;
	v7 =	vsel vm3, v7, v33;
	[tilespmem:s15+$0xFFFFFF50] =	vst v17;
	v19 =	vmul.f32 v33, v19;
	v17 =	vld [tilespmem:s2+$0x1F0];
	v16, _, _ =	vpop (xrf2)  }
0x1c7: {  	[tilespmem:s15+$0xFFFFFFF0] =	vst v7;
	v16 =	vmul.f32 $1.442695020e+00, v16;
	(erf) = vpow2.f32 v12  }
0x1c8: {  	[tilespmem:s15+$0xFFFFFFD0] =	vst v14;
	v7 =	vmul.f32 v34, v18;
	v14 =	vld [tilespmem:s2+$0x1E0]  }
0x1c9: {  	[tilespmem:s15+$0xFFFFFFE0] =	vst v19;
	v12 =	vbroadcast v16, $0xF;
	v16 =	vmul.f32 v34, v24  }
0x1ca: {  	[tilespmem:s15+$0x60] =	vst v7;
	v7 =	vld [tilespmem:s2+$0xFFFFFEE0]  }
0x1cb: {  	v10 =	vsel vm3, v10, v34;
	(erf) = vpow2.f32 v12;
	[tilespmem:s15+$0x70] =	vst v16;
	v12 =	vmul.f32 v20, v17;
	v16 =	vld [tilespmem:s2+$0xFFFFFEF0]  }
0x1cc: {  	[tilespmem:s15+$0x80] =	vst v10;
	v10 =	vsel vm2, v13, v25  }
0x1cd: {  	v13 =	vld [tilespmem:s2+$0xFFFFFFE0];
	v10 =	vsel vm3, v10, v20;
	[tilespmem:s14+$0x100] =	vst v12;
	v12 =	vmul.f32 v20, v14  }
0x1ce: {  	v8 =	vsel vm2, v8, v27;
	[tilespmem:s14+$0x110] =	vst v10;
	v10 =	vld [tilespmem:s2+$0xFFFFFFF0];
	v14 =	vpop (erf)  }
0x1cf: {  	v17 =	vld [tilespmem:s2+$0xF0];
	v7 =	vmul.f32 v14, v7;
	v8 =	vsel vm3, v8, v14;
	[tilespmem:s14+$0xF0] =	vst v12  }
0x1d0: {  	v12 =	vld [tilespmem:s2+$0xE0];
	[tilespmem:s14+$0xFFFFFF60] =	vst v8;
	v8 =	vsel vm2, v11, v21;
	v14 =	vmul.f32 v14, v16;
	v11 =	vpop (erf)  }
0x1d1: {  	[tilespmem:s14+$0xFFFFFF40] =	vst v7;
	v7 =	vsel vm3, v8, v11  }
0x1d2: {  	[tilespmem:s14+$0xFFFFFF50] =	vst v14;
	v8 =	vmul.f32 v11, v13  }
0x1d3: {  	v9 =	vsel vm1, v9, v15;
	v10 =	vmul.f32 v11, v10;
	[tilespmem:s14+$0xFFFFFFF0] =	vst v7  }
0x1d4: {  	v9 =	vsel vm2, v9, v59;
	[tilespmem:s14+$0xFFFFFFD0] =	vst v8;
	v7 =	vpop (erf)  }
0x1d5: {  	[tilespmem:s14+$0xFFFFFFE0] =	vst v10;
	v8 =	vmul.f32 v7, v12;
	v11 =	vmul.f32 v7, v17;
	v7 =	vsel vm3, v9, v7  }
0x1d6: {  	[tilespmem:s14+$0x80] =	vst v7  }
0x1d7: {  	[tilespmem:s14+$0x60] =	vst v8  }
0x1d8: {  	[tilespmem:s14+$0x70] =	vst v11  }
0x1d9: {  	[spmem:s1] =	stream.indirect.scatter.add.f32 [tilespmem:s16], [sflag:$0x7], $0x90, s20, s19, $0xb8;
	[tilespmem:$0x1EF50] =	vst v63  }
0x1da: {  	_ =	swait.ge [sflag:s9], $0x1400  }
0x1db: {  	[sflag:s9] =	ssyncset.done $0x0  }
0x1dc: {  	[sflag:s9] =	ssyncadd.s32 $0xFFFFEC00  }
0x1dd: {  	_ =	swait.ge [sflag:s12], $0x2800  }
0x1de: {  	[sflag:s12] =	ssyncset.done $0x0  }
0x1df: {  	[sflag:s12] =	ssyncadd.s32 $0xFFFFD800  }
0x1e0: {  	_ =	swait.ge [sflag:s13], $0x1680  }
0x1e1: {  	[sflag:s13] =	ssyncset.done $0x0  }
0x1e2: {  	[sflag:s13] =	ssyncadd.s32 $0xFFFFE980  }
0x1e3: {  	_ =	swait.ge [sflag:s18], $0x50  }
0x1e4: {  	[sflag:s18] =	ssyncset.done $0x0  }
0x1e5: {  	[sflag:s18] =	ssyncadd.s32 $0xFFFFFFB0  }
0x1e6: {  	v7 =	vld.idx.msk [tilespmem:v0+s3+$0x0], $0xffff;
	_ =	sdelay $0x4  }
0x1e7: {  	[tilespmem:$0xA0] =	vst v7  }
0x1e8: {  	v7 =	vld.idx.msk [tilespmem:v2+s3+$0x0], $0xffff;
	_ =	sdelay $0x4  }
0x1e9: {  	[tilespmem:$0xF0] =	vst v7  }
0x1ea: {  	v7 =	vld.idx.msk [tilespmem:v3+s3+$0x0], $0xffff;
	_ =	sdelay $0x4  }
0x1eb: {  	[tilespmem:$0xB0] =	vst v7  }
0x1ec: {  	v7 =	vld.idx.msk [tilespmem:v4+s3+$0x0], $0xffff;
	_ =	sdelay $0x4  }
0x1ed: {  	[tilespmem:$0x100] =	vst v7  }
0x1ee: {  	v7 =	vld.idx.msk [tilespmem:v5+s3+$0x0], $0xffff;
	_ =	sdelay $0x4  }
0x1ef: {  	[tilespmem:$0xB8] =	vst v7  }
0x1f0: {  	v7 =	vld.idx.msk [tilespmem:v6+s3+$0x0], $0xffff;
	_ =	sdelay $0x4  }
0x1f1: {  	s0 =	simm.s32 $0x140;
	s21 =	smin.u32 s25, $0x1F0;
	[tilespmem:$0x108] =	vst v7  }
0x1f2: {  	[tilespmem:s0], [sflag:$0x3] =	stream.indirect.gather [hbm4b:s5+s19], $0x80, s20, s19, $0xb8;
	[tilespmem:$0x1EF50] =	vst v63  }
0x1f3: {  	s0 =	smul.u32 $0x28, s21  }
0x1f4: {  	[tilespmem:s23], [sflag:$0x5] =	stream.indirect.gather [hbm4b:s6+s19], $0x100, s22, s19, $0xb8;
	[tilespmem:$0x1EF50] =	vst v63  }
0x1f5: {  	s0 =	sadd.s32 s0, s11  }
0x1f6: {  	s0 =	sshrl.u32 s0, $0x2  }
0x1f7: {  	s8 =	simm.s32 $0x1640;
	s0 =	sadd.s32 s4, s0  }
0x1f8: {  	[tilespmem:s26], [sflag:$0x2] =	stream.linear.gather [hbm4b:s0+s3], $0x50, $0x38;
	[tilespmem:$0x1EF50] =	vst v63  }
0x1f9: {  	v7 =	vld [tilespmem:s8+$0x80]  }
0x1fa: {  	s25 =	simm.s32 $0x5340;
	v8 =	vld [tilespmem:s8+$0x90]  }
0x1fb: {  	v9 =	vld [tilespmem:s25+$0x100]  }
0x1fc: {  	v10 =	vld [tilespmem:s25+$0x110];
	_ =	sdelay $0x3  }
0x1fd: {  	v11 =	vld [tilespmem:s8+$0xFFFFFF80]  }
0x1fe: {  	v12 =	vld [tilespmem:s8+$0xFFFFFF90];
	v7 =	vmul.f32 v9, v7;
	v8 =	vmul.f32 v10, v8  }
0x1ff: {  	v9 =	vld [tilespmem:s25+$0xFFFFFF00]  }
0x200: {  	v10 =	vld [tilespmem:s25+$0xFFFFFF10];
	v7 =	vadd.f32 v8, v7;
	_ =	sdelay $0x1  }
0x201: {  	(xrf2) =	vadd.scan.msk.f32 $0xffff, v7;
	_ =	sdelay $0x2  }
0x202: {  	v7 =	vmul.f32 v9, v11;
	v8 =	vmul.f32 v10, v12;
	_ =	sdelay $0x1  }
0x203: {  	v7 =	vadd.f32 v8, v7;
	_ =	sdelay $0x1  }
0x204: {  	(xrf2) =	vadd.scan.msk.f32 $0xffff, v7;
	_ =	sdelay $0x2  }
0x205: {  	v7, _, _ =	vpop (xrf2)  }
0x206: {  	v7 =	vmul.f32 $1.442695020e+00, v7;
	_ =	sdelay $0x1  }
0x207: {  	v7 =	vbroadcast v7, $0xF;
	_ =	sdelay $0x1  }
0x208: {  	(erf) = vpow2.f32 v7  }
0x209: {  	v9 =	vld [tilespmem:s25+$0xFFFFFE00]  }
0x20a: {  	v10 =	vld [tilespmem:s25+$0xFFFFFE10];
	v7, _, _ =	vpop (xrf2)  }
0x20b: {  	v11 =	vld [tilespmem:s8+$0xFFFFFF00];
	v7 =	vmul.f32 $1.442695020e+00, v7  }
0x20c: {  	v12 =	vld [tilespmem:s25+$0x180]  }
0x20d: {  	v8 =	vld [tilespmem:s8+$0xFFFFFF10];
	v7 =	vbroadcast v7, $0xF  }
0x20e: {  	v13 =	vld [tilespmem:s25+$0x190];
	_ =	sdelay $0x1  }
0x20f: {  	v14 =	vld [tilespmem:s8+$0x0]  }
0x210: {  	v15 =	vld [tilespmem:s8+$0x10];
	v9 =	vmul.f32 v9, v11;
	(erf) = vpow2.f32 v7;
	v7 =	vpop (erf)  }
0x211: {  	v16 =	vld [tilespmem:s25+$0x10];
	v8 =	vmul.f32 v10, v8;
	v12 =	vmul.f32 v7, v12  }
0x212: {  	s15 =	simm.s32 $0x7A60;
	v10 =	vld [tilespmem:s25+$0x0];
	v11 =	vmul.f32 v7, v13  }
0x213: {  	v8 =	vadd.f32 v8, v9;
	v13 =	vld [tilespmem:s25+$0xFFFFFF80];
	[tilespmem:s15+$0x90] =	vst v12  }
0x214: {  	v12 =	vld [tilespmem:s25+$0xFFFFFF90];
	[tilespmem:s15+$0xA0] =	vst v11  }
0x215: {  	(xrf2) =	vadd.scan.msk.f32 $0xffff, v8;
	v11 =	vld [tilespmem:s8+$0xB0]  }
0x216: {  	v15 =	vmul.f32 v16, v15;
	v16 =	vld [tilespmem:s25+$0x130]  }
0x217: {  	v9 =	vld [tilespmem:s8+$0xA0]  }
0x218: {  	v10 =	vmul.f32 v10, v14;
	v14 =	vld [tilespmem:s25+$0x120]  }
0x219: {  	v8 =	vpop (erf)  }
0x21a: {  	v10 =	vadd.f32 v15, v10;
	v13 =	vmul.f32 v8, v13  }
0x21b: {  	v12 =	vmul.f32 v8, v12;
	v11 =	vmul.f32 v16, v11  }
0x21c: {  	(xrf2) =	vadd.scan.msk.f32 $0xffff, v10;
	[tilespmem:s15+$0xFFFFFF70] =	vst v13  }
0x21d: {  	v9 =	vmul.f32 v14, v9;
	[tilespmem:s15+$0xFFFFFF80] =	vst v12  }
0x21e: {  	v10 =	vld [tilespmem:s8+$0xFFFFFFA0]  }
0x21f: {  	v12 =	vld [tilespmem:s8+$0xFFFFFFB0];
	v9 =	vadd.f32 v11, v9;
	v11, _, _ =	vpop (xrf2)  }
0x220: {  	v13 =	vld [tilespmem:s25+$0xFFFFFF20];
	v11 =	vmul.f32 $1.442695020e+00, v11  }
0x221: {  	v14 =	vld [tilespmem:s25+$0xFFFFFF30]  }
0x222: {  	(xrf2) =	vadd.scan.msk.f32 $0xffff, v9;
	v9 =	vbroadcast v11, $0xF;
	_ =	sdelay $0x2  }
0x223: {  	v10 =	vmul.f32 v13, v10  }
0x224: {  	v11 =	vmul.f32 v14, v12;
	(erf) = vpow2.f32 v9;
	v9, _, _ =	vpop (xrf2)  }
0x225: {  	v9 =	vmul.f32 $1.442695020e+00, v9  }
0x226: {  	v10 =	vadd.f32 v11, v10  }
0x227: {  	v9 =	vbroadcast v9, $0xF  }
0x228: {  	(xrf2) =	vadd.scan.msk.f32 $0xffff, v10  }
0x229: {  	v10 =	vld [tilespmem:s25+$0xFFFFFE80];
	_ =	sdelay $0x1  }
0x22a: {  	(erf) = vpow2.f32 v9;
	v9, _, _ =	vpop (xrf2)  }
0x22b: {  	v11 =	vld [tilespmem:s25+$0xFFFFFE90];
	v12 =	vmul.f32 $1.442695020e+00, v9  }
0x22c: {  	v9 =	vpop (erf)  }
0x22d: {  	v10 =	vmul.f32 v9, v10;
	v12 =	vbroadcast v12, $0xF;
	_ =	sdelay $0x1  }
0x22e: {  	v18 =	vld [tilespmem:s25+$0x1A0];
	(erf) = vpow2.f32 v12  }
0x22f: {  	v13 =	vld [tilespmem:s25+$0x80];
	v11 =	vmul.f32 v9, v11  }
0x230: {  	v14 =	vld [tilespmem:s25+$0x90];
	[tilespmem:s15+$0xFFFFFEE0] =	vst v10;
	v10, _, _ =	vpop (xrf2)  }
0x231: {  	v19 =	vld [tilespmem:s25+$0x1B0];
	[tilespmem:s15+$0xFFFFFEF0] =	vst v11;
	v11 =	vmul.f32 $1.442695020e+00, v10  }
0x232: {  	v15 =	vld [tilespmem:s25+$0xFFFFFFA0]  }
0x233: {  	v16 =	vld [tilespmem:s25+$0xFFFFFFB0];
	v10 =	vpop (erf);
	v11 =	vbroadcast v11, $0xF  }
0x234: {  	v12 =	vld [tilespmem:s8+$0xFFFFFF20];
	v13 =	vmul.f32 v10, v13  }
0x235: {  	v17 =	vld [tilespmem:s8+$0xFFFFFF30];
	v14 =	vmul.f32 v10, v14  }
0x236: {  	[tilespmem:s15+$0x0] =	vst v13;
	v13 =	vld [tilespmem:s25+$0xFFFFFE20];
	(erf) = vpow2.f32 v11  }
0x237: {  	[tilespmem:s15+$0x10] =	vst v14;
	v14 =	vld [tilespmem:s25+$0xFFFFFE30];
	v11 =	vpop (erf)  }
0x238: {  	v20 =	vld [tilespmem:s8+$0x20];
	v18 =	vmul.f32 v11, v18  }
0x239: {  	v21 =	vld [tilespmem:s8+$0x30];
	v19 =	vmul.f32 v11, v19  }
0x23a: {  	v22 =	vld [tilespmem:s25+$0x20];
	[tilespmem:s15+$0xB0] =	vst v18  }
0x23b: {  	v23 =	vld [tilespmem:s25+$0x30];
	[tilespmem:s15+$0xC0] =	vst v19  }
0x23c: {  	v19 =	vld [tilespmem:s8+$0xC0]  }
0x23d: {  	v24 =	vld [tilespmem:s8+$0xD0]  }
0x23e: {  	v13 =	vmul.f32 v13, v12;
	v14 =	vmul.f32 v14, v17;
	v17 =	vld [tilespmem:s25+$0x140]  }
0x23f: {  	v25 =	vld [tilespmem:s25+$0x150];
	v12 =	vpop (erf)  }
0x240: {  	v20 =	vmul.f32 v22, v20;
	v13 =	vadd.f32 v14, v13;
	v15 =	vmul.f32 v12, v15  }
0x241: {  	s0 =	simm.s32 $0x5740;
	v21 =	vmul.f32 v23, v21;
	v16 =	vmul.f32 v12, v16  }
0x242: {  	s7 =	simm.s32 $0x1840;
	v27 =	vld [tilespmem:s0+$0x110];
	(xrf2) =	vadd.scan.msk.f32 $0xffff, v13;
	[tilespmem:s15+$0xFFFFFF90] =	vst v15  }
0x243: {  	v28 =	vld [tilespmem:s7+$0xFFFFFF10];
	v13 =	vadd.f32 v21, v20;
	[tilespmem:s15+$0xFFFFFFA0] =	vst v16  }
0x244: {  	v17 =	vmul.f32 v17, v19;
	v19 =	vmul.f32 v25, v24;
	v15 =	vld [tilespmem:s8+$0xFFFFFFC0]  }
0x245: {  	(xrf2) =	vadd.scan.msk.f32 $0xffff, v13;
	v16 =	vld [tilespmem:s8+$0xFFFFFFD0]  }
0x246: {  	v13 =	vld [tilespmem:s25+$0xFFFFFF40];
	v17 =	vadd.f32 v19, v17  }
0x247: {  	v20 =	vld [tilespmem:s25+$0xFFFFFF50]  }
0x248: {  	v29 =	vld [tilespmem:s0+$0xFFFFFE10];
	(xrf2) =	vadd.scan.msk.f32 $0xffff, v17  }
0x249: {  	v30 =	vld [tilespmem:s7+$0xFFFFFF90]  }
0x24a: {  	v24 =	vld [tilespmem:s0+$0x100]  }
0x24b: {  	v19 =	vld [tilespmem:s7+$0x90]  }
0x24c: {  	v17 =	vld [tilespmem:s7+$0x80];
	v25, _, _ =	vpop (xrf2);
	v13 =	vmul.f32 v13, v15;
	v15 =	vmul.f32 v20, v16  }
0x24d: {  	v31 =	vld [tilespmem:s0+$0xFFFFFF80];
	v25 =	vmul.f32 $1.442695020e+00, v25  }
0x24e: {  	v45 =	vld [tilespmem:s0+$0x180];
	v13 =	vadd.f32 v15, v13  }
0x24f: {  	v20, _, _ =	vpop (xrf2);
	v15 =	vld [tilespmem:s7+$0xFFFFFF80];
	v25 =	vbroadcast v25, $0xF  }
0x250: {  	v19 =	vmul.f32 v27, v19;
	v20 =	vmul.f32 $1.442695020e+00, v20;
	(xrf2) =	vadd.scan.msk.f32 $0xffff, v13;
	v13 =	vld [tilespmem:s0+$0xFFFFFF00]  }
0x251: {  	v17 =	vmul.f32 v24, v17;
	(erf) = vpow2.f32 v25;
	v25 =	vld [tilespmem:s0+$0xFFFFFF10]  }
0x252: {  	v18 =	vld [tilespmem:s25+$0xFFFFFEA0];
	v24, _, _ =	vpop (xrf2)  }
0x253: {  	v14 =	vld [tilespmem:s25+$0xFFFFFEB0];
	v20 =	vbroadcast v20, $0xF;
	v17 =	vadd.f32 v19, v17;
	v19 =	vmul.f32 $1.442695020e+00, v24  }
0x254: {  	v16 =	vld [tilespmem:s0+$0xFFFFFE00]  }
0x255: {  	v27 =	vld [tilespmem:s0+$0x10];
	(erf) = vpow2.f32 v20;
	(xrf2) =	vadd.scan.msk.f32 $0xffff, v17;
	v17 =	vbroadcast v19, $0xF  }
0x256: {  	v24 =	vld [tilespmem:s7+$0x0];
	v13 =	vmul.f32 v13, v15;
	v15 =	vmul.f32 v25, v30  }
0x257: {  	v19 =	vld [tilespmem:s0+$0x0];
	(erf) = vpow2.f32 v17  }
0x258: {  	v15 =	vadd.f32 v15, v13;
	v17 =	vld [tilespmem:s7+$0xFFFFFF00]  }
0x259: {  	v20 =	vld [tilespmem:s7+$0x10]  }
0x25a: {  	v28 =	vmul.f32 v29, v28;
	v29 =	vld [tilespmem:s0+$0x80];
	v13 =	vpop (erf);
	(xrf2) =	vadd.scan.msk.f32 $0xffff, v15  }
0x25b: {  	v26 =	vld [tilespmem:s25+$0xA0];
	v39, _, _ =	vpop (xrf2);
	v18 =	vmul.f32 v13, v18  }
0x25c: {  	v22 =	vld [tilespmem:s25+$0xB0];
	v14 =	vmul.f32 v13, v14;
	v32 =	vmul.f32 $1.442695020e+00, v39  }
0x25d: {  	v40 =	vld [tilespmem:s25+$0x1C0];
	v19 =	vmul.f32 v19, v24;
	v16 =	vmul.f32 v16, v17  }
0x25e: {  	v41 =	vld [tilespmem:s25+$0x1D0];
	v15 =	vpop (erf);
	v24 =	vbroadcast v32, $0xF;
	[tilespmem:s15+$0xFFFFFF10] =	vst v14;
	v14 =	vmul.f32 v27, v20  }
0x25f: {  	v21 =	vld [tilespmem:s25+$0xFFFFFFC0];
	[tilespmem:s15+$0xFFFFFF00] =	vst v18;
	v18, _, _ =	vpop (xrf2);
	v16 =	vadd.f32 v28, v16  }
0x260: {  	v23 =	vld [tilespmem:s25+$0xFFFFFFD0];
	v14 =	vadd.f32 v14, v19;
	v27 =	vmul.f32 $1.442695020e+00, v18;
	v18 =	vpop (erf);
	(erf) = vpow2.f32 v24  }
0x261: {  	v25 =	vld [tilespmem:s0+$0xFFFFFE80];
	(xrf2) =	vadd.scan.msk.f32 $0xffff, v16  }
0x262: {  	v43 =	vld [tilespmem:s25+$0xFFFFFE40]  }
0x263: {  	v24 =	vld [tilespmem:s8+$0xFFFFFF40];
	v16 =	vbroadcast v27, $0xF;
	v28 =	vmul.f32 v18, v40  }
0x264: {  	v19 =	vmul.f32 v15, v26;
	v27 =	vld [tilespmem:s8+$0xFFFFFF50];
	v42 =	vmul.f32 v18, v41;
	(xrf2) =	vadd.scan.msk.f32 $0xffff, v14;
	v14, _, _ =	vpop (xrf2)  }
0x265: {  	(erf) = vpow2.f32 v16;
	v16 =	vld [tilespmem:s25+$0xFFFFFE50];
	[tilespmem:s15+$0xD0] =	vst v28;
	v14 =	vmul.f32 $1.442695020e+00, v14  }
0x266: {  	v30 =	vld [tilespmem:s0+$0xFFFFFE90];
	[tilespmem:s15+$0xE0] =	vst v42  }
0x267: {  	v28 =	vld [tilespmem:s8+$0xE0];
	v14 =	vbroadcast v14, $0xF  }
0x268: {  	v22 =	vmul.f32 v15, v22;
	v32 =	vld [tilespmem:s8+$0xF0]  }
0x269: {  	[tilespmem:s15+$0x20] =	vst v19;
	v26 =	vld [tilespmem:s25+$0x160];
	v19 =	vpop (erf);
	(erf) = vpow2.f32 v14  }
0x26a: {  	[tilespmem:s15+$0x30] =	vst v22;
	v44 =	vld [tilespmem:s25+$0x170];
	v22 =	vmul.f32 v43, v24;
	v16 =	vmul.f32 v16, v27  }
0x26b: {  	v24 =	vld [tilespmem:s0+$0x190];
	v27, _, _ =	vpop (xrf2)  }
0x26c: {  	v17 =	vld [tilespmem:s0+$0xFFFFFF90];
	v16 =	vadd.f32 v16, v22;
	v27 =	vmul.f32 $1.442695020e+00, v27  }
0x26d: {  	v46 =	vld [tilespmem:s8+$0x50]  }
0x26e: {  	v47 =	vld [tilespmem:s25+$0x40];
	v26 =	vmul.f32 v26, v28;
	v22 =	vpop (erf);
	(xrf2) =	vadd.scan.msk.f32 $0xffff, v16;
	v16 =	vbroadcast v27, $0xF  }
0x26f: {  	v48 =	vld [tilespmem:s25+$0x50];
	v28 =	vmul.f32 v44, v32;
	v35 =	vmul.f32 v22, v45  }
0x270: {  	s14 =	simm.s32 $0x7CA0;
	v14 =	vld [tilespmem:s8+$0x40];
	v49, _, _ =	vpop (xrf2);
	v24 =	vmul.f32 v22, v24;
	(erf) = vpow2.f32 v16  }
0x271: {  	v20 =	vld [tilespmem:s0+$0x90];
	v21 =	vmul.f32 v19, v21;
	v32 =	vmul.f32 $1.442695020e+00, v49;
	[tilespmem:s14+$0x90] =	vst v35  }
0x272: {  	v50 =	vld [tilespmem:s25+$0xFFFFFED0];
	[tilespmem:s14+$0xA0] =	vst v24;
	v24 =	vmul.f32 v19, v23;
	v23 =	vpop (erf)  }
0x273: {  	v26 =	vadd.f32 v28, v26;
	[tilespmem:s15+$0xFFFFFFB0] =	vst v21;
	v28 =	vbroadcast v32, $0xF;
	v35 =	vld [tilespmem:s7+$0xA0];
	v21 =	vmul.f32 v23, v31  }
0x274: {  	v33 =	vmul.f32 v48, v46;
	v51 =	vld [tilespmem:s7+$0xB0];
	v17 =	vmul.f32 v23, v17  }
0x275: {  	v14 =	vmul.f32 v47, v14;
	v52 =	vld [tilespmem:s0+$0x120];
	(erf) = vpow2.f32 v28;
	[tilespmem:s14+$0xFFFFFF70] =	vst v21  }
0x276: {  	(xrf2) =	vadd.scan.msk.f32 $0xffff, v26;
	v26 =	vld [tilespmem:s0+$0x130];
	[tilespmem:s14+$0xFFFFFF80] =	vst v17  }
0x277: {  	v14 =	vadd.f32 v33, v14;
	v21 =	vld [tilespmem:s7+$0xFFFFFFA0]  }
0x278: {  	v53 =	vld [tilespmem:s7+$0xFFFFFFB0]  }
0x279: {  	[tilespmem:s15+$0xFFFFFFC0] =	vst v24;
	(xrf2) =	vadd.scan.msk.f32 $0xffff, v14;
	v54 =	vld [tilespmem:s0+$0xFFFFFF20];
	v24 =	vpop (erf)  }
0x27a: {  	v55 =	vld [tilespmem:s0+$0xFFFFFF30];
	v25 =	vmul.f32 v24, v25  }
0x27b: {  	v27 =	vld [tilespmem:s25+$0xFFFFFEC0];
	v17, _, _ =	vpop (xrf2)  }
0x27c: {  	v16 =	vld [tilespmem:s25+$0xC0];
	v35 =	vmul.f32 v52, v35;
	v17 =	vmul.f32 $1.442695020e+00, v17  }
0x27d: {  	v43 =	vld [tilespmem:s0+$0x1A0];
	v26 =	vmul.f32 v26, v51;
	v30 =	vmul.f32 v24, v30  }
0x27e: {  	v41 =	vld [tilespmem:s25+$0xFFFFFF60];
	v17 =	vbroadcast v17, $0xF;
	[tilespmem:s14+$0xFFFFFEE0] =	vst v25;
	v21 =	vmul.f32 v54, v21;
	v25 =	vpop (erf)  }
0x27f: {  	v42 =	vld [tilespmem:s25+$0xFFFFFF70];
	v26 =	vadd.f32 v26, v35;
	[tilespmem:s14+$0xFFFFFEF0] =	vst v30;
	v58 =	vmul.f32 v55, v53;
	v20 =	vmul.f32 v25, v20  }
0x280: {  	(erf) = vpow2.f32 v17;
	v17 =	vld [tilespmem:s7+$0xFFFFFF20];
	v29 =	vmul.f32 v25, v29  }
0x281: {  	v7 =	vnsel vm0, $0x0, v7;
	v8 =	vnsel vm0, $0x0, v8;
	(xrf2) =	vadd.scan.msk.f32 $0xffff, v26;
	v57 =	vld [tilespmem:s7+$0xFFFFFF30];
	v21 =	vadd.f32 v58, v21  }
0x282: {  	v10 =	vnsel vm0, $0x0, v10;
	v7 =	vsel vm1, v7, v11;
	v8 =	vsel vm1, v8, v12;
	v56, _, _ =	vpop (xrf2);
	[tilespmem:s14+$0x0] =	vst v29;
	v29 =	vld [tilespmem:s0+$0xFFFFFE20]  }
0x283: {  	v10 =	vsel vm1, v10, v15;
	v26 =	vmul.f32 $1.442695020e+00, v56;
	v59 =	vld [tilespmem:s0+$0xFFFFFE30];
	(xrf2) =	vadd.scan.msk.f32 $0xffff, v21;
	[tilespmem:s14+$0x10] =	vst v20;
	v20, _, _ =	vpop (xrf2)  }
0x284: {  	v15 =	vsel vm2, v7, v18;
	v7 =	vsel vm2, v8, v19;
	v19 =	vld [tilespmem:s25+$0xFFFFFFF0];
	v20 =	vmul.f32 $1.442695020e+00, v20  }
0x285: {  	v26 =	vbroadcast v26, $0xF;
	v60 =	vld [tilespmem:s7+$0x20]  }
0x286: {  	v61 =	vld [tilespmem:s7+$0x30];
	v20 =	vbroadcast v20, $0xF  }
0x287: {  	(erf) = vpow2.f32 v26;
	v21 =	vld [tilespmem:s0+$0x20];
	v17 =	vmul.f32 v29, v17  }
0x288: {  	v62 =	vld [tilespmem:s0+$0x30];
	v29 =	vmul.f32 v59, v57;
	(erf) = vpow2.f32 v20  }
0x289: {  	v28 =	vld [tilespmem:s25+$0xD0];
	v63 =	vpop (erf)  }
0x28a: {  	v14 =	vld [tilespmem:s8+$0xFFFFFFF0];
	v27 =	vmul.f32 v63, v27;
	v17 =	vadd.f32 v29, v17  }
0x28b: {  	v31 =	vld [tilespmem:s8+$0xFFFFFFE0];
	v49, _, _ =	vpop (xrf2);
	v34 =	vmul.f32 v63, v50  }
0x28c: {  	v51 =	vld [tilespmem:s25+$0x1E0];
	v39 =	vmul.f32 $1.442695020e+00, v49;
	[tilespmem:s15+$0xFFFFFF20] =	vst v27;
	(xrf2) =	vadd.scan.msk.f32 $0xffff, v17  }
0x28d: {  	v35 =	vld [tilespmem:s0+$0xFFFFFFA0];
	v27 =	vmul.f32 v21, v60;
	[tilespmem:s15+$0xFFFFFF30] =	vst v34;
	v17 =	vmul.f32 v62, v61;
	v53, _, _ =	vpop (xrf2)  }
0x28e: {  	v50 =	vbroadcast v39, $0xF;
	v34 =	vld [tilespmem:s8+$0xFFFFFF60];
	v32 =	vmul.f32 $1.442695020e+00, v53  }
0x28f: {  	v54 =	vld [tilespmem:s25+$0xFFFFFE60];
	v17 =	vadd.f32 v17, v27  }
0x290: {  	v52 =	vpop (erf);
	(erf) = vpow2.f32 v50;
	v27 =	vld [tilespmem:s8+$0xFFFFFF70];
	v32 =	vbroadcast v32, $0xF  }
0x291: {  	(xrf2) =	vadd.scan.msk.f32 $0xffff, v17;
	v17 =	vld [tilespmem:s25+$0xFFFFFE70];
	v40 =	vpop (erf)  }
0x292: {  	v30 =	vld [tilespmem:s0+$0xFFFFFFB0];
	(erf) = vpow2.f32 v32;
	v28 =	vmul.f32 v40, v28  }
0x293: {  	v26 =	vld [tilespmem:s25+$0x1F0];
	v16 =	vmul.f32 v40, v16  }
0x294: {  	v48 =	vld [tilespmem:s0+$0xFFFFFEA0]  }
0x295: {  	v29 =	vld [tilespmem:s0+$0xFFFFFEB0];
	[tilespmem:s15+$0x40] =	vst v16  }
0x296: {  	v34 =	vmul.f32 v54, v34;
	v17 =	vmul.f32 v17, v27;
	v16 =	vld [tilespmem:s0+$0x1B0];
	[tilespmem:s15+$0x50] =	vst v28;
	v28, _, _ =	vpop (xrf2)  }
0x297: {  	v20 =	vld [tilespmem:s0+$0xA0];
	v28 =	vmul.f32 $1.442695020e+00, v28  }
0x298: {  	v8 =	vmul.f32 v52, v26;
	v56 =	vld [tilespmem:s8+$0x70];
	v34 =	vadd.f32 v17, v34  }
0x299: {  	v27 =	vmul.f32 v41, v31;
	v31 =	vpop (erf);
	v44 =	vld [tilespmem:s25+$0x70];
	v28 =	vbroadcast v28, $0xF  }
0x29a: {  	v43 =	vmul.f32 v31, v43;
	v55 =	vld [tilespmem:s8+$0x60];
	(xrf2) =	vadd.scan.msk.f32 $0xffff, v34  }
0x29b: {  	v14 =	vmul.f32 v42, v14;
	[tilespmem:s15+$0x100] =	vst v8;
	v57 =	vld [tilespmem:s25+$0x60];
	v60 =	vpop (erf);
	v58 =	vmul.f32 v31, v16  }
0x29c: {  	v9 =	vnsel vm0, $0x0, v9;
	v21 =	vld [tilespmem:s0+$0xB0];
	[tilespmem:s14+$0xB0] =	vst v43;
	v12 =	vmul.f32 v60, v35;
	(erf) = vpow2.f32 v28  }
0x29d: {  	v9 =	vsel vm1, v9, v13;
	v8 =	vnsel vm0, $0x0, v22;
	v17 =	vld [tilespmem:s25+$0xFFFFFEF0];
	v27 =	vadd.f32 v14, v27;
	[tilespmem:s14+$0xC0] =	vst v58;
	v28, _, _ =	vpop (xrf2)  }
0x29e: {  	v14 =	vld [tilespmem:s25+$0xFFFFFFE0];
	v22 =	vmul.f32 v44, v56;
	[tilespmem:s14+$0xFFFFFF90] =	vst v12;
	v12 =	vsel vm2, v9, v63;
	v28 =	vmul.f32 $1.442695020e+00, v28  }
0x29f: {  	v9 =	vsel vm3, v15, v52;
	v15 =	vmul.f32 v52, v51;
	v59 =	vld [tilespmem:s7+$0xC0];
	(xrf2) =	vadd.scan.msk.f32 $0xffff, v27;
	v27 =	vmul.f32 v60, v30  }
0x2a0: {  	v13 =	vld [tilespmem:s0+$0x140];
	v30 =	vmul.f32 v57, v55;
	v11 =	vbroadcast v28, $0xF  }
0x2a1: {  	v28 =	vld [tilespmem:s7+$0xD0]  }
0x2a2: {  	[tilespmem:s15+$0xF0] =	vst v15;
	v15 =	vadd.f32 v22, v30;
	(erf) = vpow2.f32 v11;
	v11 =	vld [tilespmem:s0+$0x150]  }
0x2a3: {  	v18 =	vld [tilespmem:s25+$0xE0]  }
0x2a4: {  	v16 =	vld [tilespmem:s25+$0xFFFFFEE0];
	[tilespmem:s14+$0xFFFFFFA0] =	vst v27;
	v30, _, _ =	vpop (xrf2);
	(xrf2) =	vadd.scan.msk.f32 $0xffff, v15  }
0x2a5: {  	v26 =	vld [tilespmem:s7+$0xFFFFFFC0];
	v61 =	vpop (erf)  }
0x2a6: {  	v27 =	vld [tilespmem:s7+$0xFFFFFFD0];
	v13 =	vmul.f32 v13, v59;
	v62 =	vmul.f32 v61, v48  }
0x2a7: {  	v63 =	vmul.f32 v61, v29;
	v29 =	vld [tilespmem:s0+$0xFFFFFF50];
	v11 =	vmul.f32 v11, v28  }
0x2a8: {  	v23 =	vnsel vm0, $0x0, v23;
	v24 =	vnsel vm0, $0x0, v24;
	[tilespmem:s15+$0x110] =	vst v9;
	v28 =	vld [tilespmem:s0+$0xFFFFFF40]  }
0x2a9: {  	v9 =	vnsel vm0, $0x0, v25;
	v22 =	vld [tilespmem:s0+$0xFFFFFFC0];
	v30 =	vmul.f32 $1.442695020e+00, v30;
	[tilespmem:s14+$0xFFFFFF00] =	vst v62;
	v25 =	vadd.f32 v11, v13  }
0x2aa: {  	v10 =	vsel vm2, v10, v40;
	[tilespmem:s14+$0xFFFFFF10] =	vst v63;
	v13 =	vsel vm1, v8, v31;
	v11 =	vsel vm1, v23, v60;
	v23 =	vld [tilespmem:s0+$0xFFFFFFD0];
	v31, _, _ =	vpop (xrf2)  }
0x2ab: {  	s2 =	simm.s32 $0x5740;
	s21 =	simm.s32 $0x1A40;
	s8 =	simm.s32 $0x4;
	v8 =	vsel vm1, v24, v61;
	v24 =	vld [tilespmem:s25+$0xF0];
	v15 =	vpop (erf);
	(xrf2) =	vadd.scan.msk.f32 $0xffff, v25;
	v25 =	vbroadcast v30, $0xF;
	v30 =	vmul.f32 $1.442695020e+00, v31  }
.LBB2_9:
0x2ac: {  	v31 =	vld [tilespmem:s21+$0x80];
	v20 =	vmul.f32 v15, v20;
	v21 =	vmul.f32 v15, v21;
	v15 =	vsel vm1, v9, v15  }
0x2ad: {  	v26 =	vmul.f32 v28, v26;
	s0 =	sadd.s32 $0x400, s0;
	v9 =	vld [tilespmem:s21+$0x90];
	v27 =	vmul.f32 v29, v27  }
0x2ae: {  	v28 =	vld [tilespmem:s0+$0x100];
	[tilespmem:s14+$0x20] =	vst v20;
	v20 =	vbroadcast v30, $0xF;
	(erf) = vpow2.f32 v25;
	v25, _, _ =	vpop (xrf2)  }
0x2af: {  	v29 =	vld [tilespmem:s0+$0x110];
	v26 =	vadd.f32 v27, v26;
	[tilespmem:s14+$0x30] =	vst v21;
	v21 =	vmul.f32 $1.442695020e+00, v25  }
0x2b0: {  	v25 =	vld [tilespmem:s21+$0xFFFFFF10];
	(erf) = vpow2.f32 v20  }
0x2b1: {  	v20 =	vld [tilespmem:s0+$0xFFFFFE00];
	(xrf2) =	vadd.scan.msk.f32 $0xffff, v26;
	v21 =	vbroadcast v21, $0xF  }
0x2b2: {  	v26 =	vld [tilespmem:s0+$0xFFFFFE10]  }
0x2b3: {  	v27 =	vld [tilespmem:s21+$0xFFFFFF80];
	(erf) = vpow2.f32 v21  }
0x2b4: {  	v28 =	vmul.f32 v28, v31;
	v21 =	vld [tilespmem:s21+$0xFFFFFF90];
	v9 =	vmul.f32 v29, v9  }
0x2b5: {  	v29 =	vld [tilespmem:s0+$0xFFFFFF00];
	v30, _, _ =	vpop (xrf2)  }
0x2b6: {  	v31 =	vld [tilespmem:s0+$0xFFFFFF10];
	v9 =	vadd.f32 v9, v28;
	v28 =	vmul.f32 $1.442695020e+00, v30  }
0x2b7: {  	v25 =	vmul.f32 v26, v25;
	v26 =	vld [tilespmem:s21+$0x0];
	v30 =	vpop (erf)  }
0x2b8: {  	v32 =	vld [tilespmem:s21+$0x10];
	(xrf2) =	vadd.scan.msk.f32 $0xffff, v9;
	v9 =	vbroadcast v28, $0xF;
	v16 =	vmul.f32 v30, v16;
	v33 =	vsel vm3, v12, v30  }
0x2b9: {  	v17 =	vmul.f32 v30, v17;
	v28 =	vld [tilespmem:s0+$0x0];
	[tilespmem:s15+$0xFFFFFF60] =	vst v33;
	v12 =	vpop (erf)  }
0x2ba: {  	v27 =	vmul.f32 v29, v27;
	v29 =	vld [tilespmem:s0+$0x10];
	(erf) = vpow2.f32 v9;
	[tilespmem:s15+$0xFFFFFF40] =	vst v16;
	v33 =	vsel vm3, v7, v12  }
0x2bb: {  	v14 =	vmul.f32 v12, v14;
	v16 =	vld [tilespmem:s21+$0xFFFFFF00];
	v21 =	vmul.f32 v31, v21;
	v30, _, _ =	vpop (xrf2);
	[tilespmem:s15+$0xFFFFFF50] =	vst v17  }
0x2bc: {  	s8 =	sadd.s32 $0x4, s8;
	v19 =	vmul.f32 v12, v19;
	v9 =	vld [tilespmem:s0+$0xFFFFFE80];
	v17 =	vmul.f32 $1.442695020e+00, v30;
	[tilespmem:s15+$0xFFFFFFF0] =	vst v33;
	v7 =	vpop (erf)  }
0x2bd: {  	p1 =	slt.u32 s8, $0x24;
	v12 =	vld [tilespmem:s0+$0xFFFFFE90];
	v21 =	vadd.f32 v21, v27;
	[tilespmem:s15+$0xFFFFFFD0] =	vst v14;
	v14 =	vmul.f32 v7, v18;
	v18 =	vmul.f32 v7, v24  }
0x2be: {  	v7 =	vsel vm3, v10, v7;
	v24 =	vld [tilespmem:s0+$0xFFFFFF80];
	v26 =	vmul.f32 v28, v26;
	v17 =	vbroadcast v17, $0xF;
	[tilespmem:s15+$0xFFFFFFE0] =	vst v19  }
0x2bf: {  	v27 =	vmul.f32 v29, v32;
	(xrf2) =	vadd.scan.msk.f32 $0xffff, v21;
	v19 =	vld [tilespmem:s2+$0x1C0];
	[tilespmem:s15+$0x60] =	vst v14  }
0x2c0: {  	v14 =	vmul.f32 v20, v16;
	v16 =	vld [tilespmem:s2+$0x1D0];
	[tilespmem:s15+$0x70] =	vst v18  }
0x2c1: {  	v18 =	vld [tilespmem:s0+$0xFFFFFF90];
	v20 =	vadd.f32 v27, v26;
	(erf) = vpow2.f32 v17;
	[tilespmem:s15+$0x80] =	vst v7;
	s15 =	smov.u32 s14  }
0x2c2: {  	v7 =	vadd.f32 v25, v14;
	v17 =	vld [tilespmem:s0+$0x80];
	v10, _, _ =	vpop (xrf2)  }
0x2c3: {  	v21 =	vld [tilespmem:s0+$0x90];
	v14 =	vmul.f32 $1.442695020e+00, v10;
	v25 =	vpop (erf)  }
0x2c4: {  	(xrf2) =	vadd.scan.msk.f32 $0xffff, v7;
	v7 =	vld [tilespmem:s7+$0xFFFFFF40];
	v19 =	vmul.f32 v25, v19;
	v10 =	vsel vm2, v13, v25  }
0x2c5: {  	v13 =	vbroadcast v14, $0xF;
	v14 =	vld [tilespmem:s7+$0xFFFFFF50];
	v16 =	vmul.f32 v25, v16  }
0x2c6: {  	v25 =	vld [tilespmem:s2+$0xFFFFFE40];
	[tilespmem:s14+$0xD0] =	vst v19  }
0x2c7: {  	(xrf2) =	vadd.scan.msk.f32 $0xffff, v20;
	(erf) = vpow2.f32 v13;
	v13 =	vld [tilespmem:s2+$0xFFFFFE50];
	[tilespmem:s14+$0xE0] =	vst v16  }
0x2c8: {  	v16 =	vld [tilespmem:s7+$0xE0]  }
0x2c9: {  	v19, _, _ =	vpop (xrf2);
	v20 =	vld [tilespmem:s7+$0xF0]  }
0x2ca: {  	v19 =	vmul.f32 $1.442695020e+00, v19;
	v26 =	vld [tilespmem:s2+$0x160];
	v27 =	vpop (erf)  }
0x2cb: {  	v25 =	vmul.f32 v25, v7;
	v22 =	vmul.f32 v27, v22;
	v7 =	vsel vm2, v11, v27;
	v11 =	vld [tilespmem:s2+$0x170]  }
0x2cc: {  	v19 =	vbroadcast v19, $0xF;
	v28 =	vld [tilespmem:s0+$0x180];
	v13 =	vmul.f32 v13, v14  }
0x2cd: {  	v14 =	vld [tilespmem:s0+$0x190];
	[tilespmem:s14+$0xFFFFFFB0] =	vst v22;
	v22 =	vmul.f32 v27, v23  }
0x2ce: {  	v23, _, _ =	vpop (xrf2);
	(erf) = vpow2.f32 v19;
	v13 =	vadd.f32 v13, v25;
	v19 =	vld [tilespmem:s7+$0x40]  }
0x2cf: {  	v23 =	vmul.f32 $1.442695020e+00, v23;
	[tilespmem:s14+$0xFFFFFFC0] =	vst v22;
	v22 =	vld [tilespmem:s7+$0x50]  }
0x2d0: {  	v16 =	vmul.f32 v26, v16;
	v25 =	vpop (erf);
	v27 =	vld [tilespmem:s2+$0x40];
	v20 =	vmul.f32 v11, v20;
	(xrf2) =	vadd.scan.msk.f32 $0xffff, v13  }
0x2d1: {  	v13 =	vbroadcast v23, $0xF;
	v23 =	vmul.f32 v25, v28;
	v11 =	vnsel vm0, $0x0, v25;
	v26, _, _ =	vpop (xrf2);
	v28 =	vld [tilespmem:s2+$0x50]  }
0x2d2: {  	s14 =	sadd.s32 $0x240, s14;
	v26 =	vmul.f32 $1.442695020e+00, v26;
	v14 =	vmul.f32 v25, v14;
	v25 =	vld [tilespmem:s2+$0xFFFFFEC0];
	v20 =	vadd.f32 v20, v16  }
0x2d3: {  	[tilespmem:s14+$0x90] =	vst v23;
	(erf) = vpow2.f32 v13;
	v29 =	vld [tilespmem:s2+$0xFFFFFED0]  }
0x2d4: {  	v13 =	vbroadcast v26, $0xF;
	[tilespmem:s14+$0xA0] =	vst v14;
	v16 =	vld [tilespmem:s2+$0xC0];
	(xrf2) =	vadd.scan.msk.f32 $0xffff, v20  }
0x2d5: {  	v20 =	vld [tilespmem:s21+$0xA0];
	v14 =	vmul.f32 v27, v19  }
0x2d6: {  	v19 =	vld [tilespmem:s21+$0xB0];
	(erf) = vpow2.f32 v13;
	v13 =	vmul.f32 v28, v22  }
0x2d7: {  	v23 =	vld [tilespmem:s0+$0x120];
	v22 =	vpop (erf)  }
0x2d8: {  	v24 =	vmul.f32 v22, v24;
	v26 =	vmul.f32 v22, v18;
	v27 =	vld [tilespmem:s0+$0x130];
	v14 =	vadd.f32 v13, v14  }
0x2d9: {  	v18 =	vnsel vm0, $0x0, v22;
	v28 =	vld [tilespmem:s2+$0xD0]  }
0x2da: {  	[tilespmem:s14+$0xFFFFFF70] =	vst v24;
	v13 =	vld [tilespmem:s7+$0xFFFFFFE0];
	v22, _, _ =	vpop (xrf2);
	(xrf2) =	vadd.scan.msk.f32 $0xffff, v14  }
0x2db: {  	[tilespmem:s14+$0xFFFFFF80] =	vst v26;
	v24 =	vmul.f32 $1.442695020e+00, v22;
	v14 =	vld [tilespmem:s7+$0xFFFFFFF0]  }
0x2dc: {  	v26 =	vld [tilespmem:s21+$0xFFFFFFA0];
	v30 =	vpop (erf)  }
0x2dd: {  	v20 =	vmul.f32 v23, v20;
	v22 =	vnsel vm0, $0x0, v30;
	v31 =	vld [tilespmem:s21+$0xFFFFFFB0];
	v19 =	vmul.f32 v27, v19  }
0x2de: {  	v9 =	vmul.f32 v30, v9;
	v12 =	vmul.f32 v30, v12;
	v27 =	vld [tilespmem:s0+$0xFFFFFF20];
	v23, _, _ =	vpop (xrf2)  }
0x2df: {  	v24 =	vbroadcast v24, $0xF;
	v30 =	vld [tilespmem:s0+$0xFFFFFF30];
	v20 =	vadd.f32 v19, v20;
	v32 =	vpop (erf);
	v33 =	vmul.f32 $1.442695020e+00, v23  }
0x2e0: {  	[tilespmem:s14+$0xFFFFFEE0] =	vst v9;
	v19 =	vld [tilespmem:s0+$0xFFFFFFA0];
	v17 =	vmul.f32 v32, v17;
	v21 =	vmul.f32 v32, v21;
	v9 =	vnsel vm0, $0x0, v32  }
0x2e1: {  	[tilespmem:s14+$0xFFFFFEF0] =	vst v12;
	v23 =	vld [tilespmem:s0+$0xFFFFFFB0];
	(xrf2) =	vadd.scan.msk.f32 $0xffff, v20;
	v12 =	vbroadcast v33, $0xF;
	(erf) = vpow2.f32 v24  }
0x2e2: {  	v20 =	vld [tilespmem:s21+$0xFFFFFF20];
	[tilespmem:s14+$0x0] =	vst v17  }
0x2e3: {  	v17 =	vld [tilespmem:s21+$0xFFFFFF30];
	v24 =	vmul.f32 v27, v26;
	[tilespmem:s14+$0x10] =	vst v21;
	(erf) = vpow2.f32 v12  }
0x2e4: {  	v12 =	vld [tilespmem:s0+$0xFFFFFE20];
	v21 =	vmul.f32 v30, v31;
	v26, _, _ =	vpop (xrf2)  }
0x2e5: {  	v27 =	vld [tilespmem:s0+$0xFFFFFE30];
	v26 =	vmul.f32 $1.442695020e+00, v26  }
0x2e6: {  	v21 =	vadd.f32 v21, v24;
	v24 =	vld [tilespmem:s21+$0x20]  }
0x2e7: {  	v30 =	vld [tilespmem:s21+$0x30];
	v26 =	vbroadcast v26, $0xF  }
0x2e8: {  	(xrf2) =	vadd.scan.msk.f32 $0xffff, v21;
	v21 =	vld [tilespmem:s2+$0x1F0]  }
0x2e9: {  	v20 =	vmul.f32 v12, v20;
	v31 =	vld [tilespmem:s0+$0x20]  }
0x2ea: {  	v34 =	vmul.f32 v27, v17;
	v27 =	vld [tilespmem:s0+$0x30];
	v12 =	vpop (erf);
	(erf) = vpow2.f32 v26  }
0x2eb: {  	v32 =	vld [tilespmem:s0+$0xFFFFFEA0];
	v26, _, _ =	vpop (xrf2);
	v25 =	vmul.f32 v12, v25;
	v29 =	vmul.f32 v12, v29;
	v12 =	vsel vm2, v8, v12  }
0x2ec: {  	v8 =	vadd.f32 v34, v20;
	v33 =	vld [tilespmem:s0+$0xFFFFFEB0];
	v17 =	vpop (erf)  }
0x2ed: {  	v26 =	vmul.f32 $1.442695020e+00, v26;
	v20 =	vld [tilespmem:s0+$0xA0];
	[tilespmem:s15+$0xFFFFFF20] =	vst v25;
	v25 =	vmul.f32 v17, v21;
	v10 =	vsel vm3, v10, v17  }
0x2ee: {  	v24 =	vmul.f32 v31, v24;
	v21 =	vld [tilespmem:s0+$0xB0];
	(xrf2) =	vadd.scan.msk.f32 $0xffff, v8;
	[tilespmem:s15+$0xFFFFFF30] =	vst v29  }
0x2ef: {  	v26 =	vbroadcast v26, $0xF;
	v8 =	vmul.f32 v27, v30;
	v27 =	vld [tilespmem:s2+$0x1E0];
	[tilespmem:s15+$0x100] =	vst v25  }
0x2f0: {  	v25 =	vld [tilespmem:s7+$0xFFFFFF60];
	[tilespmem:s15+$0x110] =	vst v10  }
0x2f1: {  	v8 =	vadd.f32 v8, v24;
	(erf) = vpow2.f32 v26;
	v24 =	vld [tilespmem:s7+$0xFFFFFF70]  }
0x2f2: {  	v10, _, _ =	vpop (xrf2);
	v26 =	vld [tilespmem:s2+$0xFFFFFE60]  }
0x2f3: {  	v29 =	vmul.f32 $1.442695020e+00, v10;
	(xrf2) =	vadd.scan.msk.f32 $0xffff, v8;
	v8 =	vld [tilespmem:s2+$0xFFFFFE70];
	v10 =	vpop (erf)  }
0x2f4: {  	v30 =	vld [tilespmem:s2+$0xFFFFFF60];
	v16 =	vmul.f32 v10, v16;
	v28 =	vmul.f32 v10, v28;
	v10 =	vsel vm2, v15, v10  }
0x2f5: {  	v17 =	vmul.f32 v17, v27;
	v15 =	vbroadcast v29, $0xF;
	v29 =	vld [tilespmem:s2+$0xFFFFFF70]  }
0x2f6: {  	v27 =	vld [tilespmem:s0+$0x1A0];
	[tilespmem:s15+$0x40] =	vst v16  }
0x2f7: {  	v16 =	vld [tilespmem:s0+$0x1B0];
	(erf) = vpow2.f32 v15;
	v15 =	vmul.f32 v26, v25;
	[tilespmem:s15+$0x50] =	vst v28  }
0x2f8: {  	v25, _, _ =	vpop (xrf2);
	v8 =	vmul.f32 v8, v24;
	v24 =	vld [tilespmem:s7+$0x60];
	[tilespmem:s15+$0xF0] =	vst v17  }
0x2f9: {  	v17 =	vmul.f32 $1.442695020e+00, v25;
	v25 =	vmul.f32 v30, v13;
	v26 =	vld [tilespmem:s7+$0x70];
	s7 =	smov.u32 s21  }
0x2fa: {  	v28 =	vpop (erf);
	v8 =	vadd.f32 v8, v15;
	v29 =	vmul.f32 v29, v14;
	v15 =	vld [tilespmem:s2+$0x60]  }
0x2fb: {  	v17 =	vbroadcast v17, $0xF;
	v27 =	vmul.f32 v28, v27;
	v13 =	vsel vm1, v11, v28;
	v11 =	vld [tilespmem:s2+$0x70]  }
0x2fc: {  	v28 =	vmul.f32 v28, v16;
	v16 =	vld [tilespmem:s2+$0xFFFFFEE0];
	v25 =	vadd.f32 v29, v25  }
0x2fd: {  	[tilespmem:s14+$0xB0] =	vst v27;
	(erf) = vpow2.f32 v17;
	v14, _, _ =	vpop (xrf2);
	v17 =	vld [tilespmem:s2+$0xFFFFFEF0];
	(xrf2) =	vadd.scan.msk.f32 $0xffff, v8  }
0x2fe: {  	v8 =	vmul.f32 $1.442695020e+00, v14;
	[tilespmem:s14+$0xC0] =	vst v28;
	v14 =	vld [tilespmem:s2+$0xFFFFFFE0]  }
0x2ff: {  	v29 =	vld [tilespmem:s21+$0xC0];
	v15 =	vmul.f32 v15, v24  }
0x300: {  	v8 =	vbroadcast v8, $0xF;
	v24 =	vld [tilespmem:s21+$0xD0];
	v27 =	vpop (erf);
	v26 =	vmul.f32 v11, v26;
	(xrf2) =	vadd.scan.msk.f32 $0xffff, v25  }
0x301: {  	v19 =	vmul.f32 v27, v19;
	v23 =	vmul.f32 v27, v23;
	v11 =	vsel vm1, v18, v27;
	v25 =	vld [tilespmem:s0+$0x140]  }
0x302: {  	v30 =	vld [tilespmem:s0+$0x150];
	(erf) = vpow2.f32 v8;
	v8 =	vadd.f32 v26, v15  }
0x303: {  	[tilespmem:s14+$0xFFFFFF90] =	vst v19;
	v19 =	vld [tilespmem:s2+$0xFFFFFFF0]  }
0x304: {  	[tilespmem:s14+$0xFFFFFFA0] =	vst v23;
	v18 =	vld [tilespmem:s2+$0xE0];
	(xrf2) =	vadd.scan.msk.f32 $0xffff, v8  }
0x305: {  	v26 =	vld [tilespmem:s21+$0xFFFFFFC0]  }
0x306: {  	v27 =	vld [tilespmem:s21+$0xFFFFFFD0];
	v15 =	vpop (erf)  }
.Ltmp4:
0x307: {  	v23 =	vmul.f32 v25, v29;
	v8 =	vsel vm1, v22, v15;
	v28 =	vld [tilespmem:s0+$0xFFFFFF40];
	v24 =	vmul.f32 v30, v24;
	v25, _, _ =	vpop (xrf2);
	(pc) =	sbr.rel @p1 .LBB2_9-.Ltmp4, $4  }
0x308: {  	v31 =	vmul.f32 v15, v32;
	v32 =	vmul.f32 v15, v33;
	v29 =	vld [tilespmem:s0+$0xFFFFFF50]  }
0x309: {  	v25 =	vmul.f32 $1.442695020e+00, v25;
	v22 =	vld [tilespmem:s0+$0xFFFFFFC0];
	v24 =	vadd.f32 v24, v23  }
0x30a: {  	[tilespmem:s14+$0xFFFFFF00] =	vst v31;
	v23 =	vld [tilespmem:s0+$0xFFFFFFD0];
	v30, _, _ =	vpop (xrf2)  }
0x30b: {  	s21 =	sadd.s32 $0x200, s21;
	v25 =	vbroadcast v25, $0xF;
	[tilespmem:s14+$0xFFFFFF10] =	vst v32;
	v15 =	vpop (erf);
	(xrf2) =	vadd.scan.msk.f32 $0xffff, v24;
	v30 =	vmul.f32 $1.442695020e+00, v30;
	v24 =	vld [tilespmem:s2+$0xF0];
	s2 =	smov.u32 s0  }
0x30c: {  	_ =	sdelay $0x7  }
0x30d: {  	v31, _, _ =	vpop (xrf2)  }
0x30e: {  	v31 =	vmul.f32 $1.442695020e+00, v31;
	v32, _, _ =	vpop (xrf2)  }
0x30f: {  	v30 =	vbroadcast v30, $0xF;
	v32 =	vmul.f32 $1.442695020e+00, v32  }
0x310: {  	(erf) = vpow2.f32 v25;
	v52 =	vbroadcast v31, $0xF  }
0x311: {  	(erf) = vpow2.f32 v30;
	v53 =	vbroadcast v32, $0xF  }
0x312: {  	(erf) = vpow2.f32 v52  }
0x313: {  	(erf) = vpow2.f32 v53;
	_ =	sdelay $0x4  }
0x314: {  	v54 =	vld [tilespmem:s2+$0x1C0]  }
0x315: {  	v55 =	vld [tilespmem:s2+$0x1D0];
	v31 =	vpop (erf)  }
0x316: {  	v35 =	vld [tilespmem:s7+$0xFFFFFF40];
	v20 =	vmul.f32 v15, v20;
	v33 =	vpop (erf)  }
0x317: {  	v36 =	vld [tilespmem:s7+$0xFFFFFF50];
	v21 =	vmul.f32 v15, v21;
	v34 =	vpop (erf)  }
0x318: {  	v37 =	vld [tilespmem:s2+$0xFFFFFE40];
	[tilespmem:s14+$0x20] =	vst v20;
	v25 =	vpop (erf)  }
0x319: {  	v56 =	vld [tilespmem:s2+$0xFFFFFE50];
	[tilespmem:s14+$0x30] =	vst v21;
	v30 =	vmul.f32 v25, v54  }
0x31a: {  	v59 =	vld [tilespmem:s7+$0x40];
	v32 =	vmul.f32 v25, v55  }
0x31b: {  	v60 =	vld [tilespmem:s7+$0x50];
	[tilespmem:s14+$0xD0] =	vst v30  }
0x31c: {  	v62 =	vld [tilespmem:s2+$0x40];
	[tilespmem:s14+$0xE0] =	vst v32  }
0x31d: {  	v32 =	vld [tilespmem:s7+$0xE0]  }
0x31e: {  	v38 =	vld [tilespmem:s7+$0xF0]  }
0x31f: {  	v26 =	vmul.f32 v28, v26;
	v27 =	vmul.f32 v29, v27;
	v57 =	vld [tilespmem:s2+$0x160]  }
0x320: {  	v58 =	vld [tilespmem:s2+$0x170]  }
0x321: {  	v26 =	vadd.f32 v27, v26;
	v63 =	vld [tilespmem:s2+$0x50];
	v61 =	vmul.f32 v37, v35;
	v30 =	vmul.f32 v56, v36;
	_ =	sdelay $0x1  }
0x322: {  	(xrf2) =	vadd.scan.msk.f32 $0xffff, v26;
	v40 =	vadd.f32 v30, v61;
	_ =	sdelay $0x1  }
0x323: {  	(xrf2) =	vadd.scan.msk.f32 $0xffff, v40;
	v20 =	vmul.f32 v57, v32;
	v21 =	vmul.f32 v58, v38  }
0x324: {  	v41 =	vmul.f32 v62, v59;
	v42 =	vmul.f32 v63, v60  }
0x325: {  	v20 =	vadd.f32 v21, v20  }
0x326: {  	v43 =	vadd.f32 v42, v41  }
0x327: {  	(xrf2) =	vadd.scan.msk.f32 $0xffff, v20  }
0x328: {  	(xrf2) =	vadd.scan.msk.f32 $0xffff, v43;
	_ =	sdelay $0x2  }
0x329: {  	v44, _, _ =	vpop (xrf2)  }
0x32a: {  	v20 =	vmul.f32 $1.442695020e+00, v44  }
0x32b: {  	v45, _, _ =	vpop (xrf2)  }
0x32c: {  	v20 =	vbroadcast v20, $0xF;
	v21 =	vmul.f32 $1.442695020e+00, v45;
	_ =	sdelay $0x1  }
0x32d: {  	(erf) = vpow2.f32 v20;
	v46 =	vbroadcast v21, $0xF  }
0x32e: {  	v47, _, _ =	vpop (xrf2)  }
0x32f: {  	(erf) = vpow2.f32 v46;
	v49, _, _ =	vpop (xrf2)  }
0x330: {  	v48 =	vmul.f32 $1.442695020e+00, v47;
	v21 =	vmul.f32 $1.442695020e+00, v49;
	_ =	sdelay $0x1  }
0x331: {  	v20 =	vbroadcast v48, $0xF;
	v21 =	vbroadcast v21, $0xF;
	_ =	sdelay $0x1  }
0x332: {  	v50 =	vld [tilespmem:s2+$0xFFFFFEC0];
	(erf) = vpow2.f32 v20  }
0x333: {  	v51 =	vld [tilespmem:s2+$0xFFFFFED0];
	(erf) = vpow2.f32 v21  }
0x334: {  	v21 =	vpop (erf)  }
0x335: {  	v22 =	vmul.f32 v21, v22  }
0x336: {  	v23 =	vmul.f32 v21, v23;
	v27 =	vpop (erf)  }
0x337: {  	v52 =	vld [tilespmem:s2+$0xC0];
	v26 =	vmul.f32 v27, v50;
	[tilespmem:s14+$0xFFFFFFB0] =	vst v22  }
0x338: {  	v53 =	vld [tilespmem:s2+$0xD0];
	v20 =	vmul.f32 v27, v51;
	[tilespmem:s14+$0xFFFFFFC0] =	vst v23  }
0x339: {  	v54 =	vld [tilespmem:s7+$0xFFFFFFE0];
	[tilespmem:s14+$0xFFFFFF20] =	vst v26  }
0x33a: {  	v55 =	vld [tilespmem:s7+$0xFFFFFFF0];
	[tilespmem:s14+$0xFFFFFF30] =	vst v20  }
0x33b: {  	v57 =	vld [tilespmem:s7+$0xFFFFFF60];
	v56 =	vpop (erf)  }
0x33c: {  	v58 =	vld [tilespmem:s7+$0xFFFFFF70];
	v32 =	vpop (erf)  }
0x33d: {  	v59 =	vld [tilespmem:s2+$0xFFFFFE60];
	v22 =	vmul.f32 v32, v52  }
0x33e: {  	v60 =	vld [tilespmem:s2+$0xFFFFFE70];
	v23 =	vmul.f32 v32, v53  }
0x33f: {  	v61 =	vld [tilespmem:s2+$0xFFFFFF60];
	[tilespmem:s14+$0x40] =	vst v22  }
0x340: {  	v62 =	vld [tilespmem:s2+$0xFFFFFF70];
	[tilespmem:s14+$0x50] =	vst v23  }
0x341: {  	v23 =	vld [tilespmem:s7+$0x60]  }
0x342: {  	v63 =	vld [tilespmem:s7+$0x70]  }
0x343: {  	v29 =	vmul.f32 v59, v57;
	v30 =	vmul.f32 v60, v58;
	v39 =	vld [tilespmem:s2+$0x60]  }
0x344: {  	v42 =	vld [tilespmem:s2+$0x70]  }
0x345: {  	v28 =	vmul.f32 v61, v54;
	v22 =	vmul.f32 v62, v55;
	v29 =	vadd.f32 v30, v29;
	_ =	sdelay $0x1  }
0x346: {  	v22 =	vadd.f32 v22, v28;
	(xrf2) =	vadd.scan.msk.f32 $0xffff, v29;
	_ =	sdelay $0x1  }
0x347: {  	(xrf2) =	vadd.scan.msk.f32 $0xffff, v22;
	v23 =	vmul.f32 v39, v23;
	v43 =	vmul.f32 v42, v63;
	_ =	sdelay $0x1  }
0x348: {  	v44 =	vadd.f32 v43, v23;
	_ =	sdelay $0x1  }
0x349: {  	(xrf2) =	vadd.scan.msk.f32 $0xffff, v44;
	_ =	sdelay $0x3  }
0x34a: {  	v45, _, _ =	vpop (xrf2)  }
0x34b: {  	v22 =	vmul.f32 $1.442695020e+00, v45  }
0x34c: {  	v16 =	vmul.f32 v31, v16;
	v46, _, _ =	vpop (xrf2)  }
0x34d: {  	v12 =	vsel vm3, v12, v31;
	v47 =	vmul.f32 $1.442695020e+00, v46;
	v22 =	vbroadcast v22, $0xF  }
0x34e: {  	v17 =	vmul.f32 v31, v17;
	[tilespmem:s15+$0xFFFFFF60] =	vst v12  }
0x34f: {  	[tilespmem:s15+$0xFFFFFF40] =	vst v16;
	v12 =	vbroadcast v47, $0xF;
	(erf) = vpow2.f32 v22  }
0x350: {  	v14 =	vmul.f32 v33, v14;
	v7 =	vsel vm3, v7, v33;
	[tilespmem:s15+$0xFFFFFF50] =	vst v17;
	v19 =	vmul.f32 v33, v19;
	v49 =	vld [tilespmem:s2+$0x1F0];
	v48, _, _ =	vpop (xrf2)  }
0x351: {  	[tilespmem:s15+$0xFFFFFFF0] =	vst v7;
	(erf) = vpow2.f32 v12;
	v16 =	vmul.f32 $1.442695020e+00, v48  }
0x352: {  	[tilespmem:s15+$0xFFFFFFD0] =	vst v14;
	v7 =	vmul.f32 v34, v18;
	v50 =	vld [tilespmem:s2+$0x1E0]  }
0x353: {  	[tilespmem:s15+$0xFFFFFFE0] =	vst v19;
	v51 =	vbroadcast v16, $0xF  }
0x354: {  	v10 =	vsel vm3, v10, v34;
	[tilespmem:s15+$0x60] =	vst v7;
	v7 =	vld [tilespmem:s2+$0xFFFFFEE0];
	v52 =	vmul.f32 v34, v24  }
0x355: {  	[tilespmem:s15+$0x80] =	vst v10;
	v53 =	vmul.f32 v56, v49;
	v54 =	vld [tilespmem:s2+$0xFFFFFEF0];
	(erf) = vpow2.f32 v51  }
0x356: {  	[tilespmem:s15+$0x70] =	vst v52;
	v55 =	vsel vm2, v13, v25  }
0x357: {  	[tilespmem:s14+$0x100] =	vst v53;
	v58 =	vld [tilespmem:s2+$0xFFFFFFF0];
	v10 =	vsel vm3, v55, v56;
	v56 =	vmul.f32 v56, v50  }
0x358: {  	v8 =	vsel vm2, v8, v27;
	v57 =	vld [tilespmem:s2+$0xFFFFFFE0];
	[tilespmem:s14+$0x110] =	vst v10;
	v59 =	vpop (erf)  }
0x359: {  	v60 =	vld [tilespmem:s2+$0xE0];
	[tilespmem:s14+$0xF0] =	vst v56;
	v7 =	vmul.f32 v59, v7;
	v8 =	vsel vm3, v8, v59  }
0x35a: {  	v61 =	vld [tilespmem:s2+$0xF0];
	v14 =	vmul.f32 v59, v54;
	v62 =	vpop (erf);
	[tilespmem:s14+$0xFFFFFF60] =	vst v8;
	v8 =	vsel vm2, v11, v21  }
0x35b: {  	[tilespmem:s14+$0xFFFFFF40] =	vst v7;
	v7 =	vsel vm3, v8, v62  }
0x35c: {  	v10 =	vmul.f32 v62, v58;
	[tilespmem:s14+$0xFFFFFF50] =	vst v14  }
0x35d: {  	v9 =	vsel vm1, v9, v15;
	s24 =	sadd.s32 $0x1, s24;
	v8 =	vmul.f32 v62, v57;
	[tilespmem:s14+$0xFFFFFFF0] =	vst v7  }
0x35e: {  	p1 =	sne.s32 s24, $0xFA;
	v9 =	vsel vm2, v9, v32;
	[tilespmem:s14+$0xFFFFFFE0] =	vst v10;
	v7 =	vpop (erf)  }
.Ltmp5:
0x35f: {  	[tilespmem:s14+$0xFFFFFFD0] =	vst v8;
	v8 =	vmul.f32 v7, v60;
	v63 =	vmul.f32 v7, v61;
	v7 =	vsel vm3, v9, v7;
	(pc) =	sbr.rel @p1 .LBB2_6-.Ltmp5, $4  }
0x360: {  	[tilespmem:s14+$0x80] =	vst v7  }
0x361: {  	[tilespmem:s14+$0x60] =	vst v8  }
0x362: {  	[tilespmem:s14+$0x70] =	vst v63  }
0x363: {  	[spmem:s1] =	stream.indirect.scatter.add.f32 [tilespmem:s16], [sflag:$0x7], $0x90, s31, s19, $0xb8;
	[tilespmem:$0x1EF50] =	vst v63  }
0x364: {  	_ =	swait.ge [sflag:s13], $0x1680  }
0x365: {  	[sflag:s13] =	ssyncset.done $0x0  }
0x366: {  	[sflag:s13] =	ssyncadd.s32 $0xFFFFE980  }
0x367: {  	_ =	swait.ge [sflag:s28], $0x1400  }
0x368: {  	[sflag:s28] =	ssyncset.done $0x0  }
0x369: {  	[sflag:s28] =	ssyncadd.s32 $0xFFFFEC00  }
0x36a: {  	_ =	swait.ge [sflag:s29], $0x2800  }
0x36b: {  	[sflag:s29] =	ssyncset.done $0x0  }
0x36c: {  	[sflag:s29] =	ssyncadd.s32 $0xFFFFD800  }
0x36d: {  	_ =	swait.ge [sflag:s30], $0x50  }
0x36e: {  	[sflag:s30] =	ssyncset.done $0x0  }
0x36f: {  	[sflag:s30] =	ssyncadd.s32 $0xFFFFFFB0  }
0x370: {  	[bflag:$0x0] =	sbarrier.arrive $0xFFFF  }
0x371: {  	s2 =	rddreg [dreg:$0x7]  }
0x372: {  	s0 =	simm.s32 @p0 $0x1FC8;
	s7 =	rddreg [dreg:$0xa]  }
0x373: {  	[hbm:s2], [sflag:s0] =	dma.local @p0 [spmem:s7], $0x1C20  }
0x374: {  	s0 =	simm.s32 @p0 $0x8  }
0x375: {  	s2 =	stileid.u32;
	_ =	swait.ge @p0 [sflag:s0], $0x1C20  }
0x376: {  	s2 =	sshll.u32 @!p0 s2, $0x6;
	[sflag:s0] =	ssyncset.done @p0 $0x0;
	s7 =	rddreg [dreg:$0xb]  }
0x377: {  	[sflag:s0] =	ssyncadd.s32 @p0 $0xFFFFE3E0;
	s0 =	sor.u32 @!p0 $0x1C08, s2;
	s2 =	rddreg [dreg:$0x6]  }
0x378: {  	[hbm:s2], [sflag:s0] =	dma.local @!p0 [spmem:s7], $0x2D00  }
0x379: {  	s0 =	simm.s32 @!p0 $0x8  }
0x37a: {  	_ =	swait.ge @!p0 [sflag:s0], $0x2D00  }
0x37b: {  	s24 =	rddreg [dreg:$0xc]  }
0x37c: {  	s25 =	rddreg [dreg:$0x8];
	s7 =	sadd.s32 $0x1, s24  }
0x37d: {  	p1 =	sne.s32 s7, s25  }
.Ltmp6:
0x37e: {  	_ = 	snop;
	(pc) =	sbr.rel @p1 .LBB2_1-.Ltmp6, $3  }
0x37f: {  	_ =	sdelay $0x1  }
0x380: {  	[sflag:s0] =	ssyncset.done @!p0 $0x0  }
0x381: {  	[sflag:s0] =	ssyncadd.s32 @!p0 $0xFFFFD300  }
0x382: {  	_ =	sfence.sel $0x180000  }
0x383: {  	[bflag:$0x0] =	sbarrier.arrive $0xFFFF  }
0x384: {  	_ =	strace $0x90000047  }
0x385: {  	s0 =	stileid.u32;
	[bflag:$0x2] =	sbarrier.arrive $0xFFFF  }
0x386: {  	p0 =	sne.s32 s0, $0x0;
	s0 =	rddreg [dreg:$0x2]  }
0x387: {  	s0 =	sadd.s32 @!p0 $0x100000, s0  }
0x388: {  	[sflag:s0] =	ssyncadd.tile.s32 @!p0 $0x1;
	_ =	shalt  }
.Lfunc_end2:
_tile_overlayer_lowered:
.L_overlay_start_2:
0x389: {  	(tag) =	ssettag $0x2  }
0x38a: {  	s0 =	rddreg [dreg:$0x0];
	s2 =	stileid.u32  }
0x38b: {  	s1 =	rddreg [dreg:$0x1];
	p0 =	sne.s32 s2, $0x0  }
0x38c: {  	s3 =	rddreg [dreg:$0x2];
	[bflag:$0x3] =	sbarrier.arrive $0xFFFF;
	s2 =	simm.s32 @!p0 $0x1C08  }
0x38d: {  	[timem:s3], [sflag:s2] =	dma.local @!p0 [hbm:s0], s1  }
0x38e: {  	s0 =	simm.s32 @!p0 $0x8  }
0x38f: {  	_ =	swait.ge @!p0 [sflag:s0], s1  }
0x390: {  	s1 =	ssub.s32 @!p0 $0x0, s1;
	[sflag:s0] =	ssyncset.done @!p0 $0x0  }
0x391: {  	[sflag:s0] =	ssyncadd.s32 @!p0 s1  }
0x392: {  	[bflag:$0x3] =	sbarrier.arrive $0xFFFF  }
0x393: {  	_ =	shalt  }

</sc_bundles>
